<compile_context>
chip_gen: v7x
topology: tpu7x:2x2x1
jax: 0.10.2.dev20260603
libtpu: 0.0.44.dev20260713+nightly
codegen_flags: <defaults>
</compile_context>

<pallas_src>
import functools

import jax
import jax.numpy as jnp
from jax import lax
from jax.experimental import pallas as pl
from jax.experimental.pallas import tpu as pltpu
from jax.experimental.pallas import tpu_sc as plsc

_RO = 4.0
_B, _P, _N = 2, 32, 128
_C = 64
_S = 128
_D, _H, _W = 32, 64, 64
_NPTS = _B * _P * _N
_TOT = _NPTS * 8



_IBLK = 1024


def _corner_math(pts, row0, nrows, idx_ref, w_ref):
    z = jnp.clip(pts[:, 0:1], 0.0, _D - 1 - 1e-4)
    y = jnp.clip(pts[:, 1:2], 0.0, _H - 1 - 1e-4)
    x = jnp.clip(pts[:, 2:3], 0.0, _W - 1 - 1e-4)
    z0 = jnp.floor(z)
    y0 = jnp.floor(y)
    x0 = jnp.floor(x)
    z0i = z0.astype(jnp.int32)
    y0i = y0.astype(jnp.int32)
    x0i = x0.astype(jnp.int32)
    z1i = jnp.minimum(z0i + 1, _D - 1)
    y1i = jnp.minimum(y0i + 1, _H - 1)
    x1i = jnp.minimum(x0i + 1, _W - 1)
    wz = z - z0
    wy = y - y0
    wx = x - x0
    b = ((row0 + jax.lax.broadcasted_iota(jnp.int32, (nrows, 1), 0))
         // (_NPTS // _B))
    base = b * (_D * _H * _W)
    for k in range(8):
        dz, dy, dx = (k >> 2) & 1, (k >> 1) & 1, k & 1
        zi = z1i if dz else z0i
        yi = y1i if dy else y0i
        xi = x1i if dx else x0i
        idx_ref[:, k:k + 1] = base + (zi * _H + yi) * _W + xi
        w_ref[:, k:k + 1] = ((wz if dz else 1.0 - wz)
                             * (wy if dy else 1.0 - wy)
                             * (wx if dx else 1.0 - wx))


def _idx_kernel(pts_ref, idx_ref, w_ref):
    _corner_math(pts_ref[...], pl.program_id(0) * _IBLK, _IBLK, idx_ref, w_ref)


def _corner_indices(pts):
    return pl.pallas_call(
        _idx_kernel,
        grid=(_NPTS // _IBLK,),
        in_specs=[pl.BlockSpec((_IBLK, 3), lambda i: (i, 0))],
        out_specs=(pl.BlockSpec((_IBLK, 8), lambda i: (i, 0)),
                   pl.BlockSpec((_IBLK, 8), lambda i: (i, 0))),
        out_shape=(jax.ShapeDtypeStruct((_NPTS, 8), jnp.int32),
                   jax.ShapeDtypeStruct((_NPTS, 8), jnp.float32)),
    )(pts)



_NW = 32
_PER_W = _TOT // _NW
_CH = 128
_NCH = _PER_W // _CH
_GPB = 4

@functools.cache
def _build_sc_gather():
    mesh = plsc.VectorSubcoreMesh(core_axis_name="c", subcore_axis_name="s")

    @functools.partial(
        pl.kernel,
        mesh=mesh,
        out_type=jax.ShapeDtypeStruct((_TOT, _C), jnp.float32),
        scratch_types=[
            pltpu.VMEM((_NCH, _CH), jnp.int32),
            pltpu.VMEM((_GPB * _CH, _C), jnp.float32),
            pltpu.VMEM((_GPB * _CH, _C), jnp.float32),
            pltpu.SemaphoreType.DMA,
            pltpu.SemaphoreType.DMA,
        ],
        compiler_params=pltpu.CompilerParams(use_tc_tiling_on_sc=False),
    )
    def _sc_gather(table_hbm, idx_hbm, out_hbm, idx_v, buf0, buf1, gsem, osem):
        wid = lax.axis_index("s") * 2 + lax.axis_index("c")
        pltpu.sync_copy(idx_hbm.at[pl.ds(wid * _NCH, _NCH)], idx_v)
        bufs = (buf0, buf1)
        ngrp = _NCH // _GPB
        out_cp = [None, None]
        for g in range(ngrp):
            buf = bufs[g % 2]
            if g >= 2:
                out_cp[g % 2].wait()
            pend = [
                pltpu.async_copy(table_hbm.at[idx_v.at[g * _GPB + j]],
                                 buf.at[pl.ds(j * _CH, _CH)], gsem)
                for j in range(_GPB)
            ]
            for h in pend:
                h.wait()
            out_cp[g % 2] = pltpu.async_copy(
                buf,
                out_hbm.at[pl.ds(wid * _PER_W + g * _GPB * _CH, _GPB * _CH)],
                osem)
        out_cp[0].wait()
        out_cp[1].wait()

    return _sc_gather


def _gather_rows(table, idx2d):
    return _build_sc_gather()(table, idx2d)



_GBLK = 16
_RBLK = _GBLK * _N
_GRID = (_NPTS // _RBLK,)


def _roll_n(hg, s):
    return jnp.concatenate([hg[:, -s % _N:, :], hg[:, : -s % _N, :]], axis=1)


def _gcn_kernel(pts_ref, w8_ref, gath_ref, wct_ref, wcot_ref, bh_ref,
                wlt_ref, bl_ref, wpt_ref, bp_ref, out_ref):
    pts = pts_ref[...]
    w8 = w8_ref[...]
    feat = w8[:, 0:1] * gath_ref[:, 0:_C]
    for k in range(1, 8):
        feat = feat + w8[:, k:k + 1] * gath_ref[:, _C * k:_C * (k + 1)]
    pg = pts.reshape(_GBLK, _N, 3)
    pmin = jnp.min(pg, axis=1, keepdims=True)
    can = (pg - pmin).reshape(_RBLK, 3)
    coord = jnp.concatenate([pts[:, 0:1], can[:, 1:3] * _RO], axis=1)
    h = (jnp.dot(feat, wct_ref[...], preferred_element_type=jnp.float32)
         + jnp.dot(coord, wcot_ref[...], preferred_element_type=jnp.float32)
         + bh_ref[...])
    h = jnp.maximum(h, 0.0)
    for l in range(4):
        hg = h.reshape(_GBLK, _N, _S)
        agg = (_roll_n(hg, 1) + _roll_n(hg, -1)
               + _roll_n(hg, 2) + _roll_n(hg, -2)) * 0.25
        hin = h + agg.reshape(_RBLK, _S)
        h = jnp.maximum(
            jnp.dot(hin, wlt_ref[l], preferred_element_type=jnp.float32)
            + bl_ref[l:l + 1, :], 0.0) + h
    off = (jnp.dot(h, wpt_ref[...], preferred_element_type=jnp.float32)
           + bp_ref[...])
    out_ref[...] = jnp.concatenate(
        [pts[:, 0:1] * (1.0 / _RO), pts[:, 1:3] + off * (1.0 / _RO)], axis=1)


def _gcn_stage(pts, w8, gath2, wct, wcot, bh, wlt, bl, wpt, bp):
    def full(shape):
        return pl.BlockSpec(shape, lambda i: tuple(0 for _ in shape))
    return pl.pallas_call(
        _gcn_kernel,
        grid=_GRID,
        in_specs=[
            pl.BlockSpec((_RBLK, 3), lambda i: (i, 0)),
            pl.BlockSpec((_RBLK, 8), lambda i: (i, 0)),
            pl.BlockSpec((_RBLK, 8 * _C), lambda i: (i, 0)),
            full((_C, _S)),
            full((3, _S)),
            full((1, _S)),
            full((4, _S, _S)),
            full((4, _S)),
            full((_S, 2)),
            full((1, 2)),
        ],
        out_specs=pl.BlockSpec((_RBLK, 3), lambda i: (i, 0)),
        out_shape=jax.ShapeDtypeStruct((_NPTS, 3), jnp.float32),
    )(pts, w8, gath2, wct, wcot, bh, wlt, bl, wpt, bp)




def _prep_params(p):
    wct = p['W_head'][:, :_C].T
    wcot = p['W_head'][:, _C:].T
    bh = p['b_head'][None, :]
    wlt = jnp.stack([w.T for w in p['W_layers']])
    bl = jnp.stack(p['b_layers'])
    wpt = p['W_pred'].T
    bp = p['b_pred'][None, :]
    return wct, wcot, bh, wlt, bl, wpt, bp


def kernel(cnn_feature, init_contour, params):
    table = cnn_feature.transpose(0, 2, 3, 4, 1).reshape(_B * _D * _H * _W, _C)
    pts = init_contour.reshape(_NPTS, 3)
    outs = []
    for name in ('resgcn', 'resgcn0', 'resgcn1'):
        idx8, w8 = _corner_indices(pts)
        gath = _gather_rows(table, idx8.reshape(_TOT // _CH, _CH))
        gath2 = gath.reshape(_NPTS, 8 * _C)
        pts = _gcn_stage(pts, w8, gath2, *_prep_params(params[name]))
        outs.append(pts)
    return jnp.stack(outs, axis=0).reshape(3, _B, _P, _N, 3)

# --- scband reference (transcript-rebuilt; emitter-appended) ---
"""Pipeline reference for scband-res-gcn-22033182228986 (READ-ONLY COPY).

The authoritative reference and input builder live on the scoring server;
editing this copy changes nothing except your own understanding.
"""

import jax, jax.numpy as jnp
import numpy as np

RO = 4.0
STATE = 128
FEAT_C = 64
B, P, N = 2, 32, 128
D, H, W = 32, 64, 64


def _gcn_params(key):
    ks = jax.random.split(key, 6)
    return {
        'W_head': jax.random.normal(ks[0], (STATE, FEAT_C + 3), dtype=jnp.float32) * 0.05,
        'b_head': jnp.zeros((STATE,), dtype=jnp.float32),
        'W_layers': [jax.random.normal(ks[1 + i], (STATE, STATE), dtype=jnp.float32) * 0.05 for i in range(4)],
        'b_layers': [jnp.zeros((STATE,), dtype=jnp.float32) for _ in range(4)],
        'W_pred': jax.random.normal(ks[5], (2, STATE), dtype=jnp.float32) * 0.05,
        'b_pred': jnp.zeros((2,), dtype=jnp.float32),
    }


def setup_inputs(seed: int = 0):
    key = jax.random.key(seed)
    k1, k2, k3, k4, k5 = jax.random.split(key, 5)
    cnn_feature = jax.random.normal(k1, (B, FEAT_C, D, H, W), dtype=jnp.float32)
    u = jax.random.uniform(k2, (B, P, N, 3), dtype=jnp.float32)
    scale = jnp.array([D - 1, H - 1, W - 1], dtype=jnp.float32)
    init_contour = u * scale
    params = {'resgcn': _gcn_params(k3), 'resgcn0': _gcn_params(k4), 'resgcn1': _gcn_params(k5)}
    return {'cnn_feature': cnn_feature, 'init_contour': init_contour, 'params': params}


def _trilinear(feat, pts):
    # feat [C,D,H,W], pts [P,N,3] (z,y,x) -> [C,P,N]
    z = jnp.clip(pts[..., 0], 0.0, D - 1 - 1e-4)
    y = jnp.clip(pts[..., 1], 0.0, H - 1 - 1e-4)
    x = jnp.clip(pts[..., 2], 0.0, W - 1 - 1e-4)
    z0 = jnp.floor(z).astype(jnp.int32)
    y0 = jnp.floor(y).astype(jnp.int32)
    x0 = jnp.floor(x).astype(jnp.int32)
    z1 = jnp.clip(z0 + 1, 0, D - 1)
    y1 = jnp.clip(y0 + 1, 0, H - 1)
    x1 = jnp.clip(x0 + 1, 0, W - 1)
    wz = (z - z0.astype(z.dtype))[None]
    wy = (y - y0.astype(y.dtype))[None]
    wx = (x - x0.astype(x.dtype))[None]

    def g(zi, yi, xi):
        return feat[:, zi, yi, xi]

    out = (g(z0, y0, x0) * (1 - wz) * (1 - wy) * (1 - wx)
           + g(z0, y0, x1) * (1 - wz) * (1 - wy) * wx
           + g(z0, y1, x0) * (1 - wz) * wy * (1 - wx)
           + g(z0, y1, x1) * (1 - wz) * wy * wx
           + g(z1, y0, x0) * wz * (1 - wy) * (1 - wx)
           + g(z1, y0, x1) * wz * (1 - wy) * wx
           + g(z1, y1, x0) * wz * wy * (1 - wx)
           + g(z1, y1, x1) * wz * wy * wx)
    return out


def _construct_graph(n):
    base = jnp.arange(n)
    offs = jnp.array([-2, -1, 1, 2])
    return (base[None, :] + offs[:, None]) % n  # [4, n]


def _gcn(p, x, adj):
    # x [P, feat_dim, N]
    h = jax.nn.relu(jnp.einsum('of,pfn->pon', p['W_head'], x) + p['b_head'][None, :, None])
    for Wl, bl in zip(p['W_layers'], p['b_layers']):
        nb = jnp.take(h, adj.reshape(-1), axis=-1).reshape(h.shape[0], h.shape[1], 4, h.shape[2])
        agg = nb.mean(axis=2)
        h = jax.nn.relu(jnp.einsum('of,pfn->pon', Wl, h + agg) + bl[None, :, None]) + h
    return jnp.einsum('of,pfn->pon', p['W_pred'], h) + p['b_pred'][None, :, None]


def _img_poly_to_can(poly):
    mn = poly[..., 1:].min(axis=2, keepdims=True)
    return jnp.concatenate([poly[..., :1], poly[..., 1:] - mn], axis=-1)


def _evolve(p, cnn_feature, contour, can, adj):
    feat = jax.vmap(_trilinear)(cnn_feature, contour)  # [B,C,P,N]
    feat = feat.transpose(0, 2, 1, 3)  # [B,P,C,N]
    can = can.at[..., 1:].multiply(RO)
    coord = can.transpose(0, 1, 3, 2)  # [B,P,3,N]
    inp = jnp.concatenate([feat, coord], axis=2)  # [B,P,67,N]
    off = jax.vmap(lambda xi: _gcn(p, xi, adj))(inp)  # [B,P,2,N]
    off = off.transpose(0, 1, 3, 2)
    return contour.at[..., 1:].set(contour[..., 1:] * RO + off)


def reference(cnn_feature, init_contour, params):
    adj = _construct_graph(N)
    py = _evolve(params['resgcn'], cnn_feature, init_contour, _img_poly_to_can(init_contour), adj)
    pys = [py / RO]
    for i in range(2):
        py = py / RO
        c = _img_poly_to_can(py)
        py = _evolve(params['resgcn' + str(i)], cnn_feature, py, c, adj)
        pys.append(py / RO)
    return jnp.stack(pys, axis=0)

if __name__ == "__main__":
    import jax
    _d = setup_inputs()
    print(jax.jit(kernel)(*tuple(_d.values())))

</pallas_src>

<mosaic_0001>
#map = affine_map<(d0, d1) -> (0, 0)>
module attributes {stable_mosaic.version = 14 : i64} {
  func.func @_sc_gather(%arg0: i32, %arg1: i32, %arg2: memref<262144x64xf32, #tpu.memory_space<hbm>>, %arg3: memref<512x128xi32, #tpu.memory_space<hbm>>, %arg4: memref<65536x64xf32, #tpu.memory_space<hbm>>, %arg5: memref<16x128xi32, #tpu.memory_space<vmem>>, %arg6: memref<512x64xf32, #tpu.memory_space<vmem>>, %arg7: memref<512x64xf32, #tpu.memory_space<vmem>>, %arg8: memref<!tpu.dma_semaphore, #tpu.memory_space<semaphore_mem>>, %arg9: memref<!tpu.dma_semaphore, #tpu.memory_space<semaphore_mem>>) attributes {dimension_semantics = [#tpu.dimension_semantics<core_parallel>, #tpu.dimension_semantics<subcore_parallel>], iteration_bounds = array<i64: 2, 16>, scalar_prefetch = 0 : i64, scratch_operands = 5 : i64, tpu.core_type = #tpu.core_type<sc_vector_subcore>, window_params = [{transform_indices = #map}, {transform_indices = #map}, {transform_indices = #map}]} {
    %mul3A = arith.constant 2 : i32
    %mul3A_0 = arith.muli %arg1, %mul3A : i32
    %add3A = arith.addi %mul3A_0, %arg0 : i32
    %mul3A_1 = arith.constant 16 : i32
    %mul3A_2 = arith.muli %add3A, %mul3A_1 : i32
    "tpu.region"() ({
      %run_scoped3A = tpu.sem_alloc : memref<!tpu.dma_semaphore, #tpu.memory_space<semaphore_mem>>
      %dma_start3A_369 = arith.constant 0 : i32
      %dma_start3A_370 = tpu.memref_slice %arg3[%mul3A_2, %dma_start3A_369] : memref<512x128xi32, #tpu.memory_space<hbm>> -> memref<16x128xi32, #tpu.memory_space<hbm>>
      %dma_start3A_371 = arith.constant 0 : i32
      %dma_start3A_372 = tpu.memref_slice %arg3[%mul3A_2, %dma_start3A_371] : memref<512x128xi32, #tpu.memory_space<hbm>> -> memref<16x128xi32, #tpu.memory_space<hbm>>
      tpu.enqueue_dma source(%dma_start3A_372 : memref<16x128xi32, #tpu.memory_space<hbm>>) target(%arg5 : memref<16x128xi32, #tpu.memory_space<vmem>>) target_semaphore(%run_scoped3A : memref<!tpu.dma_semaphore, #tpu.memory_space<semaphore_mem>>)
      %dma_wait3A_373 = arith.constant 0 : i32
      %dma_wait3A_374 = tpu.memref_slice %arg3[%mul3A_2, %dma_wait3A_373] : memref<512x128xi32, #tpu.memory_space<hbm>> -> memref<16x128xi32, #tpu.memory_space<hbm>>
      %dma_wait3A_375 = arith.constant 0 : i32
      %dma_wait3A_376 = tpu.memref_slice %arg3[%mul3A_2, %dma_wait3A_375] : memref<512x128xi32, #tpu.memory_space<hbm>> -> memref<16x128xi32, #tpu.memory_space<hbm>>
      tpu.wait_dma2 semaphore(%run_scoped3A : memref<!tpu.dma_semaphore, #tpu.memory_space<semaphore_mem>>) src(%dma_wait3A_376 : memref<16x128xi32, #tpu.memory_space<hbm>>) dst(%arg5 : memref<16x128xi32, #tpu.memory_space<vmem>>)
      tpu.yield
    }) : () -> ()
    %dma_start3A = arith.constant 0 : i32
    %dma_start3A_3 = arith.constant 0 : i32
    %dma_start3A_4 = arith.constant 0 : i32
    %dma_start3A_5 = tpu.memref_slice %arg6[%dma_start3A_3, %dma_start3A_4] : memref<512x64xf32, #tpu.memory_space<vmem>> -> memref<128x64xf32, #tpu.memory_space<vmem>>
    %dma_start3A_6 = arith.constant 0 : i32
    %dma_start3A_7 = tpu.memref_slice %arg5[%dma_start3A, %dma_start3A_6] : memref<16x128xi32, #tpu.memory_space<vmem>> -> memref<1x128xi32, #tpu.memory_space<vmem>>
    %dma_start3A_8 = tpu.memref_squeeze %dma_start3A_7 : memref<1x128xi32, #tpu.memory_space<vmem>> -> memref<128xi32, #tpu.memory_space<vmem>>
    %dma_start3A_9 = arith.constant 0 : i32
    %dma_start3A_10 = arith.constant 0 : i32
    %dma_start3A_11 = tpu.memref_slice %arg2[%dma_start3A_9, %dma_start3A_10] : memref<262144x64xf32, #tpu.memory_space<hbm>> -> memref<262144x64xf32, #tpu.memory_space<hbm>>
    tpu.enqueue_indirect_dma source(%dma_start3A_11 : memref<262144x64xf32, #tpu.memory_space<hbm>>) target(%dma_start3A_5 : memref<128x64xf32, #tpu.memory_space<vmem>>) offsets(%dma_start3A_8 : memref<128xi32, #tpu.memory_space<vmem>>) semaphore(%arg8 : memref<!tpu.dma_semaphore, #tpu.memory_space<semaphore_mem>>)
    %dma_start3A_12 = arith.constant 1 : i32
    %dma_start3A_13 = arith.constant 128 : i32
    %dma_start3A_14 = arith.constant 0 : i32
    %dma_start3A_15 = tpu.memref_slice %arg6[%dma_start3A_13, %dma_start3A_14] : memref<512x64xf32, #tpu.memory_space<vmem>> -> memref<128x64xf32, #tpu.memory_space<vmem>>
    %dma_start3A_16 = arith.constant 0 : i32
    %dma_start3A_17 = tpu.memref_slice %arg5[%dma_start3A_12, %dma_start3A_16] : memref<16x128xi32, #tpu.memory_space<vmem>> -> memref<1x128xi32, #tpu.memory_space<vmem>>
    %dma_start3A_18 = tpu.memref_squeeze %dma_start3A_17 : memref<1x128xi32, #tpu.memory_space<vmem>> -> memref<128xi32, #tpu.memory_space<vmem>>
    %dma_start3A_19 = arith.constant 0 : i32
    %dma_start3A_20 = arith.constant 0 : i32
    %dma_start3A_21 = tpu.memref_slice %arg2[%dma_start3A_19, %dma_start3A_20] : memref<262144x64xf32, #tpu.memory_space<hbm>> -> memref<262144x64xf32, #tpu.memory_space<hbm>>
    tpu.enqueue_indirect_dma source(%dma_start3A_21 : memref<262144x64xf32, #tpu.memory_space<hbm>>) target(%dma_start3A_15 : memref<128x64xf32, #tpu.memory_space<vmem>>) offsets(%dma_start3A_18 : memref<128xi32, #tpu.memory_space<vmem>>) semaphore(%arg8 : memref<!tpu.dma_semaphore, #tpu.memory_space<semaphore_mem>>)
    %dma_start3A_22 = arith.constant 2 : i32
    %dma_start3A_23 = arith.constant 256 : i32
    %dma_start3A_24 = arith.constant 0 : i32
    %dma_start3A_25 = tpu.memref_slice %arg6[%dma_start3A_23, %dma_start3A_24] : memref<512x64xf32, #tpu.memory_space<vmem>> -> memref<128x64xf32, #tpu.memory_space<vmem>>
    %dma_start3A_26 = arith.constant 0 : i32
    %dma_start3A_27 = tpu.memref_slice %arg5[%dma_start3A_22, %dma_start3A_26] : memref<16x128xi32, #tpu.memory_space<vmem>> -> memref<1x128xi32, #tpu.memory_space<vmem>>
    %dma_start3A_28 = tpu.memref_squeeze %dma_start3A_27 : memref<1x128xi32, #tpu.memory_space<vmem>> -> memref<128xi32, #tpu.memory_space<vmem>>
    %dma_start3A_29 = arith.constant 0 : i32
    %dma_start3A_30 = arith.constant 0 : i32
    %dma_start3A_31 = tpu.memref_slice %arg2[%dma_start3A_29, %dma_start3A_30] : memref<262144x64xf32, #tpu.memory_space<hbm>> -> memref<262144x64xf32, #tpu.memory_space<hbm>>
    tpu.enqueue_indirect_dma source(%dma_start3A_31 : memref<262144x64xf32, #tpu.memory_space<hbm>>) target(%dma_start3A_25 : memref<128x64xf32, #tpu.memory_space<vmem>>) offsets(%dma_start3A_28 : memref<128xi32, #tpu.memory_space<vmem>>) semaphore(%arg8 : memref<!tpu.dma_semaphore, #tpu.memory_space<semaphore_mem>>)
    %dma_start3A_32 = arith.constant 3 : i32
    %dma_start3A_33 = arith.constant 384 : i32
    %dma_start3A_34 = arith.constant 0 : i32
    %dma_start3A_35 = tpu.memref_slice %arg6[%dma_start3A_33, %dma_start3A_34] : memref<512x64xf32, #tpu.memory_space<vmem>> -> memref<128x64xf32, #tpu.memory_space<vmem>>
    %dma_start3A_36 = arith.constant 0 : i32
    %dma_start3A_37 = tpu.memref_slice %arg5[%dma_start3A_32, %dma_start3A_36] : memref<16x128xi32, #tpu.memory_space<vmem>> -> memref<1x128xi32, #tpu.memory_space<vmem>>
    %dma_start3A_38 = tpu.memref_squeeze %dma_start3A_37 : memref<1x128xi32, #tpu.memory_space<vmem>> -> memref<128xi32, #tpu.memory_space<vmem>>
    %dma_start3A_39 = arith.constant 0 : i32
    %dma_start3A_40 = arith.constant 0 : i32
    %dma_start3A_41 = tpu.memref_slice %arg2[%dma_start3A_39, %dma_start3A_40] : memref<262144x64xf32, #tpu.memory_space<hbm>> -> memref<262144x64xf32, #tpu.memory_space<hbm>>
    tpu.enqueue_indirect_dma source(%dma_start3A_41 : memref<262144x64xf32, #tpu.memory_space<hbm>>) target(%dma_start3A_35 : memref<128x64xf32, #tpu.memory_space<vmem>>) offsets(%dma_start3A_38 : memref<128xi32, #tpu.memory_space<vmem>>) semaphore(%arg8 : memref<!tpu.dma_semaphore, #tpu.memory_space<semaphore_mem>>)
    %dma_wait3A = arith.constant 0 : i32
    %dma_wait3A_42 = arith.constant 0 : i32
    %dma_wait3A_43 = arith.constant 0 : i32
    %dma_wait3A_44 = tpu.memref_slice %arg6[%dma_wait3A_42, %dma_wait3A_43] : memref<512x64xf32, #tpu.memory_space<vmem>> -> memref<128x64xf32, #tpu.memory_space<vmem>>
    %dma_wait3A_45 = arith.constant 0 : i32
    %dma_wait3A_46 = tpu.memref_slice %arg5[%dma_wait3A, %dma_wait3A_45] : memref<16x128xi32, #tpu.memory_space<vmem>> -> memref<1x128xi32, #tpu.memory_space<vmem>>
    %dma_wait3A_47 = tpu.memref_squeeze %dma_wait3A_46 : memref<1x128xi32, #tpu.memory_space<vmem>> -> memref<128xi32, #tpu.memory_space<vmem>>
    %dma_wait3A_48 = arith.constant 0 : i32
    %dma_wait3A_49 = arith.constant 0 : i32
    %dma_wait3A_50 = tpu.memref_slice %arg2[%dma_wait3A_48, %dma_wait3A_49] : memref<262144x64xf32, #tpu.memory_space<hbm>> -> memref<262144x64xf32, #tpu.memory_space<hbm>>
    tpu.wait_indirect_dma semaphore(%arg8 : memref<!tpu.dma_semaphore, #tpu.memory_space<semaphore_mem>>) src(%dma_wait3A_50 : memref<262144x64xf32, #tpu.memory_space<hbm>>) dst(%dma_wait3A_44 : memref<128x64xf32, #tpu.memory_space<vmem>>)
    %dma_wait3A_51 = arith.constant 1 : i32
    %dma_wait3A_52 = arith.constant 128 : i32
    %dma_wait3A_53 = arith.constant 0 : i32
    %dma_wait3A_54 = tpu.memref_slice %arg6[%dma_wait3A_52, %dma_wait3A_53] : memref<512x64xf32, #tpu.memory_space<vmem>> -> memref<128x64xf32, #tpu.memory_space<vmem>>
    %dma_wait3A_55 = arith.constant 0 : i32
    %dma_wait3A_56 = tpu.memref_slice %arg5[%dma_wait3A_51, %dma_wait3A_55] : memref<16x128xi32, #tpu.memory_space<vmem>> -> memref<1x128xi32, #tpu.memory_space<vmem>>
    %dma_wait3A_57 = tpu.memref_squeeze %dma_wait3A_56 : memref<1x128xi32, #tpu.memory_space<vmem>> -> memref<128xi32, #tpu.memory_space<vmem>>
    %dma_wait3A_58 = arith.constant 0 : i32
    %dma_wait3A_59 = arith.constant 0 : i32
    %dma_wait3A_60 = tpu.memref_slice %arg2[%dma_wait3A_58, %dma_wait3A_59] : memref<262144x64xf32, #tpu.memory_space<hbm>> -> memref<262144x64xf32, #tpu.memory_space<hbm>>
    tpu.wait_indirect_dma semaphore(%arg8 : memref<!tpu.dma_semaphore, #tpu.memory_space<semaphore_mem>>) src(%dma_wait3A_60 : memref<262144x64xf32, #tpu.memory_space<hbm>>) dst(%dma_wait3A_54 : memref<128x64xf32, #tpu.memory_space<vmem>>)
    %dma_wait3A_61 = arith.constant 2 : i32
    %dma_wait3A_62 = arith.constant 256 : i32
    %dma_wait3A_63 = arith.constant 0 : i32
    %dma_wait3A_64 = tpu.memref_slice %arg6[%dma_wait3A_62, %dma_wait3A_63] : memref<512x64xf32, #tpu.memory_space<vmem>> -> memref<128x64xf32, #tpu.memory_space<vmem>>
    %dma_wait3A_65 = arith.constant 0 : i32
    %dma_wait3A_66 = tpu.memref_slice %arg5[%dma_wait3A_61, %dma_wait3A_65] : memref<16x128xi32, #tpu.memory_space<vmem>> -> memref<1x128xi32, #tpu.memory_space<vmem>>
    %dma_wait3A_67 = tpu.memref_squeeze %dma_wait3A_66 : memref<1x128xi32, #tpu.memory_space<vmem>> -> memref<128xi32, #tpu.memory_space<vmem>>
    %dma_wait3A_68 = arith.constant 0 : i32
    %dma_wait3A_69 = arith.constant 0 : i32
    %dma_wait3A_70 = tpu.memref_slice %arg2[%dma_wait3A_68, %dma_wait3A_69] : memref<262144x64xf32, #tpu.memory_space<hbm>> -> memref<262144x64xf32, #tpu.memory_space<hbm>>
    tpu.wait_indirect_dma semaphore(%arg8 : memref<!tpu.dma_semaphore, #tpu.memory_space<semaphore_mem>>) src(%dma_wait3A_70 : memref<262144x64xf32, #tpu.memory_space<hbm>>) dst(%dma_wait3A_64 : memref<128x64xf32, #tpu.memory_space<vmem>>)
    %dma_wait3A_71 = arith.constant 3 : i32
    %dma_wait3A_72 = arith.constant 384 : i32
    %dma_wait3A_73 = arith.constant 0 : i32
    %dma_wait3A_74 = tpu.memref_slice %arg6[%dma_wait3A_72, %dma_wait3A_73] : memref<512x64xf32, #tpu.memory_space<vmem>> -> memref<128x64xf32, #tpu.memory_space<vmem>>
    %dma_wait3A_75 = arith.constant 0 : i32
    %dma_wait3A_76 = tpu.memref_slice %arg5[%dma_wait3A_71, %dma_wait3A_75] : memref<16x128xi32, #tpu.memory_space<vmem>> -> memref<1x128xi32, #tpu.memory_space<vmem>>
    %dma_wait3A_77 = tpu.memref_squeeze %dma_wait3A_76 : memref<1x128xi32, #tpu.memory_space<vmem>> -> memref<128xi32, #tpu.memory_space<vmem>>
    %dma_wait3A_78 = arith.constant 0 : i32
    %dma_wait3A_79 = arith.constant 0 : i32
    %dma_wait3A_80 = tpu.memref_slice %arg2[%dma_wait3A_78, %dma_wait3A_79] : memref<262144x64xf32, #tpu.memory_space<hbm>> -> memref<262144x64xf32, #tpu.memory_space<hbm>>
    tpu.wait_indirect_dma semaphore(%arg8 : memref<!tpu.dma_semaphore, #tpu.memory_space<semaphore_mem>>) src(%dma_wait3A_80 : memref<262144x64xf32, #tpu.memory_space<hbm>>) dst(%dma_wait3A_74 : memref<128x64xf32, #tpu.memory_space<vmem>>)
    %mul3A_81 = arith.constant 2048 : i32
    %mul3A_82 = arith.muli %add3A, %mul3A_81 : i32
    %add3A_83 = arith.constant 0 : i32
    %add3A_84 = arith.addi %mul3A_82, %add3A_83 : i32
    %dma_start3A_85 = arith.constant 0 : i32
    %dma_start3A_86 = tpu.memref_slice %arg4[%add3A_84, %dma_start3A_85] : memref<65536x64xf32, #tpu.memory_space<hbm>> -> memref<512x64xf32, #tpu.memory_space<hbm>>
    %dma_start3A_87 = arith.constant 0 : i32
    %dma_start3A_88 = tpu.memref_slice %arg4[%add3A_84, %dma_start3A_87] : memref<65536x64xf32, #tpu.memory_space<hbm>> -> memref<512x64xf32, #tpu.memory_space<hbm>>
    tpu.enqueue_dma source(%arg6 : memref<512x64xf32, #tpu.memory_space<vmem>>) target(%dma_start3A_88 : memref<512x64xf32, #tpu.memory_space<hbm>>) target_semaphore(%arg9 : memref<!tpu.dma_semaphore, #tpu.memory_space<semaphore_mem>>)
    %dma_start3A_89 = arith.constant 4 : i32
    %dma_start3A_90 = arith.constant 0 : i32
    %dma_start3A_91 = arith.constant 0 : i32
    %dma_start3A_92 = tpu.memref_slice %arg7[%dma_start3A_90, %dma_start3A_91] : memref<512x64xf32, #tpu.memory_space<vmem>> -> memref<128x64xf32, #tpu.memory_space<vmem>>
    %dma_start3A_93 = arith.constant 0 : i32
    %dma_start3A_94 = tpu.memref_slice %arg5[%dma_start3A_89, %dma_start3A_93] : memref<16x128xi32, #tpu.memory_space<vmem>> -> memref<1x128xi32, #tpu.memory_space<vmem>>
    %dma_start3A_95 = tpu.memref_squeeze %dma_start3A_94 : memref<1x128xi32, #tpu.memory_space<vmem>> -> memref<128xi32, #tpu.memory_space<vmem>>
    %dma_start3A_96 = arith.constant 0 : i32
    %dma_start3A_97 = arith.constant 0 : i32
    %dma_start3A_98 = tpu.memref_slice %arg2[%dma_start3A_96, %dma_start3A_97] : memref<262144x64xf32, #tpu.memory_space<hbm>> -> memref<262144x64xf32, #tpu.memory_space<hbm>>
    tpu.enqueue_indirect_dma source(%dma_start3A_98 : memref<262144x64xf32, #tpu.memory_space<hbm>>) target(%dma_start3A_92 : memref<128x64xf32, #tpu.memory_space<vmem>>) offsets(%dma_start3A_95 : memref<128xi32, #tpu.memory_space<vmem>>) semaphore(%arg8 : memref<!tpu.dma_semaphore, #tpu.memory_space<semaphore_mem>>)
    %dma_start3A_99 = arith.constant 5 : i32
    %dma_start3A_100 = arith.constant 128 : i32
    %dma_start3A_101 = arith.constant 0 : i32
    %dma_start3A_102 = tpu.memref_slice %arg7[%dma_start3A_100, %dma_start3A_101] : memref<512x64xf32, #tpu.memory_space<vmem>> -> memref<128x64xf32, #tpu.memory_space<vmem>>
    %dma_start3A_103 = arith.constant 0 : i32
    %dma_start3A_104 = tpu.memref_slice %arg5[%dma_start3A_99, %dma_start3A_103] : memref<16x128xi32, #tpu.memory_space<vmem>> -> memref<1x128xi32, #tpu.memory_space<vmem>>
    %dma_start3A_105 = tpu.memref_squeeze %dma_start3A_104 : memref<1x128xi32, #tpu.memory_space<vmem>> -> memref<128xi32, #tpu.memory_space<vmem>>
    %dma_start3A_106 = arith.constant 0 : i32
    %dma_start3A_107 = arith.constant 0 : i32
    %dma_start3A_108 = tpu.memref_slice %arg2[%dma_start3A_106, %dma_start3A_107] : memref<262144x64xf32, #tpu.memory_space<hbm>> -> memref<262144x64xf32, #tpu.memory_space<hbm>>
    tpu.enqueue_indirect_dma source(%dma_start3A_108 : memref<262144x64xf32, #tpu.memory_space<hbm>>) target(%dma_start3A_102 : memref<128x64xf32, #tpu.memory_space<vmem>>) offsets(%dma_start3A_105 : memref<128xi32, #tpu.memory_space<vmem>>) semaphore(%arg8 : memref<!tpu.dma_semaphore, #tpu.memory_space<semaphore_mem>>)
    %dma_start3A_109 = arith.constant 6 : i32
    %dma_start3A_110 = arith.constant 256 : i32
    %dma_start3A_111 = arith.constant 0 : i32
    %dma_start3A_112 = tpu.memref_slice %arg7[%dma_start3A_110, %dma_start3A_111] : memref<512x64xf32, #tpu.memory_space<vmem>> -> memref<128x64xf32, #tpu.memory_space<vmem>>
    %dma_start3A_113 = arith.constant 0 : i32
    %dma_start3A_114 = tpu.memref_slice %arg5[%dma_start3A_109, %dma_start3A_113] : memref<16x128xi32, #tpu.memory_space<vmem>> -> memref<1x128xi32, #tpu.memory_space<vmem>>
    %dma_start3A_115 = tpu.memref_squeeze %dma_start3A_114 : memref<1x128xi32, #tpu.memory_space<vmem>> -> memref<128xi32, #tpu.memory_space<vmem>>
    %dma_start3A_116 = arith.constant 0 : i32
    %dma_start3A_117 = arith.constant 0 : i32
    %dma_start3A_118 = tpu.memref_slice %arg2[%dma_start3A_116, %dma_start3A_117] : memref<262144x64xf32, #tpu.memory_space<hbm>> -> memref<262144x64xf32, #tpu.memory_space<hbm>>
    tpu.enqueue_indirect_dma source(%dma_start3A_118 : memref<262144x64xf32, #tpu.memory_space<hbm>>) target(%dma_start3A_112 : memref<128x64xf32, #tpu.memory_space<vmem>>) offsets(%dma_start3A_115 : memref<128xi32, #tpu.memory_space<vmem>>) semaphore(%arg8 : memref<!tpu.dma_semaphore, #tpu.memory_space<semaphore_mem>>)
    %dma_start3A_119 = arith.constant 7 : i32
    %dma_start3A_120 = arith.constant 384 : i32
    %dma_start3A_121 = arith.constant 0 : i32
    %dma_start3A_122 = tpu.memref_slice %arg7[%dma_start3A_120, %dma_start3A_121] : memref<512x64xf32, #tpu.memory_space<vmem>> -> memref<128x64xf32, #tpu.memory_space<vmem>>
    %dma_start3A_123 = arith.constant 0 : i32
    %dma_start3A_124 = tpu.memref_slice %arg5[%dma_start3A_119, %dma_start3A_123] : memref<16x128xi32, #tpu.memory_space<vmem>> -> memref<1x128xi32, #tpu.memory_space<vmem>>
    %dma_start3A_125 = tpu.memref_squeeze %dma_start3A_124 : memref<1x128xi32, #tpu.memory_space<vmem>> -> memref<128xi32, #tpu.memory_space<vmem>>
    %dma_start3A_126 = arith.constant 0 : i32
    %dma_start3A_127 = arith.constant 0 : i32
    %dma_start3A_128 = tpu.memref_slice %arg2[%dma_start3A_126, %dma_start3A_127] : memref<262144x64xf32, #tpu.memory_space<hbm>> -> memref<262144x64xf32, #tpu.memory_space<hbm>>
    tpu.enqueue_indirect_dma source(%dma_start3A_128 : memref<262144x64xf32, #tpu.memory_space<hbm>>) target(%dma_start3A_122 : memref<128x64xf32, #tpu.memory_space<vmem>>) offsets(%dma_start3A_125 : memref<128xi32, #tpu.memory_space<vmem>>) semaphore(%arg8 : memref<!tpu.dma_semaphore, #tpu.memory_space<semaphore_mem>>)
    %dma_wait3A_129 = arith.constant 4 : i32
    %dma_wait3A_130 = arith.constant 0 : i32
    %dma_wait3A_131 = arith.constant 0 : i32
    %dma_wait3A_132 = tpu.memref_slice %arg7[%dma_wait3A_130, %dma_wait3A_131] : memref<512x64xf32, #tpu.memory_space<vmem>> -> memref<128x64xf32, #tpu.memory_space<vmem>>
    %dma_wait3A_133 = arith.constant 0 : i32
    %dma_wait3A_134 = tpu.memref_slice %arg5[%dma_wait3A_129, %dma_wait3A_133] : memref<16x128xi32, #tpu.memory_space<vmem>> -> memref<1x128xi32, #tpu.memory_space<vmem>>
    %dma_wait3A_135 = tpu.memref_squeeze %dma_wait3A_134 : memref<1x128xi32, #tpu.memory_space<vmem>> -> memref<128xi32, #tpu.memory_space<vmem>>
    %dma_wait3A_136 = arith.constant 0 : i32
    %dma_wait3A_137 = arith.constant 0 : i32
    %dma_wait3A_138 = tpu.memref_slice %arg2[%dma_wait3A_136, %dma_wait3A_137] : memref<262144x64xf32, #tpu.memory_space<hbm>> -> memref<262144x64xf32, #tpu.memory_space<hbm>>
    tpu.wait_indirect_dma semaphore(%arg8 : memref<!tpu.dma_semaphore, #tpu.memory_space<semaphore_mem>>) src(%dma_wait3A_138 : memref<262144x64xf32, #tpu.memory_space<hbm>>) dst(%dma_wait3A_132 : memref<128x64xf32, #tpu.memory_space<vmem>>)
    %dma_wait3A_139 = arith.constant 5 : i32
    %dma_wait3A_140 = arith.constant 128 : i32
    %dma_wait3A_141 = arith.constant 0 : i32
    %dma_wait3A_142 = tpu.memref_slice %arg7[%dma_wait3A_140, %dma_wait3A_141] : memref<512x64xf32, #tpu.memory_space<vmem>> -> memref<128x64xf32, #tpu.memory_space<vmem>>
    %dma_wait3A_143 = arith.constant 0 : i32
    %dma_wait3A_144 = tpu.memref_slice %arg5[%dma_wait3A_139, %dma_wait3A_143] : memref<16x128xi32, #tpu.memory_space<vmem>> -> memref<1x128xi32, #tpu.memory_space<vmem>>
    %dma_wait3A_145 = tpu.memref_squeeze %dma_wait3A_144 : memref<1x128xi32, #tpu.memory_space<vmem>> -> memref<128xi32, #tpu.memory_space<vmem>>
    %dma_wait3A_146 = arith.constant 0 : i32
    %dma_wait3A_147 = arith.constant 0 : i32
    %dma_wait3A_148 = tpu.memref_slice %arg2[%dma_wait3A_146, %dma_wait3A_147] : memref<262144x64xf32, #tpu.memory_space<hbm>> -> memref<262144x64xf32, #tpu.memory_space<hbm>>
    tpu.wait_indirect_dma semaphore(%arg8 : memref<!tpu.dma_semaphore, #tpu.memory_space<semaphore_mem>>) src(%dma_wait3A_148 : memref<262144x64xf32, #tpu.memory_space<hbm>>) dst(%dma_wait3A_142 : memref<128x64xf32, #tpu.memory_space<vmem>>)
    %dma_wait3A_149 = arith.constant 6 : i32
    %dma_wait3A_150 = arith.constant 256 : i32
    %dma_wait3A_151 = arith.constant 0 : i32
    %dma_wait3A_152 = tpu.memref_slice %arg7[%dma_wait3A_150, %dma_wait3A_151] : memref<512x64xf32, #tpu.memory_space<vmem>> -> memref<128x64xf32, #tpu.memory_space<vmem>>
    %dma_wait3A_153 = arith.constant 0 : i32
    %dma_wait3A_154 = tpu.memref_slice %arg5[%dma_wait3A_149, %dma_wait3A_153] : memref<16x128xi32, #tpu.memory_space<vmem>> -> memref<1x128xi32, #tpu.memory_space<vmem>>
    %dma_wait3A_155 = tpu.memref_squeeze %dma_wait3A_154 : memref<1x128xi32, #tpu.memory_space<vmem>> -> memref<128xi32, #tpu.memory_space<vmem>>
    %dma_wait3A_156 = arith.constant 0 : i32
    %dma_wait3A_157 = arith.constant 0 : i32
    %dma_wait3A_158 = tpu.memref_slice %arg2[%dma_wait3A_156, %dma_wait3A_157] : memref<262144x64xf32, #tpu.memory_space<hbm>> -> memref<262144x64xf32, #tpu.memory_space<hbm>>
    tpu.wait_indirect_dma semaphore(%arg8 : memref<!tpu.dma_semaphore, #tpu.memory_space<semaphore_mem>>) src(%dma_wait3A_158 : memref<262144x64xf32, #tpu.memory_space<hbm>>) dst(%dma_wait3A_152 : memref<128x64xf32, #tpu.memory_space<vmem>>)
    %dma_wait3A_159 = arith.constant 7 : i32
    %dma_wait3A_160 = arith.constant 384 : i32
    %dma_wait3A_161 = arith.constant 0 : i32
    %dma_wait3A_162 = tpu.memref_slice %arg7[%dma_wait3A_160, %dma_wait3A_161] : memref<512x64xf32, #tpu.memory_space<vmem>> -> memref<128x64xf32, #tpu.memory_space<vmem>>
    %dma_wait3A_163 = arith.constant 0 : i32
    %dma_wait3A_164 = tpu.memref_slice %arg5[%dma_wait3A_159, %dma_wait3A_163] : memref<16x128xi32, #tpu.memory_space<vmem>> -> memref<1x128xi32, #tpu.memory_space<vmem>>
    %dma_wait3A_165 = tpu.memref_squeeze %dma_wait3A_164 : memref<1x128xi32, #tpu.memory_space<vmem>> -> memref<128xi32, #tpu.memory_space<vmem>>
    %dma_wait3A_166 = arith.constant 0 : i32
    %dma_wait3A_167 = arith.constant 0 : i32
    %dma_wait3A_168 = tpu.memref_slice %arg2[%dma_wait3A_166, %dma_wait3A_167] : memref<262144x64xf32, #tpu.memory_space<hbm>> -> memref<262144x64xf32, #tpu.memory_space<hbm>>
    tpu.wait_indirect_dma semaphore(%arg8 : memref<!tpu.dma_semaphore, #tpu.memory_space<semaphore_mem>>) src(%dma_wait3A_168 : memref<262144x64xf32, #tpu.memory_space<hbm>>) dst(%dma_wait3A_162 : memref<128x64xf32, #tpu.memory_space<vmem>>)
    %mul3A_169 = arith.constant 2048 : i32
    %mul3A_170 = arith.muli %add3A, %mul3A_169 : i32
    %add3A_171 = arith.constant 512 : i32
    %add3A_172 = arith.addi %mul3A_170, %add3A_171 : i32
    %dma_start3A_173 = arith.constant 0 : i32
    %dma_start3A_174 = tpu.memref_slice %arg4[%add3A_172, %dma_start3A_173] : memref<65536x64xf32, #tpu.memory_space<hbm>> -> memref<512x64xf32, #tpu.memory_space<hbm>>
    %dma_start3A_175 = arith.constant 0 : i32
    %dma_start3A_176 = tpu.memref_slice %arg4[%add3A_172, %dma_start3A_175] : memref<65536x64xf32, #tpu.memory_space<hbm>> -> memref<512x64xf32, #tpu.memory_space<hbm>>
    tpu.enqueue_dma source(%arg7 : memref<512x64xf32, #tpu.memory_space<vmem>>) target(%dma_start3A_176 : memref<512x64xf32, #tpu.memory_space<hbm>>) target_semaphore(%arg9 : memref<!tpu.dma_semaphore, #tpu.memory_space<semaphore_mem>>)
    %dma_wait3A_177 = arith.constant 0 : i32
    %dma_wait3A_178 = tpu.memref_slice %arg4[%add3A_84, %dma_wait3A_177] : memref<65536x64xf32, #tpu.memory_space<hbm>> -> memref<512x64xf32, #tpu.memory_space<hbm>>
    %dma_wait3A_179 = arith.constant 0 : i32
    %dma_wait3A_180 = tpu.memref_slice %arg4[%add3A_84, %dma_wait3A_179] : memref<65536x64xf32, #tpu.memory_space<hbm>> -> memref<512x64xf32, #tpu.memory_space<hbm>>
    tpu.wait_dma2 semaphore(%arg9 : memref<!tpu.dma_semaphore, #tpu.memory_space<semaphore_mem>>) src(%arg6 : memref<512x64xf32, #tpu.memory_space<vmem>>) dst(%dma_wait3A_180 : memref<512x64xf32, #tpu.memory_space<hbm>>)
    %dma_start3A_181 = arith.constant 8 : i32
    %dma_start3A_182 = arith.constant 0 : i32
    %dma_start3A_183 = arith.constant 0 : i32
    %dma_start3A_184 = tpu.memref_slice %arg6[%dma_start3A_182, %dma_start3A_183] : memref<512x64xf32, #tpu.memory_space<vmem>> -> memref<128x64xf32, #tpu.memory_space<vmem>>
    %dma_start3A_185 = arith.constant 0 : i32
    %dma_start3A_186 = tpu.memref_slice %arg5[%dma_start3A_181, %dma_start3A_185] : memref<16x128xi32, #tpu.memory_space<vmem>> -> memref<1x128xi32, #tpu.memory_space<vmem>>
    %dma_start3A_187 = tpu.memref_squeeze %dma_start3A_186 : memref<1x128xi32, #tpu.memory_space<vmem>> -> memref<128xi32, #tpu.memory_space<vmem>>
    %dma_start3A_188 = arith.constant 0 : i32
    %dma_start3A_189 = arith.constant 0 : i32
    %dma_start3A_190 = tpu.memref_slice %arg2[%dma_start3A_188, %dma_start3A_189] : memref<262144x64xf32, #tpu.memory_space<hbm>> -> memref<262144x64xf32, #tpu.memory_space<hbm>>
    tpu.enqueue_indirect_dma source(%dma_start3A_190 : memref<262144x64xf32, #tpu.memory_space<hbm>>) target(%dma_start3A_184 : memref<128x64xf32, #tpu.memory_space<vmem>>) offsets(%dma_start3A_187 : memref<128xi32, #tpu.memory_space<vmem>>) semaphore(%arg8 : memref<!tpu.dma_semaphore, #tpu.memory_space<semaphore_mem>>)
    %dma_start3A_191 = arith.constant 9 : i32
    %dma_start3A_192 = arith.constant 128 : i32
    %dma_start3A_193 = arith.constant 0 : i32
    %dma_start3A_194 = tpu.memref_slice %arg6[%dma_start3A_192, %dma_start3A_193] : memref<512x64xf32, #tpu.memory_space<vmem>> -> memref<128x64xf32, #tpu.memory_space<vmem>>
    %dma_start3A_195 = arith.constant 0 : i32
    %dma_start3A_196 = tpu.memref_slice %arg5[%dma_start3A_191, %dma_start3A_195] : memref<16x128xi32, #tpu.memory_space<vmem>> -> memref<1x128xi32, #tpu.memory_space<vmem>>
    %dma_start3A_197 = tpu.memref_squeeze %dma_start3A_196 : memref<1x128xi32, #tpu.memory_space<vmem>> -> memref<128xi32, #tpu.memory_space<vmem>>
    %dma_start3A_198 = arith.constant 0 : i32
    %dma_start3A_199 = arith.constant 0 : i32
    %dma_start3A_200 = tpu.memref_slice %arg2[%dma_start3A_198, %dma_start3A_199] : memref<262144x64xf32, #tpu.memory_space<hbm>> -> memref<262144x64xf32, #tpu.memory_space<hbm>>
    tpu.enqueue_indirect_dma source(%dma_start3A_200 : memref<262144x64xf32, #tpu.memory_space<hbm>>) target(%dma_start3A_194 : memref<128x64xf32, #tpu.memory_space<vmem>>) offsets(%dma_start3A_197 : memref<128xi32, #tpu.memory_space<vmem>>) semaphore(%arg8 : memref<!tpu.dma_semaphore, #tpu.memory_space<semaphore_mem>>)
    %dma_start3A_201 = arith.constant 10 : i32
    %dma_start3A_202 = arith.constant 256 : i32
    %dma_start3A_203 = arith.constant 0 : i32
    %dma_start3A_204 = tpu.memref_slice %arg6[%dma_start3A_202, %dma_start3A_203] : memref<512x64xf32, #tpu.memory_space<vmem>> -> memref<128x64xf32, #tpu.memory_space<vmem>>
    %dma_start3A_205 = arith.constant 0 : i32
    %dma_start3A_206 = tpu.memref_slice %arg5[%dma_start3A_201, %dma_start3A_205] : memref<16x128xi32, #tpu.memory_space<vmem>> -> memref<1x128xi32, #tpu.memory_space<vmem>>
    %dma_start3A_207 = tpu.memref_squeeze %dma_start3A_206 : memref<1x128xi32, #tpu.memory_space<vmem>> -> memref<128xi32, #tpu.memory_space<vmem>>
    %dma_start3A_208 = arith.constant 0 : i32
    %dma_start3A_209 = arith.constant 0 : i32
    %dma_start3A_210 = tpu.memref_slice %arg2[%dma_start3A_208, %dma_start3A_209] : memref<262144x64xf32, #tpu.memory_space<hbm>> -> memref<262144x64xf32, #tpu.memory_space<hbm>>
    tpu.enqueue_indirect_dma source(%dma_start3A_210 : memref<262144x64xf32, #tpu.memory_space<hbm>>) target(%dma_start3A_204 : memref<128x64xf32, #tpu.memory_space<vmem>>) offsets(%dma_start3A_207 : memref<128xi32, #tpu.memory_space<vmem>>) semaphore(%arg8 : memref<!tpu.dma_semaphore, #tpu.memory_space<semaphore_mem>>)
    %dma_start3A_211 = arith.constant 11 : i32
    %dma_start3A_212 = arith.constant 384 : i32
    %dma_start3A_213 = arith.constant 0 : i32
    %dma_start3A_214 = tpu.memref_slice %arg6[%dma_start3A_212, %dma_start3A_213] : memref<512x64xf32, #tpu.memory_space<vmem>> -> memref<128x64xf32, #tpu.memory_space<vmem>>
    %dma_start3A_215 = arith.constant 0 : i32
    %dma_start3A_216 = tpu.memref_slice %arg5[%dma_start3A_211, %dma_start3A_215] : memref<16x128xi32, #tpu.memory_space<vmem>> -> memref<1x128xi32, #tpu.memory_space<vmem>>
    %dma_start3A_217 = tpu.memref_squeeze %dma_start3A_216 : memref<1x128xi32, #tpu.memory_space<vmem>> -> memref<128xi32, #tpu.memory_space<vmem>>
    %dma_start3A_218 = arith.constant 0 : i32
    %dma_start3A_219 = arith.constant 0 : i32
    %dma_start3A_220 = tpu.memref_slice %arg2[%dma_start3A_218, %dma_start3A_219] : memref<262144x64xf32, #tpu.memory_space<hbm>> -> memref<262144x64xf32, #tpu.memory_space<hbm>>
    tpu.enqueue_indirect_dma source(%dma_start3A_220 : memref<262144x64xf32, #tpu.memory_space<hbm>>) target(%dma_start3A_214 : memref<128x64xf32, #tpu.memory_space<vmem>>) offsets(%dma_start3A_217 : memref<128xi32, #tpu.memory_space<vmem>>) semaphore(%arg8 : memref<!tpu.dma_semaphore, #tpu.memory_space<semaphore_mem>>)
    %dma_wait3A_221 = arith.constant 8 : i32
    %dma_wait3A_222 = arith.constant 0 : i32
    %dma_wait3A_223 = arith.constant 0 : i32
    %dma_wait3A_224 = tpu.memref_slice %arg6[%dma_wait3A_222, %dma_wait3A_223] : memref<512x64xf32, #tpu.memory_space<vmem>> -> memref<128x64xf32, #tpu.memory_space<vmem>>
    %dma_wait3A_225 = arith.constant 0 : i32
    %dma_wait3A_226 = tpu.memref_slice %arg5[%dma_wait3A_221, %dma_wait3A_225] : memref<16x128xi32, #tpu.memory_space<vmem>> -> memref<1x128xi32, #tpu.memory_space<vmem>>
    %dma_wait3A_227 = tpu.memref_squeeze %dma_wait3A_226 : memref<1x128xi32, #tpu.memory_space<vmem>> -> memref<128xi32, #tpu.memory_space<vmem>>
    %dma_wait3A_228 = arith.constant 0 : i32
    %dma_wait3A_229 = arith.constant 0 : i32
    %dma_wait3A_230 = tpu.memref_slice %arg2[%dma_wait3A_228, %dma_wait3A_229] : memref<262144x64xf32, #tpu.memory_space<hbm>> -> memref<262144x64xf32, #tpu.memory_space<hbm>>
    tpu.wait_indirect_dma semaphore(%arg8 : memref<!tpu.dma_semaphore, #tpu.memory_space<semaphore_mem>>) src(%dma_wait3A_230 : memref<262144x64xf32, #tpu.memory_space<hbm>>) dst(%dma_wait3A_224 : memref<128x64xf32, #tpu.memory_space<vmem>>)
    %dma_wait3A_231 = arith.constant 9 : i32
    %dma_wait3A_232 = arith.constant 128 : i32
    %dma_wait3A_233 = arith.constant 0 : i32
    %dma_wait3A_234 = tpu.memref_slice %arg6[%dma_wait3A_232, %dma_wait3A_233] : memref<512x64xf32, #tpu.memory_space<vmem>> -> memref<128x64xf32, #tpu.memory_space<vmem>>
    %dma_wait3A_235 = arith.constant 0 : i32
    %dma_wait3A_236 = tpu.memref_slice %arg5[%dma_wait3A_231, %dma_wait3A_235] : memref<16x128xi32, #tpu.memory_space<vmem>> -> memref<1x128xi32, #tpu.memory_space<vmem>>
    %dma_wait3A_237 = tpu.memref_squeeze %dma_wait3A_236 : memref<1x128xi32, #tpu.memory_space<vmem>> -> memref<128xi32, #tpu.memory_space<vmem>>
    %dma_wait3A_238 = arith.constant 0 : i32
    %dma_wait3A_239 = arith.constant 0 : i32
    %dma_wait3A_240 = tpu.memref_slice %arg2[%dma_wait3A_238, %dma_wait3A_239] : memref<262144x64xf32, #tpu.memory_space<hbm>> -> memref<262144x64xf32, #tpu.memory_space<hbm>>
    tpu.wait_indirect_dma semaphore(%arg8 : memref<!tpu.dma_semaphore, #tpu.memory_space<semaphore_mem>>) src(%dma_wait3A_240 : memref<262144x64xf32, #tpu.memory_space<hbm>>) dst(%dma_wait3A_234 : memref<128x64xf32, #tpu.memory_space<vmem>>)
    %dma_wait3A_241 = arith.constant 10 : i32
    %dma_wait3A_242 = arith.constant 256 : i32
    %dma_wait3A_243 = arith.constant 0 : i32
    %dma_wait3A_244 = tpu.memref_slice %arg6[%dma_wait3A_242, %dma_wait3A_243] : memref<512x64xf32, #tpu.memory_space<vmem>> -> memref<128x64xf32, #tpu.memory_space<vmem>>
    %dma_wait3A_245 = arith.constant 0 : i32
    %dma_wait3A_246 = tpu.memref_slice %arg5[%dma_wait3A_241, %dma_wait3A_245] : memref<16x128xi32, #tpu.memory_space<vmem>> -> memref<1x128xi32, #tpu.memory_space<vmem>>
    %dma_wait3A_247 = tpu.memref_squeeze %dma_wait3A_246 : memref<1x128xi32, #tpu.memory_space<vmem>> -> memref<128xi32, #tpu.memory_space<vmem>>
    %dma_wait3A_248 = arith.constant 0 : i32
    %dma_wait3A_249 = arith.constant 0 : i32
    %dma_wait3A_250 = tpu.memref_slice %arg2[%dma_wait3A_248, %dma_wait3A_249] : memref<262144x64xf32, #tpu.memory_space<hbm>> -> memref<262144x64xf32, #tpu.memory_space<hbm>>
    tpu.wait_indirect_dma semaphore(%arg8 : memref<!tpu.dma_semaphore, #tpu.memory_space<semaphore_mem>>) src(%dma_wait3A_250 : memref<262144x64xf32, #tpu.memory_space<hbm>>) dst(%dma_wait3A_244 : memref<128x64xf32, #tpu.memory_space<vmem>>)
    %dma_wait3A_251 = arith.constant 11 : i32
    %dma_wait3A_252 = arith.constant 384 : i32
    %dma_wait3A_253 = arith.constant 0 : i32
    %dma_wait3A_254 = tpu.memref_slice %arg6[%dma_wait3A_252, %dma_wait3A_253] : memref<512x64xf32, #tpu.memory_space<vmem>> -> memref<128x64xf32, #tpu.memory_space<vmem>>
    %dma_wait3A_255 = arith.constant 0 : i32
    %dma_wait3A_256 = tpu.memref_slice %arg5[%dma_wait3A_251, %dma_wait3A_255] : memref<16x128xi32, #tpu.memory_space<vmem>> -> memref<1x128xi32, #tpu.memory_space<vmem>>
    %dma_wait3A_257 = tpu.memref_squeeze %dma_wait3A_256 : memref<1x128xi32, #tpu.memory_space<vmem>> -> memref<128xi32, #tpu.memory_space<vmem>>
    %dma_wait3A_258 = arith.constant 0 : i32
    %dma_wait3A_259 = arith.constant 0 : i32
    %dma_wait3A_260 = tpu.memref_slice %arg2[%dma_wait3A_258, %dma_wait3A_259] : memref<262144x64xf32, #tpu.memory_space<hbm>> -> memref<262144x64xf32, #tpu.memory_space<hbm>>
    tpu.wait_indirect_dma semaphore(%arg8 : memref<!tpu.dma_semaphore, #tpu.memory_space<semaphore_mem>>) src(%dma_wait3A_260 : memref<262144x64xf32, #tpu.memory_space<hbm>>) dst(%dma_wait3A_254 : memref<128x64xf32, #tpu.memory_space<vmem>>)
    %mul3A_261 = arith.constant 2048 : i32
    %mul3A_262 = arith.muli %add3A, %mul3A_261 : i32
    %add3A_263 = arith.constant 1024 : i32
    %add3A_264 = arith.addi %mul3A_262, %add3A_263 : i32
    %dma_start3A_265 = arith.constant 0 : i32
    %dma_start3A_266 = tpu.memref_slice %arg4[%add3A_264, %dma_start3A_265] : memref<65536x64xf32, #tpu.memory_space<hbm>> -> memref<512x64xf32, #tpu.memory_space<hbm>>
    %dma_start3A_267 = arith.constant 0 : i32
    %dma_start3A_268 = tpu.memref_slice %arg4[%add3A_264, %dma_start3A_267] : memref<65536x64xf32, #tpu.memory_space<hbm>> -> memref<512x64xf32, #tpu.memory_space<hbm>>
    tpu.enqueue_dma source(%arg6 : memref<512x64xf32, #tpu.memory_space<vmem>>) target(%dma_start3A_268 : memref<512x64xf32, #tpu.memory_space<hbm>>) target_semaphore(%arg9 : memref<!tpu.dma_semaphore, #tpu.memory_space<semaphore_mem>>)
    %dma_wait3A_269 = arith.constant 0 : i32
    %dma_wait3A_270 = tpu.memref_slice %arg4[%add3A_172, %dma_wait3A_269] : memref<65536x64xf32, #tpu.memory_space<hbm>> -> memref<512x64xf32, #tpu.memory_space<hbm>>
    %dma_wait3A_271 = arith.constant 0 : i32
    %dma_wait3A_272 = tpu.memref_slice %arg4[%add3A_172, %dma_wait3A_271] : memref<65536x64xf32, #tpu.memory_space<hbm>> -> memref<512x64xf32, #tpu.memory_space<hbm>>
    tpu.wait_dma2 semaphore(%arg9 : memref<!tpu.dma_semaphore, #tpu.memory_space<semaphore_mem>>) src(%arg7 : memref<512x64xf32, #tpu.memory_space<vmem>>) dst(%dma_wait3A_272 : memref<512x64xf32, #tpu.memory_space<hbm>>)
    %dma_start3A_273 = arith.constant 12 : i32
    %dma_start3A_274 = arith.constant 0 : i32
    %dma_start3A_275 = arith.constant 0 : i32
    %dma_start3A_276 = tpu.memref_slice %arg7[%dma_start3A_274, %dma_start3A_275] : memref<512x64xf32, #tpu.memory_space<vmem>> -> memref<128x64xf32, #tpu.memory_space<vmem>>
    %dma_start3A_277 = arith.constant 0 : i32
    %dma_start3A_278 = tpu.memref_slice %arg5[%dma_start3A_273, %dma_start3A_277] : memref<16x128xi32, #tpu.memory_space<vmem>> -> memref<1x128xi32, #tpu.memory_space<vmem>>
    %dma_start3A_279 = tpu.memref_squeeze %dma_start3A_278 : memref<1x128xi32, #tpu.memory_space<vmem>> -> memref<128xi32, #tpu.memory_space<vmem>>
    %dma_start3A_280 = arith.constant 0 : i32
    %dma_start3A_281 = arith.constant 0 : i32
    %dma_start3A_282 = tpu.memref_slice %arg2[%dma_start3A_280, %dma_start3A_281] : memref<262144x64xf32, #tpu.memory_space<hbm>> -> memref<262144x64xf32, #tpu.memory_space<hbm>>
    tpu.enqueue_indirect_dma source(%dma_start3A_282 : memref<262144x64xf32, #tpu.memory_space<hbm>>) target(%dma_start3A_276 : memref<128x64xf32, #tpu.memory_space<vmem>>) offsets(%dma_start3A_279 : memref<128xi32, #tpu.memory_space<vmem>>) semaphore(%arg8 : memref<!tpu.dma_semaphore, #tpu.memory_space<semaphore_mem>>)
    %dma_start3A_283 = arith.constant 13 : i32
    %dma_start3A_284 = arith.constant 128 : i32
    %dma_start3A_285 = arith.constant 0 : i32
    %dma_start3A_286 = tpu.memref_slice %arg7[%dma_start3A_284, %dma_start3A_285] : memref<512x64xf32, #tpu.memory_space<vmem>> -> memref<128x64xf32, #tpu.memory_space<vmem>>
    %dma_start3A_287 = arith.constant 0 : i32
    %dma_start3A_288 = tpu.memref_slice %arg5[%dma_start3A_283, %dma_start3A_287] : memref<16x128xi32, #tpu.memory_space<vmem>> -> memref<1x128xi32, #tpu.memory_space<vmem>>
    %dma_start3A_289 = tpu.memref_squeeze %dma_start3A_288 : memref<1x128xi32, #tpu.memory_space<vmem>> -> memref<128xi32, #tpu.memory_space<vmem>>
    %dma_start3A_290 = arith.constant 0 : i32
    %dma_start3A_291 = arith.constant 0 : i32
    %dma_start3A_292 = tpu.memref_slice %arg2[%dma_start3A_290, %dma_start3A_291] : memref<262144x64xf32, #tpu.memory_space<hbm>> -> memref<262144x64xf32, #tpu.memory_space<hbm>>
    tpu.enqueue_indirect_dma source(%dma_start3A_292 : memref<262144x64xf32, #tpu.memory_space<hbm>>) target(%dma_start3A_286 : memref<128x64xf32, #tpu.memory_space<vmem>>) offsets(%dma_start3A_289 : memref<128xi32, #tpu.memory_space<vmem>>) semaphore(%arg8 : memref<!tpu.dma_semaphore, #tpu.memory_space<semaphore_mem>>)
    %dma_start3A_293 = arith.constant 14 : i32
    %dma_start3A_294 = arith.constant 256 : i32
    %dma_start3A_295 = arith.constant 0 : i32
    %dma_start3A_296 = tpu.memref_slice %arg7[%dma_start3A_294, %dma_start3A_295] : memref<512x64xf32, #tpu.memory_space<vmem>> -> memref<128x64xf32, #tpu.memory_space<vmem>>
    %dma_start3A_297 = arith.constant 0 : i32
    %dma_start3A_298 = tpu.memref_slice %arg5[%dma_start3A_293, %dma_start3A_297] : memref<16x128xi32, #tpu.memory_space<vmem>> -> memref<1x128xi32, #tpu.memory_space<vmem>>
    %dma_start3A_299 = tpu.memref_squeeze %dma_start3A_298 : memref<1x128xi32, #tpu.memory_space<vmem>> -> memref<128xi32, #tpu.memory_space<vmem>>
    %dma_start3A_300 = arith.constant 0 : i32
    %dma_start3A_301 = arith.constant 0 : i32
    %dma_start3A_302 = tpu.memref_slice %arg2[%dma_start3A_300, %dma_start3A_301] : memref<262144x64xf32, #tpu.memory_space<hbm>> -> memref<262144x64xf32, #tpu.memory_space<hbm>>
    tpu.enqueue_indirect_dma source(%dma_start3A_302 : memref<262144x64xf32, #tpu.memory_space<hbm>>) target(%dma_start3A_296 : memref<128x64xf32, #tpu.memory_space<vmem>>) offsets(%dma_start3A_299 : memref<128xi32, #tpu.memory_space<vmem>>) semaphore(%arg8 : memref<!tpu.dma_semaphore, #tpu.memory_space<semaphore_mem>>)
    %dma_start3A_303 = arith.constant 15 : i32
    %dma_start3A_304 = arith.constant 384 : i32
    %dma_start3A_305 = arith.constant 0 : i32
    %dma_start3A_306 = tpu.memref_slice %arg7[%dma_start3A_304, %dma_start3A_305] : memref<512x64xf32, #tpu.memory_space<vmem>> -> memref<128x64xf32, #tpu.memory_space<vmem>>
    %dma_start3A_307 = arith.constant 0 : i32
    %dma_start3A_308 = tpu.memref_slice %arg5[%dma_start3A_303, %dma_start3A_307] : memref<16x128xi32, #tpu.memory_space<vmem>> -> memref<1x128xi32, #tpu.memory_space<vmem>>
    %dma_start3A_309 = tpu.memref_squeeze %dma_start3A_308 : memref<1x128xi32, #tpu.memory_space<vmem>> -> memref<128xi32, #tpu.memory_space<vmem>>
    %dma_start3A_310 = arith.constant 0 : i32
    %dma_start3A_311 = arith.constant 0 : i32
    %dma_start3A_312 = tpu.memref_slice %arg2[%dma_start3A_310, %dma_start3A_311] : memref<262144x64xf32, #tpu.memory_space<hbm>> -> memref<262144x64xf32, #tpu.memory_space<hbm>>
    tpu.enqueue_indirect_dma source(%dma_start3A_312 : memref<262144x64xf32, #tpu.memory_space<hbm>>) target(%dma_start3A_306 : memref<128x64xf32, #tpu.memory_space<vmem>>) offsets(%dma_start3A_309 : memref<128xi32, #tpu.memory_space<vmem>>) semaphore(%arg8 : memref<!tpu.dma_semaphore, #tpu.memory_space<semaphore_mem>>)
    %dma_wait3A_313 = arith.constant 12 : i32
    %dma_wait3A_314 = arith.constant 0 : i32
    %dma_wait3A_315 = arith.constant 0 : i32
    %dma_wait3A_316 = tpu.memref_slice %arg7[%dma_wait3A_314, %dma_wait3A_315] : memref<512x64xf32, #tpu.memory_space<vmem>> -> memref<128x64xf32, #tpu.memory_space<vmem>>
    %dma_wait3A_317 = arith.constant 0 : i32
    %dma_wait3A_318 = tpu.memref_slice %arg5[%dma_wait3A_313, %dma_wait3A_317] : memref<16x128xi32, #tpu.memory_space<vmem>> -> memref<1x128xi32, #tpu.memory_space<vmem>>
    %dma_wait3A_319 = tpu.memref_squeeze %dma_wait3A_318 : memref<1x128xi32, #tpu.memory_space<vmem>> -> memref<128xi32, #tpu.memory_space<vmem>>
    %dma_wait3A_320 = arith.constant 0 : i32
    %dma_wait3A_321 = arith.constant 0 : i32
    %dma_wait3A_322 = tpu.memref_slice %arg2[%dma_wait3A_320, %dma_wait3A_321] : memref<262144x64xf32, #tpu.memory_space<hbm>> -> memref<262144x64xf32, #tpu.memory_space<hbm>>
    tpu.wait_indirect_dma semaphore(%arg8 : memref<!tpu.dma_semaphore, #tpu.memory_space<semaphore_mem>>) src(%dma_wait3A_322 : memref<262144x64xf32, #tpu.memory_space<hbm>>) dst(%dma_wait3A_316 : memref<128x64xf32, #tpu.memory_space<vmem>>)
    %dma_wait3A_323 = arith.constant 13 : i32
    %dma_wait3A_324 = arith.constant 128 : i32
    %dma_wait3A_325 = arith.constant 0 : i32
    %dma_wait3A_326 = tpu.memref_slice %arg7[%dma_wait3A_324, %dma_wait3A_325] : memref<512x64xf32, #tpu.memory_space<vmem>> -> memref<128x64xf32, #tpu.memory_space<vmem>>
    %dma_wait3A_327 = arith.constant 0 : i32
    %dma_wait3A_328 = tpu.memref_slice %arg5[%dma_wait3A_323, %dma_wait3A_327] : memref<16x128xi32, #tpu.memory_space<vmem>> -> memref<1x128xi32, #tpu.memory_space<vmem>>
    %dma_wait3A_329 = tpu.memref_squeeze %dma_wait3A_328 : memref<1x128xi32, #tpu.memory_space<vmem>> -> memref<128xi32, #tpu.memory_space<vmem>>
    %dma_wait3A_330 = arith.constant 0 : i32
    %dma_wait3A_331 = arith.constant 0 : i32
    %dma_wait3A_332 = tpu.memref_slice %arg2[%dma_wait3A_330, %dma_wait3A_331] : memref<262144x64xf32, #tpu.memory_space<hbm>> -> memref<262144x64xf32, #tpu.memory_space<hbm>>
    tpu.wait_indirect_dma semaphore(%arg8 : memref<!tpu.dma_semaphore, #tpu.memory_space<semaphore_mem>>) src(%dma_wait3A_332 : memref<262144x64xf32, #tpu.memory_space<hbm>>) dst(%dma_wait3A_326 : memref<128x64xf32, #tpu.memory_space<vmem>>)
    %dma_wait3A_333 = arith.constant 14 : i32
    %dma_wait3A_334 = arith.constant 256 : i32
    %dma_wait3A_335 = arith.constant 0 : i32
    %dma_wait3A_336 = tpu.memref_slice %arg7[%dma_wait3A_334, %dma_wait3A_335] : memref<512x64xf32, #tpu.memory_space<vmem>> -> memref<128x64xf32, #tpu.memory_space<vmem>>
    %dma_wait3A_337 = arith.constant 0 : i32
    %dma_wait3A_338 = tpu.memref_slice %arg5[%dma_wait3A_333, %dma_wait3A_337] : memref<16x128xi32, #tpu.memory_space<vmem>> -> memref<1x128xi32, #tpu.memory_space<vmem>>
    %dma_wait3A_339 = tpu.memref_squeeze %dma_wait3A_338 : memref<1x128xi32, #tpu.memory_space<vmem>> -> memref<128xi32, #tpu.memory_space<vmem>>
    %dma_wait3A_340 = arith.constant 0 : i32
    %dma_wait3A_341 = arith.constant 0 : i32
    %dma_wait3A_342 = tpu.memref_slice %arg2[%dma_wait3A_340, %dma_wait3A_341] : memref<262144x64xf32, #tpu.memory_space<hbm>> -> memref<262144x64xf32, #tpu.memory_space<hbm>>
    tpu.wait_indirect_dma semaphore(%arg8 : memref<!tpu.dma_semaphore, #tpu.memory_space<semaphore_mem>>) src(%dma_wait3A_342 : memref<262144x64xf32, #tpu.memory_space<hbm>>) dst(%dma_wait3A_336 : memref<128x64xf32, #tpu.memory_space<vmem>>)
    %dma_wait3A_343 = arith.constant 15 : i32
    %dma_wait3A_344 = arith.constant 384 : i32
    %dma_wait3A_345 = arith.constant 0 : i32
    %dma_wait3A_346 = tpu.memref_slice %arg7[%dma_wait3A_344, %dma_wait3A_345] : memref<512x64xf32, #tpu.memory_space<vmem>> -> memref<128x64xf32, #tpu.memory_space<vmem>>
    %dma_wait3A_347 = arith.constant 0 : i32
    %dma_wait3A_348 = tpu.memref_slice %arg5[%dma_wait3A_343, %dma_wait3A_347] : memref<16x128xi32, #tpu.memory_space<vmem>> -> memref<1x128xi32, #tpu.memory_space<vmem>>
    %dma_wait3A_349 = tpu.memref_squeeze %dma_wait3A_348 : memref<1x128xi32, #tpu.memory_space<vmem>> -> memref<128xi32, #tpu.memory_space<vmem>>
    %dma_wait3A_350 = arith.constant 0 : i32
    %dma_wait3A_351 = arith.constant 0 : i32
    %dma_wait3A_352 = tpu.memref_slice %arg2[%dma_wait3A_350, %dma_wait3A_351] : memref<262144x64xf32, #tpu.memory_space<hbm>> -> memref<262144x64xf32, #tpu.memory_space<hbm>>
    tpu.wait_indirect_dma semaphore(%arg8 : memref<!tpu.dma_semaphore, #tpu.memory_space<semaphore_mem>>) src(%dma_wait3A_352 : memref<262144x64xf32, #tpu.memory_space<hbm>>) dst(%dma_wait3A_346 : memref<128x64xf32, #tpu.memory_space<vmem>>)
    %mul3A_353 = arith.constant 2048 : i32
    %mul3A_354 = arith.muli %add3A, %mul3A_353 : i32
    %add3A_355 = arith.constant 1536 : i32
    %add3A_356 = arith.addi %mul3A_354, %add3A_355 : i32
    %dma_start3A_357 = arith.constant 0 : i32
    %dma_start3A_358 = tpu.memref_slice %arg4[%add3A_356, %dma_start3A_357] : memref<65536x64xf32, #tpu.memory_space<hbm>> -> memref<512x64xf32, #tpu.memory_space<hbm>>
    %dma_start3A_359 = arith.constant 0 : i32
    %dma_start3A_360 = tpu.memref_slice %arg4[%add3A_356, %dma_start3A_359] : memref<65536x64xf32, #tpu.memory_space<hbm>> -> memref<512x64xf32, #tpu.memory_space<hbm>>
    tpu.enqueue_dma source(%arg7 : memref<512x64xf32, #tpu.memory_space<vmem>>) target(%dma_start3A_360 : memref<512x64xf32, #tpu.memory_space<hbm>>) target_semaphore(%arg9 : memref<!tpu.dma_semaphore, #tpu.memory_space<semaphore_mem>>)
    %dma_wait3A_361 = arith.constant 0 : i32
    %dma_wait3A_362 = tpu.memref_slice %arg4[%add3A_264, %dma_wait3A_361] : memref<65536x64xf32, #tpu.memory_space<hbm>> -> memref<512x64xf32, #tpu.memory_space<hbm>>
    %dma_wait3A_363 = arith.constant 0 : i32
    %dma_wait3A_364 = tpu.memref_slice %arg4[%add3A_264, %dma_wait3A_363] : memref<65536x64xf32, #tpu.memory_space<hbm>> -> memref<512x64xf32, #tpu.memory_space<hbm>>
    tpu.wait_dma2 semaphore(%arg9 : memref<!tpu.dma_semaphore, #tpu.memory_space<semaphore_mem>>) src(%arg6 : memref<512x64xf32, #tpu.memory_space<vmem>>) dst(%dma_wait3A_364 : memref<512x64xf32, #tpu.memory_space<hbm>>)
    %dma_wait3A_365 = arith.constant 0 : i32
    %dma_wait3A_366 = tpu.memref_slice %arg4[%add3A_356, %dma_wait3A_365] : memref<65536x64xf32, #tpu.memory_space<hbm>> -> memref<512x64xf32, #tpu.memory_space<hbm>>
    %dma_wait3A_367 = arith.constant 0 : i32
    %dma_wait3A_368 = tpu.memref_slice %arg4[%add3A_356, %dma_wait3A_367] : memref<65536x64xf32, #tpu.memory_space<hbm>> -> memref<512x64xf32, #tpu.memory_space<hbm>>
    tpu.wait_dma2 semaphore(%arg9 : memref<!tpu.dma_semaphore, #tpu.memory_space<semaphore_mem>>) src(%arg7 : memref<512x64xf32, #tpu.memory_space<vmem>>) dst(%dma_wait3A_368 : memref<512x64xf32, #tpu.memory_space<hbm>>)
    return
  }
}

#map = affine_map<(d0, d1) -> (0, 0)>
module attributes {stable_mosaic.version = 14 : i64} {
  func.func @_sc_gather(%arg0: i32, %arg1: i32, %arg2: memref<262144x64xf32, #tpu.memory_space<hbm>>, %arg3: memref<512x128xi32, #tpu.memory_space<hbm>>, %arg4: memref<65536x64xf32, #tpu.memory_space<hbm>>, %arg5: memref<16x128xi32, #tpu.memory_space<vmem>>, %arg6: memref<512x64xf32, #tpu.memory_space<vmem>>, %arg7: memref<512x64xf32, #tpu.memory_space<vmem>>, %arg8: memref<!tpu.dma_semaphore, #tpu.memory_space<semaphore_mem>>, %arg9: memref<!tpu.dma_semaphore, #tpu.memory_space<semaphore_mem>>) attributes {dimension_semantics = [#tpu.dimension_semantics<core_parallel>, #tpu.dimension_semantics<subcore_parallel>], iteration_bounds = array<i64: 2, 16>, scalar_prefetch = 0 : i64, scratch_operands = 5 : i64, tpu.core_type = #tpu.core_type<sc_vector_subcore>, window_params = [{transform_indices = #map}, {transform_indices = #map}, {transform_indices = #map}]} {
    %mul3A = arith.constant 2 : i32
    %mul3A_0 = arith.muli %arg1, %mul3A : i32
    %add3A = arith.addi %mul3A_0, %arg0 : i32
    %mul3A_1 = arith.constant 16 : i32
    %mul3A_2 = arith.muli %add3A, %mul3A_1 : i32
    "tpu.region"() ({
      %run_scoped3A = tpu.sem_alloc : memref<!tpu.dma_semaphore, #tpu.memory_space<semaphore_mem>>
      %dma_start3A_369 = arith.constant 0 : i32
      %dma_start3A_370 = tpu.memref_slice %arg3[%mul3A_2, %dma_start3A_369] : memref<512x128xi32, #tpu.memory_space<hbm>> -> memref<16x128xi32, #tpu.memory_space<hbm>>
      %dma_start3A_371 = arith.constant 0 : i32
      %dma_start3A_372 = tpu.memref_slice %arg3[%mul3A_2, %dma_start3A_371] : memref<512x128xi32, #tpu.memory_space<hbm>> -> memref<16x128xi32, #tpu.memory_space<hbm>>
      tpu.enqueue_dma source(%dma_start3A_372 : memref<16x128xi32, #tpu.memory_space<hbm>>) target(%arg5 : memref<16x128xi32, #tpu.memory_space<vmem>>) target_semaphore(%run_scoped3A : memref<!tpu.dma_semaphore, #tpu.memory_space<semaphore_mem>>)
      %dma_wait3A_373 = arith.constant 0 : i32
      %dma_wait3A_374 = tpu.memref_slice %arg3[%mul3A_2, %dma_wait3A_373] : memref<512x128xi32, #tpu.memory_space<hbm>> -> memref<16x128xi32, #tpu.memory_space<hbm>>
      %dma_wait3A_375 = arith.constant 0 : i32
      %dma_wait3A_376 = tpu.memref_slice %arg3[%mul3A_2, %dma_wait3A_375] : memref<512x128xi32, #tpu.memory_space<hbm>> -> memref<16x128xi32, #tpu.memory_space<hbm>>
      tpu.wait_dma2 semaphore(%run_scoped3A : memref<!tpu.dma_semaphore, #tpu.memory_space<semaphore_mem>>) src(%dma_wait3A_376 : memref<16x128xi32, #tpu.memory_space<hbm>>) dst(%arg5 : memref<16x128xi32, #tpu.memory_space<vmem>>)
      tpu.yield
    }) : () -> ()
    %dma_start3A = arith.constant 0 : i32
    %dma_start3A_3 = arith.constant 0 : i32
    %dma_start3A_4 = arith.constant 0 : i32
    %dma_start3A_5 = tpu.memref_slice %arg6[%dma_start3A_3, %dma_start3A_4] : memref<512x64xf32, #tpu.memory_space<vmem>> -> memref<128x64xf32, #tpu.memory_space<vmem>>
    %dma_start3A_6 = arith.constant 0 : i32
    %dma_start3A_7 = tpu.memref_slice %arg5[%dma_start3A, %dma_start3A_6] : memref<16x128xi32, #tpu.memory_space<vmem>> -> memref<1x128xi32, #tpu.memory_space<vmem>>
    %dma_start3A_8 = tpu.memref_squeeze %dma_start3A_7 : memref<1x128xi32, #tpu.memory_space<vmem>> -> memref<128xi32, #tpu.memory_space<vmem>>
    %dma_start3A_9 = arith.constant 0 : i32
    %dma_start3A_10 = arith.constant 0 : i32
    %dma_start3A_11 = tpu.memref_slice %arg2[%dma_start3A_9, %dma_start3A_10] : memref<262144x64xf32, #tpu.memory_space<hbm>> -> memref<262144x64xf32, #tpu.memory_space<hbm>>
    tpu.enqueue_indirect_dma source(%dma_start3A_11 : memref<262144x64xf32, #tpu.memory_space<hbm>>) target(%dma_start3A_5 : memref<128x64xf32, #tpu.memory_space<vmem>>) offsets(%dma_start3A_8 : memref<128xi32, #tpu.memory_space<vmem>>) semaphore(%arg8 : memref<!tpu.dma_semaphore, #tpu.memory_space<semaphore_mem>>)
    %dma_start3A_12 = arith.constant 1 : i32
    %dma_start3A_13 = arith.constant 128 : i32
    %dma_start3A_14 = arith.constant 0 : i32
    %dma_start3A_15 = tpu.memref_slice %arg6[%dma_start3A_13, %dma_start3A_14] : memref<512x64xf32, #tpu.memory_space<vmem>> -> memref<128x64xf32, #tpu.memory_space<vmem>>
    %dma_start3A_16 = arith.constant 0 : i32
    %dma_start3A_17 = tpu.memref_slice %arg5[%dma_start3A_12, %dma_start3A_16] : memref<16x128xi32, #tpu.memory_space<vmem>> -> memref<1x128xi32, #tpu.memory_space<vmem>>
    %dma_start3A_18 = tpu.memref_squeeze %dma_start3A_17 : memref<1x128xi32, #tpu.memory_space<vmem>> -> memref<128xi32, #tpu.memory_space<vmem>>
    %dma_start3A_19 = arith.constant 0 : i32
    %dma_start3A_20 = arith.constant 0 : i32
    %dma_start3A_21 = tpu.memref_slice %arg2[%dma_start3A_19, %dma_start3A_20] : memref<262144x64xf32, #tpu.memory_space<hbm>> -> memref<262144x64xf32, #tpu.memory_space<hbm>>
    tpu.enqueue_indirect_dma source(%dma_start3A_21 : memref<262144x64xf32, #tpu.memory_space<hbm>>) target(%dma_start3A_15 : memref<128x64xf32, #tpu.memory_space<vmem>>) offsets(%dma_start3A_18 : memref<128xi32, #tpu.memory_space<vmem>>) semaphore(%arg8 : memref<!tpu.dma_semaphore, #tpu.memory_space<semaphore_mem>>)
    %dma_start3A_22 = arith.constant 2 : i32
    %dma_start3A_23 = arith.constant 256 : i32
    %dma_start3A_24 = arith.constant 0 : i32
    %dma_start3A_25 = tpu.memref_slice %arg6[%dma_start3A_23, %dma_start3A_24] : memref<512x64xf32, #tpu.memory_space<vmem>> -> memref<128x64xf32, #tpu.memory_space<vmem>>
    %dma_start3A_26 = arith.constant 0 : i32
    %dma_start3A_27 = tpu.memref_slice %arg5[%dma_start3A_22, %dma_start3A_26] : memref<16x128xi32, #tpu.memory_space<vmem>> -> memref<1x128xi32, #tpu.memory_space<vmem>>
    %dma_start3A_28 = tpu.memref_squeeze %dma_start3A_27 : memref<1x128xi32, #tpu.memory_space<vmem>> -> memref<128xi32, #tpu.memory_space<vmem>>
    %dma_start3A_29 = arith.constant 0 : i32
    %dma_start3A_30 = arith.constant 0 : i32
    %dma_start3A_31 = tpu.memref_slice %arg2[%dma_start3A_29, %dma_start3A_30] : memref<262144x64xf32, #tpu.memory_space<hbm>> -> memref<262144x64xf32, #tpu.memory_space<hbm>>
    tpu.enqueue_indirect_dma source(%dma_start3A_31 : memref<262144x64xf32, #tpu.memory_space<hbm>>) target(%dma_start3A_25 : memref<128x64xf32, #tpu.memory_space<vmem>>) offsets(%dma_start3A_28 : memref<128xi32, #tpu.memory_space<vmem>>) semaphore(%arg8 : memref<!tpu.dma_semaphore, #tpu.memory_space<semaphore_mem>>)
    %dma_start3A_32 = arith.constant 3 : i32
    %dma_start3A_33 = arith.constant 384 : i32
    %dma_start3A_34 = arith.constant 0 : i32
    %dma_start3A_35 = tpu.memref_slice %arg6[%dma_start3A_33, %dma_start3A_34] : memref<512x64xf32, #tpu.memory_space<vmem>> -> memref<128x64xf32, #tpu.memory_space<vmem>>
    %dma_start3A_36 = arith.constant 0 : i32
    %dma_start3A_37 = tpu.memref_slice %arg5[%dma_start3A_32, %dma_start3A_36] : memref<16x128xi32, #tpu.memory_space<vmem>> -> memref<1x128xi32, #tpu.memory_space<vmem>>
    %dma_start3A_38 = tpu.memref_squeeze %dma_start3A_37 : memref<1x128xi32, #tpu.memory_space<vmem>> -> memref<128xi32, #tpu.memory_space<vmem>>
    %dma_start3A_39 = arith.constant 0 : i32
    %dma_start3A_40 = arith.constant 0 : i32
    %dma_start3A_41 = tpu.memref_slice %arg2[%dma_start3A_39, %dma_start3A_40] : memref<262144x64xf32, #tpu.memory_space<hbm>> -> memref<262144x64xf32, #tpu.memory_space<hbm>>
    tpu.enqueue_indirect_dma source(%dma_start3A_41 : memref<262144x64xf32, #tpu.memory_space<hbm>>) target(%dma_start3A_35 : memref<128x64xf32, #tpu.memory_space<vmem>>) offsets(%dma_start3A_38 : memref<128xi32, #tpu.memory_space<vmem>>) semaphore(%arg8 : memref<!tpu.dma_semaphore, #tpu.memory_space<semaphore_mem>>)
    %dma_wait3A = arith.constant 0 : i32
    %dma_wait3A_42 = arith.constant 0 : i32
    %dma_wait3A_43 = arith.constant 0 : i32
    %dma_wait3A_44 = tpu.memref_slice %arg6[%dma_wait3A_42, %dma_wait3A_43] : memref<512x64xf32, #tpu.memory_space<vmem>> -> memref<128x64xf32, #tpu.memory_space<vmem>>
    %dma_wait3A_45 = arith.constant 0 : i32
    %dma_wait3A_46 = tpu.memref_slice %arg5[%dma_wait3A, %dma_wait3A_45] : memref<16x128xi32, #tpu.memory_space<vmem>> -> memref<1x128xi32, #tpu.memory_space<vmem>>
    %dma_wait3A_47 = tpu.memref_squeeze %dma_wait3A_46 : memref<1x128xi32, #tpu.memory_space<vmem>> -> memref<128xi32, #tpu.memory_space<vmem>>
    %dma_wait3A_48 = arith.constant 0 : i32
    %dma_wait3A_49 = arith.constant 0 : i32
    %dma_wait3A_50 = tpu.memref_slice %arg2[%dma_wait3A_48, %dma_wait3A_49] : memref<262144x64xf32, #tpu.memory_space<hbm>> -> memref<262144x64xf32, #tpu.memory_space<hbm>>
    tpu.wait_indirect_dma semaphore(%arg8 : memref<!tpu.dma_semaphore, #tpu.memory_space<semaphore_mem>>) src(%dma_wait3A_50 : memref<262144x64xf32, #tpu.memory_space<hbm>>) dst(%dma_wait3A_44 : memref<128x64xf32, #tpu.memory_space<vmem>>)
    %dma_wait3A_51 = arith.constant 1 : i32
    %dma_wait3A_52 = arith.constant 128 : i32
    %dma_wait3A_53 = arith.constant 0 : i32
    %dma_wait3A_54 = tpu.memref_slice %arg6[%dma_wait3A_52, %dma_wait3A_53] : memref<512x64xf32, #tpu.memory_space<vmem>> -> memref<128x64xf32, #tpu.memory_space<vmem>>
    %dma_wait3A_55 = arith.constant 0 : i32
    %dma_wait3A_56 = tpu.memref_slice %arg5[%dma_wait3A_51, %dma_wait3A_55] : memref<16x128xi32, #tpu.memory_space<vmem>> -> memref<1x128xi32, #tpu.memory_space<vmem>>
    %dma_wait3A_57 = tpu.memref_squeeze %dma_wait3A_56 : memref<1x128xi32, #tpu.memory_space<vmem>> -> memref<128xi32, #tpu.memory_space<vmem>>
    %dma_wait3A_58 = arith.constant 0 : i32
    %dma_wait3A_59 = arith.constant 0 : i32
    %dma_wait3A_60 = tpu.memref_slice %arg2[%dma_wait3A_58, %dma_wait3A_59] : memref<262144x64xf32, #tpu.memory_space<hbm>> -> memref<262144x64xf32, #tpu.memory_space<hbm>>
    tpu.wait_indirect_dma semaphore(%arg8 : memref<!tpu.dma_semaphore, #tpu.memory_space<semaphore_mem>>) src(%dma_wait3A_60 : memref<262144x64xf32, #tpu.memory_space<hbm>>) dst(%dma_wait3A_54 : memref<128x64xf32, #tpu.memory_space<vmem>>)
    %dma_wait3A_61 = arith.constant 2 : i32
    %dma_wait3A_62 = arith.constant 256 : i32
    %dma_wait3A_63 = arith.constant 0 : i32
    %dma_wait3A_64 = tpu.memref_slice %arg6[%dma_wait3A_62, %dma_wait3A_63] : memref<512x64xf32, #tpu.memory_space<vmem>> -> memref<128x64xf32, #tpu.memory_space<vmem>>
    %dma_wait3A_65 = arith.constant 0 : i32
    %dma_wait3A_66 = tpu.memref_slice %arg5[%dma_wait3A_61, %dma_wait3A_65] : memref<16x128xi32, #tpu.memory_space<vmem>> -> memref<1x128xi32, #tpu.memory_space<vmem>>
    %dma_wait3A_67 = tpu.memref_squeeze %dma_wait3A_66 : memref<1x128xi32, #tpu.memory_space<vmem>> -> memref<128xi32, #tpu.memory_space<vmem>>
    %dma_wait3A_68 = arith.constant 0 : i32
    %dma_wait3A_69 = arith.constant 0 : i32
    %dma_wait3A_70 = tpu.memref_slice %arg2[%dma_wait3A_68, %dma_wait3A_69] : memref<262144x64xf32, #tpu.memory_space<hbm>> -> memref<262144x64xf32, #tpu.memory_space<hbm>>
    tpu.wait_indirect_dma semaphore(%arg8 : memref<!tpu.dma_semaphore, #tpu.memory_space<semaphore_mem>>) src(%dma_wait3A_70 : memref<262144x64xf32, #tpu.memory_space<hbm>>) dst(%dma_wait3A_64 : memref<128x64xf32, #tpu.memory_space<vmem>>)
    %dma_wait3A_71 = arith.constant 3 : i32
    %dma_wait3A_72 = arith.constant 384 : i32
    %dma_wait3A_73 = arith.constant 0 : i32
    %dma_wait3A_74 = tpu.memref_slice %arg6[%dma_wait3A_72, %dma_wait3A_73] : memref<512x64xf32, #tpu.memory_space<vmem>> -> memref<128x64xf32, #tpu.memory_space<vmem>>
    %dma_wait3A_75 = arith.constant 0 : i32
    %dma_wait3A_76 = tpu.memref_slice %arg5[%dma_wait3A_71, %dma_wait3A_75] : memref<16x128xi32, #tpu.memory_space<vmem>> -> memref<1x128xi32, #tpu.memory_space<vmem>>
    %dma_wait3A_77 = tpu.memref_squeeze %dma_wait3A_76 : memref<1x128xi32, #tpu.memory_space<vmem>> -> memref<128xi32, #tpu.memory_space<vmem>>
    %dma_wait3A_78 = arith.constant 0 : i32
    %dma_wait3A_79 = arith.constant 0 : i32
    %dma_wait3A_80 = tpu.memref_slice %arg2[%dma_wait3A_78, %dma_wait3A_79] : memref<262144x64xf32, #tpu.memory_space<hbm>> -> memref<262144x64xf32, #tpu.memory_space<hbm>>
    tpu.wait_indirect_dma semaphore(%arg8 : memref<!tpu.dma_semaphore, #tpu.memory_space<semaphore_mem>>) src(%dma_wait3A_80 : memref<262144x64xf32, #tpu.memory_space<hbm>>) dst(%dma_wait3A_74 : memref<128x64xf32, #tpu.memory_space<vmem>>)
    %mul3A_81 = arith.constant 2048 : i32
    %mul3A_82 = arith.muli %add3A, %mul3A_81 : i32
    %add3A_83 = arith.constant 0 : i32
    %add3A_84 = arith.addi %mul3A_82, %add3A_83 : i32
    %dma_start3A_85 = arith.constant 0 : i32
    %dma_start3A_86 = tpu.memref_slice %arg4[%add3A_84, %dma_start3A_85] : memref<65536x64xf32, #tpu.memory_space<hbm>> -> memref<512x64xf32, #tpu.memory_space<hbm>>
    %dma_start3A_87 = arith.constant 0 : i32
    %dma_start3A_88 = tpu.memref_slice %arg4[%add3A_84, %dma_start3A_87] : memref<65536x64xf32, #tpu.memory_space<hbm>> -> memref<512x64xf32, #tpu.memory_space<hbm>>
    tpu.enqueue_dma source(%arg6 : memref<512x64xf32, #tpu.memory_space<vmem>>) target(%dma_start3A_88 : memref<512x64xf32, #tpu.memory_space<hbm>>) target_semaphore(%arg9 : memref<!tpu.dma_semaphore, #tpu.memory_space<semaphore_mem>>)
    %dma_start3A_89 = arith.constant 4 : i32
    %dma_start3A_90 = arith.constant 0 : i32
    %dma_start3A_91 = arith.constant 0 : i32
    %dma_start3A_92 = tpu.memref_slice %arg7[%dma_start3A_90, %dma_start3A_91] : memref<512x64xf32, #tpu.memory_space<vmem>> -> memref<128x64xf32, #tpu.memory_space<vmem>>
    %dma_start3A_93 = arith.constant 0 : i32
    %dma_start3A_94 = tpu.memref_slice %arg5[%dma_start3A_89, %dma_start3A_93] : memref<16x128xi32, #tpu.memory_space<vmem>> -> memref<1x128xi32, #tpu.memory_space<vmem>>
    %dma_start3A_95 = tpu.memref_squeeze %dma_start3A_94 : memref<1x128xi32, #tpu.memory_space<vmem>> -> memref<128xi32, #tpu.memory_space<vmem>>
    %dma_start3A_96 = arith.constant 0 : i32
    %dma_start3A_97 = arith.constant 0 : i32
    %dma_start3A_98 = tpu.memref_slice %arg2[%dma_start3A_96, %dma_start3A_97] : memref<262144x64xf32, #tpu.memory_space<hbm>> -> memref<262144x64xf32, #tpu.memory_space<hbm>>
    tpu.enqueue_indirect_dma source(%dma_start3A_98 : memref<262144x64xf32, #tpu.memory_space<hbm>>) target(%dma_start3A_92 : memref<128x64xf32, #tpu.memory_space<vmem>>) offsets(%dma_start3A_95 : memref<128xi32, #tpu.memory_space<vmem>>) semaphore(%arg8 : memref<!tpu.dma_semaphore, #tpu.memory_space<semaphore_mem>>)
    %dma_start3A_99 = arith.constant 5 : i32
    %dma_start3A_100 = arith.constant 128 : i32
    %dma_start3A_101 = arith.constant 0 : i32
    %dma_start3A_102 = tpu.memref_slice %arg7[%dma_start3A_100, %dma_start3A_101] : memref<512x64xf32, #tpu.memory_space<vmem>> -> memref<128x64xf32, #tpu.memory_space<vmem>>
    %dma_start3A_103 = arith.constant 0 : i32
    %dma_start3A_104 = tpu.memref_slice %arg5[%dma_start3A_99, %dma_start3A_103] : memref<16x128xi32, #tpu.memory_space<vmem>> -> memref<1x128xi32, #tpu.memory_space<vmem>>
    %dma_start3A_105 = tpu.memref_squeeze %dma_start3A_104 : memref<1x128xi32, #tpu.memory_space<vmem>> -> memref<128xi32, #tpu.memory_space<vmem>>
    %dma_start3A_106 = arith.constant 0 : i32
    %dma_start3A_107 = arith.constant 0 : i32
    %dma_start3A_108 = tpu.memref_slice %arg2[%dma_start3A_106, %dma_start3A_107] : memref<262144x64xf32, #tpu.memory_space<hbm>> -> memref<262144x64xf32, #tpu.memory_space<hbm>>
    tpu.enqueue_indirect_dma source(%dma_start3A_108 : memref<262144x64xf32, #tpu.memory_space<hbm>>) target(%dma_start3A_102 : memref<128x64xf32, #tpu.memory_space<vmem>>) offsets(%dma_start3A_105 : memref<128xi32, #tpu.memory_space<vmem>>) semaphore(%arg8 : memref<!tpu.dma_semaphore, #tpu.memory_space<semaphore_mem>>)
    %dma_start3A_109 = arith.constant 6 : i32
    %dma_start3A_110 = arith.constant 256 : i32
    %dma_start3A_111 = arith.constant 0 : i32
    %dma_start3A_112 = tpu.memref_slice %arg7[%dma_start3A_110, %dma_start3A_111] : memref<512x64xf32, #tpu.memory_space<vmem>> -> memref<128x64xf32, #tpu.memory_space<vmem>>
    %dma_start3A_113 = arith.constant 0 : i32
    %dma_start3A_114 = tpu.memref_slice %arg5[%dma_start3A_109, %dma_start3A_113] : memref<16x128xi32, #tpu.memory_space<vmem>> -> memref<1x128xi32, #tpu.memory_space<vmem>>
    %dma_start3A_115 = tpu.memref_squeeze %dma_start3A_114 : memref<1x128xi32, #tpu.memory_space<vmem>> -> memref<128xi32, #tpu.memory_space<vmem>>
    %dma_start3A_116 = arith.constant 0 : i32
    %dma_start3A_117 = arith.constant 0 : i32
    %dma_start3A_118 = tpu.memref_slice %arg2[%dma_start3A_116, %dma_start3A_117] : memref<262144x64xf32, #tpu.memory_space<hbm>> -> memref<262144x64xf32, #tpu.memory_space<hbm>>
    tpu.enqueue_indirect_dma source(%dma_start3A_118 : memref<262144x64xf32, #tpu.memory_space<hbm>>) target(%dma_start3A_112 : memref<128x64xf32, #tpu.memory_space<vmem>>) offsets(%dma_start3A_115 : memref<128xi32, #tpu.memory_space<vmem>>) semaphore(%arg8 : memref<!tpu.dma_semaphore, #tpu.memory_space<semaphore_mem>>)
    %dma_start3A_119 = arith.constant 7 : i32
    %dma_start3A_120 = arith.constant 384 : i32
    %dma_start3A_121 = arith.constant 0 : i32
    %dma_start3A_122 = tpu.memref_slice %arg7[%dma_start3A_120, %dma_start3A_121] : memref<512x64xf32, #tpu.memory_space<vmem>> -> memref<128x64xf32, #tpu.memory_space<vmem>>
    %dma_start3A_123 = arith.constant 0 : i32
    %dma_start3A_124 = tpu.memref_slice %arg5[%dma_start3A_119, %dma_start3A_123] : memref<16x128xi32, #tpu.memory_space<vmem>> -> memref<1x128xi32, #tpu.memory_space<vmem>>
    %dma_start3A_125 = tpu.memref_squeeze %dma_start3A_124 : memref<1x128xi32, #tpu.memory_space<vmem>> -> memref<128xi32, #tpu.memory_space<vmem>>
    %dma_start3A_126 = arith.constant 0 : i32
    %dma_start3A_127 = arith.constant 0 : i32
    %dma_start3A_128 = tpu.memref_slice %arg2[%dma_start3A_126, %dma_start3A_127] : memref<262144x64xf32, #tpu.memory_space<hbm>> -> memref<262144x64xf32, #tpu.memory_space<hbm>>
    tpu.enqueue_indirect_dma source(%dma_start3A_128 : memref<262144x64xf32, #tpu.memory_space<hbm>>) target(%dma_start3A_122 : memref<128x64xf32, #tpu.memory_space<vmem>>) offsets(%dma_start3A_125 : memref<128xi32, #tpu.memory_space<vmem>>) semaphore(%arg8 : memref<!tpu.dma_semaphore, #tpu.memory_space<semaphore_mem>>)
    %dma_wait3A_129 = arith.constant 4 : i32
    %dma_wait3A_130 = arith.constant 0 : i32
    %dma_wait3A_131 = arith.constant 0 : i32
    %dma_wait3A_132 = tpu.memref_slice %arg7[%dma_wait3A_130, %dma_wait3A_131] : memref<512x64xf32, #tpu.memory_space<vmem>> -> memref<128x64xf32, #tpu.memory_space<vmem>>
    %dma_wait3A_133 = arith.constant 0 : i32
    %dma_wait3A_134 = tpu.memref_slice %arg5[%dma_wait3A_129, %dma_wait3A_133] : memref<16x128xi32, #tpu.memory_space<vmem>> -> memref<1x128xi32, #tpu.memory_space<vmem>>
    %dma_wait3A_135 = tpu.memref_squeeze %dma_wait3A_134 : memref<1x128xi32, #tpu.memory_space<vmem>> -> memref<128xi32, #tpu.memory_space<vmem>>
    %dma_wait3A_136 = arith.constant 0 : i32
    %dma_wait3A_137 = arith.constant 0 : i32
    %dma_wait3A_138 = tpu.memref_slice %arg2[%dma_wait3A_136, %dma_wait3A_137] : memref<262144x64xf32, #tpu.memory_space<hbm>> -> memref<262144x64xf32, #tpu.memory_space<hbm>>
    tpu.wait_indirect_dma semaphore(%arg8 : memref<!tpu.dma_semaphore, #tpu.memory_space<semaphore_mem>>) src(%dma_wait3A_138 : memref<262144x64xf32, #tpu.memory_space<hbm>>) dst(%dma_wait3A_132 : memref<128x64xf32, #tpu.memory_space<vmem>>)
    %dma_wait3A_139 = arith.constant 5 : i32
    %dma_wait3A_140 = arith.constant 128 : i32
    %dma_wait3A_141 = arith.constant 0 : i32
    %dma_wait3A_142 = tpu.memref_slice %arg7[%dma_wait3A_140, %dma_wait3A_141] : memref<512x64xf32, #tpu.memory_space<vmem>> -> memref<128x64xf32, #tpu.memory_space<vmem>>
    %dma_wait3A_143 = arith.constant 0 : i32
    %dma_wait3A_144 = tpu.memref_slice %arg5[%dma_wait3A_139, %dma_wait3A_143] : memref<16x128xi32, #tpu.memory_space<vmem>> -> memref<1x128xi32, #tpu.memory_space<vmem>>
    %dma_wait3A_145 = tpu.memref_squeeze %dma_wait3A_144 : memref<1x128xi32, #tpu.memory_space<vmem>> -> memref<128xi32, #tpu.memory_space<vmem>>
    %dma_wait3A_146 = arith.constant 0 : i32
    %dma_wait3A_147 = arith.constant 0 : i32
    %dma_wait3A_148 = tpu.memref_slice %arg2[%dma_wait3A_146, %dma_wait3A_147] : memref<262144x64xf32, #tpu.memory_space<hbm>> -> memref<262144x64xf32, #tpu.memory_space<hbm>>
    tpu.wait_indirect_dma semaphore(%arg8 : memref<!tpu.dma_semaphore, #tpu.memory_space<semaphore_mem>>) src(%dma_wait3A_148 : memref<262144x64xf32, #tpu.memory_space<hbm>>) dst(%dma_wait3A_142 : memref<128x64xf32, #tpu.memory_space<vmem>>)
    %dma_wait3A_149 = arith.constant 6 : i32
    %dma_wait3A_150 = arith.constant 256 : i32
    %dma_wait3A_151 = arith.constant 0 : i32
    %dma_wait3A_152 = tpu.memref_slice %arg7[%dma_wait3A_150, %dma_wait3A_151] : memref<512x64xf32, #tpu.memory_space<vmem>> -> memref<128x64xf32, #tpu.memory_space<vmem>>
    %dma_wait3A_153 = arith.constant 0 : i32
    %dma_wait3A_154 = tpu.memref_slice %arg5[%dma_wait3A_149, %dma_wait3A_153] : memref<16x128xi32, #tpu.memory_space<vmem>> -> memref<1x128xi32, #tpu.memory_space<vmem>>
    %dma_wait3A_155 = tpu.memref_squeeze %dma_wait3A_154 : memref<1x128xi32, #tpu.memory_space<vmem>> -> memref<128xi32, #tpu.memory_space<vmem>>
    %dma_wait3A_156 = arith.constant 0 : i32
    %dma_wait3A_157 = arith.constant 0 : i32
    %dma_wait3A_158 = tpu.memref_slice %arg2[%dma_wait3A_156, %dma_wait3A_157] : memref<262144x64xf32, #tpu.memory_space<hbm>> -> memref<262144x64xf32, #tpu.memory_space<hbm>>
    tpu.wait_indirect_dma semaphore(%arg8 : memref<!tpu.dma_semaphore, #tpu.memory_space<semaphore_mem>>) src(%dma_wait3A_158 : memref<262144x64xf32, #tpu.memory_space<hbm>>) dst(%dma_wait3A_152 : memref<128x64xf32, #tpu.memory_space<vmem>>)
    %dma_wait3A_159 = arith.constant 7 : i32
    %dma_wait3A_160 = arith.constant 384 : i32
    %dma_wait3A_161 = arith.constant 0 : i32
    %dma_wait3A_162 = tpu.memref_slice %arg7[%dma_wait3A_160, %dma_wait3A_161] : memref<512x64xf32, #tpu.memory_space<vmem>> -> memref<128x64xf32, #tpu.memory_space<vmem>>
    %dma_wait3A_163 = arith.constant 0 : i32
    %dma_wait3A_164 = tpu.memref_slice %arg5[%dma_wait3A_159, %dma_wait3A_163] : memref<16x128xi32, #tpu.memory_space<vmem>> -> memref<1x128xi32, #tpu.memory_space<vmem>>
    %dma_wait3A_165 = tpu.memref_squeeze %dma_wait3A_164 : memref<1x128xi32, #tpu.memory_space<vmem>> -> memref<128xi32, #tpu.memory_space<vmem>>
    %dma_wait3A_166 = arith.constant 0 : i32
    %dma_wait3A_167 = arith.constant 0 : i32
    %dma_wait3A_168 = tpu.memref_slice %arg2[%dma_wait3A_166, %dma_wait3A_167] : memref<262144x64xf32, #tpu.memory_space<hbm>> -> memref<262144x64xf32, #tpu.memory_space<hbm>>
    tpu.wait_indirect_dma semaphore(%arg8 : memref<!tpu.dma_semaphore, #tpu.memory_space<semaphore_mem>>) src(%dma_wait3A_168 : memref<262144x64xf32, #tpu.memory_space<hbm>>) dst(%dma_wait3A_162 : memref<128x64xf32, #tpu.memory_space<vmem>>)
    %mul3A_169 = arith.constant 2048 : i32
    %mul3A_170 = arith.muli %add3A, %mul3A_169 : i32
    %add3A_171 = arith.constant 512 : i32
    %add3A_172 = arith.addi %mul3A_170, %add3A_171 : i32
    %dma_start3A_173 = arith.constant 0 : i32
    %dma_start3A_174 = tpu.memref_slice %arg4[%add3A_172, %dma_start3A_173] : memref<65536x64xf32, #tpu.memory_space<hbm>> -> memref<512x64xf32, #tpu.memory_space<hbm>>
    %dma_start3A_175 = arith.constant 0 : i32
    %dma_start3A_176 = tpu.memref_slice %arg4[%add3A_172, %dma_start3A_175] : memref<65536x64xf32, #tpu.memory_space<hbm>> -> memref<512x64xf32, #tpu.memory_space<hbm>>
    tpu.enqueue_dma source(%arg7 : memref<512x64xf32, #tpu.memory_space<vmem>>) target(%dma_start3A_176 : memref<512x64xf32, #tpu.memory_space<hbm>>) target_semaphore(%arg9 : memref<!tpu.dma_semaphore, #tpu.memory_space<semaphore_mem>>)
    %dma_wait3A_177 = arith.constant 0 : i32
    %dma_wait3A_178 = tpu.memref_slice %arg4[%add3A_84, %dma_wait3A_177] : memref<65536x64xf32, #tpu.memory_space<hbm>> -> memref<512x64xf32, #tpu.memory_space<hbm>>
    %dma_wait3A_179 = arith.constant 0 : i32
    %dma_wait3A_180 = tpu.memref_slice %arg4[%add3A_84, %dma_wait3A_179] : memref<65536x64xf32, #tpu.memory_space<hbm>> -> memref<512x64xf32, #tpu.memory_space<hbm>>
    tpu.wait_dma2 semaphore(%arg9 : memref<!tpu.dma_semaphore, #tpu.memory_space<semaphore_mem>>) src(%arg6 : memref<512x64xf32, #tpu.memory_space<vmem>>) dst(%dma_wait3A_180 : memref<512x64xf32, #tpu.memory_space<hbm>>)
    %dma_start3A_181 = arith.constant 8 : i32
    %dma_start3A_182 = arith.constant 0 : i32
    %dma_start3A_183 = arith.constant 0 : i32
    %dma_start3A_184 = tpu.memref_slice %arg6[%dma_start3A_182, %dma_start3A_183] : memref<512x64xf32, #tpu.memory_space<vmem>> -> memref<128x64xf32, #tpu.memory_space<vmem>>
    %dma_start3A_185 = arith.constant 0 : i32
    %dma_start3A_186 = tpu.memref_slice %arg5[%dma_start3A_181, %dma_start3A_185] : memref<16x128xi32, #tpu.memory_space<vmem>> -> memref<1x128xi32, #tpu.memory_space<vmem>>
    %dma_start3A_187 = tpu.memref_squeeze %dma_start3A_186 : memref<1x128xi32, #tpu.memory_space<vmem>> -> memref<128xi32, #tpu.memory_space<vmem>>
    %dma_start3A_188 = arith.constant 0 : i32
    %dma_start3A_189 = arith.constant 0 : i32
    %dma_start3A_190 = tpu.memref_slice %arg2[%dma_start3A_188, %dma_start3A_189] : memref<262144x64xf32, #tpu.memory_space<hbm>> -> memref<262144x64xf32, #tpu.memory_space<hbm>>
    tpu.enqueue_indirect_dma source(%dma_start3A_190 : memref<262144x64xf32, #tpu.memory_space<hbm>>) target(%dma_start3A_184 : memref<128x64xf32, #tpu.memory_space<vmem>>) offsets(%dma_start3A_187 : memref<128xi32, #tpu.memory_space<vmem>>) semaphore(%arg8 : memref<!tpu.dma_semaphore, #tpu.memory_space<semaphore_mem>>)
    %dma_start3A_191 = arith.constant 9 : i32
    %dma_start3A_192 = arith.constant 128 : i32
    %dma_start3A_193 = arith.constant 0 : i32
    %dma_start3A_194 = tpu.memref_slice %arg6[%dma_start3A_192, %dma_start3A_193] : memref<512x64xf32, #tpu.memory_space<vmem>> -> memref<128x64xf32, #tpu.memory_space<vmem>>
    %dma_start3A_195 = arith.constant 0 : i32
    %dma_start3A_196 = tpu.memref_slice %arg5[%dma_start3A_191, %dma_start3A_195] : memref<16x128xi32, #tpu.memory_space<vmem>> -> memref<1x128xi32, #tpu.memory_space<vmem>>
    %dma_start3A_197 = tpu.memref_squeeze %dma_start3A_196 : memref<1x128xi32, #tpu.memory_space<vmem>> -> memref<128xi32, #tpu.memory_space<vmem>>
    %dma_start3A_198 = arith.constant 0 : i32
    %dma_start3A_199 = arith.constant 0 : i32
    %dma_start3A_200 = tpu.memref_slice %arg2[%dma_start3A_198, %dma_start3A_199] : memref<262144x64xf32, #tpu.memory_space<hbm>> -> memref<262144x64xf32, #tpu.memory_space<hbm>>
    tpu.enqueue_indirect_dma source(%dma_start3A_200 : memref<262144x64xf32, #tpu.memory_space<hbm>>) target(%dma_start3A_194 : memref<128x64xf32, #tpu.memory_space<vmem>>) offsets(%dma_start3A_197 : memref<128xi32, #tpu.memory_space<vmem>>) semaphore(%arg8 : memref<!tpu.dma_semaphore, #tpu.memory_space<semaphore_mem>>)
    %dma_start3A_201 = arith.constant 10 : i32
    %dma_start3A_202 = arith.constant 256 : i32
    %dma_start3A_203 = arith.constant 0 : i32
    %dma_start3A_204 = tpu.memref_slice %arg6[%dma_start3A_202, %dma_start3A_203] : memref<512x64xf32, #tpu.memory_space<vmem>> -> memref<128x64xf32, #tpu.memory_space<vmem>>
    %dma_start3A_205 = arith.constant 0 : i32
    %dma_start3A_206 = tpu.memref_slice %arg5[%dma_start3A_201, %dma_start3A_205] : memref<16x128xi32, #tpu.memory_space<vmem>> -> memref<1x128xi32, #tpu.memory_space<vmem>>
    %dma_start3A_207 = tpu.memref_squeeze %dma_start3A_206 : memref<1x128xi32, #tpu.memory_space<vmem>> -> memref<128xi32, #tpu.memory_space<vmem>>
    %dma_start3A_208 = arith.constant 0 : i32
    %dma_start3A_209 = arith.constant 0 : i32
    %dma_start3A_210 = tpu.memref_slice %arg2[%dma_start3A_208, %dma_start3A_209] : memref<262144x64xf32, #tpu.memory_space<hbm>> -> memref<262144x64xf32, #tpu.memory_space<hbm>>
    tpu.enqueue_indirect_dma source(%dma_start3A_210 : memref<262144x64xf32, #tpu.memory_space<hbm>>) target(%dma_start3A_204 : memref<128x64xf32, #tpu.memory_space<vmem>>) offsets(%dma_start3A_207 : memref<128xi32, #tpu.memory_space<vmem>>) semaphore(%arg8 : memref<!tpu.dma_semaphore, #tpu.memory_space<semaphore_mem>>)
    %dma_start3A_211 = arith.constant 11 : i32
    %dma_start3A_212 = arith.constant 384 : i32
    %dma_start3A_213 = arith.constant 0 : i32
    %dma_start3A_214 = tpu.memref_slice %arg6[%dma_start3A_212, %dma_start3A_213] : memref<512x64xf32, #tpu.memory_space<vmem>> -> memref<128x64xf32, #tpu.memory_space<vmem>>
    %dma_start3A_215 = arith.constant 0 : i32
    %dma_start3A_216 = tpu.memref_slice %arg5[%dma_start3A_211, %dma_start3A_215] : memref<16x128xi32, #tpu.memory_space<vmem>> -> memref<1x128xi32, #tpu.memory_space<vmem>>
    %dma_start3A_217 = tpu.memref_squeeze %dma_start3A_216 : memref<1x128xi32, #tpu.memory_space<vmem>> -> memref<128xi32, #tpu.memory_space<vmem>>
    %dma_start3A_218 = arith.constant 0 : i32
    %dma_start3A_219 = arith.constant 0 : i32
    %dma_start3A_220 = tpu.memref_slice %arg2[%dma_start3A_218, %dma_start3A_219] : memref<262144x64xf32, #tpu.memory_space<hbm>> -> memref<262144x64xf32, #tpu.memory_space<hbm>>
    tpu.enqueue_indirect_dma source(%dma_start3A_220 : memref<262144x64xf32, #tpu.memory_space<hbm>>) target(%dma_start3A_214 : memref<128x64xf32, #tpu.memory_space<vmem>>) offsets(%dma_start3A_217 : memref<128xi32, #tpu.memory_space<vmem>>) semaphore(%arg8 : memref<!tpu.dma_semaphore, #tpu.memory_space<semaphore_mem>>)
    %dma_wait3A_221 = arith.constant 8 : i32
    %dma_wait3A_222 = arith.constant 0 : i32
    %dma_wait3A_223 = arith.constant 0 : i32
    %dma_wait3A_224 = tpu.memref_slice %arg6[%dma_wait3A_222, %dma_wait3A_223] : memref<512x64xf32, #tpu.memory_space<vmem>> -> memref<128x64xf32, #tpu.memory_space<vmem>>
    %dma_wait3A_225 = arith.constant 0 : i32
    %dma_wait3A_226 = tpu.memref_slice %arg5[%dma_wait3A_221, %dma_wait3A_225] : memref<16x128xi32, #tpu.memory_space<vmem>> -> memref<1x128xi32, #tpu.memory_space<vmem>>
    %dma_wait3A_227 = tpu.memref_squeeze %dma_wait3A_226 : memref<1x128xi32, #tpu.memory_space<vmem>> -> memref<128xi32, #tpu.memory_space<vmem>>
    %dma_wait3A_228 = arith.constant 0 : i32
    %dma_wait3A_229 = arith.constant 0 : i32
    %dma_wait3A_230 = tpu.memref_slice %arg2[%dma_wait3A_228, %dma_wait3A_229] : memref<262144x64xf32, #tpu.memory_space<hbm>> -> memref<262144x64xf32, #tpu.memory_space<hbm>>
    tpu.wait_indirect_dma semaphore(%arg8 : memref<!tpu.dma_semaphore, #tpu.memory_space<semaphore_mem>>) src(%dma_wait3A_230 : memref<262144x64xf32, #tpu.memory_space<hbm>>) dst(%dma_wait3A_224 : memref<128x64xf32, #tpu.memory_space<vmem>>)
    %dma_wait3A_231 = arith.constant 9 : i32
    %dma_wait3A_232 = arith.constant 128 : i32
    %dma_wait3A_233 = arith.constant 0 : i32
    %dma_wait3A_234 = tpu.memref_slice %arg6[%dma_wait3A_232, %dma_wait3A_233] : memref<512x64xf32, #tpu.memory_space<vmem>> -> memref<128x64xf32, #tpu.memory_space<vmem>>
    %dma_wait3A_235 = arith.constant 0 : i32
    %dma_wait3A_236 = tpu.memref_slice %arg5[%dma_wait3A_231, %dma_wait3A_235] : memref<16x128xi32, #tpu.memory_space<vmem>> -> memref<1x128xi32, #tpu.memory_space<vmem>>
    %dma_wait3A_237 = tpu.memref_squeeze %dma_wait3A_236 : memref<1x128xi32, #tpu.memory_space<vmem>> -> memref<128xi32, #tpu.memory_space<vmem>>
    %dma_wait3A_238 = arith.constant 0 : i32
    %dma_wait3A_239 = arith.constant 0 : i32
    %dma_wait3A_240 = tpu.memref_slice %arg2[%dma_wait3A_238, %dma_wait3A_239] : memref<262144x64xf32, #tpu.memory_space<hbm>> -> memref<262144x64xf32, #tpu.memory_space<hbm>>
    tpu.wait_indirect_dma semaphore(%arg8 : memref<!tpu.dma_semaphore, #tpu.memory_space<semaphore_mem>>) src(%dma_wait3A_240 : memref<262144x64xf32, #tpu.memory_space<hbm>>) dst(%dma_wait3A_234 : memref<128x64xf32, #tpu.memory_space<vmem>>)
    %dma_wait3A_241 = arith.constant 10 : i32
    %dma_wait3A_242 = arith.constant 256 : i32
    %dma_wait3A_243 = arith.constant 0 : i32
    %dma_wait3A_244 = tpu.memref_slice %arg6[%dma_wait3A_242, %dma_wait3A_243] : memref<512x64xf32, #tpu.memory_space<vmem>> -> memref<128x64xf32, #tpu.memory_space<vmem>>
    %dma_wait3A_245 = arith.constant 0 : i32
    %dma_wait3A_246 = tpu.memref_slice %arg5[%dma_wait3A_241, %dma_wait3A_245] : memref<16x128xi32, #tpu.memory_space<vmem>> -> memref<1x128xi32, #tpu.memory_space<vmem>>
    %dma_wait3A_247 = tpu.memref_squeeze %dma_wait3A_246 : memref<1x128xi32, #tpu.memory_space<vmem>> -> memref<128xi32, #tpu.memory_space<vmem>>
    %dma_wait3A_248 = arith.constant 0 : i32
    %dma_wait3A_249 = arith.constant 0 : i32
    %dma_wait3A_250 = tpu.memref_slice %arg2[%dma_wait3A_248, %dma_wait3A_249] : memref<262144x64xf32, #tpu.memory_space<hbm>> -> memref<262144x64xf32, #tpu.memory_space<hbm>>
    tpu.wait_indirect_dma semaphore(%arg8 : memref<!tpu.dma_semaphore, #tpu.memory_space<semaphore_mem>>) src(%dma_wait3A_250 : memref<262144x64xf32, #tpu.memory_space<hbm>>) dst(%dma_wait3A_244 : memref<128x64xf32, #tpu.memory_space<vmem>>)
    %dma_wait3A_251 = arith.constant 11 : i32
    %dma_wait3A_252 = arith.constant 384 : i32
    %dma_wait3A_253 = arith.constant 0 : i32
    %dma_wait3A_254 = tpu.memref_slice %arg6[%dma_wait3A_252, %dma_wait3A_253] : memref<512x64xf32, #tpu.memory_space<vmem>> -> memref<128x64xf32, #tpu.memory_space<vmem>>
    %dma_wait3A_255 = arith.constant 0 : i32
    %dma_wait3A_256 = tpu.memref_slice %arg5[%dma_wait3A_251, %dma_wait3A_255] : memref<16x128xi32, #tpu.memory_space<vmem>> -> memref<1x128xi32, #tpu.memory_space<vmem>>
    %dma_wait3A_257 = tpu.memref_squeeze %dma_wait3A_256 : memref<1x128xi32, #tpu.memory_space<vmem>> -> memref<128xi32, #tpu.memory_space<vmem>>
    %dma_wait3A_258 = arith.constant 0 : i32
    %dma_wait3A_259 = arith.constant 0 : i32
    %dma_wait3A_260 = tpu.memref_slice %arg2[%dma_wait3A_258, %dma_wait3A_259] : memref<262144x64xf32, #tpu.memory_space<hbm>> -> memref<262144x64xf32, #tpu.memory_space<hbm>>
    tpu.wait_indirect_dma semaphore(%arg8 : memref<!tpu.dma_semaphore, #tpu.memory_space<semaphore_mem>>) src(%dma_wait3A_260 : memref<262144x64xf32, #tpu.memory_space<hbm>>) dst(%dma_wait3A_254 : memref<128x64xf32, #tpu.memory_space<vmem>>)
    %mul3A_261 = arith.constant 2048 : i32
    %mul3A_262 = arith.muli %add3A, %mul3A_261 : i32
    %add3A_263 = arith.constant 1024 : i32
    %add3A_264 = arith.addi %mul3A_262, %add3A_263 : i32
    %dma_start3A_265 = arith.constant 0 : i32
    %dma_start3A_266 = tpu.memref_slice %arg4[%add3A_264, %dma_start3A_265] : memref<65536x64xf32, #tpu.memory_space<hbm>> -> memref<512x64xf32, #tpu.memory_space<hbm>>
    %dma_start3A_267 = arith.constant 0 : i32
    %dma_start3A_268 = tpu.memref_slice %arg4[%add3A_264, %dma_start3A_267] : memref<65536x64xf32, #tpu.memory_space<hbm>> -> memref<512x64xf32, #tpu.memory_space<hbm>>
    tpu.enqueue_dma source(%arg6 : memref<512x64xf32, #tpu.memory_space<vmem>>) target(%dma_start3A_268 : memref<512x64xf32, #tpu.memory_space<hbm>>) target_semaphore(%arg9 : memref<!tpu.dma_semaphore, #tpu.memory_space<semaphore_mem>>)
    %dma_wait3A_269 = arith.constant 0 : i32
    %dma_wait3A_270 = tpu.memref_slice %arg4[%add3A_172, %dma_wait3A_269] : memref<65536x64xf32, #tpu.memory_space<hbm>> -> memref<512x64xf32, #tpu.memory_space<hbm>>
    %dma_wait3A_271 = arith.constant 0 : i32
    %dma_wait3A_272 = tpu.memref_slice %arg4[%add3A_172, %dma_wait3A_271] : memref<65536x64xf32, #tpu.memory_space<hbm>> -> memref<512x64xf32, #tpu.memory_space<hbm>>
    tpu.wait_dma2 semaphore(%arg9 : memref<!tpu.dma_semaphore, #tpu.memory_space<semaphore_mem>>) src(%arg7 : memref<512x64xf32, #tpu.memory_space<vmem>>) dst(%dma_wait3A_272 : memref<512x64xf32, #tpu.memory_space<hbm>>)
    %dma_start3A_273 = arith.constant 12 : i32
    %dma_start3A_274 = arith.constant 0 : i32
    %dma_start3A_275 = arith.constant 0 : i32
    %dma_start3A_276 = tpu.memref_slice %arg7[%dma_start3A_274, %dma_start3A_275] : memref<512x64xf32, #tpu.memory_space<vmem>> -> memref<128x64xf32, #tpu.memory_space<vmem>>
    %dma_start3A_277 = arith.constant 0 : i32
    %dma_start3A_278 = tpu.memref_slice %arg5[%dma_start3A_273, %dma_start3A_277] : memref<16x128xi32, #tpu.memory_space<vmem>> -> memref<1x128xi32, #tpu.memory_space<vmem>>
    %dma_start3A_279 = tpu.memref_squeeze %dma_start3A_278 : memref<1x128xi32, #tpu.memory_space<vmem>> -> memref<128xi32, #tpu.memory_space<vmem>>
    %dma_start3A_280 = arith.constant 0 : i32
    %dma_start3A_281 = arith.constant 0 : i32
    %dma_start3A_282 = tpu.memref_slice %arg2[%dma_start3A_280, %dma_start3A_281] : memref<262144x64xf32, #tpu.memory_space<hbm>> -> memref<262144x64xf32, #tpu.memory_space<hbm>>
    tpu.enqueue_indirect_dma source(%dma_start3A_282 : memref<262144x64xf32, #tpu.memory_space<hbm>>) target(%dma_start3A_276 : memref<128x64xf32, #tpu.memory_space<vmem>>) offsets(%dma_start3A_279 : memref<128xi32, #tpu.memory_space<vmem>>) semaphore(%arg8 : memref<!tpu.dma_semaphore, #tpu.memory_space<semaphore_mem>>)
    %dma_start3A_283 = arith.constant 13 : i32
    %dma_start3A_284 = arith.constant 128 : i32
    %dma_start3A_285 = arith.constant 0 : i32
    %dma_start3A_286 = tpu.memref_slice %arg7[%dma_start3A_284, %dma_start3A_285] : memref<512x64xf32, #tpu.memory_space<vmem>> -> memref<128x64xf32, #tpu.memory_space<vmem>>
    %dma_start3A_287 = arith.constant 0 : i32
    %dma_start3A_288 = tpu.memref_slice %arg5[%dma_start3A_283, %dma_start3A_287] : memref<16x128xi32, #tpu.memory_space<vmem>> -> memref<1x128xi32, #tpu.memory_space<vmem>>
    %dma_start3A_289 = tpu.memref_squeeze %dma_start3A_288 : memref<1x128xi32, #tpu.memory_space<vmem>> -> memref<128xi32, #tpu.memory_space<vmem>>
    %dma_start3A_290 = arith.constant 0 : i32
    %dma_start3A_291 = arith.constant 0 : i32
    %dma_start3A_292 = tpu.memref_slice %arg2[%dma_start3A_290, %dma_start3A_291] : memref<262144x64xf32, #tpu.memory_space<hbm>> -> memref<262144x64xf32, #tpu.memory_space<hbm>>
    tpu.enqueue_indirect_dma source(%dma_start3A_292 : memref<262144x64xf32, #tpu.memory_space<hbm>>) target(%dma_start3A_286 : memref<128x64xf32, #tpu.memory_space<vmem>>) offsets(%dma_start3A_289 : memref<128xi32, #tpu.memory_space<vmem>>) semaphore(%arg8 : memref<!tpu.dma_semaphore, #tpu.memory_space<semaphore_mem>>)
    %dma_start3A_293 = arith.constant 14 : i32
    %dma_start3A_294 = arith.constant 256 : i32
    %dma_start3A_295 = arith.constant 0 : i32
    %dma_start3A_296 = tpu.memref_slice %arg7[%dma_start3A_294, %dma_start3A_295] : memref<512x64xf32, #tpu.memory_space<vmem>> -> memref<128x64xf32, #tpu.memory_space<vmem>>
    %dma_start3A_297 = arith.constant 0 : i32
    %dma_start3A_298 = tpu.memref_slice %arg5[%dma_start3A_293, %dma_start3A_297] : memref<16x128xi32, #tpu.memory_space<vmem>> -> memref<1x128xi32, #tpu.memory_space<vmem>>
    %dma_start3A_299 = tpu.memref_squeeze %dma_start3A_298 : memref<1x128xi32, #tpu.memory_space<vmem>> -> memref<128xi32, #tpu.memory_space<vmem>>
    %dma_start3A_300 = arith.constant 0 : i32
    %dma_start3A_301 = arith.constant 0 : i32
    %dma_start3A_302 = tpu.memref_slice %arg2[%dma_start3A_300, %dma_start3A_301] : memref<262144x64xf32, #tpu.memory_space<hbm>> -> memref<262144x64xf32, #tpu.memory_space<hbm>>
    tpu.enqueue_indirect_dma source(%dma_start3A_302 : memref<262144x64xf32, #tpu.memory_space<hbm>>) target(%dma_start3A_296 : memref<128x64xf32, #tpu.memory_space<vmem>>) offsets(%dma_start3A_299 : memref<128xi32, #tpu.memory_space<vmem>>) semaphore(%arg8 : memref<!tpu.dma_semaphore, #tpu.memory_space<semaphore_mem>>)
    %dma_start3A_303 = arith.constant 15 : i32
    %dma_start3A_304 = arith.constant 384 : i32
    %dma_start3A_305 = arith.constant 0 : i32
    %dma_start3A_306 = tpu.memref_slice %arg7[%dma_start3A_304, %dma_start3A_305] : memref<512x64xf32, #tpu.memory_space<vmem>> -> memref<128x64xf32, #tpu.memory_space<vmem>>
    %dma_start3A_307 = arith.constant 0 : i32
    %dma_start3A_308 = tpu.memref_slice %arg5[%dma_start3A_303, %dma_start3A_307] : memref<16x128xi32, #tpu.memory_space<vmem>> -> memref<1x128xi32, #tpu.memory_space<vmem>>
    %dma_start3A_309 = tpu.memref_squeeze %dma_start3A_308 : memref<1x128xi32, #tpu.memory_space<vmem>> -> memref<128xi32, #tpu.memory_space<vmem>>
    %dma_start3A_310 = arith.constant 0 : i32
    %dma_start3A_311 = arith.constant 0 : i32
    %dma_start3A_312 = tpu.memref_slice %arg2[%dma_start3A_310, %dma_start3A_311] : memref<262144x64xf32, #tpu.memory_space<hbm>> -> memref<262144x64xf32, #tpu.memory_space<hbm>>
    tpu.enqueue_indirect_dma source(%dma_start3A_312 : memref<262144x64xf32, #tpu.memory_space<hbm>>) target(%dma_start3A_306 : memref<128x64xf32, #tpu.memory_space<vmem>>) offsets(%dma_start3A_309 : memref<128xi32, #tpu.memory_space<vmem>>) semaphore(%arg8 : memref<!tpu.dma_semaphore, #tpu.memory_space<semaphore_mem>>)
    %dma_wait3A_313 = arith.constant 12 : i32
    %dma_wait3A_314 = arith.constant 0 : i32
    %dma_wait3A_315 = arith.constant 0 : i32
    %dma_wait3A_316 = tpu.memref_slice %arg7[%dma_wait3A_314, %dma_wait3A_315] : memref<512x64xf32, #tpu.memory_space<vmem>> -> memref<128x64xf32, #tpu.memory_space<vmem>>
    %dma_wait3A_317 = arith.constant 0 : i32
    %dma_wait3A_318 = tpu.memref_slice %arg5[%dma_wait3A_313, %dma_wait3A_317] : memref<16x128xi32, #tpu.memory_space<vmem>> -> memref<1x128xi32, #tpu.memory_space<vmem>>
    %dma_wait3A_319 = tpu.memref_squeeze %dma_wait3A_318 : memref<1x128xi32, #tpu.memory_space<vmem>> -> memref<128xi32, #tpu.memory_space<vmem>>
    %dma_wait3A_320 = arith.constant 0 : i32
    %dma_wait3A_321 = arith.constant 0 : i32
    %dma_wait3A_322 = tpu.memref_slice %arg2[%dma_wait3A_320, %dma_wait3A_321] : memref<262144x64xf32, #tpu.memory_space<hbm>> -> memref<262144x64xf32, #tpu.memory_space<hbm>>
    tpu.wait_indirect_dma semaphore(%arg8 : memref<!tpu.dma_semaphore, #tpu.memory_space<semaphore_mem>>) src(%dma_wait3A_322 : memref<262144x64xf32, #tpu.memory_space<hbm>>) dst(%dma_wait3A_316 : memref<128x64xf32, #tpu.memory_space<vmem>>)
    %dma_wait3A_323 = arith.constant 13 : i32
    %dma_wait3A_324 = arith.constant 128 : i32
    %dma_wait3A_325 = arith.constant 0 : i32
    %dma_wait3A_326 = tpu.memref_slice %arg7[%dma_wait3A_324, %dma_wait3A_325] : memref<512x64xf32, #tpu.memory_space<vmem>> -> memref<128x64xf32, #tpu.memory_space<vmem>>
    %dma_wait3A_327 = arith.constant 0 : i32
    %dma_wait3A_328 = tpu.memref_slice %arg5[%dma_wait3A_323, %dma_wait3A_327] : memref<16x128xi32, #tpu.memory_space<vmem>> -> memref<1x128xi32, #tpu.memory_space<vmem>>
    %dma_wait3A_329 = tpu.memref_squeeze %dma_wait3A_328 : memref<1x128xi32, #tpu.memory_space<vmem>> -> memref<128xi32, #tpu.memory_space<vmem>>
    %dma_wait3A_330 = arith.constant 0 : i32
    %dma_wait3A_331 = arith.constant 0 : i32
    %dma_wait3A_332 = tpu.memref_slice %arg2[%dma_wait3A_330, %dma_wait3A_331] : memref<262144x64xf32, #tpu.memory_space<hbm>> -> memref<262144x64xf32, #tpu.memory_space<hbm>>
    tpu.wait_indirect_dma semaphore(%arg8 : memref<!tpu.dma_semaphore, #tpu.memory_space<semaphore_mem>>) src(%dma_wait3A_332 : memref<262144x64xf32, #tpu.memory_space<hbm>>) dst(%dma_wait3A_326 : memref<128x64xf32, #tpu.memory_space<vmem>>)
    %dma_wait3A_333 = arith.constant 14 : i32
    %dma_wait3A_334 = arith.constant 256 : i32
    %dma_wait3A_335 = arith.constant 0 : i32
    %dma_wait3A_336 = tpu.memref_slice %arg7[%dma_wait3A_334, %dma_wait3A_335] : memref<512x64xf32, #tpu.memory_space<vmem>> -> memref<128x64xf32, #tpu.memory_space<vmem>>
    %dma_wait3A_337 = arith.constant 0 : i32
    %dma_wait3A_338 = tpu.memref_slice %arg5[%dma_wait3A_333, %dma_wait3A_337] : memref<16x128xi32, #tpu.memory_space<vmem>> -> memref<1x128xi32, #tpu.memory_space<vmem>>
    %dma_wait3A_339 = tpu.memref_squeeze %dma_wait3A_338 : memref<1x128xi32, #tpu.memory_space<vmem>> -> memref<128xi32, #tpu.memory_space<vmem>>
    %dma_wait3A_340 = arith.constant 0 : i32
    %dma_wait3A_341 = arith.constant 0 : i32
    %dma_wait3A_342 = tpu.memref_slice %arg2[%dma_wait3A_340, %dma_wait3A_341] : memref<262144x64xf32, #tpu.memory_space<hbm>> -> memref<262144x64xf32, #tpu.memory_space<hbm>>
    tpu.wait_indirect_dma semaphore(%arg8 : memref<!tpu.dma_semaphore, #tpu.memory_space<semaphore_mem>>) src(%dma_wait3A_342 : memref<262144x64xf32, #tpu.memory_space<hbm>>) dst(%dma_wait3A_336 : memref<128x64xf32, #tpu.memory_space<vmem>>)
    %dma_wait3A_343 = arith.constant 15 : i32
    %dma_wait3A_344 = arith.constant 384 : i32
    %dma_wait3A_345 = arith.constant 0 : i32
    %dma_wait3A_346 = tpu.memref_slice %arg7[%dma_wait3A_344, %dma_wait3A_345] : memref<512x64xf32, #tpu.memory_space<vmem>> -> memref<128x64xf32, #tpu.memory_space<vmem>>
    %dma_wait3A_347 = arith.constant 0 : i32
    %dma_wait3A_348 = tpu.memref_slice %arg5[%dma_wait3A_343, %dma_wait3A_347] : memref<16x128xi32, #tpu.memory_space<vmem>> -> memref<1x128xi32, #tpu.memory_space<vmem>>
    %dma_wait3A_349 = tpu.memref_squeeze %dma_wait3A_348 : memref<1x128xi32, #tpu.memory_space<vmem>> -> memref<128xi32, #tpu.memory_space<vmem>>
    %dma_wait3A_350 = arith.constant 0 : i32
    %dma_wait3A_351 = arith.constant 0 : i32
    %dma_wait3A_352 = tpu.memref_slice %arg2[%dma_wait3A_350, %dma_wait3A_351] : memref<262144x64xf32, #tpu.memory_space<hbm>> -> memref<262144x64xf32, #tpu.memory_space<hbm>>
    tpu.wait_indirect_dma semaphore(%arg8 : memref<!tpu.dma_semaphore, #tpu.memory_space<semaphore_mem>>) src(%dma_wait3A_352 : memref<262144x64xf32, #tpu.memory_space<hbm>>) dst(%dma_wait3A_346 : memref<128x64xf32, #tpu.memory_space<vmem>>)
    %mul3A_353 = arith.constant 2048 : i32
    %mul3A_354 = arith.muli %add3A, %mul3A_353 : i32
    %add3A_355 = arith.constant 1536 : i32
    %add3A_356 = arith.addi %mul3A_354, %add3A_355 : i32
    %dma_start3A_357 = arith.constant 0 : i32
    %dma_start3A_358 = tpu.memref_slice %arg4[%add3A_356, %dma_start3A_357] : memref<65536x64xf32, #tpu.memory_space<hbm>> -> memref<512x64xf32, #tpu.memory_space<hbm>>
    %dma_start3A_359 = arith.constant 0 : i32
    %dma_start3A_360 = tpu.memref_slice %arg4[%add3A_356, %dma_start3A_359] : memref<65536x64xf32, #tpu.memory_space<hbm>> -> memref<512x64xf32, #tpu.memory_space<hbm>>
    tpu.enqueue_dma source(%arg7 : memref<512x64xf32, #tpu.memory_space<vmem>>) target(%dma_start3A_360 : memref<512x64xf32, #tpu.memory_space<hbm>>) target_semaphore(%arg9 : memref<!tpu.dma_semaphore, #tpu.memory_space<semaphore_mem>>)
    %dma_wait3A_361 = arith.constant 0 : i32
    %dma_wait3A_362 = tpu.memref_slice %arg4[%add3A_264, %dma_wait3A_361] : memref<65536x64xf32, #tpu.memory_space<hbm>> -> memref<512x64xf32, #tpu.memory_space<hbm>>
    %dma_wait3A_363 = arith.constant 0 : i32
    %dma_wait3A_364 = tpu.memref_slice %arg4[%add3A_264, %dma_wait3A_363] : memref<65536x64xf32, #tpu.memory_space<hbm>> -> memref<512x64xf32, #tpu.memory_space<hbm>>
    tpu.wait_dma2 semaphore(%arg9 : memref<!tpu.dma_semaphore, #tpu.memory_space<semaphore_mem>>) src(%arg6 : memref<512x64xf32, #tpu.memory_space<vmem>>) dst(%dma_wait3A_364 : memref<512x64xf32, #tpu.memory_space<hbm>>)
    %dma_wait3A_365 = arith.constant 0 : i32
    %dma_wait3A_366 = tpu.memref_slice %arg4[%add3A_356, %dma_wait3A_365] : memref<65536x64xf32, #tpu.memory_space<hbm>> -> memref<512x64xf32, #tpu.memory_space<hbm>>
    %dma_wait3A_367 = arith.constant 0 : i32
    %dma_wait3A_368 = tpu.memref_slice %arg4[%add3A_356, %dma_wait3A_367] : memref<65536x64xf32, #tpu.memory_space<hbm>> -> memref<512x64xf32, #tpu.memory_space<hbm>>
    tpu.wait_dma2 semaphore(%arg9 : memref<!tpu.dma_semaphore, #tpu.memory_space<semaphore_mem>>) src(%arg7 : memref<512x64xf32, #tpu.memory_space<vmem>>) dst(%dma_wait3A_368 : memref<512x64xf32, #tpu.memory_space<hbm>>)
    return
  }
}

#map = affine_map<(d0, d1) -> (0, 0)>
module attributes {stable_mosaic.version = 14 : i64} {
  func.func @_sc_gather(%arg0: i32, %arg1: i32, %arg2: memref<262144x64xf32, #tpu.memory_space<hbm>>, %arg3: memref<512x128xi32, #tpu.memory_space<hbm>>, %arg4: memref<65536x64xf32, #tpu.memory_space<hbm>>, %arg5: memref<16x128xi32, #tpu.memory_space<vmem>>, %arg6: memref<512x64xf32, #tpu.memory_space<vmem>>, %arg7: memref<512x64xf32, #tpu.memory_space<vmem>>, %arg8: memref<!tpu.dma_semaphore, #tpu.memory_space<semaphore_mem>>, %arg9: memref<!tpu.dma_semaphore, #tpu.memory_space<semaphore_mem>>) attributes {dimension_semantics = [#tpu.dimension_semantics<core_parallel>, #tpu.dimension_semantics<subcore_parallel>], iteration_bounds = array<i64: 2, 16>, scalar_prefetch = 0 : i64, scratch_operands = 5 : i64, tpu.core_type = #tpu.core_type<sc_vector_subcore>, window_params = [{transform_indices = #map}, {transform_indices = #map}, {transform_indices = #map}]} {
    %mul3A = arith.constant 2 : i32
    %mul3A_0 = arith.muli %arg1, %mul3A : i32
    %add3A = arith.addi %mul3A_0, %arg0 : i32
    %mul3A_1 = arith.constant 16 : i32
    %mul3A_2 = arith.muli %add3A, %mul3A_1 : i32
    "tpu.region"() ({
      %run_scoped3A = tpu.sem_alloc : memref<!tpu.dma_semaphore, #tpu.memory_space<semaphore_mem>>
      %dma_start3A_369 = arith.constant 0 : i32
      %dma_start3A_370 = tpu.memref_slice %arg3[%mul3A_2, %dma_start3A_369] : memref<512x128xi32, #tpu.memory_space<hbm>> -> memref<16x128xi32, #tpu.memory_space<hbm>>
      %dma_start3A_371 = arith.constant 0 : i32
      %dma_start3A_372 = tpu.memref_slice %arg3[%mul3A_2, %dma_start3A_371] : memref<512x128xi32, #tpu.memory_space<hbm>> -> memref<16x128xi32, #tpu.memory_space<hbm>>
      tpu.enqueue_dma source(%dma_start3A_372 : memref<16x128xi32, #tpu.memory_space<hbm>>) target(%arg5 : memref<16x128xi32, #tpu.memory_space<vmem>>) target_semaphore(%run_scoped3A : memref<!tpu.dma_semaphore, #tpu.memory_space<semaphore_mem>>)
      %dma_wait3A_373 = arith.constant 0 : i32
      %dma_wait3A_374 = tpu.memref_slice %arg3[%mul3A_2, %dma_wait3A_373] : memref<512x128xi32, #tpu.memory_space<hbm>> -> memref<16x128xi32, #tpu.memory_space<hbm>>
      %dma_wait3A_375 = arith.constant 0 : i32
      %dma_wait3A_376 = tpu.memref_slice %arg3[%mul3A_2, %dma_wait3A_375] : memref<512x128xi32, #tpu.memory_space<hbm>> -> memref<16x128xi32, #tpu.memory_space<hbm>>
      tpu.wait_dma2 semaphore(%run_scoped3A : memref<!tpu.dma_semaphore, #tpu.memory_space<semaphore_mem>>) src(%dma_wait3A_376 : memref<16x128xi32, #tpu.memory_space<hbm>>) dst(%arg5 : memref<16x128xi32, #tpu.memory_space<vmem>>)
      tpu.yield
    }) : () -> ()
    %dma_start3A = arith.constant 0 : i32
    %dma_start3A_3 = arith.constant 0 : i32
    %dma_start3A_4 = arith.constant 0 : i32
    %dma_start3A_5 = tpu.memref_slice %arg6[%dma_start3A_3, %dma_start3A_4] : memref<512x64xf32, #tpu.memory_space<vmem>> -> memref<128x64xf32, #tpu.memory_space<vmem>>
    %dma_start3A_6 = arith.constant 0 : i32
    %dma_start3A_7 = tpu.memref_slice %arg5[%dma_start3A, %dma_start3A_6] : memref<16x128xi32, #tpu.memory_space<vmem>> -> memref<1x128xi32, #tpu.memory_space<vmem>>
    %dma_start3A_8 = tpu.memref_squeeze %dma_start3A_7 : memref<1x128xi32, #tpu.memory_space<vmem>> -> memref<128xi32, #tpu.memory_space<vmem>>
    %dma_start3A_9 = arith.constant 0 : i32
    %dma_start3A_10 = arith.constant 0 : i32
    %dma_start3A_11 = tpu.memref_slice %arg2[%dma_start3A_9, %dma_start3A_10] : memref<262144x64xf32, #tpu.memory_space<hbm>> -> memref<262144x64xf32, #tpu.memory_space<hbm>>
    tpu.enqueue_indirect_dma source(%dma_start3A_11 : memref<262144x64xf32, #tpu.memory_space<hbm>>) target(%dma_start3A_5 : memref<128x64xf32, #tpu.memory_space<vmem>>) offsets(%dma_start3A_8 : memref<128xi32, #tpu.memory_space<vmem>>) semaphore(%arg8 : memref<!tpu.dma_semaphore, #tpu.memory_space<semaphore_mem>>)
    %dma_start3A_12 = arith.constant 1 : i32
    %dma_start3A_13 = arith.constant 128 : i32
    %dma_start3A_14 = arith.constant 0 : i32
    %dma_start3A_15 = tpu.memref_slice %arg6[%dma_start3A_13, %dma_start3A_14] : memref<512x64xf32, #tpu.memory_space<vmem>> -> memref<128x64xf32, #tpu.memory_space<vmem>>
    %dma_start3A_16 = arith.constant 0 : i32
    %dma_start3A_17 = tpu.memref_slice %arg5[%dma_start3A_12, %dma_start3A_16] : memref<16x128xi32, #tpu.memory_space<vmem>> -> memref<1x128xi32, #tpu.memory_space<vmem>>
    %dma_start3A_18 = tpu.memref_squeeze %dma_start3A_17 : memref<1x128xi32, #tpu.memory_space<vmem>> -> memref<128xi32, #tpu.memory_space<vmem>>
    %dma_start3A_19 = arith.constant 0 : i32
    %dma_start3A_20 = arith.constant 0 : i32
    %dma_start3A_21 = tpu.memref_slice %arg2[%dma_start3A_19, %dma_start3A_20] : memref<262144x64xf32, #tpu.memory_space<hbm>> -> memref<262144x64xf32, #tpu.memory_space<hbm>>
    tpu.enqueue_indirect_dma source(%dma_start3A_21 : memref<262144x64xf32, #tpu.memory_space<hbm>>) target(%dma_start3A_15 : memref<128x64xf32, #tpu.memory_space<vmem>>) offsets(%dma_start3A_18 : memref<128xi32, #tpu.memory_space<vmem>>) semaphore(%arg8 : memref<!tpu.dma_semaphore, #tpu.memory_space<semaphore_mem>>)
    %dma_start3A_22 = arith.constant 2 : i32
    %dma_start3A_23 = arith.constant 256 : i32
    %dma_start3A_24 = arith.constant 0 : i32
    %dma_start3A_25 = tpu.memref_slice %arg6[%dma_start3A_23, %dma_start3A_24] : memref<512x64xf32, #tpu.memory_space<vmem>> -> memref<128x64xf32, #tpu.memory_space<vmem>>
    %dma_start3A_26 = arith.constant 0 : i32
    %dma_start3A_27 = tpu.memref_slice %arg5[%dma_start3A_22, %dma_start3A_26] : memref<16x128xi32, #tpu.memory_space<vmem>> -> memref<1x128xi32, #tpu.memory_space<vmem>>
    %dma_start3A_28 = tpu.memref_squeeze %dma_start3A_27 : memref<1x128xi32, #tpu.memory_space<vmem>> -> memref<128xi32, #tpu.memory_space<vmem>>
    %dma_start3A_29 = arith.constant 0 : i32
    %dma_start3A_30 = arith.constant 0 : i32
    %dma_start3A_31 = tpu.memref_slice %arg2[%dma_start3A_29, %dma_start3A_30] : memref<262144x64xf32, #tpu.memory_space<hbm>> -> memref<262144x64xf32, #tpu.memory_space<hbm>>
    tpu.enqueue_indirect_dma source(%dma_start3A_31 : memref<262144x64xf32, #tpu.memory_space<hbm>>) target(%dma_start3A_25 : memref<128x64xf32, #tpu.memory_space<vmem>>) offsets(%dma_start3A_28 : memref<128xi32, #tpu.memory_space<vmem>>) semaphore(%arg8 : memref<!tpu.dma_semaphore, #tpu.memory_space<semaphore_mem>>)
    %dma_start3A_32 = arith.constant 3 : i32
    %dma_start3A_33 = arith.constant 384 : i32
    %dma_start3A_34 = arith.constant 0 : i32
    %dma_start3A_35 = tpu.memref_slice %arg6[%dma_start3A_33, %dma_start3A_34] : memref<512x64xf32, #tpu.memory_space<vmem>> -> memref<128x64xf32, #tpu.memory_space<vmem>>
    %dma_start3A_36 = arith.constant 0 : i32
    %dma_start3A_37 = tpu.memref_slice %arg5[%dma_start3A_32, %dma_start3A_36] : memref<16x128xi32, #tpu.memory_space<vmem>> -> memref<1x128xi32, #tpu.memory_space<vmem>>
    %dma_start3A_38 = tpu.memref_squeeze %dma_start3A_37 : memref<1x128xi32, #tpu.memory_space<vmem>> -> memref<128xi32, #tpu.memory_space<vmem>>
    %dma_start3A_39 = arith.constant 0 : i32
    %dma_start3A_40 = arith.constant 0 : i32
    %dma_start3A_41 = tpu.memref_slice %arg2[%dma_start3A_39, %dma_start3A_40] : memref<262144x64xf32, #tpu.memory_space<hbm>> -> memref<262144x64xf32, #tpu.memory_space<hbm>>
    tpu.enqueue_indirect_dma source(%dma_start3A_41 : memref<262144x64xf32, #tpu.memory_space<hbm>>) target(%dma_start3A_35 : memref<128x64xf32, #tpu.memory_space<vmem>>) offsets(%dma_start3A_38 : memref<128xi32, #tpu.memory_space<vmem>>) semaphore(%arg8 : memref<!tpu.dma_semaphore, #tpu.memory_space<semaphore_mem>>)
    %dma_wait3A = arith.constant 0 : i32
    %dma_wait3A_42 = arith.constant 0 : i32
    %dma_wait3A_43 = arith.constant 0 : i32
    %dma_wait3A_44 = tpu.memref_slice %arg6[%dma_wait3A_42, %dma_wait3A_43] : memref<512x64xf32, #tpu.memory_space<vmem>> -> memref<128x64xf32, #tpu.memory_space<vmem>>
    %dma_wait3A_45 = arith.constant 0 : i32
    %dma_wait3A_46 = tpu.memref_slice %arg5[%dma_wait3A, %dma_wait3A_45] : memref<16x128xi32, #tpu.memory_space<vmem>> -> memref<1x128xi32, #tpu.memory_space<vmem>>
    %dma_wait3A_47 = tpu.memref_squeeze %dma_wait3A_46 : memref<1x128xi32, #tpu.memory_space<vmem>> -> memref<128xi32, #tpu.memory_space<vmem>>
    %dma_wait3A_48 = arith.constant 0 : i32
    %dma_wait3A_49 = arith.constant 0 : i32
    %dma_wait3A_50 = tpu.memref_slice %arg2[%dma_wait3A_48, %dma_wait3A_49] : memref<262144x64xf32, #tpu.memory_space<hbm>> -> memref<262144x64xf32, #tpu.memory_space<hbm>>
    tpu.wait_indirect_dma semaphore(%arg8 : memref<!tpu.dma_semaphore, #tpu.memory_space<semaphore_mem>>) src(%dma_wait3A_50 : memref<262144x64xf32, #tpu.memory_space<hbm>>) dst(%dma_wait3A_44 : memref<128x64xf32, #tpu.memory_space<vmem>>)
    %dma_wait3A_51 = arith.constant 1 : i32
    %dma_wait3A_52 = arith.constant 128 : i32
    %dma_wait3A_53 = arith.constant 0 : i32
    %dma_wait3A_54 = tpu.memref_slice %arg6[%dma_wait3A_52, %dma_wait3A_53] : memref<512x64xf32, #tpu.memory_space<vmem>> -> memref<128x64xf32, #tpu.memory_space<vmem>>
    %dma_wait3A_55 = arith.constant 0 : i32
    %dma_wait3A_56 = tpu.memref_slice %arg5[%dma_wait3A_51, %dma_wait3A_55] : memref<16x128xi32, #tpu.memory_space<vmem>> -> memref<1x128xi32, #tpu.memory_space<vmem>>
    %dma_wait3A_57 = tpu.memref_squeeze %dma_wait3A_56 : memref<1x128xi32, #tpu.memory_space<vmem>> -> memref<128xi32, #tpu.memory_space<vmem>>
    %dma_wait3A_58 = arith.constant 0 : i32
    %dma_wait3A_59 = arith.constant 0 : i32
    %dma_wait3A_60 = tpu.memref_slice %arg2[%dma_wait3A_58, %dma_wait3A_59] : memref<262144x64xf32, #tpu.memory_space<hbm>> -> memref<262144x64xf32, #tpu.memory_space<hbm>>
    tpu.wait_indirect_dma semaphore(%arg8 : memref<!tpu.dma_semaphore, #tpu.memory_space<semaphore_mem>>) src(%dma_wait3A_60 : memref<262144x64xf32, #tpu.memory_space<hbm>>) dst(%dma_wait3A_54 : memref<128x64xf32, #tpu.memory_space<vmem>>)
    %dma_wait3A_61 = arith.constant 2 : i32
    %dma_wait3A_62 = arith.constant 256 : i32
    %dma_wait3A_63 = arith.constant 0 : i32
    %dma_wait3A_64 = tpu.memref_slice %arg6[%dma_wait3A_62, %dma_wait3A_63] : memref<512x64xf32, #tpu.memory_space<vmem>> -> memref<128x64xf32, #tpu.memory_space<vmem>>
    %dma_wait3A_65 = arith.constant 0 : i32
    %dma_wait3A_66 = tpu.memref_slice %arg5[%dma_wait3A_61, %dma_wait3A_65] : memref<16x128xi32, #tpu.memory_space<vmem>> -> memref<1x128xi32, #tpu.memory_space<vmem>>
    %dma_wait3A_67 = tpu.memref_squeeze %dma_wait3A_66 : memref<1x128xi32, #tpu.memory_space<vmem>> -> memref<128xi32, #tpu.memory_space<vmem>>
    %dma_wait3A_68 = arith.constant 0 : i32
    %dma_wait3A_69 = arith.constant 0 : i32
    %dma_wait3A_70 = tpu.memref_slice %arg2[%dma_wait3A_68, %dma_wait3A_69] : memref<262144x64xf32, #tpu.memory_space<hbm>> -> memref<262144x64xf32, #tpu.memory_space<hbm>>
    tpu.wait_indirect_dma semaphore(%arg8 : memref<!tpu.dma_semaphore, #tpu.memory_space<semaphore_mem>>) src(%dma_wait3A_70 : memref<262144x64xf32, #tpu.memory_space<hbm>>) dst(%dma_wait3A_64 : memref<128x64xf32, #tpu.memory_space<vmem>>)
    %dma_wait3A_71 = arith.constant 3 : i32
    %dma_wait3A_72 = arith.constant 384 : i32
    %dma_wait3A_73 = arith.constant 0 : i32
    %dma_wait3A_74 = tpu.memref_slice %arg6[%dma_wait3A_72, %dma_wait3A_73] : memref<512x64xf32, #tpu.memory_space<vmem>> -> memref<128x64xf32, #tpu.memory_space<vmem>>
    %dma_wait3A_75 = arith.constant 0 : i32
    %dma_wait3A_76 = tpu.memref_slice %arg5[%dma_wait3A_71, %dma_wait3A_75] : memref<16x128xi32, #tpu.memory_space<vmem>> -> memref<1x128xi32, #tpu.memory_space<vmem>>
    %dma_wait3A_77 = tpu.memref_squeeze %dma_wait3A_76 : memref<1x128xi32, #tpu.memory_space<vmem>> -> memref<128xi32, #tpu.memory_space<vmem>>
    %dma_wait3A_78 = arith.constant 0 : i32
    %dma_wait3A_79 = arith.constant 0 : i32
    %dma_wait3A_80 = tpu.memref_slice %arg2[%dma_wait3A_78, %dma_wait3A_79] : memref<262144x64xf32, #tpu.memory_space<hbm>> -> memref<262144x64xf32, #tpu.memory_space<hbm>>
    tpu.wait_indirect_dma semaphore(%arg8 : memref<!tpu.dma_semaphore, #tpu.memory_space<semaphore_mem>>) src(%dma_wait3A_80 : memref<262144x64xf32, #tpu.memory_space<hbm>>) dst(%dma_wait3A_74 : memref<128x64xf32, #tpu.memory_space<vmem>>)
    %mul3A_81 = arith.constant 2048 : i32
    %mul3A_82 = arith.muli %add3A, %mul3A_81 : i32
    %add3A_83 = arith.constant 0 : i32
    %add3A_84 = arith.addi %mul3A_82, %add3A_83 : i32
    %dma_start3A_85 = arith.constant 0 : i32
    %dma_start3A_86 = tpu.memref_slice %arg4[%add3A_84, %dma_start3A_85] : memref<65536x64xf32, #tpu.memory_space<hbm>> -> memref<512x64xf32, #tpu.memory_space<hbm>>
    %dma_start3A_87 = arith.constant 0 : i32
    %dma_start3A_88 = tpu.memref_slice %arg4[%add3A_84, %dma_start3A_87] : memref<65536x64xf32, #tpu.memory_space<hbm>> -> memref<512x64xf32, #tpu.memory_space<hbm>>
    tpu.enqueue_dma source(%arg6 : memref<512x64xf32, #tpu.memory_space<vmem>>) target(%dma_start3A_88 : memref<512x64xf32, #tpu.memory_space<hbm>>) target_semaphore(%arg9 : memref<!tpu.dma_semaphore, #tpu.memory_space<semaphore_mem>>)
    %dma_start3A_89 = arith.constant 4 : i32
    %dma_start3A_90 = arith.constant 0 : i32
    %dma_start3A_91 = arith.constant 0 : i32
    %dma_start3A_92 = tpu.memref_slice %arg7[%dma_start3A_90, %dma_start3A_91] : memref<512x64xf32, #tpu.memory_space<vmem>> -> memref<128x64xf32, #tpu.memory_space<vmem>>
    %dma_start3A_93 = arith.constant 0 : i32
    %dma_start3A_94 = tpu.memref_slice %arg5[%dma_start3A_89, %dma_start3A_93] : memref<16x128xi32, #tpu.memory_space<vmem>> -> memref<1x128xi32, #tpu.memory_space<vmem>>
    %dma_start3A_95 = tpu.memref_squeeze %dma_start3A_94 : memref<1x128xi32, #tpu.memory_space<vmem>> -> memref<128xi32, #tpu.memory_space<vmem>>
    %dma_start3A_96 = arith.constant 0 : i32
    %dma_start3A_97 = arith.constant 0 : i32
    %dma_start3A_98 = tpu.memref_slice %arg2[%dma_start3A_96, %dma_start3A_97] : memref<262144x64xf32, #tpu.memory_space<hbm>> -> memref<262144x64xf32, #tpu.memory_space<hbm>>
    tpu.enqueue_indirect_dma source(%dma_start3A_98 : memref<262144x64xf32, #tpu.memory_space<hbm>>) target(%dma_start3A_92 : memref<128x64xf32, #tpu.memory_space<vmem>>) offsets(%dma_start3A_95 : memref<128xi32, #tpu.memory_space<vmem>>) semaphore(%arg8 : memref<!tpu.dma_semaphore, #tpu.memory_space<semaphore_mem>>)
    %dma_start3A_99 = arith.constant 5 : i32
    %dma_start3A_100 = arith.constant 128 : i32
    %dma_start3A_101 = arith.constant 0 : i32
    %dma_start3A_102 = tpu.memref_slice %arg7[%dma_start3A_100, %dma_start3A_101] : memref<512x64xf32, #tpu.memory_space<vmem>> -> memref<128x64xf32, #tpu.memory_space<vmem>>
    %dma_start3A_103 = arith.constant 0 : i32
    %dma_start3A_104 = tpu.memref_slice %arg5[%dma_start3A_99, %dma_start3A_103] : memref<16x128xi32, #tpu.memory_space<vmem>> -> memref<1x128xi32, #tpu.memory_space<vmem>>
    %dma_start3A_105 = tpu.memref_squeeze %dma_start3A_104 : memref<1x128xi32, #tpu.memory_space<vmem>> -> memref<128xi32, #tpu.memory_space<vmem>>
    %dma_start3A_106 = arith.constant 0 : i32
    %dma_start3A_107 = arith.constant 0 : i32
    %dma_start3A_108 = tpu.memref_slice %arg2[%dma_start3A_106, %dma_start3A_107] : memref<262144x64xf32, #tpu.memory_space<hbm>> -> memref<262144x64xf32, #tpu.memory_space<hbm>>
    tpu.enqueue_indirect_dma source(%dma_start3A_108 : memref<262144x64xf32, #tpu.memory_space<hbm>>) target(%dma_start3A_102 : memref<128x64xf32, #tpu.memory_space<vmem>>) offsets(%dma_start3A_105 : memref<128xi32, #tpu.memory_space<vmem>>) semaphore(%arg8 : memref<!tpu.dma_semaphore, #tpu.memory_space<semaphore_mem>>)
    %dma_start3A_109 = arith.constant 6 : i32
    %dma_start3A_110 = arith.constant 256 : i32
    %dma_start3A_111 = arith.constant 0 : i32
    %dma_start3A_112 = tpu.memref_slice %arg7[%dma_start3A_110, %dma_start3A_111] : memref<512x64xf32, #tpu.memory_space<vmem>> -> memref<128x64xf32, #tpu.memory_space<vmem>>
    %dma_start3A_113 = arith.constant 0 : i32
    %dma_start3A_114 = tpu.memref_slice %arg5[%dma_start3A_109, %dma_start3A_113] : memref<16x128xi32, #tpu.memory_space<vmem>> -> memref<1x128xi32, #tpu.memory_space<vmem>>
    %dma_start3A_115 = tpu.memref_squeeze %dma_start3A_114 : memref<1x128xi32, #tpu.memory_space<vmem>> -> memref<128xi32, #tpu.memory_space<vmem>>
    %dma_start3A_116 = arith.constant 0 : i32
    %dma_start3A_117 = arith.constant 0 : i32
    %dma_start3A_118 = tpu.memref_slice %arg2[%dma_start3A_116, %dma_start3A_117] : memref<262144x64xf32, #tpu.memory_space<hbm>> -> memref<262144x64xf32, #tpu.memory_space<hbm>>
    tpu.enqueue_indirect_dma source(%dma_start3A_118 : memref<262144x64xf32, #tpu.memory_space<hbm>>) target(%dma_start3A_112 : memref<128x64xf32, #tpu.memory_space<vmem>>) offsets(%dma_start3A_115 : memref<128xi32, #tpu.memory_space<vmem>>) semaphore(%arg8 : memref<!tpu.dma_semaphore, #tpu.memory_space<semaphore_mem>>)
    %dma_start3A_119 = arith.constant 7 : i32
    %dma_start3A_120 = arith.constant 384 : i32
    %dma_start3A_121 = arith.constant 0 : i32
    %dma_start3A_122 = tpu.memref_slice %arg7[%dma_start3A_120, %dma_start3A_121] : memref<512x64xf32, #tpu.memory_space<vmem>> -> memref<128x64xf32, #tpu.memory_space<vmem>>
    %dma_start3A_123 = arith.constant 0 : i32
    %dma_start3A_124 = tpu.memref_slice %arg5[%dma_start3A_119, %dma_start3A_123] : memref<16x128xi32, #tpu.memory_space<vmem>> -> memref<1x128xi32, #tpu.memory_space<vmem>>
    %dma_start3A_125 = tpu.memref_squeeze %dma_start3A_124 : memref<1x128xi32, #tpu.memory_space<vmem>> -> memref<128xi32, #tpu.memory_space<vmem>>
    %dma_start3A_126 = arith.constant 0 : i32
    %dma_start3A_127 = arith.constant 0 : i32
    %dma_start3A_128 = tpu.memref_slice %arg2[%dma_start3A_126, %dma_start3A_127] : memref<262144x64xf32, #tpu.memory_space<hbm>> -> memref<262144x64xf32, #tpu.memory_space<hbm>>
    tpu.enqueue_indirect_dma source(%dma_start3A_128 : memref<262144x64xf32, #tpu.memory_space<hbm>>) target(%dma_start3A_122 : memref<128x64xf32, #tpu.memory_space<vmem>>) offsets(%dma_start3A_125 : memref<128xi32, #tpu.memory_space<vmem>>) semaphore(%arg8 : memref<!tpu.dma_semaphore, #tpu.memory_space<semaphore_mem>>)
    %dma_wait3A_129 = arith.constant 4 : i32
    %dma_wait3A_130 = arith.constant 0 : i32
    %dma_wait3A_131 = arith.constant 0 : i32
    %dma_wait3A_132 = tpu.memref_slice %arg7[%dma_wait3A_130, %dma_wait3A_131] : memref<512x64xf32, #tpu.memory_space<vmem>> -> memref<128x64xf32, #tpu.memory_space<vmem>>
    %dma_wait3A_133 = arith.constant 0 : i32
    %dma_wait3A_134 = tpu.memref_slice %arg5[%dma_wait3A_129, %dma_wait3A_133] : memref<16x128xi32, #tpu.memory_space<vmem>> -> memref<1x128xi32, #tpu.memory_space<vmem>>
    %dma_wait3A_135 = tpu.memref_squeeze %dma_wait3A_134 : memref<1x128xi32, #tpu.memory_space<vmem>> -> memref<128xi32, #tpu.memory_space<vmem>>
    %dma_wait3A_136 = arith.constant 0 : i32
    %dma_wait3A_137 = arith.constant 0 : i32
    %dma_wait3A_138 = tpu.memref_slice %arg2[%dma_wait3A_136, %dma_wait3A_137] : memref<262144x64xf32, #tpu.memory_space<hbm>> -> memref<262144x64xf32, #tpu.memory_space<hbm>>
    tpu.wait_indirect_dma semaphore(%arg8 : memref<!tpu.dma_semaphore, #tpu.memory_space<semaphore_mem>>) src(%dma_wait3A_138 : memref<262144x64xf32, #tpu.memory_space<hbm>>) dst(%dma_wait3A_132 : memref<128x64xf32, #tpu.memory_space<vmem>>)
    %dma_wait3A_139 = arith.constant 5 : i32
    %dma_wait3A_140 = arith.constant 128 : i32
    %dma_wait3A_141 = arith.constant 0 : i32
    %dma_wait3A_142 = tpu.memref_slice %arg7[%dma_wait3A_140, %dma_wait3A_141] : memref<512x64xf32, #tpu.memory_space<vmem>> -> memref<128x64xf32, #tpu.memory_space<vmem>>
    %dma_wait3A_143 = arith.constant 0 : i32
    %dma_wait3A_144 = tpu.memref_slice %arg5[%dma_wait3A_139, %dma_wait3A_143] : memref<16x128xi32, #tpu.memory_space<vmem>> -> memref<1x128xi32, #tpu.memory_space<vmem>>
    %dma_wait3A_145 = tpu.memref_squeeze %dma_wait3A_144 : memref<1x128xi32, #tpu.memory_space<vmem>> -> memref<128xi32, #tpu.memory_space<vmem>>
    %dma_wait3A_146 = arith.constant 0 : i32
    %dma_wait3A_147 = arith.constant 0 : i32
    %dma_wait3A_148 = tpu.memref_slice %arg2[%dma_wait3A_146, %dma_wait3A_147] : memref<262144x64xf32, #tpu.memory_space<hbm>> -> memref<262144x64xf32, #tpu.memory_space<hbm>>
    tpu.wait_indirect_dma semaphore(%arg8 : memref<!tpu.dma_semaphore, #tpu.memory_space<semaphore_mem>>) src(%dma_wait3A_148 : memref<262144x64xf32, #tpu.memory_space<hbm>>) dst(%dma_wait3A_142 : memref<128x64xf32, #tpu.memory_space<vmem>>)
    %dma_wait3A_149 = arith.constant 6 : i32
    %dma_wait3A_150 = arith.constant 256 : i32
    %dma_wait3A_151 = arith.constant 0 : i32
    %dma_wait3A_152 = tpu.memref_slice %arg7[%dma_wait3A_150, %dma_wait3A_151] : memref<512x64xf32, #tpu.memory_space<vmem>> -> memref<128x64xf32, #tpu.memory_space<vmem>>
    %dma_wait3A_153 = arith.constant 0 : i32
    %dma_wait3A_154 = tpu.memref_slice %arg5[%dma_wait3A_149, %dma_wait3A_153] : memref<16x128xi32, #tpu.memory_space<vmem>> -> memref<1x128xi32, #tpu.memory_space<vmem>>
    %dma_wait3A_155 = tpu.memref_squeeze %dma_wait3A_154 : memref<1x128xi32, #tpu.memory_space<vmem>> -> memref<128xi32, #tpu.memory_space<vmem>>
    %dma_wait3A_156 = arith.constant 0 : i32
    %dma_wait3A_157 = arith.constant 0 : i32
    %dma_wait3A_158 = tpu.memref_slice %arg2[%dma_wait3A_156, %dma_wait3A_157] : memref<262144x64xf32, #tpu.memory_space<hbm>> -> memref<262144x64xf32, #tpu.memory_space<hbm>>
    tpu.wait_indirect_dma semaphore(%arg8 : memref<!tpu.dma_semaphore, #tpu.memory_space<semaphore_mem>>) src(%dma_wait3A_158 : memref<262144x64xf32, #tpu.memory_space<hbm>>) dst(%dma_wait3A_152 : memref<128x64xf32, #tpu.memory_space<vmem>>)
    %dma_wait3A_159 = arith.constant 7 : i32
    %dma_wait3A_160 = arith.constant 384 : i32
    %dma_wait3A_161 = arith.constant 0 : i32
    %dma_wait3A_162 = tpu.memref_slice %arg7[%dma_wait3A_160, %dma_wait3A_161] : memref<512x64xf32, #tpu.memory_space<vmem>> -> memref<128x64xf32, #tpu.memory_space<vmem>>
    %dma_wait3A_163 = arith.constant 0 : i32
    %dma_wait3A_164 = tpu.memref_slice %arg5[%dma_wait3A_159, %dma_wait3A_163] : memref<16x128xi32, #tpu.memory_space<vmem>> -> memref<1x128xi32, #tpu.memory_space<vmem>>
    %dma_wait3A_165 = tpu.memref_squeeze %dma_wait3A_164 : memref<1x128xi32, #tpu.memory_space<vmem>> -> memref<128xi32, #tpu.memory_space<vmem>>
    %dma_wait3A_166 = arith.constant 0 : i32
    %dma_wait3A_167 = arith.constant 0 : i32
    %dma_wait3A_168 = tpu.memref_slice %arg2[%dma_wait3A_166, %dma_wait3A_167] : memref<262144x64xf32, #tpu.memory_space<hbm>> -> memref<262144x64xf32, #tpu.memory_space<hbm>>
    tpu.wait_indirect_dma semaphore(%arg8 : memref<!tpu.dma_semaphore, #tpu.memory_space<semaphore_mem>>) src(%dma_wait3A_168 : memref<262144x64xf32, #tpu.memory_space<hbm>>) dst(%dma_wait3A_162 : memref<128x64xf32, #tpu.memory_space<vmem>>)
    %mul3A_169 = arith.constant 2048 : i32
    %mul3A_170 = arith.muli %add3A, %mul3A_169 : i32
    %add3A_171 = arith.constant 512 : i32
    %add3A_172 = arith.addi %mul3A_170, %add3A_171 : i32
    %dma_start3A_173 = arith.constant 0 : i32
    %dma_start3A_174 = tpu.memref_slice %arg4[%add3A_172, %dma_start3A_173] : memref<65536x64xf32, #tpu.memory_space<hbm>> -> memref<512x64xf32, #tpu.memory_space<hbm>>
    %dma_start3A_175 = arith.constant 0 : i32
    %dma_start3A_176 = tpu.memref_slice %arg4[%add3A_172, %dma_start3A_175] : memref<65536x64xf32, #tpu.memory_space<hbm>> -> memref<512x64xf32, #tpu.memory_space<hbm>>
    tpu.enqueue_dma source(%arg7 : memref<512x64xf32, #tpu.memory_space<vmem>>) target(%dma_start3A_176 : memref<512x64xf32, #tpu.memory_space<hbm>>) target_semaphore(%arg9 : memref<!tpu.dma_semaphore, #tpu.memory_space<semaphore_mem>>)
    %dma_wait3A_177 = arith.constant 0 : i32
    %dma_wait3A_178 = tpu.memref_slice %arg4[%add3A_84, %dma_wait3A_177] : memref<65536x64xf32, #tpu.memory_space<hbm>> -> memref<512x64xf32, #tpu.memory_space<hbm>>
    %dma_wait3A_179 = arith.constant 0 : i32
    %dma_wait3A_180 = tpu.memref_slice %arg4[%add3A_84, %dma_wait3A_179] : memref<65536x64xf32, #tpu.memory_space<hbm>> -> memref<512x64xf32, #tpu.memory_space<hbm>>
    tpu.wait_dma2 semaphore(%arg9 : memref<!tpu.dma_semaphore, #tpu.memory_space<semaphore_mem>>) src(%arg6 : memref<512x64xf32, #tpu.memory_space<vmem>>) dst(%dma_wait3A_180 : memref<512x64xf32, #tpu.memory_space<hbm>>)
    %dma_start3A_181 = arith.constant 8 : i32
    %dma_start3A_182 = arith.constant 0 : i32
    %dma_start3A_183 = arith.constant 0 : i32
    %dma_start3A_184 = tpu.memref_slice %arg6[%dma_start3A_182, %dma_start3A_183] : memref<512x64xf32, #tpu.memory_space<vmem>> -> memref<128x64xf32, #tpu.memory_space<vmem>>
    %dma_start3A_185 = arith.constant 0 : i32
    %dma_start3A_186 = tpu.memref_slice %arg5[%dma_start3A_181, %dma_start3A_185] : memref<16x128xi32, #tpu.memory_space<vmem>> -> memref<1x128xi32, #tpu.memory_space<vmem>>
    %dma_start3A_187 = tpu.memref_squeeze %dma_start3A_186 : memref<1x128xi32, #tpu.memory_space<vmem>> -> memref<128xi32, #tpu.memory_space<vmem>>
    %dma_start3A_188 = arith.constant 0 : i32
    %dma_start3A_189 = arith.constant 0 : i32
    %dma_start3A_190 = tpu.memref_slice %arg2[%dma_start3A_188, %dma_start3A_189] : memref<262144x64xf32, #tpu.memory_space<hbm>> -> memref<262144x64xf32, #tpu.memory_space<hbm>>
    tpu.enqueue_indirect_dma source(%dma_start3A_190 : memref<262144x64xf32, #tpu.memory_space<hbm>>) target(%dma_start3A_184 : memref<128x64xf32, #tpu.memory_space<vmem>>) offsets(%dma_start3A_187 : memref<128xi32, #tpu.memory_space<vmem>>) semaphore(%arg8 : memref<!tpu.dma_semaphore, #tpu.memory_space<semaphore_mem>>)
    %dma_start3A_191 = arith.constant 9 : i32
    %dma_start3A_192 = arith.constant 128 : i32
    %dma_start3A_193 = arith.constant 0 : i32
    %dma_start3A_194 = tpu.memref_slice %arg6[%dma_start3A_192, %dma_start3A_193] : memref<512x64xf32, #tpu.memory_space<vmem>> -> memref<128x64xf32, #tpu.memory_space<vmem>>
    %dma_start3A_195 = arith.constant 0 : i32
    %dma_start3A_196 = tpu.memref_slice %arg5[%dma_start3A_191, %dma_start3A_195] : memref<16x128xi32, #tpu.memory_space<vmem>> -> memref<1x128xi32, #tpu.memory_space<vmem>>
    %dma_start3A_197 = tpu.memref_squeeze %dma_start3A_196 : memref<1x128xi32, #tpu.memory_space<vmem>> -> memref<128xi32, #tpu.memory_space<vmem>>
    %dma_start3A_198 = arith.constant 0 : i32
    %dma_start3A_199 = arith.constant 0 : i32
    %dma_start3A_200 = tpu.memref_slice %arg2[%dma_start3A_198, %dma_start3A_199] : memref<262144x64xf32, #tpu.memory_space<hbm>> -> memref<262144x64xf32, #tpu.memory_space<hbm>>
    tpu.enqueue_indirect_dma source(%dma_start3A_200 : memref<262144x64xf32, #tpu.memory_space<hbm>>) target(%dma_start3A_194 : memref<128x64xf32, #tpu.memory_space<vmem>>) offsets(%dma_start3A_197 : memref<128xi32, #tpu.memory_space<vmem>>) semaphore(%arg8 : memref<!tpu.dma_semaphore, #tpu.memory_space<semaphore_mem>>)
    %dma_start3A_201 = arith.constant 10 : i32
    %dma_start3A_202 = arith.constant 256 : i32
    %dma_start3A_203 = arith.constant 0 : i32
    %dma_start3A_204 = tpu.memref_slice %arg6[%dma_start3A_202, %dma_start3A_203] : memref<512x64xf32, #tpu.memory_space<vmem>> -> memref<128x64xf32, #tpu.memory_space<vmem>>
    %dma_start3A_205 = arith.constant 0 : i32
    %dma_start3A_206 = tpu.memref_slice %arg5[%dma_start3A_201, %dma_start3A_205] : memref<16x128xi32, #tpu.memory_space<vmem>> -> memref<1x128xi32, #tpu.memory_space<vmem>>
    %dma_start3A_207 = tpu.memref_squeeze %dma_start3A_206 : memref<1x128xi32, #tpu.memory_space<vmem>> -> memref<128xi32, #tpu.memory_space<vmem>>
    %dma_start3A_208 = arith.constant 0 : i32
    %dma_start3A_209 = arith.constant 0 : i32
    %dma_start3A_210 = tpu.memref_slice %arg2[%dma_start3A_208, %dma_start3A_209] : memref<262144x64xf32, #tpu.memory_space<hbm>> -> memref<262144x64xf32, #tpu.memory_space<hbm>>
    tpu.enqueue_indirect_dma source(%dma_start3A_210 : memref<262144x64xf32, #tpu.memory_space<hbm>>) target(%dma_start3A_204 : memref<128x64xf32, #tpu.memory_space<vmem>>) offsets(%dma_start3A_207 : memref<128xi32, #tpu.memory_space<vmem>>) semaphore(%arg8 : memref<!tpu.dma_semaphore, #tpu.memory_space<semaphore_mem>>)
    %dma_start3A_211 = arith.constant 11 : i32
    %dma_start3A_212 = arith.constant 384 : i32
    %dma_start3A_213 = arith.constant 0 : i32
    %dma_start3A_214 = tpu.memref_slice %arg6[%dma_start3A_212, %dma_start3A_213] : memref<512x64xf32, #tpu.memory_space<vmem>> -> memref<128x64xf32, #tpu.memory_space<vmem>>
    %dma_start3A_215 = arith.constant 0 : i32
    %dma_start3A_216 = tpu.memref_slice %arg5[%dma_start3A_211, %dma_start3A_215] : memref<16x128xi32, #tpu.memory_space<vmem>> -> memref<1x128xi32, #tpu.memory_space<vmem>>
    %dma_start3A_217 = tpu.memref_squeeze %dma_start3A_216 : memref<1x128xi32, #tpu.memory_space<vmem>> -> memref<128xi32, #tpu.memory_space<vmem>>
    %dma_start3A_218 = arith.constant 0 : i32
    %dma_start3A_219 = arith.constant 0 : i32
    %dma_start3A_220 = tpu.memref_slice %arg2[%dma_start3A_218, %dma_start3A_219] : memref<262144x64xf32, #tpu.memory_space<hbm>> -> memref<262144x64xf32, #tpu.memory_space<hbm>>
    tpu.enqueue_indirect_dma source(%dma_start3A_220 : memref<262144x64xf32, #tpu.memory_space<hbm>>) target(%dma_start3A_214 : memref<128x64xf32, #tpu.memory_space<vmem>>) offsets(%dma_start3A_217 : memref<128xi32, #tpu.memory_space<vmem>>) semaphore(%arg8 : memref<!tpu.dma_semaphore, #tpu.memory_space<semaphore_mem>>)
    %dma_wait3A_221 = arith.constant 8 : i32
    %dma_wait3A_222 = arith.constant 0 : i32
    %dma_wait3A_223 = arith.constant 0 : i32
    %dma_wait3A_224 = tpu.memref_slice %arg6[%dma_wait3A_222, %dma_wait3A_223] : memref<512x64xf32, #tpu.memory_space<vmem>> -> memref<128x64xf32, #tpu.memory_space<vmem>>
    %dma_wait3A_225 = arith.constant 0 : i32
    %dma_wait3A_226 = tpu.memref_slice %arg5[%dma_wait3A_221, %dma_wait3A_225] : memref<16x128xi32, #tpu.memory_space<vmem>> -> memref<1x128xi32, #tpu.memory_space<vmem>>
    %dma_wait3A_227 = tpu.memref_squeeze %dma_wait3A_226 : memref<1x128xi32, #tpu.memory_space<vmem>> -> memref<128xi32, #tpu.memory_space<vmem>>
    %dma_wait3A_228 = arith.constant 0 : i32
    %dma_wait3A_229 = arith.constant 0 : i32
    %dma_wait3A_230 = tpu.memref_slice %arg2[%dma_wait3A_228, %dma_wait3A_229] : memref<262144x64xf32, #tpu.memory_space<hbm>> -> memref<262144x64xf32, #tpu.memory_space<hbm>>
    tpu.wait_indirect_dma semaphore(%arg8 : memref<!tpu.dma_semaphore, #tpu.memory_space<semaphore_mem>>) src(%dma_wait3A_230 : memref<262144x64xf32, #tpu.memory_space<hbm>>) dst(%dma_wait3A_224 : memref<128x64xf32, #tpu.memory_space<vmem>>)
    %dma_wait3A_231 = arith.constant 9 : i32
    %dma_wait3A_232 = arith.constant 128 : i32
    %dma_wait3A_233 = arith.constant 0 : i32
    %dma_wait3A_234 = tpu.memref_slice %arg6[%dma_wait3A_232, %dma_wait3A_233] : memref<512x64xf32, #tpu.memory_space<vmem>> -> memref<128x64xf32, #tpu.memory_space<vmem>>
    %dma_wait3A_235 = arith.constant 0 : i32
    %dma_wait3A_236 = tpu.memref_slice %arg5[%dma_wait3A_231, %dma_wait3A_235] : memref<16x128xi32, #tpu.memory_space<vmem>> -> memref<1x128xi32, #tpu.memory_space<vmem>>
    %dma_wait3A_237 = tpu.memref_squeeze %dma_wait3A_236 : memref<1x128xi32, #tpu.memory_space<vmem>> -> memref<128xi32, #tpu.memory_space<vmem>>
    %dma_wait3A_238 = arith.constant 0 : i32
    %dma_wait3A_239 = arith.constant 0 : i32
    %dma_wait3A_240 = tpu.memref_slice %arg2[%dma_wait3A_238, %dma_wait3A_239] : memref<262144x64xf32, #tpu.memory_space<hbm>> -> memref<262144x64xf32, #tpu.memory_space<hbm>>
    tpu.wait_indirect_dma semaphore(%arg8 : memref<!tpu.dma_semaphore, #tpu.memory_space<semaphore_mem>>) src(%dma_wait3A_240 : memref<262144x64xf32, #tpu.memory_space<hbm>>) dst(%dma_wait3A_234 : memref<128x64xf32, #tpu.memory_space<vmem>>)
    %dma_wait3A_241 = arith.constant 10 : i32
    %dma_wait3A_242 = arith.constant 256 : i32
    %dma_wait3A_243 = arith.constant 0 : i32
    %dma_wait3A_244 = tpu.memref_slice %arg6[%dma_wait3A_242, %dma_wait3A_243] : memref<512x64xf32, #tpu.memory_space<vmem>> -> memref<128x64xf32, #tpu.memory_space<vmem>>
    %dma_wait3A_245 = arith.constant 0 : i32
    %dma_wait3A_246 = tpu.memref_slice %arg5[%dma_wait3A_241, %dma_wait3A_245] : memref<16x128xi32, #tpu.memory_space<vmem>> -> memref<1x128xi32, #tpu.memory_space<vmem>>
    %dma_wait3A_247 = tpu.memref_squeeze %dma_wait3A_246 : memref<1x128xi32, #tpu.memory_space<vmem>> -> memref<128xi32, #tpu.memory_space<vmem>>
    %dma_wait3A_248 = arith.constant 0 : i32
    %dma_wait3A_249 = arith.constant 0 : i32
    %dma_wait3A_250 = tpu.memref_slice %arg2[%dma_wait3A_248, %dma_wait3A_249] : memref<262144x64xf32, #tpu.memory_space<hbm>> -> memref<262144x64xf32, #tpu.memory_space<hbm>>
    tpu.wait_indirect_dma semaphore(%arg8 : memref<!tpu.dma_semaphore, #tpu.memory_space<semaphore_mem>>) src(%dma_wait3A_250 : memref<262144x64xf32, #tpu.memory_space<hbm>>) dst(%dma_wait3A_244 : memref<128x64xf32, #tpu.memory_space<vmem>>)
    %dma_wait3A_251 = arith.constant 11 : i32
    %dma_wait3A_252 = arith.constant 384 : i32
    %dma_wait3A_253 = arith.constant 0 : i32
    %dma_wait3A_254 = tpu.memref_slice %arg6[%dma_wait3A_252, %dma_wait3A_253] : memref<512x64xf32, #tpu.memory_space<vmem>> -> memref<128x64xf32, #tpu.memory_space<vmem>>
    %dma_wait3A_255 = arith.constant 0 : i32
    %dma_wait3A_256 = tpu.memref_slice %arg5[%dma_wait3A_251, %dma_wait3A_255] : memref<16x128xi32, #tpu.memory_space<vmem>> -> memref<1x128xi32, #tpu.memory_space<vmem>>
    %dma_wait3A_257 = tpu.memref_squeeze %dma_wait3A_256 : memref<1x128xi32, #tpu.memory_space<vmem>> -> memref<128xi32, #tpu.memory_space<vmem>>
    %dma_wait3A_258 = arith.constant 0 : i32
    %dma_wait3A_259 = arith.constant 0 : i32
    %dma_wait3A_260 = tpu.memref_slice %arg2[%dma_wait3A_258, %dma_wait3A_259] : memref<262144x64xf32, #tpu.memory_space<hbm>> -> memref<262144x64xf32, #tpu.memory_space<hbm>>
    tpu.wait_indirect_dma semaphore(%arg8 : memref<!tpu.dma_semaphore, #tpu.memory_space<semaphore_mem>>) src(%dma_wait3A_260 : memref<262144x64xf32, #tpu.memory_space<hbm>>) dst(%dma_wait3A_254 : memref<128x64xf32, #tpu.memory_space<vmem>>)
    %mul3A_261 = arith.constant 2048 : i32
    %mul3A_262 = arith.muli %add3A, %mul3A_261 : i32
    %add3A_263 = arith.constant 1024 : i32
    %add3A_264 = arith.addi %mul3A_262, %add3A_263 : i32
    %dma_start3A_265 = arith.constant 0 : i32
    %dma_start3A_266 = tpu.memref_slice %arg4[%add3A_264, %dma_start3A_265] : memref<65536x64xf32, #tpu.memory_space<hbm>> -> memref<512x64xf32, #tpu.memory_space<hbm>>
    %dma_start3A_267 = arith.constant 0 : i32
    %dma_start3A_268 = tpu.memref_slice %arg4[%add3A_264, %dma_start3A_267] : memref<65536x64xf32, #tpu.memory_space<hbm>> -> memref<512x64xf32, #tpu.memory_space<hbm>>
    tpu.enqueue_dma source(%arg6 : memref<512x64xf32, #tpu.memory_space<vmem>>) target(%dma_start3A_268 : memref<512x64xf32, #tpu.memory_space<hbm>>) target_semaphore(%arg9 : memref<!tpu.dma_semaphore, #tpu.memory_space<semaphore_mem>>)
    %dma_wait3A_269 = arith.constant 0 : i32
    %dma_wait3A_270 = tpu.memref_slice %arg4[%add3A_172, %dma_wait3A_269] : memref<65536x64xf32, #tpu.memory_space<hbm>> -> memref<512x64xf32, #tpu.memory_space<hbm>>
    %dma_wait3A_271 = arith.constant 0 : i32
    %dma_wait3A_272 = tpu.memref_slice %arg4[%add3A_172, %dma_wait3A_271] : memref<65536x64xf32, #tpu.memory_space<hbm>> -> memref<512x64xf32, #tpu.memory_space<hbm>>
    tpu.wait_dma2 semaphore(%arg9 : memref<!tpu.dma_semaphore, #tpu.memory_space<semaphore_mem>>) src(%arg7 : memref<512x64xf32, #tpu.memory_space<vmem>>) dst(%dma_wait3A_272 : memref<512x64xf32, #tpu.memory_space<hbm>>)
    %dma_start3A_273 = arith.constant 12 : i32
    %dma_start3A_274 = arith.constant 0 : i32
    %dma_start3A_275 = arith.constant 0 : i32
    %dma_start3A_276 = tpu.memref_slice %arg7[%dma_start3A_274, %dma_start3A_275] : memref<512x64xf32, #tpu.memory_space<vmem>> -> memref<128x64xf32, #tpu.memory_space<vmem>>
    %dma_start3A_277 = arith.constant 0 : i32
    %dma_start3A_278 = tpu.memref_slice %arg5[%dma_start3A_273, %dma_start3A_277] : memref<16x128xi32, #tpu.memory_space<vmem>> -> memref<1x128xi32, #tpu.memory_space<vmem>>
    %dma_start3A_279 = tpu.memref_squeeze %dma_start3A_278 : memref<1x128xi32, #tpu.memory_space<vmem>> -> memref<128xi32, #tpu.memory_space<vmem>>
    %dma_start3A_280 = arith.constant 0 : i32
    %dma_start3A_281 = arith.constant 0 : i32
    %dma_start3A_282 = tpu.memref_slice %arg2[%dma_start3A_280, %dma_start3A_281] : memref<262144x64xf32, #tpu.memory_space<hbm>> -> memref<262144x64xf32, #tpu.memory_space<hbm>>
    tpu.enqueue_indirect_dma source(%dma_start3A_282 : memref<262144x64xf32, #tpu.memory_space<hbm>>) target(%dma_start3A_276 : memref<128x64xf32, #tpu.memory_space<vmem>>) offsets(%dma_start3A_279 : memref<128xi32, #tpu.memory_space<vmem>>) semaphore(%arg8 : memref<!tpu.dma_semaphore, #tpu.memory_space<semaphore_mem>>)
    %dma_start3A_283 = arith.constant 13 : i32
    %dma_start3A_284 = arith.constant 128 : i32
    %dma_start3A_285 = arith.constant 0 : i32
    %dma_start3A_286 = tpu.memref_slice %arg7[%dma_start3A_284, %dma_start3A_285] : memref<512x64xf32, #tpu.memory_space<vmem>> -> memref<128x64xf32, #tpu.memory_space<vmem>>
    %dma_start3A_287 = arith.constant 0 : i32
    %dma_start3A_288 = tpu.memref_slice %arg5[%dma_start3A_283, %dma_start3A_287] : memref<16x128xi32, #tpu.memory_space<vmem>> -> memref<1x128xi32, #tpu.memory_space<vmem>>
    %dma_start3A_289 = tpu.memref_squeeze %dma_start3A_288 : memref<1x128xi32, #tpu.memory_space<vmem>> -> memref<128xi32, #tpu.memory_space<vmem>>
    %dma_start3A_290 = arith.constant 0 : i32
    %dma_start3A_291 = arith.constant 0 : i32
    %dma_start3A_292 = tpu.memref_slice %arg2[%dma_start3A_290, %dma_start3A_291] : memref<262144x64xf32, #tpu.memory_space<hbm>> -> memref<262144x64xf32, #tpu.memory_space<hbm>>
    tpu.enqueue_indirect_dma source(%dma_start3A_292 : memref<262144x64xf32, #tpu.memory_space<hbm>>) target(%dma_start3A_286 : memref<128x64xf32, #tpu.memory_space<vmem>>) offsets(%dma_start3A_289 : memref<128xi32, #tpu.memory_space<vmem>>) semaphore(%arg8 : memref<!tpu.dma_semaphore, #tpu.memory_space<semaphore_mem>>)
    %dma_start3A_293 = arith.constant 14 : i32
    %dma_start3A_294 = arith.constant 256 : i32
    %dma_start3A_295 = arith.constant 0 : i32
    %dma_start3A_296 = tpu.memref_slice %arg7[%dma_start3A_294, %dma_start3A_295] : memref<512x64xf32, #tpu.memory_space<vmem>> -> memref<128x64xf32, #tpu.memory_space<vmem>>
    %dma_start3A_297 = arith.constant 0 : i32
    %dma_start3A_298 = tpu.memref_slice %arg5[%dma_start3A_293, %dma_start3A_297] : memref<16x128xi32, #tpu.memory_space<vmem>> -> memref<1x128xi32, #tpu.memory_space<vmem>>
    %dma_start3A_299 = tpu.memref_squeeze %dma_start3A_298 : memref<1x128xi32, #tpu.memory_space<vmem>> -> memref<128xi32, #tpu.memory_space<vmem>>
    %dma_start3A_300 = arith.constant 0 : i32
    %dma_start3A_301 = arith.constant 0 : i32
    %dma_start3A_302 = tpu.memref_slice %arg2[%dma_start3A_300, %dma_start3A_301] : memref<262144x64xf32, #tpu.memory_space<hbm>> -> memref<262144x64xf32, #tpu.memory_space<hbm>>
    tpu.enqueue_indirect_dma source(%dma_start3A_302 : memref<262144x64xf32, #tpu.memory_space<hbm>>) target(%dma_start3A_296 : memref<128x64xf32, #tpu.memory_space<vmem>>) offsets(%dma_start3A_299 : memref<128xi32, #tpu.memory_space<vmem>>) semaphore(%arg8 : memref<!tpu.dma_semaphore, #tpu.memory_space<semaphore_mem>>)
    %dma_start3A_303 = arith.constant 15 : i32
    %dma_start3A_304 = arith.constant 384 : i32
    %dma_start3A_305 = arith.constant 0 : i32
    %dma_start3A_306 = tpu.memref_slice %arg7[%dma_start3A_304, %dma_start3A_305] : memref<512x64xf32, #tpu.memory_space<vmem>> -> memref<128x64xf32, #tpu.memory_space<vmem>>
    %dma_start3A_307 = arith.constant 0 : i32
    %dma_start3A_308 = tpu.memref_slice %arg5[%dma_start3A_303, %dma_start3A_307] : memref<16x128xi32, #tpu.memory_space<vmem>> -> memref<1x128xi32, #tpu.memory_space<vmem>>
    %dma_start3A_309 = tpu.memref_squeeze %dma_start3A_308 : memref<1x128xi32, #tpu.memory_space<vmem>> -> memref<128xi32, #tpu.memory_space<vmem>>
    %dma_start3A_310 = arith.constant 0 : i32
    %dma_start3A_311 = arith.constant 0 : i32
    %dma_start3A_312 = tpu.memref_slice %arg2[%dma_start3A_310, %dma_start3A_311] : memref<262144x64xf32, #tpu.memory_space<hbm>> -> memref<262144x64xf32, #tpu.memory_space<hbm>>
    tpu.enqueue_indirect_dma source(%dma_start3A_312 : memref<262144x64xf32, #tpu.memory_space<hbm>>) target(%dma_start3A_306 : memref<128x64xf32, #tpu.memory_space<vmem>>) offsets(%dma_start3A_309 : memref<128xi32, #tpu.memory_space<vmem>>) semaphore(%arg8 : memref<!tpu.dma_semaphore, #tpu.memory_space<semaphore_mem>>)
    %dma_wait3A_313 = arith.constant 12 : i32
    %dma_wait3A_314 = arith.constant 0 : i32
    %dma_wait3A_315 = arith.constant 0 : i32
    %dma_wait3A_316 = tpu.memref_slice %arg7[%dma_wait3A_314, %dma_wait3A_315] : memref<512x64xf32, #tpu.memory_space<vmem>> -> memref<128x64xf32, #tpu.memory_space<vmem>>
    %dma_wait3A_317 = arith.constant 0 : i32
    %dma_wait3A_318 = tpu.memref_slice %arg5[%dma_wait3A_313, %dma_wait3A_317] : memref<16x128xi32, #tpu.memory_space<vmem>> -> memref<1x128xi32, #tpu.memory_space<vmem>>
    %dma_wait3A_319 = tpu.memref_squeeze %dma_wait3A_318 : memref<1x128xi32, #tpu.memory_space<vmem>> -> memref<128xi32, #tpu.memory_space<vmem>>
    %dma_wait3A_320 = arith.constant 0 : i32
    %dma_wait3A_321 = arith.constant 0 : i32
    %dma_wait3A_322 = tpu.memref_slice %arg2[%dma_wait3A_320, %dma_wait3A_321] : memref<262144x64xf32, #tpu.memory_space<hbm>> -> memref<262144x64xf32, #tpu.memory_space<hbm>>
    tpu.wait_indirect_dma semaphore(%arg8 : memref<!tpu.dma_semaphore, #tpu.memory_space<semaphore_mem>>) src(%dma_wait3A_322 : memref<262144x64xf32, #tpu.memory_space<hbm>>) dst(%dma_wait3A_316 : memref<128x64xf32, #tpu.memory_space<vmem>>)
    %dma_wait3A_323 = arith.constant 13 : i32
    %dma_wait3A_324 = arith.constant 128 : i32
    %dma_wait3A_325 = arith.constant 0 : i32
    %dma_wait3A_326 = tpu.memref_slice %arg7[%dma_wait3A_324, %dma_wait3A_325] : memref<512x64xf32, #tpu.memory_space<vmem>> -> memref<128x64xf32, #tpu.memory_space<vmem>>
    %dma_wait3A_327 = arith.constant 0 : i32
    %dma_wait3A_328 = tpu.memref_slice %arg5[%dma_wait3A_323, %dma_wait3A_327] : memref<16x128xi32, #tpu.memory_space<vmem>> -> memref<1x128xi32, #tpu.memory_space<vmem>>
    %dma_wait3A_329 = tpu.memref_squeeze %dma_wait3A_328 : memref<1x128xi32, #tpu.memory_space<vmem>> -> memref<128xi32, #tpu.memory_space<vmem>>
    %dma_wait3A_330 = arith.constant 0 : i32
    %dma_wait3A_331 = arith.constant 0 : i32
    %dma_wait3A_332 = tpu.memref_slice %arg2[%dma_wait3A_330, %dma_wait3A_331] : memref<262144x64xf32, #tpu.memory_space<hbm>> -> memref<262144x64xf32, #tpu.memory_space<hbm>>
    tpu.wait_indirect_dma semaphore(%arg8 : memref<!tpu.dma_semaphore, #tpu.memory_space<semaphore_mem>>) src(%dma_wait3A_332 : memref<262144x64xf32, #tpu.memory_space<hbm>>) dst(%dma_wait3A_326 : memref<128x64xf32, #tpu.memory_space<vmem>>)
    %dma_wait3A_333 = arith.constant 14 : i32
    %dma_wait3A_334 = arith.constant 256 : i32
    %dma_wait3A_335 = arith.constant 0 : i32
    %dma_wait3A_336 = tpu.memref_slice %arg7[%dma_wait3A_334, %dma_wait3A_335] : memref<512x64xf32, #tpu.memory_space<vmem>> -> memref<128x64xf32, #tpu.memory_space<vmem>>
    %dma_wait3A_337 = arith.constant 0 : i32
    %dma_wait3A_338 = tpu.memref_slice %arg5[%dma_wait3A_333, %dma_wait3A_337] : memref<16x128xi32, #tpu.memory_space<vmem>> -> memref<1x128xi32, #tpu.memory_space<vmem>>
    %dma_wait3A_339 = tpu.memref_squeeze %dma_wait3A_338 : memref<1x128xi32, #tpu.memory_space<vmem>> -> memref<128xi32, #tpu.memory_space<vmem>>
    %dma_wait3A_340 = arith.constant 0 : i32
    %dma_wait3A_341 = arith.constant 0 : i32
    %dma_wait3A_342 = tpu.memref_slice %arg2[%dma_wait3A_340, %dma_wait3A_341] : memref<262144x64xf32, #tpu.memory_space<hbm>> -> memref<262144x64xf32, #tpu.memory_space<hbm>>
    tpu.wait_indirect_dma semaphore(%arg8 : memref<!tpu.dma_semaphore, #tpu.memory_space<semaphore_mem>>) src(%dma_wait3A_342 : memref<262144x64xf32, #tpu.memory_space<hbm>>) dst(%dma_wait3A_336 : memref<128x64xf32, #tpu.memory_space<vmem>>)
    %dma_wait3A_343 = arith.constant 15 : i32
    %dma_wait3A_344 = arith.constant 384 : i32
    %dma_wait3A_345 = arith.constant 0 : i32
    %dma_wait3A_346 = tpu.memref_slice %arg7[%dma_wait3A_344, %dma_wait3A_345] : memref<512x64xf32, #tpu.memory_space<vmem>> -> memref<128x64xf32, #tpu.memory_space<vmem>>
    %dma_wait3A_347 = arith.constant 0 : i32
    %dma_wait3A_348 = tpu.memref_slice %arg5[%dma_wait3A_343, %dma_wait3A_347] : memref<16x128xi32, #tpu.memory_space<vmem>> -> memref<1x128xi32, #tpu.memory_space<vmem>>
    %dma_wait3A_349 = tpu.memref_squeeze %dma_wait3A_348 : memref<1x128xi32, #tpu.memory_space<vmem>> -> memref<128xi32, #tpu.memory_space<vmem>>
    %dma_wait3A_350 = arith.constant 0 : i32
    %dma_wait3A_351 = arith.constant 0 : i32
    %dma_wait3A_352 = tpu.memref_slice %arg2[%dma_wait3A_350, %dma_wait3A_351] : memref<262144x64xf32, #tpu.memory_space<hbm>> -> memref<262144x64xf32, #tpu.memory_space<hbm>>
    tpu.wait_indirect_dma semaphore(%arg8 : memref<!tpu.dma_semaphore, #tpu.memory_space<semaphore_mem>>) src(%dma_wait3A_352 : memref<262144x64xf32, #tpu.memory_space<hbm>>) dst(%dma_wait3A_346 : memref<128x64xf32, #tpu.memory_space<vmem>>)
    %mul3A_353 = arith.constant 2048 : i32
    %mul3A_354 = arith.muli %add3A, %mul3A_353 : i32
    %add3A_355 = arith.constant 1536 : i32
    %add3A_356 = arith.addi %mul3A_354, %add3A_355 : i32
    %dma_start3A_357 = arith.constant 0 : i32
    %dma_start3A_358 = tpu.memref_slice %arg4[%add3A_356, %dma_start3A_357] : memref<65536x64xf32, #tpu.memory_space<hbm>> -> memref<512x64xf32, #tpu.memory_space<hbm>>
    %dma_start3A_359 = arith.constant 0 : i32
    %dma_start3A_360 = tpu.memref_slice %arg4[%add3A_356, %dma_start3A_359] : memref<65536x64xf32, #tpu.memory_space<hbm>> -> memref<512x64xf32, #tpu.memory_space<hbm>>
    tpu.enqueue_dma source(%arg7 : memref<512x64xf32, #tpu.memory_space<vmem>>) target(%dma_start3A_360 : memref<512x64xf32, #tpu.memory_space<hbm>>) target_semaphore(%arg9 : memref<!tpu.dma_semaphore, #tpu.memory_space<semaphore_mem>>)
    %dma_wait3A_361 = arith.constant 0 : i32
    %dma_wait3A_362 = tpu.memref_slice %arg4[%add3A_264, %dma_wait3A_361] : memref<65536x64xf32, #tpu.memory_space<hbm>> -> memref<512x64xf32, #tpu.memory_space<hbm>>
    %dma_wait3A_363 = arith.constant 0 : i32
    %dma_wait3A_364 = tpu.memref_slice %arg4[%add3A_264, %dma_wait3A_363] : memref<65536x64xf32, #tpu.memory_space<hbm>> -> memref<512x64xf32, #tpu.memory_space<hbm>>
    tpu.wait_dma2 semaphore(%arg9 : memref<!tpu.dma_semaphore, #tpu.memory_space<semaphore_mem>>) src(%arg6 : memref<512x64xf32, #tpu.memory_space<vmem>>) dst(%dma_wait3A_364 : memref<512x64xf32, #tpu.memory_space<hbm>>)
    %dma_wait3A_365 = arith.constant 0 : i32
    %dma_wait3A_366 = tpu.memref_slice %arg4[%add3A_356, %dma_wait3A_365] : memref<65536x64xf32, #tpu.memory_space<hbm>> -> memref<512x64xf32, #tpu.memory_space<hbm>>
    %dma_wait3A_367 = arith.constant 0 : i32
    %dma_wait3A_368 = tpu.memref_slice %arg4[%add3A_356, %dma_wait3A_367] : memref<65536x64xf32, #tpu.memory_space<hbm>> -> memref<512x64xf32, #tpu.memory_space<hbm>>
    tpu.wait_dma2 semaphore(%arg9 : memref<!tpu.dma_semaphore, #tpu.memory_space<semaphore_mem>>) src(%arg7 : memref<512x64xf32, #tpu.memory_space<vmem>>) dst(%dma_wait3A_368 : memref<512x64xf32, #tpu.memory_space<hbm>>)
    return
  }
}

module attributes {stable_mosaic.version = 14 : i64} {
  func.func @_idx_kernel(%arg0: i32, %arg1: memref<1024x3xf32, #tpu.memory_space<vmem>>, %arg2: memref<1024x8xi32, #tpu.memory_space<vmem>>, %arg3: memref<1024x8xf32, #tpu.memory_space<vmem>>) attributes {dimension_semantics = [#tpu.dimension_semantics<arbitrary>], iteration_bounds = array<i64: 8>, scalar_prefetch = 0 : i64, scratch_operands = 0 : i64, tpu.core_type = #tpu.core_type<tc>, window_params = [{transform_indices = @transform_0, window_bounds = array<i64: 1024, 3>}, {transform_indices = @transform_1, window_bounds = array<i64: 1024, 8>}, {transform_indices = @transform_2, window_bounds = array<i64: 1024, 8>}]} {
    %get3A = arith.constant 0 : index
    %get3A_0 = arith.constant 0 : index
    %get3A_1 = vector.load %arg1[%get3A, %get3A_0] : memref<1024x3xf32, #tpu.memory_space<vmem>>, vector<1024x3xf32>
    %mul3A = arith.constant 1024 : i32
    %mul3A_2 = arith.muli %arg0, %mul3A : i32
    %slice3A = vector.extract_strided_slice %get3A_1 {offsets = [0, 0], sizes = [1024, 1], strides = [1, 1]} : vector<1024x3xf32> to vector<1024x1xf32>
    %jit3A = arith.constant 0.000000e+00 : f32
    %jit3A_3 = arith.constant 3.099990e+01 : f32
    %max3A = vector.broadcast %jit3A : f32 to vector<1024x1xf32>
    %max3A_4 = arith.maximumf %max3A, %slice3A : vector<1024x1xf32>
    %min3A = vector.broadcast %jit3A_3 : f32 to vector<1024x1xf32>
    %min3A_5 = arith.minimumf %min3A, %max3A_4 : vector<1024x1xf32>
    %slice3A_6 = vector.extract_strided_slice %get3A_1 {offsets = [0, 1], sizes = [1024, 1], strides = [1, 1]} : vector<1024x3xf32> to vector<1024x1xf32>
    %jit3A_7 = arith.constant 0.000000e+00 : f32
    %jit3A_8 = arith.constant 6.299990e+01 : f32
    %max3A_9 = vector.broadcast %jit3A_7 : f32 to vector<1024x1xf32>
    %max3A_10 = arith.maximumf %max3A_9, %slice3A_6 : vector<1024x1xf32>
    %min3A_11 = vector.broadcast %jit3A_8 : f32 to vector<1024x1xf32>
    %min3A_12 = arith.minimumf %min3A_11, %max3A_10 : vector<1024x1xf32>
    %slice3A_13 = vector.extract_strided_slice %get3A_1 {offsets = [0, 2], sizes = [1024, 1], strides = [1, 1]} : vector<1024x3xf32> to vector<1024x1xf32>
    %jit3A_14 = arith.constant 0.000000e+00 : f32
    %jit3A_15 = arith.constant 6.299990e+01 : f32
    %max3A_16 = vector.broadcast %jit3A_14 : f32 to vector<1024x1xf32>
    %max3A_17 = arith.maximumf %max3A_16, %slice3A_13 : vector<1024x1xf32>
    %min3A_18 = vector.broadcast %jit3A_15 : f32 to vector<1024x1xf32>
    %min3A_19 = arith.minimumf %min3A_18, %max3A_17 : vector<1024x1xf32>
    %floor3A = math.floor %min3A_5 : vector<1024x1xf32>
    %floor3A_20 = math.floor %min3A_12 : vector<1024x1xf32>
    %floor3A_21 = math.floor %min3A_19 : vector<1024x1xf32>
    %convert_element_type3A = arith.fptosi %floor3A : vector<1024x1xf32> to vector<1024x1xi32>
    %convert_element_type3A_22 = arith.fptosi %floor3A_20 : vector<1024x1xf32> to vector<1024x1xi32>
    %convert_element_type3A_23 = arith.fptosi %floor3A_21 : vector<1024x1xf32> to vector<1024x1xi32>
    %add3A = arith.constant 1 : i32
    %add3A_24 = vector.broadcast %add3A : i32 to vector<1024x1xi32>
    %add3A_25 = arith.addi %convert_element_type3A, %add3A_24 : vector<1024x1xi32>
    %min3A_26 = arith.constant 31 : i32
    %min3A_27 = vector.broadcast %min3A_26 : i32 to vector<1024x1xi32>
    %min3A_28 = arith.minsi %add3A_25, %min3A_27 : vector<1024x1xi32>
    %add3A_29 = arith.constant 1 : i32
    %add3A_30 = vector.broadcast %add3A_29 : i32 to vector<1024x1xi32>
    %add3A_31 = arith.addi %convert_element_type3A_22, %add3A_30 : vector<1024x1xi32>
    %min3A_32 = arith.constant 63 : i32
    %min3A_33 = vector.broadcast %min3A_32 : i32 to vector<1024x1xi32>
    %min3A_34 = arith.minsi %add3A_31, %min3A_33 : vector<1024x1xi32>
    %add3A_35 = arith.constant 1 : i32
    %add3A_36 = vector.broadcast %add3A_35 : i32 to vector<1024x1xi32>
    %add3A_37 = arith.addi %convert_element_type3A_23, %add3A_36 : vector<1024x1xi32>
    %min3A_38 = arith.constant 63 : i32
    %min3A_39 = vector.broadcast %min3A_38 : i32 to vector<1024x1xi32>
    %min3A_40 = arith.minsi %add3A_37, %min3A_39 : vector<1024x1xi32>
    %sub3A = arith.subf %min3A_5, %floor3A : vector<1024x1xf32>
    %sub3A_41 = arith.subf %min3A_12, %floor3A_20 : vector<1024x1xf32>
    %sub3A_42 = arith.subf %min3A_19, %floor3A_21 : vector<1024x1xf32>
    %iota3A = tpu.iota {dimensions = array<i32: 0>} : vector<1024x1xi32>
    %add3A_43 = vector.broadcast %mul3A_2 : i32 to vector<1024x1xi32>
    %add3A_44 = arith.addi %add3A_43, %iota3A : vector<1024x1xi32>
    %jit3A_45 = arith.constant 4096 : i32
    %div3A = vector.broadcast %jit3A_45 : i32 to vector<1024x1xi32>
    %div3A_46 = arith.divsi %add3A_44, %div3A : vector<1024x1xi32>
    %sign3A = arith.constant 0 : i32
    %sign3A_47 = vector.broadcast %sign3A : i32 to vector<1024x1xi32>
    %sign3A_48 = arith.cmpi sgt, %add3A_44, %sign3A_47 : vector<1024x1xi32>
    %sign3A_49 = arith.extui %sign3A_48 : vector<1024x1xi1> to vector<1024x1xi32>
    %sign3A_50 = arith.constant 0 : i32
    %sign3A_51 = vector.broadcast %sign3A_50 : i32 to vector<1024x1xi32>
    %sign3A_52 = arith.cmpi slt, %add3A_44, %sign3A_51 : vector<1024x1xi32>
    %sign3A_53 = arith.extui %sign3A_52 : vector<1024x1xi1> to vector<1024x1xi32>
    %sign3A_54 = arith.subi %sign3A_49, %sign3A_53 : vector<1024x1xi32>
    %sign3A_55 = arith.constant 0 : i32
    %sign3A_56 = arith.cmpi sgt, %jit3A_45, %sign3A_55 : i32
    %sign3A_57 = arith.extui %sign3A_56 : i1 to i32
    %sign3A_58 = arith.constant 0 : i32
    %sign3A_59 = arith.cmpi slt, %jit3A_45, %sign3A_58 : i32
    %sign3A_60 = arith.extui %sign3A_59 : i1 to i32
    %sign3A_61 = arith.subi %sign3A_57, %sign3A_60 : i32
    %ne3A = vector.broadcast %sign3A_61 : i32 to vector<1024x1xi32>
    %ne3A_62 = arith.cmpi ne, %sign3A_54, %ne3A : vector<1024x1xi32>
    %rem3A = vector.broadcast %jit3A_45 : i32 to vector<1024x1xi32>
    %rem3A_63 = arith.remsi %add3A_44, %rem3A : vector<1024x1xi32>
    %ne3A_64 = arith.constant 0 : i32
    %ne3A_65 = vector.broadcast %ne3A_64 : i32 to vector<1024x1xi32>
    %ne3A_66 = arith.cmpi ne, %rem3A_63, %ne3A_65 : vector<1024x1xi32>
    %and3A = arith.andi %ne3A_62, %ne3A_66 : vector<1024x1xi1>
    %sub3A_67 = arith.constant 1 : i32
    %sub3A_68 = vector.broadcast %sub3A_67 : i32 to vector<1024x1xi32>
    %sub3A_69 = arith.subi %div3A_46, %sub3A_68 : vector<1024x1xi32>
    %select_n3A = arith.select %and3A, %sub3A_69, %div3A_46 : vector<1024x1xi1>, vector<1024x1xi32>
    %mul3A_70 = arith.constant 131072 : i32
    %mul3A_71 = vector.broadcast %mul3A_70 : i32 to vector<1024x1xi32>
    %mul3A_72 = arith.muli %select_n3A, %mul3A_71 : vector<1024x1xi32>
    %mul3A_73 = arith.constant 64 : i32
    %mul3A_74 = vector.broadcast %mul3A_73 : i32 to vector<1024x1xi32>
    %mul3A_75 = arith.muli %convert_element_type3A, %mul3A_74 : vector<1024x1xi32>
    %add3A_76 = arith.addi %mul3A_75, %convert_element_type3A_22 : vector<1024x1xi32>
    %mul3A_77 = arith.constant 64 : i32
    %mul3A_78 = vector.broadcast %mul3A_77 : i32 to vector<1024x1xi32>
    %mul3A_79 = arith.muli %add3A_76, %mul3A_78 : vector<1024x1xi32>
    %add3A_80 = arith.addi %mul3A_72, %mul3A_79 : vector<1024x1xi32>
    %add3A_81 = arith.addi %add3A_80, %convert_element_type3A_23 : vector<1024x1xi32>
    %swap3A = arith.constant 0 : index
    %swap3A_82 = arith.constant 0 : index
    %swap3A_83 = vector.load %arg2[%swap3A, %swap3A_82] : memref<1024x8xi32, #tpu.memory_space<vmem>>, vector<1024x1xi32>
    tpu.vector_store %arg2[%swap3A, %swap3A_82], %add3A_81 {strides = array<i32>} : memref<1024x8xi32, #tpu.memory_space<vmem>>, vector<1024x1xi32>,
    %sub3A_84 = arith.constant 1.000000e+00 : f32
    %sub3A_85 = vector.broadcast %sub3A_84 : f32 to vector<1024x1xf32>
    %sub3A_86 = arith.subf %sub3A_85, %sub3A : vector<1024x1xf32>
    %sub3A_87 = arith.constant 1.000000e+00 : f32
    %sub3A_88 = vector.broadcast %sub3A_87 : f32 to vector<1024x1xf32>
    %sub3A_89 = arith.subf %sub3A_88, %sub3A_41 : vector<1024x1xf32>
    %mul3A_90 = arith.mulf %sub3A_86, %sub3A_89 : vector<1024x1xf32>
    %sub3A_91 = arith.constant 1.000000e+00 : f32
    %sub3A_92 = vector.broadcast %sub3A_91 : f32 to vector<1024x1xf32>
    %sub3A_93 = arith.subf %sub3A_92, %sub3A_42 : vector<1024x1xf32>
    %mul3A_94 = arith.mulf %mul3A_90, %sub3A_93 : vector<1024x1xf32>
    %swap3A_95 = arith.constant 0 : index
    %swap3A_96 = arith.constant 0 : index
    %swap3A_97 = vector.load %arg3[%swap3A_95, %swap3A_96] : memref<1024x8xf32, #tpu.memory_space<vmem>>, vector<1024x1xf32>
    tpu.vector_store %arg3[%swap3A_95, %swap3A_96], %mul3A_94 {strides = array<i32>} : memref<1024x8xf32, #tpu.memory_space<vmem>>, vector<1024x1xf32>,
    %mul3A_98 = arith.constant 64 : i32
    %mul3A_99 = vector.broadcast %mul3A_98 : i32 to vector<1024x1xi32>
    %mul3A_100 = arith.muli %convert_element_type3A, %mul3A_99 : vector<1024x1xi32>
    %add3A_101 = arith.addi %mul3A_100, %convert_element_type3A_22 : vector<1024x1xi32>
    %mul3A_102 = arith.constant 64 : i32
    %mul3A_103 = vector.broadcast %mul3A_102 : i32 to vector<1024x1xi32>
    %mul3A_104 = arith.muli %add3A_101, %mul3A_103 : vector<1024x1xi32>
    %add3A_105 = arith.addi %mul3A_72, %mul3A_104 : vector<1024x1xi32>
    %add3A_106 = arith.addi %add3A_105, %min3A_40 : vector<1024x1xi32>
    %swap3A_107 = arith.constant 0 : index
    %swap3A_108 = arith.constant 1 : index
    %swap3A_109 = vector.load %arg2[%swap3A_107, %swap3A_108] : memref<1024x8xi32, #tpu.memory_space<vmem>>, vector<1024x1xi32>
    tpu.vector_store %arg2[%swap3A_107, %swap3A_108], %add3A_106 {strides = array<i32>} : memref<1024x8xi32, #tpu.memory_space<vmem>>, vector<1024x1xi32>,
    %sub3A_110 = arith.constant 1.000000e+00 : f32
    %sub3A_111 = vector.broadcast %sub3A_110 : f32 to vector<1024x1xf32>
    %sub3A_112 = arith.subf %sub3A_111, %sub3A : vector<1024x1xf32>
    %sub3A_113 = arith.constant 1.000000e+00 : f32
    %sub3A_114 = vector.broadcast %sub3A_113 : f32 to vector<1024x1xf32>
    %sub3A_115 = arith.subf %sub3A_114, %sub3A_41 : vector<1024x1xf32>
    %mul3A_116 = arith.mulf %sub3A_112, %sub3A_115 : vector<1024x1xf32>
    %mul3A_117 = arith.mulf %mul3A_116, %sub3A_42 : vector<1024x1xf32>
    %swap3A_118 = arith.constant 0 : index
    %swap3A_119 = arith.constant 1 : index
    %swap3A_120 = vector.load %arg3[%swap3A_118, %swap3A_119] : memref<1024x8xf32, #tpu.memory_space<vmem>>, vector<1024x1xf32>
    tpu.vector_store %arg3[%swap3A_118, %swap3A_119], %mul3A_117 {strides = array<i32>} : memref<1024x8xf32, #tpu.memory_space<vmem>>, vector<1024x1xf32>,
    %mul3A_121 = arith.constant 64 : i32
    %mul3A_122 = vector.broadcast %mul3A_121 : i32 to vector<1024x1xi32>
    %mul3A_123 = arith.muli %convert_element_type3A, %mul3A_122 : vector<1024x1xi32>
    %add3A_124 = arith.addi %mul3A_123, %min3A_34 : vector<1024x1xi32>
    %mul3A_125 = arith.constant 64 : i32
    %mul3A_126 = vector.broadcast %mul3A_125 : i32 to vector<1024x1xi32>
    %mul3A_127 = arith.muli %add3A_124, %mul3A_126 : vector<1024x1xi32>
    %add3A_128 = arith.addi %mul3A_72, %mul3A_127 : vector<1024x1xi32>
    %add3A_129 = arith.addi %add3A_128, %convert_element_type3A_23 : vector<1024x1xi32>
    %swap3A_130 = arith.constant 0 : index
    %swap3A_131 = arith.constant 2 : index
    %swap3A_132 = vector.load %arg2[%swap3A_130, %swap3A_131] : memref<1024x8xi32, #tpu.memory_space<vmem>>, vector<1024x1xi32>
    tpu.vector_store %arg2[%swap3A_130, %swap3A_131], %add3A_129 {strides = array<i32>} : memref<1024x8xi32, #tpu.memory_space<vmem>>, vector<1024x1xi32>,
    %sub3A_133 = arith.constant 1.000000e+00 : f32
    %sub3A_134 = vector.broadcast %sub3A_133 : f32 to vector<1024x1xf32>
    %sub3A_135 = arith.subf %sub3A_134, %sub3A : vector<1024x1xf32>
    %mul3A_136 = arith.mulf %sub3A_135, %sub3A_41 : vector<1024x1xf32>
    %sub3A_137 = arith.constant 1.000000e+00 : f32
    %sub3A_138 = vector.broadcast %sub3A_137 : f32 to vector<1024x1xf32>
    %sub3A_139 = arith.subf %sub3A_138, %sub3A_42 : vector<1024x1xf32>
    %mul3A_140 = arith.mulf %mul3A_136, %sub3A_139 : vector<1024x1xf32>
    %swap3A_141 = arith.constant 0 : index
    %swap3A_142 = arith.constant 2 : index
    %swap3A_143 = vector.load %arg3[%swap3A_141, %swap3A_142] : memref<1024x8xf32, #tpu.memory_space<vmem>>, vector<1024x1xf32>
    tpu.vector_store %arg3[%swap3A_141, %swap3A_142], %mul3A_140 {strides = array<i32>} : memref<1024x8xf32, #tpu.memory_space<vmem>>, vector<1024x1xf32>,
    %mul3A_144 = arith.constant 64 : i32
    %mul3A_145 = vector.broadcast %mul3A_144 : i32 to vector<1024x1xi32>
    %mul3A_146 = arith.muli %convert_element_type3A, %mul3A_145 : vector<1024x1xi32>
    %add3A_147 = arith.addi %mul3A_146, %min3A_34 : vector<1024x1xi32>
    %mul3A_148 = arith.constant 64 : i32
    %mul3A_149 = vector.broadcast %mul3A_148 : i32 to vector<1024x1xi32>
    %mul3A_150 = arith.muli %add3A_147, %mul3A_149 : vector<1024x1xi32>
    %add3A_151 = arith.addi %mul3A_72, %mul3A_150 : vector<1024x1xi32>
    %add3A_152 = arith.addi %add3A_151, %min3A_40 : vector<1024x1xi32>
    %swap3A_153 = arith.constant 0 : index
    %swap3A_154 = arith.constant 3 : index
    %swap3A_155 = vector.load %arg2[%swap3A_153, %swap3A_154] : memref<1024x8xi32, #tpu.memory_space<vmem>>, vector<1024x1xi32>
    tpu.vector_store %arg2[%swap3A_153, %swap3A_154], %add3A_152 {strides = array<i32>} : memref<1024x8xi32, #tpu.memory_space<vmem>>, vector<1024x1xi32>,
    %sub3A_156 = arith.constant 1.000000e+00 : f32
    %sub3A_157 = vector.broadcast %sub3A_156 : f32 to vector<1024x1xf32>
    %sub3A_158 = arith.subf %sub3A_157, %sub3A : vector<1024x1xf32>
    %mul3A_159 = arith.mulf %sub3A_158, %sub3A_41 : vector<1024x1xf32>
    %mul3A_160 = arith.mulf %mul3A_159, %sub3A_42 : vector<1024x1xf32>
    %swap3A_161 = arith.constant 0 : index
    %swap3A_162 = arith.constant 3 : index
    %swap3A_163 = vector.load %arg3[%swap3A_161, %swap3A_162] : memref<1024x8xf32, #tpu.memory_space<vmem>>, vector<1024x1xf32>
    tpu.vector_store %arg3[%swap3A_161, %swap3A_162], %mul3A_160 {strides = array<i32>} : memref<1024x8xf32, #tpu.memory_space<vmem>>, vector<1024x1xf32>,
    %mul3A_164 = arith.constant 64 : i32
    %mul3A_165 = vector.broadcast %mul3A_164 : i32 to vector<1024x1xi32>
    %mul3A_166 = arith.muli %min3A_28, %mul3A_165 : vector<1024x1xi32>
    %add3A_167 = arith.addi %mul3A_166, %convert_element_type3A_22 : vector<1024x1xi32>
    %mul3A_168 = arith.constant 64 : i32
    %mul3A_169 = vector.broadcast %mul3A_168 : i32 to vector<1024x1xi32>
    %mul3A_170 = arith.muli %add3A_167, %mul3A_169 : vector<1024x1xi32>
    %add3A_171 = arith.addi %mul3A_72, %mul3A_170 : vector<1024x1xi32>
    %add3A_172 = arith.addi %add3A_171, %convert_element_type3A_23 : vector<1024x1xi32>
    %swap3A_173 = arith.constant 0 : index
    %swap3A_174 = arith.constant 4 : index
    %swap3A_175 = vector.load %arg2[%swap3A_173, %swap3A_174] : memref<1024x8xi32, #tpu.memory_space<vmem>>, vector<1024x1xi32>
    tpu.vector_store %arg2[%swap3A_173, %swap3A_174], %add3A_172 {strides = array<i32>} : memref<1024x8xi32, #tpu.memory_space<vmem>>, vector<1024x1xi32>,
    %sub3A_176 = arith.constant 1.000000e+00 : f32
    %sub3A_177 = vector.broadcast %sub3A_176 : f32 to vector<1024x1xf32>
    %sub3A_178 = arith.subf %sub3A_177, %sub3A_41 : vector<1024x1xf32>
    %mul3A_179 = arith.mulf %sub3A, %sub3A_178 : vector<1024x1xf32>
    %sub3A_180 = arith.constant 1.000000e+00 : f32
    %sub3A_181 = vector.broadcast %sub3A_180 : f32 to vector<1024x1xf32>
    %sub3A_182 = arith.subf %sub3A_181, %sub3A_42 : vector<1024x1xf32>
    %mul3A_183 = arith.mulf %mul3A_179, %sub3A_182 : vector<1024x1xf32>
    %swap3A_184 = arith.constant 0 : index
    %swap3A_185 = arith.constant 4 : index
    %swap3A_186 = vector.load %arg3[%swap3A_184, %swap3A_185] : memref<1024x8xf32, #tpu.memory_space<vmem>>, vector<1024x1xf32>
    tpu.vector_store %arg3[%swap3A_184, %swap3A_185], %mul3A_183 {strides = array<i32>} : memref<1024x8xf32, #tpu.memory_space<vmem>>, vector<1024x1xf32>,
    %mul3A_187 = arith.constant 64 : i32
    %mul3A_188 = vector.broadcast %mul3A_187 : i32 to vector<1024x1xi32>
    %mul3A_189 = arith.muli %min3A_28, %mul3A_188 : vector<1024x1xi32>
    %add3A_190 = arith.addi %mul3A_189, %convert_element_type3A_22 : vector<1024x1xi32>
    %mul3A_191 = arith.constant 64 : i32
    %mul3A_192 = vector.broadcast %mul3A_191 : i32 to vector<1024x1xi32>
    %mul3A_193 = arith.muli %add3A_190, %mul3A_192 : vector<1024x1xi32>
    %add3A_194 = arith.addi %mul3A_72, %mul3A_193 : vector<1024x1xi32>
    %add3A_195 = arith.addi %add3A_194, %min3A_40 : vector<1024x1xi32>
    %swap3A_196 = arith.constant 0 : index
    %swap3A_197 = arith.constant 5 : index
    %swap3A_198 = vector.load %arg2[%swap3A_196, %swap3A_197] : memref<1024x8xi32, #tpu.memory_space<vmem>>, vector<1024x1xi32>
    tpu.vector_store %arg2[%swap3A_196, %swap3A_197], %add3A_195 {strides = array<i32>} : memref<1024x8xi32, #tpu.memory_space<vmem>>, vector<1024x1xi32>,
    %sub3A_199 = arith.constant 1.000000e+00 : f32
    %sub3A_200 = vector.broadcast %sub3A_199 : f32 to vector<1024x1xf32>
    %sub3A_201 = arith.subf %sub3A_200, %sub3A_41 : vector<1024x1xf32>
    %mul3A_202 = arith.mulf %sub3A, %sub3A_201 : vector<1024x1xf32>
    %mul3A_203 = arith.mulf %mul3A_202, %sub3A_42 : vector<1024x1xf32>
    %swap3A_204 = arith.constant 0 : index
    %swap3A_205 = arith.constant 5 : index
    %swap3A_206 = vector.load %arg3[%swap3A_204, %swap3A_205] : memref<1024x8xf32, #tpu.memory_space<vmem>>, vector<1024x1xf32>
    tpu.vector_store %arg3[%swap3A_204, %swap3A_205], %mul3A_203 {strides = array<i32>} : memref<1024x8xf32, #tpu.memory_space<vmem>>, vector<1024x1xf32>,
    %mul3A_207 = arith.constant 64 : i32
    %mul3A_208 = vector.broadcast %mul3A_207 : i32 to vector<1024x1xi32>
    %mul3A_209 = arith.muli %min3A_28, %mul3A_208 : vector<1024x1xi32>
    %add3A_210 = arith.addi %mul3A_209, %min3A_34 : vector<1024x1xi32>
    %mul3A_211 = arith.constant 64 : i32
    %mul3A_212 = vector.broadcast %mul3A_211 : i32 to vector<1024x1xi32>
    %mul3A_213 = arith.muli %add3A_210, %mul3A_212 : vector<1024x1xi32>
    %add3A_214 = arith.addi %mul3A_72, %mul3A_213 : vector<1024x1xi32>
    %add3A_215 = arith.addi %add3A_214, %convert_element_type3A_23 : vector<1024x1xi32>
    %swap3A_216 = arith.constant 0 : index
    %swap3A_217 = arith.constant 6 : index
    %swap3A_218 = vector.load %arg2[%swap3A_216, %swap3A_217] : memref<1024x8xi32, #tpu.memory_space<vmem>>, vector<1024x1xi32>
    tpu.vector_store %arg2[%swap3A_216, %swap3A_217], %add3A_215 {strides = array<i32>} : memref<1024x8xi32, #tpu.memory_space<vmem>>, vector<1024x1xi32>,
    %mul3A_219 = arith.mulf %sub3A, %sub3A_41 : vector<1024x1xf32>
    %sub3A_220 = arith.constant 1.000000e+00 : f32
    %sub3A_221 = vector.broadcast %sub3A_220 : f32 to vector<1024x1xf32>
    %sub3A_222 = arith.subf %sub3A_221, %sub3A_42 : vector<1024x1xf32>
    %mul3A_223 = arith.mulf %mul3A_219, %sub3A_222 : vector<1024x1xf32>
    %swap3A_224 = arith.constant 0 : index
    %swap3A_225 = arith.constant 6 : index
    %swap3A_226 = vector.load %arg3[%swap3A_224, %swap3A_225] : memref<1024x8xf32, #tpu.memory_space<vmem>>, vector<1024x1xf32>
    tpu.vector_store %arg3[%swap3A_224, %swap3A_225], %mul3A_223 {strides = array<i32>} : memref<1024x8xf32, #tpu.memory_space<vmem>>, vector<1024x1xf32>,
    %mul3A_227 = arith.constant 64 : i32
    %mul3A_228 = vector.broadcast %mul3A_227 : i32 to vector<1024x1xi32>
    %mul3A_229 = arith.muli %min3A_28, %mul3A_228 : vector<1024x1xi32>
    %add3A_230 = arith.addi %mul3A_229, %min3A_34 : vector<1024x1xi32>
    %mul3A_231 = arith.constant 64 : i32
    %mul3A_232 = vector.broadcast %mul3A_231 : i32 to vector<1024x1xi32>
    %mul3A_233 = arith.muli %add3A_230, %mul3A_232 : vector<1024x1xi32>
    %add3A_234 = arith.addi %mul3A_72, %mul3A_233 : vector<1024x1xi32>
    %add3A_235 = arith.addi %add3A_234, %min3A_40 : vector<1024x1xi32>
    %swap3A_236 = arith.constant 0 : index
    %swap3A_237 = arith.constant 7 : index
    %swap3A_238 = vector.load %arg2[%swap3A_236, %swap3A_237] : memref<1024x8xi32, #tpu.memory_space<vmem>>, vector<1024x1xi32>
    tpu.vector_store %arg2[%swap3A_236, %swap3A_237], %add3A_235 {strides = array<i32>} : memref<1024x8xi32, #tpu.memory_space<vmem>>, vector<1024x1xi32>,
    %mul3A_239 = arith.mulf %sub3A, %sub3A_41 : vector<1024x1xf32>
    %mul3A_240 = arith.mulf %mul3A_239, %sub3A_42 : vector<1024x1xf32>
    %swap3A_241 = arith.constant 0 : index
    %swap3A_242 = arith.constant 7 : index
    %swap3A_243 = vector.load %arg3[%swap3A_241, %swap3A_242] : memref<1024x8xf32, #tpu.memory_space<vmem>>, vector<1024x1xf32>
    tpu.vector_store %arg3[%swap3A_241, %swap3A_242], %mul3A_240 {strides = array<i32>} : memref<1024x8xf32, #tpu.memory_space<vmem>>, vector<1024x1xf32>,
    return
  }
  func.func @transform_0(%arg0: i32) -> (i32, i32) {
    %c0_i32 = arith.constant 0 : i32
    %c0_i32_0 = arith.constant 0 : i32
    return %arg0, %c0_i32 : i32, i32
  }
  func.func @transform_1(%arg0: i32) -> (i32, i32) {
    %c0_i32 = arith.constant 0 : i32
    %c0_i32_0 = arith.constant 0 : i32
    return %arg0, %c0_i32 : i32, i32
  }
  func.func @transform_2(%arg0: i32) -> (i32, i32) {
    %c0_i32 = arith.constant 0 : i32
    %c0_i32_0 = arith.constant 0 : i32
    return %arg0, %c0_i32 : i32, i32
  }
}

module attributes {stable_mosaic.version = 14 : i64} {
  func.func @_gcn_kernel(%arg0: i32, %arg1: memref<2048x3xf32, #tpu.memory_space<vmem>>, %arg2: memref<2048x8xf32, #tpu.memory_space<vmem>>, %arg3: memref<2048x512xf32, #tpu.memory_space<vmem>>, %arg4: memref<64x128xf32, #tpu.memory_space<vmem>>, %arg5: memref<3x128xf32, #tpu.memory_space<vmem>>, %arg6: memref<1x128xf32, #tpu.memory_space<vmem>>, %arg7: memref<4x128x128xf32, #tpu.memory_space<vmem>>, %arg8: memref<4x128xf32, #tpu.memory_space<vmem>>, %arg9: memref<128x2xf32, #tpu.memory_space<vmem>>, %arg10: memref<1x2xf32, #tpu.memory_space<vmem>>, %arg11: memref<2048x3xf32, #tpu.memory_space<vmem>>) attributes {dimension_semantics = [#tpu.dimension_semantics<arbitrary>], iteration_bounds = array<i64: 4>, scalar_prefetch = 0 : i64, scratch_operands = 0 : i64, tpu.core_type = #tpu.core_type<tc>, window_params = [{transform_indices = @transform_0, window_bounds = array<i64: 2048, 3>}, {transform_indices = @transform_1, window_bounds = array<i64: 2048, 8>}, {transform_indices = @transform_2, window_bounds = array<i64: 2048, 512>}, {pipeline_mode = #tpu.pipeline_mode<synchronous>, transform_indices = @transform_3, window_bounds = array<i64: 64, 128>}, {pipeline_mode = #tpu.pipeline_mode<synchronous>, transform_indices = @transform_4, window_bounds = array<i64: 3, 128>}, {pipeline_mode = #tpu.pipeline_mode<synchronous>, transform_indices = @transform_5, window_bounds = array<i64: 1, 128>}, {pipeline_mode = #tpu.pipeline_mode<synchronous>, transform_indices = @transform_6, window_bounds = array<i64: 4, 128, 128>}, {pipeline_mode = #tpu.pipeline_mode<synchronous>, transform_indices = @transform_7, window_bounds = array<i64: 4, 128>}, {pipeline_mode = #tpu.pipeline_mode<synchronous>, transform_indices = @transform_8, window_bounds = array<i64: 128, 2>}, {pipeline_mode = #tpu.pipeline_mode<synchronous>, transform_indices = @transform_9, window_bounds = array<i64: 1, 2>}, {transform_indices = @transform_10, window_bounds = array<i64: 2048, 3>}]} {
    %get3A = arith.constant 0 : index
    %get3A_0 = arith.constant 0 : index
    %get3A_1 = vector.load %arg1[%get3A, %get3A_0] : memref<2048x3xf32, #tpu.memory_space<vmem>>, vector<2048x3xf32>
    %get3A_2 = arith.constant 0 : index
    %get3A_3 = arith.constant 0 : index
    %get3A_4 = vector.load %arg2[%get3A_2, %get3A_3] : memref<2048x8xf32, #tpu.memory_space<vmem>>, vector<2048x8xf32>
    %slice3A = vector.extract_strided_slice %get3A_4 {offsets = [0, 0], sizes = [2048, 1], strides = [1, 1]} : vector<2048x8xf32> to vector<2048x1xf32>
    %get3A_5 = arith.constant 0 : index
    %get3A_6 = arith.constant 0 : index
    %get3A_7 = vector.load %arg3[%get3A_5, %get3A_6] : memref<2048x512xf32, #tpu.memory_space<vmem>>, vector<2048x64xf32>
    %mul3A = vector.broadcast %slice3A : vector<2048x1xf32> to vector<2048x64xf32>
    %mul3A_8 = arith.mulf %mul3A, %get3A_7 : vector<2048x64xf32>
    %slice3A_9 = vector.extract_strided_slice %get3A_4 {offsets = [0, 1], sizes = [2048, 1], strides = [1, 1]} : vector<2048x8xf32> to vector<2048x1xf32>
    %get3A_10 = arith.constant 0 : index
    %get3A_11 = arith.constant 64 : index
    %get3A_12 = vector.load %arg3[%get3A_10, %get3A_11] : memref<2048x512xf32, #tpu.memory_space<vmem>>, vector<2048x64xf32>
    %mul3A_13 = vector.broadcast %slice3A_9 : vector<2048x1xf32> to vector<2048x64xf32>
    %mul3A_14 = arith.mulf %mul3A_13, %get3A_12 : vector<2048x64xf32>
    %add3A = arith.addf %mul3A_8, %mul3A_14 : vector<2048x64xf32>
    %slice3A_15 = vector.extract_strided_slice %get3A_4 {offsets = [0, 2], sizes = [2048, 1], strides = [1, 1]} : vector<2048x8xf32> to vector<2048x1xf32>
    %get3A_16 = arith.constant 0 : index
    %get3A_17 = arith.constant 128 : index
    %get3A_18 = vector.load %arg3[%get3A_16, %get3A_17] : memref<2048x512xf32, #tpu.memory_space<vmem>>, vector<2048x64xf32>
    %mul3A_19 = vector.broadcast %slice3A_15 : vector<2048x1xf32> to vector<2048x64xf32>
    %mul3A_20 = arith.mulf %mul3A_19, %get3A_18 : vector<2048x64xf32>
    %add3A_21 = arith.addf %add3A, %mul3A_20 : vector<2048x64xf32>
    %slice3A_22 = vector.extract_strided_slice %get3A_4 {offsets = [0, 3], sizes = [2048, 1], strides = [1, 1]} : vector<2048x8xf32> to vector<2048x1xf32>
    %get3A_23 = arith.constant 0 : index
    %get3A_24 = arith.constant 192 : index
    %get3A_25 = vector.load %arg3[%get3A_23, %get3A_24] : memref<2048x512xf32, #tpu.memory_space<vmem>>, vector<2048x64xf32>
    %mul3A_26 = vector.broadcast %slice3A_22 : vector<2048x1xf32> to vector<2048x64xf32>
    %mul3A_27 = arith.mulf %mul3A_26, %get3A_25 : vector<2048x64xf32>
    %add3A_28 = arith.addf %add3A_21, %mul3A_27 : vector<2048x64xf32>
    %slice3A_29 = vector.extract_strided_slice %get3A_4 {offsets = [0, 4], sizes = [2048, 1], strides = [1, 1]} : vector<2048x8xf32> to vector<2048x1xf32>
    %get3A_30 = arith.constant 0 : index
    %get3A_31 = arith.constant 256 : index
    %get3A_32 = vector.load %arg3[%get3A_30, %get3A_31] : memref<2048x512xf32, #tpu.memory_space<vmem>>, vector<2048x64xf32>
    %mul3A_33 = vector.broadcast %slice3A_29 : vector<2048x1xf32> to vector<2048x64xf32>
    %mul3A_34 = arith.mulf %mul3A_33, %get3A_32 : vector<2048x64xf32>
    %add3A_35 = arith.addf %add3A_28, %mul3A_34 : vector<2048x64xf32>
    %slice3A_36 = vector.extract_strided_slice %get3A_4 {offsets = [0, 5], sizes = [2048, 1], strides = [1, 1]} : vector<2048x8xf32> to vector<2048x1xf32>
    %get3A_37 = arith.constant 0 : index
    %get3A_38 = arith.constant 320 : index
    %get3A_39 = vector.load %arg3[%get3A_37, %get3A_38] : memref<2048x512xf32, #tpu.memory_space<vmem>>, vector<2048x64xf32>
    %mul3A_40 = vector.broadcast %slice3A_36 : vector<2048x1xf32> to vector<2048x64xf32>
    %mul3A_41 = arith.mulf %mul3A_40, %get3A_39 : vector<2048x64xf32>
    %add3A_42 = arith.addf %add3A_35, %mul3A_41 : vector<2048x64xf32>
    %slice3A_43 = vector.extract_strided_slice %get3A_4 {offsets = [0, 6], sizes = [2048, 1], strides = [1, 1]} : vector<2048x8xf32> to vector<2048x1xf32>
    %get3A_44 = arith.constant 0 : index
    %get3A_45 = arith.constant 384 : index
    %get3A_46 = vector.load %arg3[%get3A_44, %get3A_45] : memref<2048x512xf32, #tpu.memory_space<vmem>>, vector<2048x64xf32>
    %mul3A_47 = vector.broadcast %slice3A_43 : vector<2048x1xf32> to vector<2048x64xf32>
    %mul3A_48 = arith.mulf %mul3A_47, %get3A_46 : vector<2048x64xf32>
    %add3A_49 = arith.addf %add3A_42, %mul3A_48 : vector<2048x64xf32>
    %slice3A_50 = vector.extract_strided_slice %get3A_4 {offsets = [0, 7], sizes = [2048, 1], strides = [1, 1]} : vector<2048x8xf32> to vector<2048x1xf32>
    %get3A_51 = arith.constant 0 : index
    %get3A_52 = arith.constant 448 : index
    %get3A_53 = vector.load %arg3[%get3A_51, %get3A_52] : memref<2048x512xf32, #tpu.memory_space<vmem>>, vector<2048x64xf32>
    %mul3A_54 = vector.broadcast %slice3A_50 : vector<2048x1xf32> to vector<2048x64xf32>
    %mul3A_55 = arith.mulf %mul3A_54, %get3A_53 : vector<2048x64xf32>
    %add3A_56 = arith.addf %add3A_49, %mul3A_55 : vector<2048x64xf32>
    %reshape3A = vector.shape_cast %get3A_1 : vector<2048x3xf32> to vector<16x128x3xf32>
    %reduce_min3A = arith.constant dense<0x7F800000> : vector<16x3xf32>
    %reduce_min3A_57 = vector.multi_reduction <minimumf>, %reshape3A, %reduce_min3A [1] : vector<16x128x3xf32> to vector<16x3xf32>
    %broadcast_in_dim3A = vector.shape_cast %reduce_min3A_57 : vector<16x3xf32> to vector<16x1x3xf32>
    %sub3A = vector.broadcast %broadcast_in_dim3A : vector<16x1x3xf32> to vector<16x128x3xf32>
    %sub3A_58 = arith.subf %reshape3A, %sub3A : vector<16x128x3xf32>
    %reshape3A_59 = vector.shape_cast %sub3A_58 : vector<16x128x3xf32> to vector<2048x3xf32>
    %slice3A_60 = vector.extract_strided_slice %get3A_1 {offsets = [0, 0], sizes = [2048, 1], strides = [1, 1]} : vector<2048x3xf32> to vector<2048x1xf32>
    %slice3A_61 = vector.extract_strided_slice %reshape3A_59 {offsets = [0, 1], sizes = [2048, 2], strides = [1, 1]} : vector<2048x3xf32> to vector<2048x2xf32>
    %mul3A_62 = arith.constant 4.000000e+00 : f32
    %mul3A_63 = vector.broadcast %mul3A_62 : f32 to vector<2048x2xf32>
    %mul3A_64 = arith.mulf %slice3A_61, %mul3A_63 : vector<2048x2xf32>
    %concatenate3A = tpu.concatenate %slice3A_60, %mul3A_64 in 1 : vector<2048x1xf32>, vector<2048x2xf32> -> vector<2048x3xf32>
    %get3A_65 = arith.constant 0 : index
    %get3A_66 = arith.constant 0 : index
    %get3A_67 = vector.load %arg4[%get3A_65, %get3A_66] : memref<64x128xf32, #tpu.memory_space<vmem>>, vector<64x128xf32>
    %dot_general3A = arith.constant dense<0.000000e+00> : vector<2048x128xf32>
    %dot_general3A_68 = tpu.matmul %add3A_56, %get3A_67, %dot_general3A {dimension_numbers = #tpu.dot_dimension_numbers<[1], [0], [0], [1], [0, 0, 1, 1], [], []>, transpose_lhs_hint = false} : vector<2048x64xf32>, vector<64x128xf32>, vector<2048x128xf32> -> vector<2048x128xf32>
    %get3A_69 = arith.constant 0 : index
    %get3A_70 = arith.constant 0 : index
    %get3A_71 = vector.load %arg5[%get3A_69, %get3A_70] : memref<3x128xf32, #tpu.memory_space<vmem>>, vector<3x128xf32>
    %dot_general3A_72 = arith.constant dense<0.000000e+00> : vector<2048x128xf32>
    %dot_general3A_73 = tpu.matmul %concatenate3A, %get3A_71, %dot_general3A_72 {dimension_numbers = #tpu.dot_dimension_numbers<[1], [0], [0], [1], [0, 0, 1, 1], [], []>, transpose_lhs_hint = false} : vector<2048x3xf32>, vector<3x128xf32>, vector<2048x128xf32> -> vector<2048x128xf32>
    %add3A_74 = arith.addf %dot_general3A_68, %dot_general3A_73 : vector<2048x128xf32>
    %get3A_75 = arith.constant 0 : index
    %get3A_76 = arith.constant 0 : index
    %get3A_77 = vector.load %arg6[%get3A_75, %get3A_76] : memref<1x128xf32, #tpu.memory_space<vmem>>, vector<1x128xf32>
    %add3A_78 = vector.broadcast %get3A_77 : vector<1x128xf32> to vector<2048x128xf32>
    %add3A_79 = arith.addf %add3A_74, %add3A_78 : vector<2048x128xf32>
    %max3A = arith.constant 0.000000e+00 : f32
    %max3A_80 = vector.broadcast %max3A : f32 to vector<2048x128xf32>
    %max3A_81 = arith.maximumf %add3A_79, %max3A_80 : vector<2048x128xf32>
    %reshape3A_82 = vector.shape_cast %max3A_81 : vector<2048x128xf32> to vector<16x128x128xf32>
    %slice3A_83 = vector.extract_strided_slice %reshape3A_82 {offsets = [0, 127, 0], sizes = [16, 1, 128], strides = [1, 1, 1]} : vector<16x128x128xf32> to vector<16x1x128xf32>
    %slice3A_84 = vector.extract_strided_slice %reshape3A_82 {offsets = [0, 0, 0], sizes = [16, 127, 128], strides = [1, 1, 1]} : vector<16x128x128xf32> to vector<16x127x128xf32>
    %concatenate3A_85 = tpu.concatenate %slice3A_83, %slice3A_84 in 1 : vector<16x1x128xf32>, vector<16x127x128xf32> -> vector<16x128x128xf32>
    %slice3A_86 = vector.extract_strided_slice %reshape3A_82 {offsets = [0, 1, 0], sizes = [16, 127, 128], strides = [1, 1, 1]} : vector<16x128x128xf32> to vector<16x127x128xf32>
    %slice3A_87 = vector.extract_strided_slice %reshape3A_82 {offsets = [0, 0, 0], sizes = [16, 1, 128], strides = [1, 1, 1]} : vector<16x128x128xf32> to vector<16x1x128xf32>
    %concatenate3A_88 = tpu.concatenate %slice3A_86, %slice3A_87 in 1 : vector<16x127x128xf32>, vector<16x1x128xf32> -> vector<16x128x128xf32>
    %add3A_89 = arith.addf %concatenate3A_85, %concatenate3A_88 : vector<16x128x128xf32>
    %slice3A_90 = vector.extract_strided_slice %reshape3A_82 {offsets = [0, 126, 0], sizes = [16, 2, 128], strides = [1, 1, 1]} : vector<16x128x128xf32> to vector<16x2x128xf32>
    %slice3A_91 = vector.extract_strided_slice %reshape3A_82 {offsets = [0, 0, 0], sizes = [16, 126, 128], strides = [1, 1, 1]} : vector<16x128x128xf32> to vector<16x126x128xf32>
    %concatenate3A_92 = tpu.concatenate %slice3A_90, %slice3A_91 in 1 : vector<16x2x128xf32>, vector<16x126x128xf32> -> vector<16x128x128xf32>
    %add3A_93 = arith.addf %add3A_89, %concatenate3A_92 : vector<16x128x128xf32>
    %slice3A_94 = vector.extract_strided_slice %reshape3A_82 {offsets = [0, 2, 0], sizes = [16, 126, 128], strides = [1, 1, 1]} : vector<16x128x128xf32> to vector<16x126x128xf32>
    %slice3A_95 = vector.extract_strided_slice %reshape3A_82 {offsets = [0, 0, 0], sizes = [16, 2, 128], strides = [1, 1, 1]} : vector<16x128x128xf32> to vector<16x2x128xf32>
    %concatenate3A_96 = tpu.concatenate %slice3A_94, %slice3A_95 in 1 : vector<16x126x128xf32>, vector<16x2x128xf32> -> vector<16x128x128xf32>
    %add3A_97 = arith.addf %add3A_93, %concatenate3A_96 : vector<16x128x128xf32>
    %mul3A_98 = arith.constant 2.500000e-01 : f32
    %mul3A_99 = vector.broadcast %mul3A_98 : f32 to vector<16x128x128xf32>
    %mul3A_100 = arith.mulf %add3A_97, %mul3A_99 : vector<16x128x128xf32>
    %reshape3A_101 = vector.shape_cast %mul3A_100 : vector<16x128x128xf32> to vector<2048x128xf32>
    %add3A_102 = arith.addf %max3A_81, %reshape3A_101 : vector<2048x128xf32>
    %get3A_103 = arith.constant 0 : index
    %get3A_104 = arith.constant 0 : index
    %get3A_105 = arith.constant 0 : index
    %get3A_106 = vector.load %arg7[%get3A_103, %get3A_104, %get3A_105] : memref<4x128x128xf32, #tpu.memory_space<vmem>>, vector<1x128x128xf32>
    %get3A_107 = vector.shape_cast %get3A_106 : vector<1x128x128xf32> to vector<128x128xf32>
    %dot_general3A_108 = arith.constant dense<0.000000e+00> : vector<2048x128xf32>
    %dot_general3A_109 = tpu.matmul %add3A_102, %get3A_107, %dot_general3A_108 {dimension_numbers = #tpu.dot_dimension_numbers<[1], [0], [0], [1], [0, 0, 1, 1], [], []>, transpose_lhs_hint = false} : vector<2048x128xf32>, vector<128x128xf32>, vector<2048x128xf32> -> vector<2048x128xf32>
    %get3A_110 = arith.constant 0 : index
    %get3A_111 = arith.constant 0 : index
    %get3A_112 = vector.load %arg8[%get3A_110, %get3A_111] : memref<4x128xf32, #tpu.memory_space<vmem>>, vector<1x128xf32>
    %add3A_113 = vector.broadcast %get3A_112 : vector<1x128xf32> to vector<2048x128xf32>
    %add3A_114 = arith.addf %dot_general3A_109, %add3A_113 : vector<2048x128xf32>
    %max3A_115 = arith.constant 0.000000e+00 : f32
    %max3A_116 = vector.broadcast %max3A_115 : f32 to vector<2048x128xf32>
    %max3A_117 = arith.maximumf %add3A_114, %max3A_116 : vector<2048x128xf32>
    %add3A_118 = arith.addf %max3A_117, %max3A_81 : vector<2048x128xf32>
    %reshape3A_119 = vector.shape_cast %add3A_118 : vector<2048x128xf32> to vector<16x128x128xf32>
    %slice3A_120 = vector.extract_strided_slice %reshape3A_119 {offsets = [0, 127, 0], sizes = [16, 1, 128], strides = [1, 1, 1]} : vector<16x128x128xf32> to vector<16x1x128xf32>
    %slice3A_121 = vector.extract_strided_slice %reshape3A_119 {offsets = [0, 0, 0], sizes = [16, 127, 128], strides = [1, 1, 1]} : vector<16x128x128xf32> to vector<16x127x128xf32>
    %concatenate3A_122 = tpu.concatenate %slice3A_120, %slice3A_121 in 1 : vector<16x1x128xf32>, vector<16x127x128xf32> -> vector<16x128x128xf32>
    %slice3A_123 = vector.extract_strided_slice %reshape3A_119 {offsets = [0, 1, 0], sizes = [16, 127, 128], strides = [1, 1, 1]} : vector<16x128x128xf32> to vector<16x127x128xf32>
    %slice3A_124 = vector.extract_strided_slice %reshape3A_119 {offsets = [0, 0, 0], sizes = [16, 1, 128], strides = [1, 1, 1]} : vector<16x128x128xf32> to vector<16x1x128xf32>
    %concatenate3A_125 = tpu.concatenate %slice3A_123, %slice3A_124 in 1 : vector<16x127x128xf32>, vector<16x1x128xf32> -> vector<16x128x128xf32>
    %add3A_126 = arith.addf %concatenate3A_122, %concatenate3A_125 : vector<16x128x128xf32>
    %slice3A_127 = vector.extract_strided_slice %reshape3A_119 {offsets = [0, 126, 0], sizes = [16, 2, 128], strides = [1, 1, 1]} : vector<16x128x128xf32> to vector<16x2x128xf32>
    %slice3A_128 = vector.extract_strided_slice %reshape3A_119 {offsets = [0, 0, 0], sizes = [16, 126, 128], strides = [1, 1, 1]} : vector<16x128x128xf32> to vector<16x126x128xf32>
    %concatenate3A_129 = tpu.concatenate %slice3A_127, %slice3A_128 in 1 : vector<16x2x128xf32>, vector<16x126x128xf32> -> vector<16x128x128xf32>
    %add3A_130 = arith.addf %add3A_126, %concatenate3A_129 : vector<16x128x128xf32>
    %slice3A_131 = vector.extract_strided_slice %reshape3A_119 {offsets = [0, 2, 0], sizes = [16, 126, 128], strides = [1, 1, 1]} : vector<16x128x128xf32> to vector<16x126x128xf32>
    %slice3A_132 = vector.extract_strided_slice %reshape3A_119 {offsets = [0, 0, 0], sizes = [16, 2, 128], strides = [1, 1, 1]} : vector<16x128x128xf32> to vector<16x2x128xf32>
    %concatenate3A_133 = tpu.concatenate %slice3A_131, %slice3A_132 in 1 : vector<16x126x128xf32>, vector<16x2x128xf32> -> vector<16x128x128xf32>
    %add3A_134 = arith.addf %add3A_130, %concatenate3A_133 : vector<16x128x128xf32>
    %mul3A_135 = arith.constant 2.500000e-01 : f32
    %mul3A_136 = vector.broadcast %mul3A_135 : f32 to vector<16x128x128xf32>
    %mul3A_137 = arith.mulf %add3A_134, %mul3A_136 : vector<16x128x128xf32>
    %reshape3A_138 = vector.shape_cast %mul3A_137 : vector<16x128x128xf32> to vector<2048x128xf32>
    %add3A_139 = arith.addf %add3A_118, %reshape3A_138 : vector<2048x128xf32>
    %get3A_140 = arith.constant 1 : index
    %get3A_141 = arith.constant 0 : index
    %get3A_142 = arith.constant 0 : index
    %get3A_143 = vector.load %arg7[%get3A_140, %get3A_141, %get3A_142] : memref<4x128x128xf32, #tpu.memory_space<vmem>>, vector<1x128x128xf32>
    %get3A_144 = vector.shape_cast %get3A_143 : vector<1x128x128xf32> to vector<128x128xf32>
    %dot_general3A_145 = arith.constant dense<0.000000e+00> : vector<2048x128xf32>
    %dot_general3A_146 = tpu.matmul %add3A_139, %get3A_144, %dot_general3A_145 {dimension_numbers = #tpu.dot_dimension_numbers<[1], [0], [0], [1], [0, 0, 1, 1], [], []>, transpose_lhs_hint = false} : vector<2048x128xf32>, vector<128x128xf32>, vector<2048x128xf32> -> vector<2048x128xf32>
    %get3A_147 = arith.constant 1 : index
    %get3A_148 = arith.constant 0 : index
    %get3A_149 = vector.load %arg8[%get3A_147, %get3A_148] : memref<4x128xf32, #tpu.memory_space<vmem>>, vector<1x128xf32>
    %add3A_150 = vector.broadcast %get3A_149 : vector<1x128xf32> to vector<2048x128xf32>
    %add3A_151 = arith.addf %dot_general3A_146, %add3A_150 : vector<2048x128xf32>
    %max3A_152 = arith.constant 0.000000e+00 : f32
    %max3A_153 = vector.broadcast %max3A_152 : f32 to vector<2048x128xf32>
    %max3A_154 = arith.maximumf %add3A_151, %max3A_153 : vector<2048x128xf32>
    %add3A_155 = arith.addf %max3A_154, %add3A_118 : vector<2048x128xf32>
    %reshape3A_156 = vector.shape_cast %add3A_155 : vector<2048x128xf32> to vector<16x128x128xf32>
    %slice3A_157 = vector.extract_strided_slice %reshape3A_156 {offsets = [0, 127, 0], sizes = [16, 1, 128], strides = [1, 1, 1]} : vector<16x128x128xf32> to vector<16x1x128xf32>
    %slice3A_158 = vector.extract_strided_slice %reshape3A_156 {offsets = [0, 0, 0], sizes = [16, 127, 128], strides = [1, 1, 1]} : vector<16x128x128xf32> to vector<16x127x128xf32>
    %concatenate3A_159 = tpu.concatenate %slice3A_157, %slice3A_158 in 1 : vector<16x1x128xf32>, vector<16x127x128xf32> -> vector<16x128x128xf32>
    %slice3A_160 = vector.extract_strided_slice %reshape3A_156 {offsets = [0, 1, 0], sizes = [16, 127, 128], strides = [1, 1, 1]} : vector<16x128x128xf32> to vector<16x127x128xf32>
    %slice3A_161 = vector.extract_strided_slice %reshape3A_156 {offsets = [0, 0, 0], sizes = [16, 1, 128], strides = [1, 1, 1]} : vector<16x128x128xf32> to vector<16x1x128xf32>
    %concatenate3A_162 = tpu.concatenate %slice3A_160, %slice3A_161 in 1 : vector<16x127x128xf32>, vector<16x1x128xf32> -> vector<16x128x128xf32>
    %add3A_163 = arith.addf %concatenate3A_159, %concatenate3A_162 : vector<16x128x128xf32>
    %slice3A_164 = vector.extract_strided_slice %reshape3A_156 {offsets = [0, 126, 0], sizes = [16, 2, 128], strides = [1, 1, 1]} : vector<16x128x128xf32> to vector<16x2x128xf32>
    %slice3A_165 = vector.extract_strided_slice %reshape3A_156 {offsets = [0, 0, 0], sizes = [16, 126, 128], strides = [1, 1, 1]} : vector<16x128x128xf32> to vector<16x126x128xf32>
    %concatenate3A_166 = tpu.concatenate %slice3A_164, %slice3A_165 in 1 : vector<16x2x128xf32>, vector<16x126x128xf32> -> vector<16x128x128xf32>
    %add3A_167 = arith.addf %add3A_163, %concatenate3A_166 : vector<16x128x128xf32>
    %slice3A_168 = vector.extract_strided_slice %reshape3A_156 {offsets = [0, 2, 0], sizes = [16, 126, 128], strides = [1, 1, 1]} : vector<16x128x128xf32> to vector<16x126x128xf32>
    %slice3A_169 = vector.extract_strided_slice %reshape3A_156 {offsets = [0, 0, 0], sizes = [16, 2, 128], strides = [1, 1, 1]} : vector<16x128x128xf32> to vector<16x2x128xf32>
    %concatenate3A_170 = tpu.concatenate %slice3A_168, %slice3A_169 in 1 : vector<16x126x128xf32>, vector<16x2x128xf32> -> vector<16x128x128xf32>
    %add3A_171 = arith.addf %add3A_167, %concatenate3A_170 : vector<16x128x128xf32>
    %mul3A_172 = arith.constant 2.500000e-01 : f32
    %mul3A_173 = vector.broadcast %mul3A_172 : f32 to vector<16x128x128xf32>
    %mul3A_174 = arith.mulf %add3A_171, %mul3A_173 : vector<16x128x128xf32>
    %reshape3A_175 = vector.shape_cast %mul3A_174 : vector<16x128x128xf32> to vector<2048x128xf32>
    %add3A_176 = arith.addf %add3A_155, %reshape3A_175 : vector<2048x128xf32>
    %get3A_177 = arith.constant 2 : index
    %get3A_178 = arith.constant 0 : index
    %get3A_179 = arith.constant 0 : index
    %get3A_180 = vector.load %arg7[%get3A_177, %get3A_178, %get3A_179] : memref<4x128x128xf32, #tpu.memory_space<vmem>>, vector<1x128x128xf32>
    %get3A_181 = vector.shape_cast %get3A_180 : vector<1x128x128xf32> to vector<128x128xf32>
    %dot_general3A_182 = arith.constant dense<0.000000e+00> : vector<2048x128xf32>
    %dot_general3A_183 = tpu.matmul %add3A_176, %get3A_181, %dot_general3A_182 {dimension_numbers = #tpu.dot_dimension_numbers<[1], [0], [0], [1], [0, 0, 1, 1], [], []>, transpose_lhs_hint = false} : vector<2048x128xf32>, vector<128x128xf32>, vector<2048x128xf32> -> vector<2048x128xf32>
    %get3A_184 = arith.constant 2 : index
    %get3A_185 = arith.constant 0 : index
    %get3A_186 = vector.load %arg8[%get3A_184, %get3A_185] : memref<4x128xf32, #tpu.memory_space<vmem>>, vector<1x128xf32>
    %add3A_187 = vector.broadcast %get3A_186 : vector<1x128xf32> to vector<2048x128xf32>
    %add3A_188 = arith.addf %dot_general3A_183, %add3A_187 : vector<2048x128xf32>
    %max3A_189 = arith.constant 0.000000e+00 : f32
    %max3A_190 = vector.broadcast %max3A_189 : f32 to vector<2048x128xf32>
    %max3A_191 = arith.maximumf %add3A_188, %max3A_190 : vector<2048x128xf32>
    %add3A_192 = arith.addf %max3A_191, %add3A_155 : vector<2048x128xf32>
    %reshape3A_193 = vector.shape_cast %add3A_192 : vector<2048x128xf32> to vector<16x128x128xf32>
    %slice3A_194 = vector.extract_strided_slice %reshape3A_193 {offsets = [0, 127, 0], sizes = [16, 1, 128], strides = [1, 1, 1]} : vector<16x128x128xf32> to vector<16x1x128xf32>
    %slice3A_195 = vector.extract_strided_slice %reshape3A_193 {offsets = [0, 0, 0], sizes = [16, 127, 128], strides = [1, 1, 1]} : vector<16x128x128xf32> to vector<16x127x128xf32>
    %concatenate3A_196 = tpu.concatenate %slice3A_194, %slice3A_195 in 1 : vector<16x1x128xf32>, vector<16x127x128xf32> -> vector<16x128x128xf32>
    %slice3A_197 = vector.extract_strided_slice %reshape3A_193 {offsets = [0, 1, 0], sizes = [16, 127, 128], strides = [1, 1, 1]} : vector<16x128x128xf32> to vector<16x127x128xf32>
    %slice3A_198 = vector.extract_strided_slice %reshape3A_193 {offsets = [0, 0, 0], sizes = [16, 1, 128], strides = [1, 1, 1]} : vector<16x128x128xf32> to vector<16x1x128xf32>
    %concatenate3A_199 = tpu.concatenate %slice3A_197, %slice3A_198 in 1 : vector<16x127x128xf32>, vector<16x1x128xf32> -> vector<16x128x128xf32>
    %add3A_200 = arith.addf %concatenate3A_196, %concatenate3A_199 : vector<16x128x128xf32>
    %slice3A_201 = vector.extract_strided_slice %reshape3A_193 {offsets = [0, 126, 0], sizes = [16, 2, 128], strides = [1, 1, 1]} : vector<16x128x128xf32> to vector<16x2x128xf32>
    %slice3A_202 = vector.extract_strided_slice %reshape3A_193 {offsets = [0, 0, 0], sizes = [16, 126, 128], strides = [1, 1, 1]} : vector<16x128x128xf32> to vector<16x126x128xf32>
    %concatenate3A_203 = tpu.concatenate %slice3A_201, %slice3A_202 in 1 : vector<16x2x128xf32>, vector<16x126x128xf32> -> vector<16x128x128xf32>
    %add3A_204 = arith.addf %add3A_200, %concatenate3A_203 : vector<16x128x128xf32>
    %slice3A_205 = vector.extract_strided_slice %reshape3A_193 {offsets = [0, 2, 0], sizes = [16, 126, 128], strides = [1, 1, 1]} : vector<16x128x128xf32> to vector<16x126x128xf32>
    %slice3A_206 = vector.extract_strided_slice %reshape3A_193 {offsets = [0, 0, 0], sizes = [16, 2, 128], strides = [1, 1, 1]} : vector<16x128x128xf32> to vector<16x2x128xf32>
    %concatenate3A_207 = tpu.concatenate %slice3A_205, %slice3A_206 in 1 : vector<16x126x128xf32>, vector<16x2x128xf32> -> vector<16x128x128xf32>
    %add3A_208 = arith.addf %add3A_204, %concatenate3A_207 : vector<16x128x128xf32>
    %mul3A_209 = arith.constant 2.500000e-01 : f32
    %mul3A_210 = vector.broadcast %mul3A_209 : f32 to vector<16x128x128xf32>
    %mul3A_211 = arith.mulf %add3A_208, %mul3A_210 : vector<16x128x128xf32>
    %reshape3A_212 = vector.shape_cast %mul3A_211 : vector<16x128x128xf32> to vector<2048x128xf32>
    %add3A_213 = arith.addf %add3A_192, %reshape3A_212 : vector<2048x128xf32>
    %get3A_214 = arith.constant 3 : index
    %get3A_215 = arith.constant 0 : index
    %get3A_216 = arith.constant 0 : index
    %get3A_217 = vector.load %arg7[%get3A_214, %get3A_215, %get3A_216] : memref<4x128x128xf32, #tpu.memory_space<vmem>>, vector<1x128x128xf32>
    %get3A_218 = vector.shape_cast %get3A_217 : vector<1x128x128xf32> to vector<128x128xf32>
    %dot_general3A_219 = arith.constant dense<0.000000e+00> : vector<2048x128xf32>
    %dot_general3A_220 = tpu.matmul %add3A_213, %get3A_218, %dot_general3A_219 {dimension_numbers = #tpu.dot_dimension_numbers<[1], [0], [0], [1], [0, 0, 1, 1], [], []>, transpose_lhs_hint = false} : vector<2048x128xf32>, vector<128x128xf32>, vector<2048x128xf32> -> vector<2048x128xf32>
    %get3A_221 = arith.constant 3 : index
    %get3A_222 = arith.constant 0 : index
    %get3A_223 = vector.load %arg8[%get3A_221, %get3A_222] : memref<4x128xf32, #tpu.memory_space<vmem>>, vector<1x128xf32>
    %add3A_224 = vector.broadcast %get3A_223 : vector<1x128xf32> to vector<2048x128xf32>
    %add3A_225 = arith.addf %dot_general3A_220, %add3A_224 : vector<2048x128xf32>
    %max3A_226 = arith.constant 0.000000e+00 : f32
    %max3A_227 = vector.broadcast %max3A_226 : f32 to vector<2048x128xf32>
    %max3A_228 = arith.maximumf %add3A_225, %max3A_227 : vector<2048x128xf32>
    %add3A_229 = arith.addf %max3A_228, %add3A_192 : vector<2048x128xf32>
    %get3A_230 = arith.constant 0 : index
    %get3A_231 = arith.constant 0 : index
    %get3A_232 = vector.load %arg9[%get3A_230, %get3A_231] : memref<128x2xf32, #tpu.memory_space<vmem>>, vector<128x2xf32>
    %dot_general3A_233 = arith.constant dense<0.000000e+00> : vector<2048x2xf32>
    %dot_general3A_234 = tpu.matmul %add3A_229, %get3A_232, %dot_general3A_233 {dimension_numbers = #tpu.dot_dimension_numbers<[1], [0], [0], [1], [0, 0, 1, 1], [], []>, transpose_lhs_hint = false} : vector<2048x128xf32>, vector<128x2xf32>, vector<2048x2xf32> -> vector<2048x2xf32>
    %get3A_235 = arith.constant 0 : index
    %get3A_236 = arith.constant 0 : index
    %get3A_237 = vector.load %arg10[%get3A_235, %get3A_236] : memref<1x2xf32, #tpu.memory_space<vmem>>, vector<1x2xf32>
    %add3A_238 = vector.broadcast %get3A_237 : vector<1x2xf32> to vector<2048x2xf32>
    %add3A_239 = arith.addf %dot_general3A_234, %add3A_238 : vector<2048x2xf32>
    %slice3A_240 = vector.extract_strided_slice %get3A_1 {offsets = [0, 0], sizes = [2048, 1], strides = [1, 1]} : vector<2048x3xf32> to vector<2048x1xf32>
    %mul3A_241 = arith.constant 2.500000e-01 : f32
    %mul3A_242 = vector.broadcast %mul3A_241 : f32 to vector<2048x1xf32>
    %mul3A_243 = arith.mulf %slice3A_240, %mul3A_242 : vector<2048x1xf32>
    %slice3A_244 = vector.extract_strided_slice %get3A_1 {offsets = [0, 1], sizes = [2048, 2], strides = [1, 1]} : vector<2048x3xf32> to vector<2048x2xf32>
    %mul3A_245 = arith.constant 2.500000e-01 : f32
    %mul3A_246 = vector.broadcast %mul3A_245 : f32 to vector<2048x2xf32>
    %mul3A_247 = arith.mulf %add3A_239, %mul3A_246 : vector<2048x2xf32>
    %add3A_248 = arith.addf %slice3A_244, %mul3A_247 : vector<2048x2xf32>
    %concatenate3A_249 = tpu.concatenate %mul3A_243, %add3A_248 in 1 : vector<2048x1xf32>, vector<2048x2xf32> -> vector<2048x3xf32>
    %swap3A = arith.constant 0 : index
    %swap3A_250 = arith.constant 0 : index
    %swap3A_251 = vector.load %arg11[%swap3A, %swap3A_250] : memref<2048x3xf32, #tpu.memory_space<vmem>>, vector<2048x3xf32>
    tpu.vector_store %arg11[%swap3A, %swap3A_250], %concatenate3A_249 {strides = array<i32>} : memref<2048x3xf32, #tpu.memory_space<vmem>>, vector<2048x3xf32>,
    return
  }
  func.func @transform_0(%arg0: i32) -> (i32, i32) {
    %c0_i32 = arith.constant 0 : i32
    %c0_i32_0 = arith.constant 0 : i32
    return %arg0, %c0_i32 : i32, i32
  }
  func.func @transform_1(%arg0: i32) -> (i32, i32) {
    %c0_i32 = arith.constant 0 : i32
    %c0_i32_0 = arith.constant 0 : i32
    return %arg0, %c0_i32 : i32, i32
  }
  func.func @transform_2(%arg0: i32) -> (i32, i32) {
    %c0_i32 = arith.constant 0 : i32
    %c0_i32_0 = arith.constant 0 : i32
    return %arg0, %c0_i32 : i32, i32
  }
  func.func @transform_3(%arg0: i32) -> (i32, i32) {
    %c0_i32 = arith.constant 0 : i32
    %c0_i32_0 = arith.constant 0 : i32
    %c0_i32_1 = arith.constant 0 : i32
    return %c0_i32, %c0_i32_0 : i32, i32
  }
  func.func @transform_4(%arg0: i32) -> (i32, i32) {
    %c0_i32 = arith.constant 0 : i32
    %c0_i32_0 = arith.constant 0 : i32
    %c0_i32_1 = arith.constant 0 : i32
    return %c0_i32, %c0_i32_0 : i32, i32
  }
  func.func @transform_5(%arg0: i32) -> (i32, i32) {
    %c0_i32 = arith.constant 0 : i32
    %c0_i32_0 = arith.constant 0 : i32
    %c0_i32_1 = arith.constant 0 : i32
    return %c0_i32, %c0_i32_0 : i32, i32
  }
  func.func @transform_6(%arg0: i32) -> (i32, i32, i32) {
    %c0_i32 = arith.constant 0 : i32
    %c0_i32_0 = arith.constant 0 : i32
    %c0_i32_1 = arith.constant 0 : i32
    %c0_i32_2 = arith.constant 0 : i32
    return %c0_i32, %c0_i32_0, %c0_i32_1 : i32, i32, i32
  }
  func.func @transform_7(%arg0: i32) -> (i32, i32) {
    %c0_i32 = arith.constant 0 : i32
    %c0_i32_0 = arith.constant 0 : i32
    %c0_i32_1 = arith.constant 0 : i32
    return %c0_i32, %c0_i32_0 : i32, i32
  }
  func.func @transform_8(%arg0: i32) -> (i32, i32) {
    %c0_i32 = arith.constant 0 : i32
    %c0_i32_0 = arith.constant 0 : i32
    %c0_i32_1 = arith.constant 0 : i32
    return %c0_i32, %c0_i32_0 : i32, i32
  }
  func.func @transform_9(%arg0: i32) -> (i32, i32) {
    %c0_i32 = arith.constant 0 : i32
    %c0_i32_0 = arith.constant 0 : i32
    %c0_i32_1 = arith.constant 0 : i32
    return %c0_i32, %c0_i32_0 : i32, i32
  }
  func.func @transform_10(%arg0: i32) -> (i32, i32) {
    %c0_i32 = arith.constant 0 : i32
    %c0_i32_0 = arith.constant 0 : i32
    return %arg0, %c0_i32 : i32, i32
  }
}

</mosaic_0001>

<sc_bundles>
// kernel: kernel.11.cloned.1.call-start
scs
__scs_entry_jumppad:
0x0: {  	(pc) =	sbr.rel $0x88, $3  }
0x1: {  	(tag) =	ssettag $0x0;
	lr =	simm.s32 $0x1  }
0x2: {  	[smem:$0x3F7B] =	sst lr;
	_ =	strace $0xD0000000  }
0x3: {  	_ = 	snop  }
0x4: {  	_ = 	snop  }
0x5: {  	_ = 	snop  }
0x6: {  	_ = 	snop  }
0x7: {  	_ = 	snop  }
__scs_overlays_trampoline_lowered:
0x8: {  	[smem:$0x3F8A] =	sst s0  }
0x9: {  	[smem:$0x3F8B] =	sst s1  }
0xa: {  	[smem:$0x3F8C] =	sst s2  }
0xb: {  	[smem:$0x3F8D] =	sst s3  }
0xc: {  	[smem:$0x3F8E] =	sst s4  }
0xd: {  	[smem:$0x3F8F] =	sst s5  }
0xe: {  	[smem:$0x3F90] =	sst s6  }
0xf: {  	[smem:$0x3F91] =	sst s7  }
0x10: {  	[smem:$0x3F92] =	sst s8  }
0x11: {  	[smem:$0x3F93] =	sst s9;
	s0 =	simm.s32 @!p0 $0x0  }
0x12: {  	s1 =	sld [smem:$0x3F79];
	s0 =	simm.s32 @p0 $0x1  }
0x13: {  	[smem:$0x3F94] =	sst s0;
	s0 =	simm.s32 @!p1 $0x0  }
0x14: {  	s2 =	sld [smem:$0x3F78];
	s0 =	simm.s32 @p1 $0x1  }
0x15: {  	[smem:$0x3F95] =	sst s0;
	s0 =	simm.s32 @!p2 $0x0  }
0x16: {  	s3 =	sld [smem:$0x3FDB];
	s0 =	simm.s32 @p2 $0x1  }
0x17: {  	s4 =	simm.s32 $0x1BF5;
	[smem:$0x3F97] =	sst s0  }
0x18: {  	s0 =	sld [smem:$0x3F7A];
	_ =	swait.ge [sflag:s4], $0x0  }
0x19: {  	s7 =	sld [smem:$0x3F7B]  }
0x1a: {  	s8 =	sadd.s32 $0xFFFFE003, lr  }
0x1b: {  	s9 =	sadd.s32 $0xFFFFFEF7, lr;
	s5 =	simm.s32 $0xFFFFFFFF;
	p2 =	slt.u32 s8, $0xFFFFF086  }
0x1c: {  	p1 =	slt.u32 s9, $0xF7A;
	s5 =	simm.s32 @!p2 $0x0  }
0x1d: {  	s5 =	simm.s32 @p1 $0x1;
	p0 =	seq.s32 s7, s2  }
0x1e: {  	s7 =	smul.u32 @!p0 $0xF7A, s2;
	p2 =	seq.s32 @!p0 s5, $0x0  }
0x1f: {  	s9 =	smul.u32 $0xF7A, s1;
	s8 =	simm.s32 @!p0 $0x1BF5;
	p2 =	por !p2, p0  }
0x20: {  	[sflag:s8] =	ssyncset.s32 @!p0 $0xFFFFF086;
	s6 =	sadd.s32 @!p0 s3, s7;
	s7 =	simm.s32 @!p0 $0x108  }
0x21: {  	s3 =	sadd.s32 s3, s9;
	s6 =	sadd.s32 @!p0 $0x88, s6;
	s7 =	simm.s32 @p2 $0x1082  }
0x22: {  	[simem:s7], [sflag:s8] =	dma.local @!p0 [hbm:s6], $0xF7A  }
0x23: {  	s9 =	sor.u32 $0xD0000000, s2;
	s6 =	simm.s32 $0x108;
	_ =	swait.ge @!p0 [sflag:s8], $0x0  }
0x24: {  	s3 =	sadd.s32 $0x88, s3;
	s6 =	simm.s32 @!p1 $0x1082;
	[sflag:s4] =	ssyncset.s32 $0xFFFFF086  }
0x25: {  	[simem:s6], [sflag:s4] =	dma.local [hbm:s3], $0xF7A  }
0x26: {  	[smem:$0x3F7B] =	sst s1;
	(tag) =	ssettag s2;
	_ =	strace s9  }
0x27: {  	s1 =	sld [smem:$0x3F8B]  }
0x28: {  	s2 =	sld [smem:$0x3F8C]  }
0x29: {  	s4 =	sld [smem:$0x3F8E]  }
0x2a: {  	p0 =	seq.s32 s5, $0x0;
	s5 =	sld [smem:$0x3F8F]  }
0x2b: {  	s6 =	sld [smem:$0x3F90]  }
0x2c: {  	s7 =	sld [smem:$0x3F91]  }
0x2d: {  	s3 =	simm.s32 $0x108;
	s8 =	sld [smem:$0x3F92]  }
0x2e: {  	s3 =	simm.s32 @!p0 $0x1082;
	s9 =	sld [smem:$0x3F93]  }
0x2f: {  	lr =	sadd.s32 s0, s3;
	s0 =	sld [smem:$0x3F8A]  }
0x30: {  	s3 =	sld [smem:$0x3F8D]  }
0x31: {  	[smem:$0x3F96] =	sst s10  }
0x32: {  	s10 =	sld [smem:$0x3F94];
	_ =	sdelay $0x3  }
0x33: {  	p0 =	seq.s32 s10, $0x1;
	s10 =	sld [smem:$0x3F96];
	_ =	sdelay $0x3  }
0x34: {  	[smem:$0x3F96] =	sst s10  }
0x35: {  	s10 =	sld [smem:$0x3F95];
	_ =	sdelay $0x3  }
0x36: {  	p1 =	seq.s32 s10, $0x1;
	s10 =	sld [smem:$0x3F96];
	_ =	sdelay $0x3  }
0x37: {  	[smem:$0x3F96] =	sst s10  }
0x38: {  	s10 =	sld [smem:$0x3F97]  }
0x39: {  	_ = 	snop;
	(pc) =	sbr.ind lr, $3  }
0x3a: {  	_ = 	snop  }
0x3b: {  	_ = 	snop  }
0x3c: {  	p2 =	seq.s32 s10, $0x1;
	s10 =	sld [smem:$0x3F96]  }
0x3d: {  	_ =	shalt  }
0x3e: {  	_ =	shalt  }
0x3f: {  	_ =	shalt  }
0x40: {  	_ =	shalt  }
0x41: {  	_ =	shalt  }
0x42: {  	_ =	shalt  }
0x43: {  	_ =	shalt  }
0x44: {  	_ =	shalt  }
0x45: {  	_ =	shalt  }
0x46: {  	_ =	shalt  }
0x47: {  	_ =	shalt  }
0x48: {  	_ =	shalt  }
0x49: {  	_ =	shalt  }
0x4a: {  	_ =	shalt  }
0x4b: {  	_ =	shalt  }
0x4c: {  	_ =	shalt  }
0x4d: {  	_ =	shalt  }
0x4e: {  	_ =	shalt  }
0x4f: {  	_ =	shalt  }
0x50: {  	_ =	shalt  }
0x51: {  	_ =	shalt  }
0x52: {  	_ =	shalt  }
0x53: {  	_ =	shalt  }
0x54: {  	_ =	shalt  }
0x55: {  	_ =	shalt  }
0x56: {  	_ =	shalt  }
0x57: {  	_ =	shalt  }
0x58: {  	_ =	shalt  }
0x59: {  	_ =	shalt  }
0x5a: {  	_ =	shalt  }
0x5b: {  	_ =	shalt  }
0x5c: {  	_ =	shalt  }
0x5d: {  	_ =	shalt  }
0x5e: {  	_ =	shalt  }
0x5f: {  	_ =	shalt  }
0x60: {  	_ =	shalt  }
0x61: {  	_ =	shalt  }
0x62: {  	_ =	shalt  }
0x63: {  	_ =	shalt  }
0x64: {  	_ =	shalt  }
0x65: {  	_ =	shalt  }
0x66: {  	_ =	shalt  }
0x67: {  	_ =	shalt  }
0x68: {  	_ =	shalt  }
0x69: {  	_ =	shalt  }
0x6a: {  	_ =	shalt  }
0x6b: {  	_ =	shalt  }
0x6c: {  	_ =	shalt  }
0x6d: {  	_ =	shalt  }
0x6e: {  	_ =	shalt  }
0x6f: {  	_ =	shalt  }
0x70: {  	_ =	shalt  }
0x71: {  	_ =	shalt  }
0x72: {  	_ =	shalt  }
0x73: {  	_ =	shalt  }
0x74: {  	_ =	shalt  }
0x75: {  	_ =	shalt  }
0x76: {  	_ =	shalt  }
0x77: {  	_ =	shalt  }
0x78: {  	_ =	shalt  }
0x79: {  	_ =	shalt  }
0x7a: {  	_ =	shalt  }
0x7b: {  	_ =	shalt  }
0x7c: {  	_ =	shalt  }
0x7d: {  	_ =	shalt  }
0x7e: {  	_ =	shalt  }
0x7f: {  	_ =	shalt  }
0x80: {  	_ =	shalt  }
0x81: {  	_ =	shalt  }
0x82: {  	_ =	shalt  }
0x83: {  	_ =	shalt  }
0x84: {  	_ =	shalt  }
0x85: {  	_ =	shalt  }
0x86: {  	_ =	shalt  }
0x87: {  	_ =	shalt  }
.Lfunc_end0:
.L_simem_size_0:
called_computation.1_lowered:
.L_overlay_start_0:
0x88: {  	s2 =	sld [smem:$0x3FD9]  }
0x89: {  	s3 =	sld [smem:$0x3FFE];
	_ =	sdelay $0x1  }
0x8a: {  	s1 =	srdreg.scid  }
0x8b: {  	s0 =	sand.u32 $0x1, s1  }
0x8c: {  	s17 =	sshll.u32 s0, $0xA;
	s2 =	sadd.s32 s3, s2  }
0x8d: {  	s2 =	sadd.s32 s2, s17  }
0x8e: {  	[smem:$0x3FA2] =	sst s2  }
0x8f: {  	_ = 	snop  }
0x90: {  	s2 =	sld [smem:$0x3FD0];
	(tm) =	ssettm $0x1  }
0x91: {  	s18 =	sld [smem:$0x3FFB];
	_ =	sdelay $0x3  }
0x92: {  	_ =	strace s18  }
0x93: {  	s3 =	sld [smem:$0x3FFC];
	_ =	sdelay $0x3  }
0x94: {  	_ =	strace s3  }
0x95: {  	s3 =	sld [smem:$0x3FFD];
	_ =	sdelay $0x3  }
0x96: {  	_ =	strace s3  }
0x97: {  	_ =	strace $0x8FFFFFFF  }
0x98: {  	s19 =	sld [smem:$0x3FDB];
	_ =	sdelay $0x1  }
0x99: {  	s4 =	simm.s32 $_scs_section_size  }
0x9a: {  	s5 =	simm.s32 $_size__tile_overlayer_lowered;
	s6 =	simm.s32 $_tile_overlayer_lowered  }
0x9b: {  	s22 =	simm.s32 $0x1BFF;
	s21 =	sshll.u32 s6, $0x1;
	s3 =	sadd.s32 s4, s19  }
0x9c: {  	s7 =	simm.s32 $0x0;
	s20 =	sshll.u32 s5, $0x1;
	s5 =	sadd.s32 s21, s3  }
0x9d: {  	[timem:s7], [sflag:s22] =	dma.local [hbm:s5], s20  }
0x9e: {  	_ =	swait.ge [sflag:s22], s20  }
0x9f: {  	s4 =	ssub.s32 $0x0, s20;
	[sflag:s22] =	ssyncset.done $0x0  }
0xa0: {  	[sflag:s22] =	ssyncadd.s32 s4;
	_ =	sdelay $0x1  }
0xa1: {  	s23 =	simm.s32 $0x1B8B  }
0xa2: {  	_ =	swait.ge [sflag:s23], $0x1  }
0xa3: {  	[sflag:s23] =	ssyncset.done $0x0  }
0xa4: {  	s25 =	simm.s32 $0x1B8E;
	s24 =	sld [smem:$0x3FFE];
	[sflag:s23] =	ssyncadd.s32 $0xFFFFFFFF  }
0xa5: {  	s26 =	simm.s32 $execute0_lowered;
	[smem:$0x3FD2] =	sst s25  }
0xa6: {  	s5 =	sshll.u32 s26, $0x1;
	_ =	strace $0x80000049;
	[dreg:$0x1] =	wrdreg $0xFFFFFFFF  }
0xa7: {  	s28 =	simm.s32 $_size_execute0_lowered;
	s3 =	sadd.s32 s3, s5;
	[dreg:$0x0] =	wrdreg $0x0  }
0xa8: {  	s5 =	sshll.u32 s28, $0x1;
	[dreg:$0x2] =	wrdreg s3  }
0xa9: {  	[dreg:$0x3] =	wrdreg s5  }
0xaa: {  	[dreg:$0x4] =	wrdreg $0xC0  }
0xab: {  	_ =	task [dreg:s7], $0x5FFFF  }
0xac: {  	[dreg:$0x1] =	wrdreg $0xFFFFFFFF  }
0xad: {  	[dreg:$0x0] =	wrdreg $0x60  }
0xae: {  	[dreg:$0x2] =	wrdreg s24  }
0xaf: {  	[dreg:$0x3] =	wrdreg s2  }
0xb0: {  	[dreg:$0x4] =	wrdreg $0x9  }
0xb1: {  	_ =	task.clear_ibuf [dreg:s7], $0x5FFFF;
	_ =	strace $0x90000049  }
0xb2: {  	s29 =	simm.s32 $0x9;
	_ =	strace $0x8000004B  }
0xb3: {  	_ =	swait.ge [sflag:s29], $0x1  }
0xb4: {  	[sflag:s29] =	ssyncadd.s32 $0xFFFFFFFF  }
0xb5: {  	_ =	strace $0x9000004B  }
0xb6: {  	_ =	sfence  }
0xb7: {  	s30 =	sld [smem:$0x0];
	_ =	sdelay $0x2  }
0xb8: {  	s31 =	sshll.u32 s1, $0xD;
	s1 =	sshrl.u32 s1, $0x2  }
0xb9: {  	s3 =	sand.u32 $0x4000, s31;
	s1 =	sadd.s32 s1, s30  }
0xba: {  	s0 =	sor.u32 s3, s0;
	s1 =	sshll.u32 s1, $0x11  }
0xbb: {  	s0 =	sor.u32 s1, s0  }
0xbc: {  	s0 =	sadd.s32 $0x8F2B, s0  }
0xbd: {  	[sflag:s0] =	ssyncadd.remote.s32 $0x1  }
0xbe: {  	_ =	sfence.sel $0xFFFF  }
0xbf: {  	[dreg:$0x0] =	wrdreg $0xFFFFFFFF;
	(pc) =	sbr.abs _section_cstart, $3  }
0xc0: {  	[dreg:$0x1] =	wrdreg $0xFFFFFFFF  }
0xc1: {  	_ =	task.clear_ibuf [dreg:s7], $0x2FFFF;
	_ =	strace $0x9FFFFFFF  }
0xc2: {  	(tm) =	ssettm $0x7FFFFFFF  }
0xc3: {  	_ =	shalt  }
tec
execute0_lowered:
.L_overlay_start_1:
0x0: {  	(tag) =	ssettag $0x1  }
0x1: {  	s0 =	rddreg [dreg:$0x0]  }
0x2: {  	s1 =	rddreg [dreg:$0x1]  }
0x3: {  	s3 =	srdreg.scid;
	s5 =	stileid.u32  }
0x4: {  	s2 =	simm.s32 $0x0;
	s29 =	simm.s32 $0x3;
	s8 =	simm.s32 $0x80  }
0x5: {  	s9 =	simm.s32 $0x800;
	s13 =	simm.s32 $0x2800;
	s30 =	simm.s32 $0x100  }
0x6: {  	s14 =	simm.s32 $0x4800;
	s31 =	simm.s32 $0x180;
	s15 =	simm.s32 $0x6800  }
0x7: {  	s24 =	simm.s32 $0x200;
	s25 =	simm.s32 $0x280;
	s10 =	simm.s32 $0xA800  }
0x8: {  	s26 =	simm.s32 $0x300;
	s11 =	simm.s32 $0xC800;
	s28 =	simm.s32 $0x380  }
0x9: {  	s12 =	simm.s32 $0xE800;
	s7 =	simm.s32 $0x2;
	p0 =	por $0x0, $0x0  }
0xa: {  	s4 =	sand.u32 $0x1, s3;
	s17 =	sshll.u32 s5, $0x1;
	[smem:$0x7FF] =	sst s2  }
0xb: {  	s16 =	simm.s32 $0x600;
	s3 =	sor.u32 s4, s17;
	_ =	strace $0x8000004A  }
0xc: {  	s4 =	ssub.s32 $0x2, s4;
	s17 =	simm.s32 $0x680;
	s18 =	sshll.u32 s3, $0xE  }
0xd: {  	s6 =	sshll.u32 s3, $0x8;
	s3 =	sadd.s32 $0x406000, s0;
	s20 =	sshrl.u32 s4, $0x1  }
0xe: {  	s0 =	sadd.s32 s18, s0;
	s1 =	sadd.s32 s1, s6;
	s5 =	ssub.s32 s4, s20  }
0xf: {  	s6 =	simm.s32 $0x8800;
	s20 =	simm.s32 $0x400;
	s23 =	smax.u32 s5, $0x1  }
0x10: {  	[dreg:$0x3] =	wrdreg s1;
	s19 =	sadd.s32 $0x6000, s0;
	p1 =	sne.s32 s23, $0x1  }
.Ltmp0:
0x11: {  	s21 =	sadd.s32 $0x7000, s0;
	[dreg:$0x4] =	wrdreg s19;
	(pc) =	sbr.rel @!p1 .LBB2_3-.Ltmp0, $4  }
0x12: {  	s18 =	simm.s32 $0x700;
	s22 =	sadd.s32 $0x8000, s0;
	[dreg:$0x5] =	wrdreg s21  }
0x13: {  	s4 =	sadd.s32 $0x9000, s0;
	s5 =	simm.s32 $0x1;
	[dreg:$0x6] =	wrdreg s22  }
0x14: {  	s21 =	simm.s32 $0x480;
	s0 =	sadd.s32 $0xFFFFFFFF, s23;
	s22 =	simm.s32 $0x500  }
0x15: {  	s23 =	simm.s32 $0x580;
	s19 =	simm.s32 $0x780;
	s1 =	rddreg [dreg:$0x3]  }
0x16: {  	[tilespmem:s2], [sflag:$0x3] =	stream.linear.gather [hbm4b:s1+s2], $0x800, $0x38;
	[tilespmem:$0x10800] =	vst v63  }
0x17: {  	_ =	swait.ge [sflag:s29], $0x800  }
0x18: {  	[sflag:s29] =	ssyncset.done $0x0  }
0x19: {  	[sflag:s29] =	ssyncadd.s32 $0xFFFFF800  }
0x1a: {  	[tilespmem:s9], [sflag:$0x1] =	stream.indirect.gather [hbm4b:s3+s8], $0x40, s2, s8, $0xb8;
	[tilespmem:$0x10800] =	vst v63  }
0x1b: {  	_ = 	snop  }
0x1c: {  	[tilespmem:s13], [sflag:$0x1] =	stream.indirect.gather [hbm4b:s3+s8], $0x40, s8, s8, $0xb8;
	[tilespmem:$0x10800] =	vst v63  }
0x1d: {  	_ = 	snop  }
0x1e: {  	[tilespmem:s14], [sflag:$0x1] =	stream.indirect.gather [hbm4b:s3+s8], $0x40, s30, s8, $0xb8;
	[tilespmem:$0x10800] =	vst v63  }
0x1f: {  	_ = 	snop  }
0x20: {  	[tilespmem:s15], [sflag:$0x1] =	stream.indirect.gather [hbm4b:s3+s8], $0x40, s31, s8, $0xb8;
	[tilespmem:$0x10800] =	vst v63  }
0x21: {  	_ =	swait.ge [sflag:s5], $0x2000  }
0x22: {  	[sflag:s5] =	ssyncset.done $0x0  }
0x23: {  	[sflag:s5] =	ssyncadd.s32 $0xFFFFE000  }
0x24: {  	_ =	swait.ge [sflag:s5], $0x2000  }
0x25: {  	[sflag:s5] =	ssyncset.done $0x0  }
0x26: {  	[sflag:s5] =	ssyncadd.s32 $0xFFFFE000  }
0x27: {  	_ =	swait.ge [sflag:s5], $0x2000  }
0x28: {  	[sflag:s5] =	ssyncset.done $0x0  }
0x29: {  	[sflag:s5] =	ssyncadd.s32 $0xFFFFE000  }
0x2a: {  	_ =	swait.ge [sflag:s5], $0x2000  }
0x2b: {  	[sflag:s5] =	ssyncset.done $0x0  }
0x2c: {  	s1 =	rddreg [dreg:$0x4];
	[sflag:s5] =	ssyncadd.s32 $0xFFFFE000  }
0x2d: {  	[hbm4b:s1+s2] =	stream.linear.scatter [tilespmem:s9], [sflag:$0x2], $0x8000, $0x38;
	[tilespmem:$0x10800] =	vst v63  }
0x2e: {  	_ = 	snop  }
0x2f: {  	[tilespmem:s6], [sflag:$0x1] =	stream.indirect.gather [hbm4b:s3+s8], $0x40, s24, s8, $0xb8;
	[tilespmem:$0x10800] =	vst v63  }
0x30: {  	_ = 	snop  }
0x31: {  	[tilespmem:s10], [sflag:$0x1] =	stream.indirect.gather [hbm4b:s3+s8], $0x40, s25, s8, $0xb8;
	[tilespmem:$0x10800] =	vst v63  }
0x32: {  	_ = 	snop  }
0x33: {  	[tilespmem:s11], [sflag:$0x1] =	stream.indirect.gather [hbm4b:s3+s8], $0x40, s26, s8, $0xb8;
	[tilespmem:$0x10800] =	vst v63  }
0x34: {  	_ = 	snop  }
0x35: {  	[tilespmem:s12], [sflag:$0x1] =	stream.indirect.gather [hbm4b:s3+s8], $0x40, s28, s8, $0xb8;
	[tilespmem:$0x10800] =	vst v63  }
0x36: {  	_ =	swait.ge [sflag:s5], $0x2000  }
0x37: {  	[sflag:s5] =	ssyncset.done $0x0  }
0x38: {  	[sflag:s5] =	ssyncadd.s32 $0xFFFFE000  }
0x39: {  	_ =	swait.ge [sflag:s5], $0x2000  }
0x3a: {  	[sflag:s5] =	ssyncset.done $0x0  }
0x3b: {  	[sflag:s5] =	ssyncadd.s32 $0xFFFFE000  }
0x3c: {  	_ =	swait.ge [sflag:s5], $0x2000  }
0x3d: {  	[sflag:s5] =	ssyncset.done $0x0  }
0x3e: {  	[sflag:s5] =	ssyncadd.s32 $0xFFFFE000  }
0x3f: {  	_ =	swait.ge [sflag:s5], $0x2000  }
0x40: {  	[sflag:s5] =	ssyncset.done $0x0  }
0x41: {  	s1 =	rddreg [dreg:$0x5];
	[sflag:s5] =	ssyncadd.s32 $0xFFFFE000  }
0x42: {  	[hbm4b:s1+s2] =	stream.linear.scatter [tilespmem:s6], [sflag:$0x2], $0x8000, $0x38;
	[tilespmem:$0x10800] =	vst v63  }
0x43: {  	_ =	swait.ge [sflag:s7], $0x8000  }
0x44: {  	[sflag:s7] =	ssyncset.done $0x0  }
0x45: {  	[sflag:s7] =	ssyncadd.s32 $0xFFFF8000  }
0x46: {  	[tilespmem:s9], [sflag:$0x1] =	stream.indirect.gather [hbm4b:s3+s8], $0x40, s20, s8, $0xb8;
	[tilespmem:$0x10800] =	vst v63  }
0x47: {  	_ = 	snop  }
0x48: {  	[tilespmem:s13], [sflag:$0x1] =	stream.indirect.gather [hbm4b:s3+s8], $0x40, s21, s8, $0xb8;
	[tilespmem:$0x10800] =	vst v63  }
0x49: {  	_ = 	snop  }
0x4a: {  	[tilespmem:s14], [sflag:$0x1] =	stream.indirect.gather [hbm4b:s3+s8], $0x40, s22, s8, $0xb8;
	[tilespmem:$0x10800] =	vst v63  }
0x4b: {  	_ = 	snop  }
0x4c: {  	[tilespmem:s15], [sflag:$0x1] =	stream.indirect.gather [hbm4b:s3+s8], $0x40, s23, s8, $0xb8;
	[tilespmem:$0x10800] =	vst v63  }
0x4d: {  	_ =	swait.ge [sflag:s5], $0x2000  }
0x4e: {  	[sflag:s5] =	ssyncset.done $0x0  }
0x4f: {  	[sflag:s5] =	ssyncadd.s32 $0xFFFFE000  }
0x50: {  	_ =	swait.ge [sflag:s5], $0x2000  }
0x51: {  	[sflag:s5] =	ssyncset.done $0x0  }
0x52: {  	[sflag:s5] =	ssyncadd.s32 $0xFFFFE000  }
0x53: {  	_ =	swait.ge [sflag:s5], $0x2000  }
0x54: {  	[sflag:s5] =	ssyncset.done $0x0  }
0x55: {  	[sflag:s5] =	ssyncadd.s32 $0xFFFFE000  }
0x56: {  	_ =	swait.ge [sflag:s5], $0x2000  }
0x57: {  	[sflag:s5] =	ssyncset.done $0x0  }
0x58: {  	s1 =	rddreg [dreg:$0x6];
	[sflag:s5] =	ssyncadd.s32 $0xFFFFE000  }
0x59: {  	[hbm4b:s1+s2] =	stream.linear.scatter [tilespmem:s9], [sflag:$0x2], $0x8000, $0x38;
	[tilespmem:$0x10800] =	vst v63  }
0x5a: {  	_ =	swait.ge [sflag:s7], $0x8000  }
0x5b: {  	[sflag:s7] =	ssyncset.done $0x0  }
0x5c: {  	[sflag:s7] =	ssyncadd.s32 $0xFFFF8000  }
0x5d: {  	[tilespmem:s6], [sflag:$0x1] =	stream.indirect.gather [hbm4b:s3+s8], $0x40, s16, s8, $0xb8;
	[tilespmem:$0x10800] =	vst v63  }
0x5e: {  	_ = 	snop  }
0x5f: {  	[tilespmem:s10], [sflag:$0x1] =	stream.indirect.gather [hbm4b:s3+s8], $0x40, s17, s8, $0xb8;
	[tilespmem:$0x10800] =	vst v63  }
0x60: {  	_ = 	snop  }
0x61: {  	[tilespmem:s11], [sflag:$0x1] =	stream.indirect.gather [hbm4b:s3+s8], $0x40, s18, s8, $0xb8;
	[tilespmem:$0x10800] =	vst v63  }
0x62: {  	_ = 	snop  }
0x63: {  	[tilespmem:s12], [sflag:$0x1] =	stream.indirect.gather [hbm4b:s3+s8], $0x40, s19, s8, $0xb8;
	[tilespmem:$0x10800] =	vst v63  }
0x64: {  	_ =	swait.ge [sflag:s5], $0x2000  }
0x65: {  	[sflag:s5] =	ssyncset.done $0x0  }
0x66: {  	[sflag:s5] =	ssyncadd.s32 $0xFFFFE000  }
0x67: {  	_ =	swait.ge [sflag:s5], $0x2000  }
0x68: {  	[sflag:s5] =	ssyncset.done $0x0  }
0x69: {  	[sflag:s5] =	ssyncadd.s32 $0xFFFFE000  }
0x6a: {  	_ =	swait.ge [sflag:s5], $0x2000  }
0x6b: {  	[sflag:s5] =	ssyncset.done $0x0  }
0x6c: {  	[sflag:s5] =	ssyncadd.s32 $0xFFFFE000  }
0x6d: {  	_ =	swait.ge [sflag:s5], $0x2000  }
0x6e: {  	[sflag:s5] =	ssyncset.done $0x0  }
0x6f: {  	p1 =	sne.s32 s0, $0x1;
	[sflag:s5] =	ssyncadd.s32 $0xFFFFE000  }
0x70: {  	[hbm4b:s4+s2] =	stream.linear.scatter [tilespmem:s6], [sflag:$0x2], $0x8000, $0x38;
	[tilespmem:$0x10800] =	vst v63  }
.Ltmp1:
0x71: {  	_ =	swait.ge [sflag:s7], $0x8000;
	(pc) =	sbr.rel @!p1 .LBB2_3-.Ltmp1, $4  }
0x72: {  	[sflag:s7] =	ssyncset.done $0x0  }
0x73: {  	[sflag:s7] =	ssyncadd.s32 $0xFFFF8000  }
0x74: {  	s0 =	sadd.s32 $0xFFFFFFFF, s0;
	_ =	swait.ge [sflag:s7], $0x8000  }
0x75: {  	p0 =	por $0x1, $0x1;
	s1 =	rddreg [dreg:$0x3];
	[sflag:s7] =	ssyncset.done $0x0  }
.LBB2_2:
0x76: {  	[sflag:s7] =	ssyncadd.s32 $0xFFFF8000  }
0x77: {  	[tilespmem:s2], [sflag:$0x3] =	stream.linear.gather [hbm4b:s1+s2], $0x800, $0x38;
	[tilespmem:$0x10800] =	vst v63  }
0x78: {  	_ =	swait.ge [sflag:s29], $0x800  }
0x79: {  	[sflag:s29] =	ssyncset.done $0x0  }
0x7a: {  	[sflag:s29] =	ssyncadd.s32 $0xFFFFF800  }
0x7b: {  	[tilespmem:s9], [sflag:$0x1] =	stream.indirect.gather [hbm4b:s3+s8], $0x40, s2, s8, $0xb8;
	[tilespmem:$0x10800] =	vst v63  }
0x7c: {  	_ = 	snop  }
0x7d: {  	[tilespmem:s13], [sflag:$0x1] =	stream.indirect.gather [hbm4b:s3+s8], $0x40, s8, s8, $0xb8;
	[tilespmem:$0x10800] =	vst v63  }
0x7e: {  	_ = 	snop  }
0x7f: {  	[tilespmem:s14], [sflag:$0x1] =	stream.indirect.gather [hbm4b:s3+s8], $0x40, s30, s8, $0xb8;
	[tilespmem:$0x10800] =	vst v63  }
0x80: {  	_ = 	snop  }
0x81: {  	[tilespmem:s15], [sflag:$0x1] =	stream.indirect.gather [hbm4b:s3+s8], $0x40, s31, s8, $0xb8;
	[tilespmem:$0x10800] =	vst v63  }
0x82: {  	_ =	swait.ge [sflag:s5], $0x2000  }
0x83: {  	[sflag:s5] =	ssyncset.done $0x0  }
0x84: {  	[sflag:s5] =	ssyncadd.s32 $0xFFFFE000  }
0x85: {  	_ =	swait.ge [sflag:s5], $0x2000  }
0x86: {  	[sflag:s5] =	ssyncset.done $0x0  }
0x87: {  	[sflag:s5] =	ssyncadd.s32 $0xFFFFE000  }
0x88: {  	_ =	swait.ge [sflag:s5], $0x2000  }
0x89: {  	[sflag:s5] =	ssyncset.done $0x0  }
0x8a: {  	[sflag:s5] =	ssyncadd.s32 $0xFFFFE000  }
0x8b: {  	_ =	swait.ge [sflag:s5], $0x2000  }
0x8c: {  	[sflag:s5] =	ssyncset.done $0x0  }
0x8d: {  	s1 =	rddreg [dreg:$0x4];
	[sflag:s5] =	ssyncadd.s32 $0xFFFFE000  }
0x8e: {  	[hbm4b:s1+s2] =	stream.linear.scatter [tilespmem:s9], [sflag:$0x2], $0x8000, $0x38;
	[tilespmem:$0x10800] =	vst v63  }
0x8f: {  	_ = 	snop  }
0x90: {  	[tilespmem:s6], [sflag:$0x1] =	stream.indirect.gather [hbm4b:s3+s8], $0x40, s24, s8, $0xb8;
	[tilespmem:$0x10800] =	vst v63  }
0x91: {  	_ = 	snop  }
0x92: {  	[tilespmem:s10], [sflag:$0x1] =	stream.indirect.gather [hbm4b:s3+s8], $0x40, s25, s8, $0xb8;
	[tilespmem:$0x10800] =	vst v63  }
0x93: {  	_ = 	snop  }
0x94: {  	[tilespmem:s11], [sflag:$0x1] =	stream.indirect.gather [hbm4b:s3+s8], $0x40, s26, s8, $0xb8;
	[tilespmem:$0x10800] =	vst v63  }
0x95: {  	_ = 	snop  }
0x96: {  	[tilespmem:s12], [sflag:$0x1] =	stream.indirect.gather [hbm4b:s3+s8], $0x40, s28, s8, $0xb8;
	[tilespmem:$0x10800] =	vst v63  }
0x97: {  	_ =	swait.ge [sflag:s5], $0x2000  }
0x98: {  	[sflag:s5] =	ssyncset.done $0x0  }
0x99: {  	[sflag:s5] =	ssyncadd.s32 $0xFFFFE000  }
0x9a: {  	_ =	swait.ge [sflag:s5], $0x2000  }
0x9b: {  	[sflag:s5] =	ssyncset.done $0x0  }
0x9c: {  	[sflag:s5] =	ssyncadd.s32 $0xFFFFE000  }
0x9d: {  	_ =	swait.ge [sflag:s5], $0x2000  }
0x9e: {  	[sflag:s5] =	ssyncset.done $0x0  }
0x9f: {  	[sflag:s5] =	ssyncadd.s32 $0xFFFFE000  }
0xa0: {  	_ =	swait.ge [sflag:s5], $0x2000  }
0xa1: {  	[sflag:s5] =	ssyncset.done $0x0  }
0xa2: {  	s1 =	rddreg [dreg:$0x5];
	[sflag:s5] =	ssyncadd.s32 $0xFFFFE000  }
0xa3: {  	[hbm4b:s1+s2] =	stream.linear.scatter [tilespmem:s6], [sflag:$0x2], $0x8000, $0x38;
	[tilespmem:$0x10800] =	vst v63  }
0xa4: {  	_ =	swait.ge [sflag:s7], $0x8000  }
0xa5: {  	[sflag:s7] =	ssyncset.done $0x0  }
0xa6: {  	[sflag:s7] =	ssyncadd.s32 $0xFFFF8000  }
0xa7: {  	[tilespmem:s9], [sflag:$0x1] =	stream.indirect.gather [hbm4b:s3+s8], $0x40, s20, s8, $0xb8;
	[tilespmem:$0x10800] =	vst v63  }
0xa8: {  	_ = 	snop  }
0xa9: {  	[tilespmem:s13], [sflag:$0x1] =	stream.indirect.gather [hbm4b:s3+s8], $0x40, s21, s8, $0xb8;
	[tilespmem:$0x10800] =	vst v63  }
0xaa: {  	_ = 	snop  }
0xab: {  	[tilespmem:s14], [sflag:$0x1] =	stream.indirect.gather [hbm4b:s3+s8], $0x40, s22, s8, $0xb8;
	[tilespmem:$0x10800] =	vst v63  }
0xac: {  	_ = 	snop  }
0xad: {  	[tilespmem:s15], [sflag:$0x1] =	stream.indirect.gather [hbm4b:s3+s8], $0x40, s23, s8, $0xb8;
	[tilespmem:$0x10800] =	vst v63  }
0xae: {  	_ =	swait.ge [sflag:s5], $0x2000  }
0xaf: {  	[sflag:s5] =	ssyncset.done $0x0  }
0xb0: {  	[sflag:s5] =	ssyncadd.s32 $0xFFFFE000  }
0xb1: {  	_ =	swait.ge [sflag:s5], $0x2000  }
0xb2: {  	[sflag:s5] =	ssyncset.done $0x0  }
0xb3: {  	[sflag:s5] =	ssyncadd.s32 $0xFFFFE000  }
0xb4: {  	_ =	swait.ge [sflag:s5], $0x2000  }
0xb5: {  	[sflag:s5] =	ssyncset.done $0x0  }
0xb6: {  	[sflag:s5] =	ssyncadd.s32 $0xFFFFE000  }
0xb7: {  	_ =	swait.ge [sflag:s5], $0x2000  }
0xb8: {  	[sflag:s5] =	ssyncset.done $0x0  }
0xb9: {  	s1 =	rddreg [dreg:$0x6];
	[sflag:s5] =	ssyncadd.s32 $0xFFFFE000  }
0xba: {  	[hbm4b:s1+s2] =	stream.linear.scatter [tilespmem:s9], [sflag:$0x2], $0x8000, $0x38;
	[tilespmem:$0x10800] =	vst v63  }
0xbb: {  	_ =	swait.ge [sflag:s7], $0x8000  }
0xbc: {  	[sflag:s7] =	ssyncset.done $0x0  }
0xbd: {  	[sflag:s7] =	ssyncadd.s32 $0xFFFF8000  }
0xbe: {  	[tilespmem:s6], [sflag:$0x1] =	stream.indirect.gather [hbm4b:s3+s8], $0x40, s16, s8, $0xb8;
	[tilespmem:$0x10800] =	vst v63  }
0xbf: {  	_ = 	snop  }
0xc0: {  	[tilespmem:s10], [sflag:$0x1] =	stream.indirect.gather [hbm4b:s3+s8], $0x40, s17, s8, $0xb8;
	[tilespmem:$0x10800] =	vst v63  }
0xc1: {  	_ = 	snop  }
0xc2: {  	[tilespmem:s11], [sflag:$0x1] =	stream.indirect.gather [hbm4b:s3+s8], $0x40, s18, s8, $0xb8;
	[tilespmem:$0x10800] =	vst v63  }
0xc3: {  	_ = 	snop  }
0xc4: {  	[tilespmem:s12], [sflag:$0x1] =	stream.indirect.gather [hbm4b:s3+s8], $0x40, s19, s8, $0xb8;
	[tilespmem:$0x10800] =	vst v63  }
0xc5: {  	_ =	swait.ge [sflag:s5], $0x2000  }
0xc6: {  	[sflag:s5] =	ssyncset.done $0x0  }
0xc7: {  	[sflag:s5] =	ssyncadd.s32 $0xFFFFE000  }
0xc8: {  	_ =	swait.ge [sflag:s5], $0x2000  }
0xc9: {  	[sflag:s5] =	ssyncset.done $0x0  }
0xca: {  	[sflag:s5] =	ssyncadd.s32 $0xFFFFE000  }
0xcb: {  	_ =	swait.ge [sflag:s5], $0x2000  }
0xcc: {  	[sflag:s5] =	ssyncset.done $0x0  }
0xcd: {  	[sflag:s5] =	ssyncadd.s32 $0xFFFFE000  }
0xce: {  	_ =	swait.ge [sflag:s5], $0x2000  }
0xcf: {  	[sflag:s5] =	ssyncset.done $0x0  }
0xd0: {  	p1 =	sne.s32 s0, $0x1;
	[sflag:s5] =	ssyncadd.s32 $0xFFFFE000  }
0xd1: {  	[hbm4b:s4+s2] =	stream.linear.scatter [tilespmem:s6], [sflag:$0x2], $0x8000, $0x38;
	[tilespmem:$0x10800] =	vst v63  }
.Ltmp2:
0xd2: {  	_ =	swait.ge [sflag:s7], $0x8000;
	(pc) =	sbr.rel @p1 .LBB2_2-.Ltmp2, $4  }
0xd3: {  	[sflag:s7] =	ssyncset.done $0x0  }
0xd4: {  	[sflag:s7] =	ssyncadd.s32 $0xFFFF8000  }
0xd5: {  	_ =	swait.ge [sflag:s7], $0x8000  }
0xd6: {  	s0 =	sadd.s32 $0xFFFFFFFF, s0;
	s1 =	rddreg [dreg:$0x3];
	[sflag:s7] =	ssyncset.done $0x0  }
.LBB2_3:
0xd7: {  	[sflag:s7] =	ssyncadd.s32 @p0 $0xFFFF8000  }
0xd8: {  	[tilespmem:s2], [sflag:$0x3] =	stream.linear.gather [hbm4b:s1+s2], $0x800, $0x38;
	[tilespmem:$0x10800] =	vst v63  }
0xd9: {  	_ =	swait.ge [sflag:s29], $0x800  }
0xda: {  	[sflag:s29] =	ssyncset.done $0x0  }
0xdb: {  	[sflag:s29] =	ssyncadd.s32 $0xFFFFF800  }
0xdc: {  	[tilespmem:s9], [sflag:$0x1] =	stream.indirect.gather [hbm4b:s3+s8], $0x40, s2, s8, $0xb8;
	[tilespmem:$0x10800] =	vst v63  }
0xdd: {  	_ = 	snop  }
0xde: {  	[tilespmem:s13], [sflag:$0x1] =	stream.indirect.gather [hbm4b:s3+s8], $0x40, s8, s8, $0xb8;
	[tilespmem:$0x10800] =	vst v63  }
0xdf: {  	_ = 	snop  }
0xe0: {  	[tilespmem:s14], [sflag:$0x1] =	stream.indirect.gather [hbm4b:s3+s8], $0x40, s30, s8, $0xb8;
	[tilespmem:$0x10800] =	vst v63  }
0xe1: {  	_ = 	snop  }
0xe2: {  	[tilespmem:s15], [sflag:$0x1] =	stream.indirect.gather [hbm4b:s3+s8], $0x40, s31, s8, $0xb8;
	[tilespmem:$0x10800] =	vst v63  }
0xe3: {  	_ =	swait.ge [sflag:s5], $0x2000  }
0xe4: {  	[sflag:s5] =	ssyncset.done $0x0  }
0xe5: {  	[sflag:s5] =	ssyncadd.s32 $0xFFFFE000  }
0xe6: {  	_ =	swait.ge [sflag:s5], $0x2000  }
0xe7: {  	[sflag:s5] =	ssyncset.done $0x0  }
0xe8: {  	[sflag:s5] =	ssyncadd.s32 $0xFFFFE000  }
0xe9: {  	_ =	swait.ge [sflag:s5], $0x2000  }
0xea: {  	[sflag:s5] =	ssyncset.done $0x0  }
0xeb: {  	[sflag:s5] =	ssyncadd.s32 $0xFFFFE000  }
0xec: {  	_ =	swait.ge [sflag:s5], $0x2000  }
0xed: {  	[sflag:s5] =	ssyncset.done $0x0  }
0xee: {  	s0 =	rddreg [dreg:$0x4];
	[sflag:s5] =	ssyncadd.s32 $0xFFFFE000  }
0xef: {  	[hbm4b:s0+s2] =	stream.linear.scatter [tilespmem:s9], [sflag:$0x2], $0x8000, $0x38;
	[tilespmem:$0x10800] =	vst v63  }
0xf0: {  	_ = 	snop  }
0xf1: {  	[tilespmem:s6], [sflag:$0x1] =	stream.indirect.gather [hbm4b:s3+s8], $0x40, s24, s8, $0xb8;
	[tilespmem:$0x10800] =	vst v63  }
0xf2: {  	_ = 	snop  }
0xf3: {  	[tilespmem:s10], [sflag:$0x1] =	stream.indirect.gather [hbm4b:s3+s8], $0x40, s25, s8, $0xb8;
	[tilespmem:$0x10800] =	vst v63  }
0xf4: {  	_ = 	snop  }
0xf5: {  	[tilespmem:s11], [sflag:$0x1] =	stream.indirect.gather [hbm4b:s3+s8], $0x40, s26, s8, $0xb8;
	[tilespmem:$0x10800] =	vst v63  }
0xf6: {  	_ = 	snop  }
0xf7: {  	[tilespmem:s12], [sflag:$0x1] =	stream.indirect.gather [hbm4b:s3+s8], $0x40, s28, s8, $0xb8;
	[tilespmem:$0x10800] =	vst v63  }
0xf8: {  	_ =	swait.ge [sflag:s5], $0x2000  }
0xf9: {  	[sflag:s5] =	ssyncset.done $0x0  }
0xfa: {  	[sflag:s5] =	ssyncadd.s32 $0xFFFFE000  }
0xfb: {  	_ =	swait.ge [sflag:s5], $0x2000  }
0xfc: {  	[sflag:s5] =	ssyncset.done $0x0  }
0xfd: {  	[sflag:s5] =	ssyncadd.s32 $0xFFFFE000  }
0xfe: {  	_ =	swait.ge [sflag:s5], $0x2000  }
0xff: {  	[sflag:s5] =	ssyncset.done $0x0  }
0x100: {  	[sflag:s5] =	ssyncadd.s32 $0xFFFFE000  }
0x101: {  	_ =	swait.ge [sflag:s5], $0x2000  }
0x102: {  	[sflag:s5] =	ssyncset.done $0x0  }
0x103: {  	s29 =	rddreg [dreg:$0x5];
	[sflag:s5] =	ssyncadd.s32 $0xFFFFE000  }
0x104: {  	[hbm4b:s29+s2] =	stream.linear.scatter [tilespmem:s6], [sflag:$0x2], $0x8000, $0x38;
	[tilespmem:$0x10800] =	vst v63  }
0x105: {  	_ =	swait.ge [sflag:s7], $0x8000  }
0x106: {  	[sflag:s7] =	ssyncset.done $0x0  }
0x107: {  	[sflag:s7] =	ssyncadd.s32 $0xFFFF8000  }
0x108: {  	[tilespmem:s9], [sflag:$0x1] =	stream.indirect.gather [hbm4b:s3+s8], $0x40, s20, s8, $0xb8;
	[tilespmem:$0x10800] =	vst v63  }
0x109: {  	_ = 	snop  }
0x10a: {  	[tilespmem:s13], [sflag:$0x1] =	stream.indirect.gather [hbm4b:s3+s8], $0x40, s21, s8, $0xb8;
	[tilespmem:$0x10800] =	vst v63  }
0x10b: {  	_ = 	snop  }
0x10c: {  	[tilespmem:s14], [sflag:$0x1] =	stream.indirect.gather [hbm4b:s3+s8], $0x40, s22, s8, $0xb8;
	[tilespmem:$0x10800] =	vst v63  }
0x10d: {  	_ = 	snop  }
0x10e: {  	[tilespmem:s15], [sflag:$0x1] =	stream.indirect.gather [hbm4b:s3+s8], $0x40, s23, s8, $0xb8;
	[tilespmem:$0x10800] =	vst v63  }
0x10f: {  	_ =	swait.ge [sflag:s5], $0x2000  }
0x110: {  	[sflag:s5] =	ssyncset.done $0x0  }
0x111: {  	[sflag:s5] =	ssyncadd.s32 $0xFFFFE000  }
0x112: {  	_ =	swait.ge [sflag:s5], $0x2000  }
0x113: {  	[sflag:s5] =	ssyncset.done $0x0  }
0x114: {  	[sflag:s5] =	ssyncadd.s32 $0xFFFFE000  }
0x115: {  	_ =	swait.ge [sflag:s5], $0x2000  }
0x116: {  	[sflag:s5] =	ssyncset.done $0x0  }
0x117: {  	[sflag:s5] =	ssyncadd.s32 $0xFFFFE000  }
0x118: {  	_ =	swait.ge [sflag:s5], $0x2000  }
0x119: {  	[sflag:s5] =	ssyncset.done $0x0  }
0x11a: {  	s30 =	rddreg [dreg:$0x6];
	[sflag:s5] =	ssyncadd.s32 $0xFFFFE000  }
0x11b: {  	[hbm4b:s30+s2] =	stream.linear.scatter [tilespmem:s9], [sflag:$0x2], $0x8000, $0x38;
	[tilespmem:$0x10800] =	vst v63  }
0x11c: {  	_ =	swait.ge [sflag:s7], $0x8000  }
0x11d: {  	[sflag:s7] =	ssyncset.done $0x0  }
0x11e: {  	[sflag:s7] =	ssyncadd.s32 $0xFFFF8000  }
0x11f: {  	[tilespmem:s6], [sflag:$0x1] =	stream.indirect.gather [hbm4b:s3+s8], $0x40, s16, s8, $0xb8;
	[tilespmem:$0x10800] =	vst v63  }
0x120: {  	_ = 	snop  }
0x121: {  	[tilespmem:s10], [sflag:$0x1] =	stream.indirect.gather [hbm4b:s3+s8], $0x40, s17, s8, $0xb8;
	[tilespmem:$0x10800] =	vst v63  }
0x122: {  	_ = 	snop  }
0x123: {  	[tilespmem:s11], [sflag:$0x1] =	stream.indirect.gather [hbm4b:s3+s8], $0x40, s18, s8, $0xb8;
	[tilespmem:$0x10800] =	vst v63  }
0x124: {  	_ = 	snop  }
0x125: {  	[tilespmem:s12], [sflag:$0x1] =	stream.indirect.gather [hbm4b:s3+s8], $0x40, s19, s8, $0xb8;
	[tilespmem:$0x10800] =	vst v63  }
0x126: {  	_ =	swait.ge [sflag:s5], $0x2000  }
0x127: {  	[sflag:s5] =	ssyncset.done $0x0  }
0x128: {  	[sflag:s5] =	ssyncadd.s32 $0xFFFFE000  }
0x129: {  	_ =	swait.ge [sflag:s5], $0x2000  }
0x12a: {  	[sflag:s5] =	ssyncset.done $0x0  }
0x12b: {  	[sflag:s5] =	ssyncadd.s32 $0xFFFFE000  }
0x12c: {  	_ =	swait.ge [sflag:s5], $0x2000  }
0x12d: {  	[sflag:s5] =	ssyncset.done $0x0  }
0x12e: {  	[sflag:s5] =	ssyncadd.s32 $0xFFFFE000  }
0x12f: {  	_ =	swait.ge [sflag:s5], $0x2000  }
0x130: {  	[sflag:s5] =	ssyncset.done $0x0  }
0x131: {  	[sflag:s5] =	ssyncadd.s32 $0xFFFFE000  }
0x132: {  	[hbm4b:s4+s2] =	stream.linear.scatter [tilespmem:s6], [sflag:$0x2], $0x8000, $0x38;
	[tilespmem:$0x10800] =	vst v63  }
0x133: {  	_ =	swait.ge [sflag:s7], $0x8000  }
0x134: {  	[sflag:s7] =	ssyncset.done $0x0  }
0x135: {  	[sflag:s7] =	ssyncadd.s32 $0xFFFF8000  }
0x136: {  	_ =	swait.ge [sflag:s7], $0x8000  }
0x137: {  	[sflag:s7] =	ssyncset.done $0x0  }
0x138: {  	[sflag:s7] =	ssyncadd.s32 $0xFFFF8000  }
0x139: {  	_ =	sfence.sel $0x180000  }
0x13a: {  	[bflag:$0x0] =	sbarrier.arrive $0xFFFF  }
0x13b: {  	_ =	strace $0x9000004A  }
0x13c: {  	s31 =	stileid.u32;
	[bflag:$0x2] =	sbarrier.arrive $0xFFFF  }
0x13d: {  	p0 =	sne.s32 s31, $0x0;
	s0 =	rddreg [dreg:$0x2]  }
0x13e: {  	s0 =	sadd.s32 @!p0 $0x100000, s0  }
0x13f: {  	[sflag:s0] =	ssyncadd.tile.s32 @!p0 $0x1;
	_ =	shalt  }
.Lfunc_end2:
_tile_overlayer_lowered:
.L_overlay_start_2:
0x140: {  	(tag) =	ssettag $0x2  }
0x141: {  	s0 =	rddreg [dreg:$0x0];
	s2 =	stileid.u32  }
0x142: {  	s1 =	rddreg [dreg:$0x1];
	p0 =	sne.s32 s2, $0x0  }
0x143: {  	s3 =	rddreg [dreg:$0x2];
	[bflag:$0x3] =	sbarrier.arrive $0xFFFF;
	s2 =	simm.s32 @!p0 $0x1C03  }
0x144: {  	[timem:s3], [sflag:s2] =	dma.local @!p0 [hbm:s0], s1  }
0x145: {  	s0 =	simm.s32 @!p0 $0x3  }
0x146: {  	_ =	swait.ge @!p0 [sflag:s0], s1  }
0x147: {  	s1 =	ssub.s32 @!p0 $0x0, s1;
	[sflag:s0] =	ssyncset.done @!p0 $0x0  }
0x148: {  	[sflag:s0] =	ssyncadd.s32 @!p0 s1  }
0x149: {  	[bflag:$0x3] =	sbarrier.arrive $0xFFFF  }
0x14a: {  	_ =	shalt  }

// kernel: kernel.14.cloned.1.call-start
scs
__scs_entry_jumppad:
0x0: {  	(pc) =	sbr.rel $0x88, $3  }
0x1: {  	(tag) =	ssettag $0x0;
	lr =	simm.s32 $0x1  }
0x2: {  	[smem:$0x3F7B] =	sst lr;
	_ =	strace $0xD0000000  }
0x3: {  	_ = 	snop  }
0x4: {  	_ = 	snop  }
0x5: {  	_ = 	snop  }
0x6: {  	_ = 	snop  }
0x7: {  	_ = 	snop  }
__scs_overlays_trampoline_lowered:
0x8: {  	[smem:$0x3F8A] =	sst s0  }
0x9: {  	[smem:$0x3F8B] =	sst s1  }
0xa: {  	[smem:$0x3F8C] =	sst s2  }
0xb: {  	[smem:$0x3F8D] =	sst s3  }
0xc: {  	[smem:$0x3F8E] =	sst s4  }
0xd: {  	[smem:$0x3F8F] =	sst s5  }
0xe: {  	[smem:$0x3F90] =	sst s6  }
0xf: {  	[smem:$0x3F91] =	sst s7  }
0x10: {  	[smem:$0x3F92] =	sst s8  }
0x11: {  	[smem:$0x3F93] =	sst s9;
	s0 =	simm.s32 @!p0 $0x0  }
0x12: {  	s1 =	sld [smem:$0x3F79];
	s0 =	simm.s32 @p0 $0x1  }
0x13: {  	[smem:$0x3F94] =	sst s0;
	s0 =	simm.s32 @!p1 $0x0  }
0x14: {  	s2 =	sld [smem:$0x3F78];
	s0 =	simm.s32 @p1 $0x1  }
0x15: {  	[smem:$0x3F95] =	sst s0;
	s0 =	simm.s32 @!p2 $0x0  }
0x16: {  	s3 =	sld [smem:$0x3FDB];
	s0 =	simm.s32 @p2 $0x1  }
0x17: {  	s4 =	simm.s32 $0x1BF5;
	[smem:$0x3F97] =	sst s0  }
0x18: {  	s0 =	sld [smem:$0x3F7A];
	_ =	swait.ge [sflag:s4], $0x0  }
0x19: {  	s7 =	sld [smem:$0x3F7B]  }
0x1a: {  	s8 =	sadd.s32 $0xFFFFE003, lr  }
0x1b: {  	s9 =	sadd.s32 $0xFFFFFEF7, lr;
	s5 =	simm.s32 $0xFFFFFFFF;
	p2 =	slt.u32 s8, $0xFFFFF086  }
0x1c: {  	p1 =	slt.u32 s9, $0xF7A;
	s5 =	simm.s32 @!p2 $0x0  }
0x1d: {  	s5 =	simm.s32 @p1 $0x1;
	p0 =	seq.s32 s7, s2  }
0x1e: {  	s7 =	smul.u32 @!p0 $0xF7A, s2;
	p2 =	seq.s32 @!p0 s5, $0x0  }
0x1f: {  	s9 =	smul.u32 $0xF7A, s1;
	s8 =	simm.s32 @!p0 $0x1BF5;
	p2 =	por !p2, p0  }
0x20: {  	[sflag:s8] =	ssyncset.s32 @!p0 $0xFFFFF086;
	s6 =	sadd.s32 @!p0 s3, s7;
	s7 =	simm.s32 @!p0 $0x108  }
0x21: {  	s3 =	sadd.s32 s3, s9;
	s6 =	sadd.s32 @!p0 $0x88, s6;
	s7 =	simm.s32 @p2 $0x1082  }
0x22: {  	[simem:s7], [sflag:s8] =	dma.local @!p0 [hbm:s6], $0xF7A  }
0x23: {  	s9 =	sor.u32 $0xD0000000, s2;
	s6 =	simm.s32 $0x108;
	_ =	swait.ge @!p0 [sflag:s8], $0x0  }
0x24: {  	s3 =	sadd.s32 $0x88, s3;
	s6 =	simm.s32 @!p1 $0x1082;
	[sflag:s4] =	ssyncset.s32 $0xFFFFF086  }
0x25: {  	[simem:s6], [sflag:s4] =	dma.local [hbm:s3], $0xF7A  }
0x26: {  	[smem:$0x3F7B] =	sst s1;
	(tag) =	ssettag s2;
	_ =	strace s9  }
0x27: {  	s1 =	sld [smem:$0x3F8B]  }
0x28: {  	s2 =	sld [smem:$0x3F8C]  }
0x29: {  	s4 =	sld [smem:$0x3F8E]  }
0x2a: {  	p0 =	seq.s32 s5, $0x0;
	s5 =	sld [smem:$0x3F8F]  }
0x2b: {  	s6 =	sld [smem:$0x3F90]  }
0x2c: {  	s7 =	sld [smem:$0x3F91]  }
0x2d: {  	s3 =	simm.s32 $0x108;
	s8 =	sld [smem:$0x3F92]  }
0x2e: {  	s3 =	simm.s32 @!p0 $0x1082;
	s9 =	sld [smem:$0x3F93]  }
0x2f: {  	lr =	sadd.s32 s0, s3;
	s0 =	sld [smem:$0x3F8A]  }
0x30: {  	s3 =	sld [smem:$0x3F8D]  }
0x31: {  	[smem:$0x3F96] =	sst s10  }
0x32: {  	s10 =	sld [smem:$0x3F94];
	_ =	sdelay $0x3  }
0x33: {  	p0 =	seq.s32 s10, $0x1;
	s10 =	sld [smem:$0x3F96];
	_ =	sdelay $0x3  }
0x34: {  	[smem:$0x3F96] =	sst s10  }
0x35: {  	s10 =	sld [smem:$0x3F95];
	_ =	sdelay $0x3  }
0x36: {  	p1 =	seq.s32 s10, $0x1;
	s10 =	sld [smem:$0x3F96];
	_ =	sdelay $0x3  }
0x37: {  	[smem:$0x3F96] =	sst s10  }
0x38: {  	s10 =	sld [smem:$0x3F97]  }
0x39: {  	_ = 	snop;
	(pc) =	sbr.ind lr, $3  }
0x3a: {  	_ = 	snop  }
0x3b: {  	_ = 	snop  }
0x3c: {  	p2 =	seq.s32 s10, $0x1;
	s10 =	sld [smem:$0x3F96]  }
0x3d: {  	_ =	shalt  }
0x3e: {  	_ =	shalt  }
0x3f: {  	_ =	shalt  }
0x40: {  	_ =	shalt  }
0x41: {  	_ =	shalt  }
0x42: {  	_ =	shalt  }
0x43: {  	_ =	shalt  }
0x44: {  	_ =	shalt  }
0x45: {  	_ =	shalt  }
0x46: {  	_ =	shalt  }
0x47: {  	_ =	shalt  }
0x48: {  	_ =	shalt  }
0x49: {  	_ =	shalt  }
0x4a: {  	_ =	shalt  }
0x4b: {  	_ =	shalt  }
0x4c: {  	_ =	shalt  }
0x4d: {  	_ =	shalt  }
0x4e: {  	_ =	shalt  }
0x4f: {  	_ =	shalt  }
0x50: {  	_ =	shalt  }
0x51: {  	_ =	shalt  }
0x52: {  	_ =	shalt  }
0x53: {  	_ =	shalt  }
0x54: {  	_ =	shalt  }
0x55: {  	_ =	shalt  }
0x56: {  	_ =	shalt  }
0x57: {  	_ =	shalt  }
0x58: {  	_ =	shalt  }
0x59: {  	_ =	shalt  }
0x5a: {  	_ =	shalt  }
0x5b: {  	_ =	shalt  }
0x5c: {  	_ =	shalt  }
0x5d: {  	_ =	shalt  }
0x5e: {  	_ =	shalt  }
0x5f: {  	_ =	shalt  }
0x60: {  	_ =	shalt  }
0x61: {  	_ =	shalt  }
0x62: {  	_ =	shalt  }
0x63: {  	_ =	shalt  }
0x64: {  	_ =	shalt  }
0x65: {  	_ =	shalt  }
0x66: {  	_ =	shalt  }
0x67: {  	_ =	shalt  }
0x68: {  	_ =	shalt  }
0x69: {  	_ =	shalt  }
0x6a: {  	_ =	shalt  }
0x6b: {  	_ =	shalt  }
0x6c: {  	_ =	shalt  }
0x6d: {  	_ =	shalt  }
0x6e: {  	_ =	shalt  }
0x6f: {  	_ =	shalt  }
0x70: {  	_ =	shalt  }
0x71: {  	_ =	shalt  }
0x72: {  	_ =	shalt  }
0x73: {  	_ =	shalt  }
0x74: {  	_ =	shalt  }
0x75: {  	_ =	shalt  }
0x76: {  	_ =	shalt  }
0x77: {  	_ =	shalt  }
0x78: {  	_ =	shalt  }
0x79: {  	_ =	shalt  }
0x7a: {  	_ =	shalt  }
0x7b: {  	_ =	shalt  }
0x7c: {  	_ =	shalt  }
0x7d: {  	_ =	shalt  }
0x7e: {  	_ =	shalt  }
0x7f: {  	_ =	shalt  }
0x80: {  	_ =	shalt  }
0x81: {  	_ =	shalt  }
0x82: {  	_ =	shalt  }
0x83: {  	_ =	shalt  }
0x84: {  	_ =	shalt  }
0x85: {  	_ =	shalt  }
0x86: {  	_ =	shalt  }
0x87: {  	_ =	shalt  }
.Lfunc_end0:
.L_simem_size_0:
called_computation.2_lowered:
.L_overlay_start_0:
0x88: {  	s2 =	sld [smem:$0x3FD9]  }
0x89: {  	s3 =	sld [smem:$0x3FFE];
	_ =	sdelay $0x1  }
0x8a: {  	s1 =	srdreg.scid  }
0x8b: {  	s0 =	sand.u32 $0x1, s1  }
0x8c: {  	s17 =	sshll.u32 s0, $0xA;
	s2 =	sadd.s32 s3, s2  }
0x8d: {  	s2 =	sadd.s32 s2, s17  }
0x8e: {  	[smem:$0x3FA2] =	sst s2  }
0x8f: {  	_ = 	snop  }
0x90: {  	s2 =	sld [smem:$0x3FD0];
	(tm) =	ssettm $0x1  }
0x91: {  	s18 =	sld [smem:$0x3FFB];
	_ =	sdelay $0x3  }
0x92: {  	_ =	strace s18  }
0x93: {  	s3 =	sld [smem:$0x3FFC];
	_ =	sdelay $0x3  }
0x94: {  	_ =	strace s3  }
0x95: {  	s3 =	sld [smem:$0x3FFD];
	_ =	sdelay $0x3  }
0x96: {  	_ =	strace s3  }
0x97: {  	_ =	strace $0x8FFFFFFF  }
0x98: {  	s19 =	sld [smem:$0x3FDB];
	_ =	sdelay $0x1  }
0x99: {  	s4 =	simm.s32 $_scs_section_size  }
0x9a: {  	s5 =	simm.s32 $_size__tile_overlayer_lowered;
	s6 =	simm.s32 $_tile_overlayer_lowered  }
0x9b: {  	s22 =	simm.s32 $0x1BFF;
	s21 =	sshll.u32 s6, $0x1;
	s3 =	sadd.s32 s4, s19  }
0x9c: {  	s7 =	simm.s32 $0x0;
	s20 =	sshll.u32 s5, $0x1;
	s5 =	sadd.s32 s21, s3  }
0x9d: {  	[timem:s7], [sflag:s22] =	dma.local [hbm:s5], s20  }
0x9e: {  	_ =	swait.ge [sflag:s22], s20  }
0x9f: {  	s4 =	ssub.s32 $0x0, s20;
	[sflag:s22] =	ssyncset.done $0x0  }
0xa0: {  	[sflag:s22] =	ssyncadd.s32 s4;
	_ =	sdelay $0x1  }
0xa1: {  	s23 =	simm.s32 $0x1B8B  }
0xa2: {  	_ =	swait.ge [sflag:s23], $0x1  }
0xa3: {  	[sflag:s23] =	ssyncset.done $0x0  }
0xa4: {  	s25 =	simm.s32 $0x1B8E;
	s24 =	sld [smem:$0x3FFE];
	[sflag:s23] =	ssyncadd.s32 $0xFFFFFFFF  }
0xa5: {  	s26 =	simm.s32 $execute0_lowered;
	[smem:$0x3FD2] =	sst s25  }
0xa6: {  	s5 =	sshll.u32 s26, $0x1;
	_ =	strace $0x8000004C;
	[dreg:$0x1] =	wrdreg $0xFFFFFFFF  }
0xa7: {  	s28 =	simm.s32 $_size_execute0_lowered;
	s3 =	sadd.s32 s3, s5;
	[dreg:$0x0] =	wrdreg $0x0  }
0xa8: {  	s5 =	sshll.u32 s28, $0x1;
	[dreg:$0x2] =	wrdreg s3  }
0xa9: {  	[dreg:$0x3] =	wrdreg s5  }
0xaa: {  	[dreg:$0x4] =	wrdreg $0xC0  }
0xab: {  	_ =	task [dreg:s7], $0x5FFFF  }
0xac: {  	[dreg:$0x1] =	wrdreg $0xFFFFFFFF  }
0xad: {  	[dreg:$0x0] =	wrdreg $0x60  }
0xae: {  	[dreg:$0x2] =	wrdreg s24  }
0xaf: {  	[dreg:$0x3] =	wrdreg s2  }
0xb0: {  	[dreg:$0x4] =	wrdreg $0x9  }
0xb1: {  	_ =	task.clear_ibuf [dreg:s7], $0x5FFFF;
	_ =	strace $0x9000004C  }
0xb2: {  	s29 =	simm.s32 $0x9;
	_ =	strace $0x8000004E  }
0xb3: {  	_ =	swait.ge [sflag:s29], $0x1  }
0xb4: {  	[sflag:s29] =	ssyncadd.s32 $0xFFFFFFFF  }
0xb5: {  	_ =	strace $0x9000004E  }
0xb6: {  	_ =	sfence  }
0xb7: {  	s30 =	sld [smem:$0x0];
	_ =	sdelay $0x2  }
0xb8: {  	s31 =	sshll.u32 s1, $0xD;
	s1 =	sshrl.u32 s1, $0x2  }
0xb9: {  	s3 =	sand.u32 $0x4000, s31;
	s1 =	sadd.s32 s1, s30  }
0xba: {  	s0 =	sor.u32 s3, s0;
	s1 =	sshll.u32 s1, $0x11  }
0xbb: {  	s0 =	sor.u32 s1, s0  }
0xbc: {  	s0 =	sadd.s32 $0x8F2B, s0  }
0xbd: {  	[sflag:s0] =	ssyncadd.remote.s32 $0x1  }
0xbe: {  	_ =	sfence.sel $0xFFFF  }
0xbf: {  	[dreg:$0x0] =	wrdreg $0xFFFFFFFF;
	(pc) =	sbr.abs _section_cstart, $3  }
0xc0: {  	[dreg:$0x1] =	wrdreg $0xFFFFFFFF  }
0xc1: {  	_ =	task.clear_ibuf [dreg:s7], $0x2FFFF;
	_ =	strace $0x9FFFFFFF  }
0xc2: {  	(tm) =	ssettm $0x7FFFFFFF  }
0xc3: {  	_ =	shalt  }
tec
execute0_lowered:
.L_overlay_start_1:
0x0: {  	(tag) =	ssettag $0x1  }
0x1: {  	s0 =	rddreg [dreg:$0x0]  }
0x2: {  	s1 =	rddreg [dreg:$0x1]  }
0x3: {  	s3 =	srdreg.scid;
	s5 =	stileid.u32  }
0x4: {  	s2 =	simm.s32 $0x0;
	s29 =	simm.s32 $0x3;
	s8 =	simm.s32 $0x80  }
0x5: {  	s9 =	simm.s32 $0x800;
	s13 =	simm.s32 $0x2800;
	s30 =	simm.s32 $0x100  }
0x6: {  	s14 =	simm.s32 $0x4800;
	s31 =	simm.s32 $0x180;
	s15 =	simm.s32 $0x6800  }
0x7: {  	s24 =	simm.s32 $0x200;
	s25 =	simm.s32 $0x280;
	s10 =	simm.s32 $0xA800  }
0x8: {  	s26 =	simm.s32 $0x300;
	s11 =	simm.s32 $0xC800;
	s28 =	simm.s32 $0x380  }
0x9: {  	s12 =	simm.s32 $0xE800;
	s7 =	simm.s32 $0x2;
	p0 =	por $0x0, $0x0  }
0xa: {  	s4 =	sand.u32 $0x1, s3;
	s17 =	sshll.u32 s5, $0x1;
	[smem:$0x7FF] =	sst s2  }
0xb: {  	s16 =	simm.s32 $0x600;
	s3 =	sor.u32 s4, s17;
	_ =	strace $0x8000004D  }
0xc: {  	s4 =	ssub.s32 $0x2, s4;
	s17 =	simm.s32 $0x680;
	s18 =	sshll.u32 s3, $0xE  }
0xd: {  	s6 =	sshll.u32 s3, $0x8;
	s3 =	sadd.s32 $0x406000, s0;
	s20 =	sshrl.u32 s4, $0x1  }
0xe: {  	s0 =	sadd.s32 s18, s0;
	s1 =	sadd.s32 s1, s6;
	s5 =	ssub.s32 s4, s20  }
0xf: {  	s6 =	simm.s32 $0x8800;
	s20 =	simm.s32 $0x400;
	s23 =	smax.u32 s5, $0x1  }
0x10: {  	[dreg:$0x3] =	wrdreg s1;
	s19 =	sadd.s32 $0x6000, s0;
	p1 =	sne.s32 s23, $0x1  }
.Ltmp0:
0x11: {  	s21 =	sadd.s32 $0x7000, s0;
	[dreg:$0x4] =	wrdreg s19;
	(pc) =	sbr.rel @!p1 .LBB2_3-.Ltmp0, $4  }
0x12: {  	s18 =	simm.s32 $0x700;
	s22 =	sadd.s32 $0x8000, s0;
	[dreg:$0x5] =	wrdreg s21  }
0x13: {  	s4 =	sadd.s32 $0x9000, s0;
	s5 =	simm.s32 $0x1;
	[dreg:$0x6] =	wrdreg s22  }
0x14: {  	s21 =	simm.s32 $0x480;
	s0 =	sadd.s32 $0xFFFFFFFF, s23;
	s22 =	simm.s32 $0x500  }
0x15: {  	s23 =	simm.s32 $0x580;
	s19 =	simm.s32 $0x780;
	s1 =	rddreg [dreg:$0x3]  }
0x16: {  	[tilespmem:s2], [sflag:$0x3] =	stream.linear.gather [hbm4b:s1+s2], $0x800, $0x38;
	[tilespmem:$0x10800] =	vst v63  }
0x17: {  	_ =	swait.ge [sflag:s29], $0x800  }
0x18: {  	[sflag:s29] =	ssyncset.done $0x0  }
0x19: {  	[sflag:s29] =	ssyncadd.s32 $0xFFFFF800  }
0x1a: {  	[tilespmem:s9], [sflag:$0x1] =	stream.indirect.gather [hbm4b:s3+s8], $0x40, s2, s8, $0xb8;
	[tilespmem:$0x10800] =	vst v63  }
0x1b: {  	_ = 	snop  }
0x1c: {  	[tilespmem:s13], [sflag:$0x1] =	stream.indirect.gather [hbm4b:s3+s8], $0x40, s8, s8, $0xb8;
	[tilespmem:$0x10800] =	vst v63  }
0x1d: {  	_ = 	snop  }
0x1e: {  	[tilespmem:s14], [sflag:$0x1] =	stream.indirect.gather [hbm4b:s3+s8], $0x40, s30, s8, $0xb8;
	[tilespmem:$0x10800] =	vst v63  }
0x1f: {  	_ = 	snop  }
0x20: {  	[tilespmem:s15], [sflag:$0x1] =	stream.indirect.gather [hbm4b:s3+s8], $0x40, s31, s8, $0xb8;
	[tilespmem:$0x10800] =	vst v63  }
0x21: {  	_ =	swait.ge [sflag:s5], $0x2000  }
0x22: {  	[sflag:s5] =	ssyncset.done $0x0  }
0x23: {  	[sflag:s5] =	ssyncadd.s32 $0xFFFFE000  }
0x24: {  	_ =	swait.ge [sflag:s5], $0x2000  }
0x25: {  	[sflag:s5] =	ssyncset.done $0x0  }
0x26: {  	[sflag:s5] =	ssyncadd.s32 $0xFFFFE000  }
0x27: {  	_ =	swait.ge [sflag:s5], $0x2000  }
0x28: {  	[sflag:s5] =	ssyncset.done $0x0  }
0x29: {  	[sflag:s5] =	ssyncadd.s32 $0xFFFFE000  }
0x2a: {  	_ =	swait.ge [sflag:s5], $0x2000  }
0x2b: {  	[sflag:s5] =	ssyncset.done $0x0  }
0x2c: {  	s1 =	rddreg [dreg:$0x4];
	[sflag:s5] =	ssyncadd.s32 $0xFFFFE000  }
0x2d: {  	[hbm4b:s1+s2] =	stream.linear.scatter [tilespmem:s9], [sflag:$0x2], $0x8000, $0x38;
	[tilespmem:$0x10800] =	vst v63  }
0x2e: {  	_ = 	snop  }
0x2f: {  	[tilespmem:s6], [sflag:$0x1] =	stream.indirect.gather [hbm4b:s3+s8], $0x40, s24, s8, $0xb8;
	[tilespmem:$0x10800] =	vst v63  }
0x30: {  	_ = 	snop  }
0x31: {  	[tilespmem:s10], [sflag:$0x1] =	stream.indirect.gather [hbm4b:s3+s8], $0x40, s25, s8, $0xb8;
	[tilespmem:$0x10800] =	vst v63  }
0x32: {  	_ = 	snop  }
0x33: {  	[tilespmem:s11], [sflag:$0x1] =	stream.indirect.gather [hbm4b:s3+s8], $0x40, s26, s8, $0xb8;
	[tilespmem:$0x10800] =	vst v63  }
0x34: {  	_ = 	snop  }
0x35: {  	[tilespmem:s12], [sflag:$0x1] =	stream.indirect.gather [hbm4b:s3+s8], $0x40, s28, s8, $0xb8;
	[tilespmem:$0x10800] =	vst v63  }
0x36: {  	_ =	swait.ge [sflag:s5], $0x2000  }
0x37: {  	[sflag:s5] =	ssyncset.done $0x0  }
0x38: {  	[sflag:s5] =	ssyncadd.s32 $0xFFFFE000  }
0x39: {  	_ =	swait.ge [sflag:s5], $0x2000  }
0x3a: {  	[sflag:s5] =	ssyncset.done $0x0  }
0x3b: {  	[sflag:s5] =	ssyncadd.s32 $0xFFFFE000  }
0x3c: {  	_ =	swait.ge [sflag:s5], $0x2000  }
0x3d: {  	[sflag:s5] =	ssyncset.done $0x0  }
0x3e: {  	[sflag:s5] =	ssyncadd.s32 $0xFFFFE000  }
0x3f: {  	_ =	swait.ge [sflag:s5], $0x2000  }
0x40: {  	[sflag:s5] =	ssyncset.done $0x0  }
0x41: {  	s1 =	rddreg [dreg:$0x5];
	[sflag:s5] =	ssyncadd.s32 $0xFFFFE000  }
0x42: {  	[hbm4b:s1+s2] =	stream.linear.scatter [tilespmem:s6], [sflag:$0x2], $0x8000, $0x38;
	[tilespmem:$0x10800] =	vst v63  }
0x43: {  	_ =	swait.ge [sflag:s7], $0x8000  }
0x44: {  	[sflag:s7] =	ssyncset.done $0x0  }
0x45: {  	[sflag:s7] =	ssyncadd.s32 $0xFFFF8000  }
0x46: {  	[tilespmem:s9], [sflag:$0x1] =	stream.indirect.gather [hbm4b:s3+s8], $0x40, s20, s8, $0xb8;
	[tilespmem:$0x10800] =	vst v63  }
0x47: {  	_ = 	snop  }
0x48: {  	[tilespmem:s13], [sflag:$0x1] =	stream.indirect.gather [hbm4b:s3+s8], $0x40, s21, s8, $0xb8;
	[tilespmem:$0x10800] =	vst v63  }
0x49: {  	_ = 	snop  }
0x4a: {  	[tilespmem:s14], [sflag:$0x1] =	stream.indirect.gather [hbm4b:s3+s8], $0x40, s22, s8, $0xb8;
	[tilespmem:$0x10800] =	vst v63  }
0x4b: {  	_ = 	snop  }
0x4c: {  	[tilespmem:s15], [sflag:$0x1] =	stream.indirect.gather [hbm4b:s3+s8], $0x40, s23, s8, $0xb8;
	[tilespmem:$0x10800] =	vst v63  }
0x4d: {  	_ =	swait.ge [sflag:s5], $0x2000  }
0x4e: {  	[sflag:s5] =	ssyncset.done $0x0  }
0x4f: {  	[sflag:s5] =	ssyncadd.s32 $0xFFFFE000  }
0x50: {  	_ =	swait.ge [sflag:s5], $0x2000  }
0x51: {  	[sflag:s5] =	ssyncset.done $0x0  }
0x52: {  	[sflag:s5] =	ssyncadd.s32 $0xFFFFE000  }
0x53: {  	_ =	swait.ge [sflag:s5], $0x2000  }
0x54: {  	[sflag:s5] =	ssyncset.done $0x0  }
0x55: {  	[sflag:s5] =	ssyncadd.s32 $0xFFFFE000  }
0x56: {  	_ =	swait.ge [sflag:s5], $0x2000  }
0x57: {  	[sflag:s5] =	ssyncset.done $0x0  }
0x58: {  	s1 =	rddreg [dreg:$0x6];
	[sflag:s5] =	ssyncadd.s32 $0xFFFFE000  }
0x59: {  	[hbm4b:s1+s2] =	stream.linear.scatter [tilespmem:s9], [sflag:$0x2], $0x8000, $0x38;
	[tilespmem:$0x10800] =	vst v63  }
0x5a: {  	_ =	swait.ge [sflag:s7], $0x8000  }
0x5b: {  	[sflag:s7] =	ssyncset.done $0x0  }
0x5c: {  	[sflag:s7] =	ssyncadd.s32 $0xFFFF8000  }
0x5d: {  	[tilespmem:s6], [sflag:$0x1] =	stream.indirect.gather [hbm4b:s3+s8], $0x40, s16, s8, $0xb8;
	[tilespmem:$0x10800] =	vst v63  }
0x5e: {  	_ = 	snop  }
0x5f: {  	[tilespmem:s10], [sflag:$0x1] =	stream.indirect.gather [hbm4b:s3+s8], $0x40, s17, s8, $0xb8;
	[tilespmem:$0x10800] =	vst v63  }
0x60: {  	_ = 	snop  }
0x61: {  	[tilespmem:s11], [sflag:$0x1] =	stream.indirect.gather [hbm4b:s3+s8], $0x40, s18, s8, $0xb8;
	[tilespmem:$0x10800] =	vst v63  }
0x62: {  	_ = 	snop  }
0x63: {  	[tilespmem:s12], [sflag:$0x1] =	stream.indirect.gather [hbm4b:s3+s8], $0x40, s19, s8, $0xb8;
	[tilespmem:$0x10800] =	vst v63  }
0x64: {  	_ =	swait.ge [sflag:s5], $0x2000  }
0x65: {  	[sflag:s5] =	ssyncset.done $0x0  }
0x66: {  	[sflag:s5] =	ssyncadd.s32 $0xFFFFE000  }
0x67: {  	_ =	swait.ge [sflag:s5], $0x2000  }
0x68: {  	[sflag:s5] =	ssyncset.done $0x0  }
0x69: {  	[sflag:s5] =	ssyncadd.s32 $0xFFFFE000  }
0x6a: {  	_ =	swait.ge [sflag:s5], $0x2000  }
0x6b: {  	[sflag:s5] =	ssyncset.done $0x0  }
0x6c: {  	[sflag:s5] =	ssyncadd.s32 $0xFFFFE000  }
0x6d: {  	_ =	swait.ge [sflag:s5], $0x2000  }
0x6e: {  	[sflag:s5] =	ssyncset.done $0x0  }
0x6f: {  	p1 =	sne.s32 s0, $0x1;
	[sflag:s5] =	ssyncadd.s32 $0xFFFFE000  }
0x70: {  	[hbm4b:s4+s2] =	stream.linear.scatter [tilespmem:s6], [sflag:$0x2], $0x8000, $0x38;
	[tilespmem:$0x10800] =	vst v63  }
.Ltmp1:
0x71: {  	_ =	swait.ge [sflag:s7], $0x8000;
	(pc) =	sbr.rel @!p1 .LBB2_3-.Ltmp1, $4  }
0x72: {  	[sflag:s7] =	ssyncset.done $0x0  }
0x73: {  	[sflag:s7] =	ssyncadd.s32 $0xFFFF8000  }
0x74: {  	s0 =	sadd.s32 $0xFFFFFFFF, s0;
	_ =	swait.ge [sflag:s7], $0x8000  }
0x75: {  	p0 =	por $0x1, $0x1;
	s1 =	rddreg [dreg:$0x3];
	[sflag:s7] =	ssyncset.done $0x0  }
.LBB2_2:
0x76: {  	[sflag:s7] =	ssyncadd.s32 $0xFFFF8000  }
0x77: {  	[tilespmem:s2], [sflag:$0x3] =	stream.linear.gather [hbm4b:s1+s2], $0x800, $0x38;
	[tilespmem:$0x10800] =	vst v63  }
0x78: {  	_ =	swait.ge [sflag:s29], $0x800  }
0x79: {  	[sflag:s29] =	ssyncset.done $0x0  }
0x7a: {  	[sflag:s29] =	ssyncadd.s32 $0xFFFFF800  }
0x7b: {  	[tilespmem:s9], [sflag:$0x1] =	stream.indirect.gather [hbm4b:s3+s8], $0x40, s2, s8, $0xb8;
	[tilespmem:$0x10800] =	vst v63  }
0x7c: {  	_ = 	snop  }
0x7d: {  	[tilespmem:s13], [sflag:$0x1] =	stream.indirect.gather [hbm4b:s3+s8], $0x40, s8, s8, $0xb8;
	[tilespmem:$0x10800] =	vst v63  }
0x7e: {  	_ = 	snop  }
0x7f: {  	[tilespmem:s14], [sflag:$0x1] =	stream.indirect.gather [hbm4b:s3+s8], $0x40, s30, s8, $0xb8;
	[tilespmem:$0x10800] =	vst v63  }
0x80: {  	_ = 	snop  }
0x81: {  	[tilespmem:s15], [sflag:$0x1] =	stream.indirect.gather [hbm4b:s3+s8], $0x40, s31, s8, $0xb8;
	[tilespmem:$0x10800] =	vst v63  }
0x82: {  	_ =	swait.ge [sflag:s5], $0x2000  }
0x83: {  	[sflag:s5] =	ssyncset.done $0x0  }
0x84: {  	[sflag:s5] =	ssyncadd.s32 $0xFFFFE000  }
0x85: {  	_ =	swait.ge [sflag:s5], $0x2000  }
0x86: {  	[sflag:s5] =	ssyncset.done $0x0  }
0x87: {  	[sflag:s5] =	ssyncadd.s32 $0xFFFFE000  }
0x88: {  	_ =	swait.ge [sflag:s5], $0x2000  }
0x89: {  	[sflag:s5] =	ssyncset.done $0x0  }
0x8a: {  	[sflag:s5] =	ssyncadd.s32 $0xFFFFE000  }
0x8b: {  	_ =	swait.ge [sflag:s5], $0x2000  }
0x8c: {  	[sflag:s5] =	ssyncset.done $0x0  }
0x8d: {  	s1 =	rddreg [dreg:$0x4];
	[sflag:s5] =	ssyncadd.s32 $0xFFFFE000  }
0x8e: {  	[hbm4b:s1+s2] =	stream.linear.scatter [tilespmem:s9], [sflag:$0x2], $0x8000, $0x38;
	[tilespmem:$0x10800] =	vst v63  }
0x8f: {  	_ = 	snop  }
0x90: {  	[tilespmem:s6], [sflag:$0x1] =	stream.indirect.gather [hbm4b:s3+s8], $0x40, s24, s8, $0xb8;
	[tilespmem:$0x10800] =	vst v63  }
0x91: {  	_ = 	snop  }
0x92: {  	[tilespmem:s10], [sflag:$0x1] =	stream.indirect.gather [hbm4b:s3+s8], $0x40, s25, s8, $0xb8;
	[tilespmem:$0x10800] =	vst v63  }
0x93: {  	_ = 	snop  }
0x94: {  	[tilespmem:s11], [sflag:$0x1] =	stream.indirect.gather [hbm4b:s3+s8], $0x40, s26, s8, $0xb8;
	[tilespmem:$0x10800] =	vst v63  }
0x95: {  	_ = 	snop  }
0x96: {  	[tilespmem:s12], [sflag:$0x1] =	stream.indirect.gather [hbm4b:s3+s8], $0x40, s28, s8, $0xb8;
	[tilespmem:$0x10800] =	vst v63  }
0x97: {  	_ =	swait.ge [sflag:s5], $0x2000  }
0x98: {  	[sflag:s5] =	ssyncset.done $0x0  }
0x99: {  	[sflag:s5] =	ssyncadd.s32 $0xFFFFE000  }
0x9a: {  	_ =	swait.ge [sflag:s5], $0x2000  }
0x9b: {  	[sflag:s5] =	ssyncset.done $0x0  }
0x9c: {  	[sflag:s5] =	ssyncadd.s32 $0xFFFFE000  }
0x9d: {  	_ =	swait.ge [sflag:s5], $0x2000  }
0x9e: {  	[sflag:s5] =	ssyncset.done $0x0  }
0x9f: {  	[sflag:s5] =	ssyncadd.s32 $0xFFFFE000  }
0xa0: {  	_ =	swait.ge [sflag:s5], $0x2000  }
0xa1: {  	[sflag:s5] =	ssyncset.done $0x0  }
0xa2: {  	s1 =	rddreg [dreg:$0x5];
	[sflag:s5] =	ssyncadd.s32 $0xFFFFE000  }
0xa3: {  	[hbm4b:s1+s2] =	stream.linear.scatter [tilespmem:s6], [sflag:$0x2], $0x8000, $0x38;
	[tilespmem:$0x10800] =	vst v63  }
0xa4: {  	_ =	swait.ge [sflag:s7], $0x8000  }
0xa5: {  	[sflag:s7] =	ssyncset.done $0x0  }
0xa6: {  	[sflag:s7] =	ssyncadd.s32 $0xFFFF8000  }
0xa7: {  	[tilespmem:s9], [sflag:$0x1] =	stream.indirect.gather [hbm4b:s3+s8], $0x40, s20, s8, $0xb8;
	[tilespmem:$0x10800] =	vst v63  }
0xa8: {  	_ = 	snop  }
0xa9: {  	[tilespmem:s13], [sflag:$0x1] =	stream.indirect.gather [hbm4b:s3+s8], $0x40, s21, s8, $0xb8;
	[tilespmem:$0x10800] =	vst v63  }
0xaa: {  	_ = 	snop  }
0xab: {  	[tilespmem:s14], [sflag:$0x1] =	stream.indirect.gather [hbm4b:s3+s8], $0x40, s22, s8, $0xb8;
	[tilespmem:$0x10800] =	vst v63  }
0xac: {  	_ = 	snop  }
0xad: {  	[tilespmem:s15], [sflag:$0x1] =	stream.indirect.gather [hbm4b:s3+s8], $0x40, s23, s8, $0xb8;
	[tilespmem:$0x10800] =	vst v63  }
0xae: {  	_ =	swait.ge [sflag:s5], $0x2000  }
0xaf: {  	[sflag:s5] =	ssyncset.done $0x0  }
0xb0: {  	[sflag:s5] =	ssyncadd.s32 $0xFFFFE000  }
0xb1: {  	_ =	swait.ge [sflag:s5], $0x2000  }
0xb2: {  	[sflag:s5] =	ssyncset.done $0x0  }
0xb3: {  	[sflag:s5] =	ssyncadd.s32 $0xFFFFE000  }
0xb4: {  	_ =	swait.ge [sflag:s5], $0x2000  }
0xb5: {  	[sflag:s5] =	ssyncset.done $0x0  }
0xb6: {  	[sflag:s5] =	ssyncadd.s32 $0xFFFFE000  }
0xb7: {  	_ =	swait.ge [sflag:s5], $0x2000  }
0xb8: {  	[sflag:s5] =	ssyncset.done $0x0  }
0xb9: {  	s1 =	rddreg [dreg:$0x6];
	[sflag:s5] =	ssyncadd.s32 $0xFFFFE000  }
0xba: {  	[hbm4b:s1+s2] =	stream.linear.scatter [tilespmem:s9], [sflag:$0x2], $0x8000, $0x38;
	[tilespmem:$0x10800] =	vst v63  }
0xbb: {  	_ =	swait.ge [sflag:s7], $0x8000  }
0xbc: {  	[sflag:s7] =	ssyncset.done $0x0  }
0xbd: {  	[sflag:s7] =	ssyncadd.s32 $0xFFFF8000  }
0xbe: {  	[tilespmem:s6], [sflag:$0x1] =	stream.indirect.gather [hbm4b:s3+s8], $0x40, s16, s8, $0xb8;
	[tilespmem:$0x10800] =	vst v63  }
0xbf: {  	_ = 	snop  }
0xc0: {  	[tilespmem:s10], [sflag:$0x1] =	stream.indirect.gather [hbm4b:s3+s8], $0x40, s17, s8, $0xb8;
	[tilespmem:$0x10800] =	vst v63  }
0xc1: {  	_ = 	snop  }
0xc2: {  	[tilespmem:s11], [sflag:$0x1] =	stream.indirect.gather [hbm4b:s3+s8], $0x40, s18, s8, $0xb8;
	[tilespmem:$0x10800] =	vst v63  }
0xc3: {  	_ = 	snop  }
0xc4: {  	[tilespmem:s12], [sflag:$0x1] =	stream.indirect.gather [hbm4b:s3+s8], $0x40, s19, s8, $0xb8;
	[tilespmem:$0x10800] =	vst v63  }
0xc5: {  	_ =	swait.ge [sflag:s5], $0x2000  }
0xc6: {  	[sflag:s5] =	ssyncset.done $0x0  }
0xc7: {  	[sflag:s5] =	ssyncadd.s32 $0xFFFFE000  }
0xc8: {  	_ =	swait.ge [sflag:s5], $0x2000  }
0xc9: {  	[sflag:s5] =	ssyncset.done $0x0  }
0xca: {  	[sflag:s5] =	ssyncadd.s32 $0xFFFFE000  }
0xcb: {  	_ =	swait.ge [sflag:s5], $0x2000  }
0xcc: {  	[sflag:s5] =	ssyncset.done $0x0  }
0xcd: {  	[sflag:s5] =	ssyncadd.s32 $0xFFFFE000  }
0xce: {  	_ =	swait.ge [sflag:s5], $0x2000  }
0xcf: {  	[sflag:s5] =	ssyncset.done $0x0  }
0xd0: {  	p1 =	sne.s32 s0, $0x1;
	[sflag:s5] =	ssyncadd.s32 $0xFFFFE000  }
0xd1: {  	[hbm4b:s4+s2] =	stream.linear.scatter [tilespmem:s6], [sflag:$0x2], $0x8000, $0x38;
	[tilespmem:$0x10800] =	vst v63  }
.Ltmp2:
0xd2: {  	_ =	swait.ge [sflag:s7], $0x8000;
	(pc) =	sbr.rel @p1 .LBB2_2-.Ltmp2, $4  }
0xd3: {  	[sflag:s7] =	ssyncset.done $0x0  }
0xd4: {  	[sflag:s7] =	ssyncadd.s32 $0xFFFF8000  }
0xd5: {  	_ =	swait.ge [sflag:s7], $0x8000  }
0xd6: {  	s0 =	sadd.s32 $0xFFFFFFFF, s0;
	s1 =	rddreg [dreg:$0x3];
	[sflag:s7] =	ssyncset.done $0x0  }
.LBB2_3:
0xd7: {  	[sflag:s7] =	ssyncadd.s32 @p0 $0xFFFF8000  }
0xd8: {  	[tilespmem:s2], [sflag:$0x3] =	stream.linear.gather [hbm4b:s1+s2], $0x800, $0x38;
	[tilespmem:$0x10800] =	vst v63  }
0xd9: {  	_ =	swait.ge [sflag:s29], $0x800  }
0xda: {  	[sflag:s29] =	ssyncset.done $0x0  }
0xdb: {  	[sflag:s29] =	ssyncadd.s32 $0xFFFFF800  }
0xdc: {  	[tilespmem:s9], [sflag:$0x1] =	stream.indirect.gather [hbm4b:s3+s8], $0x40, s2, s8, $0xb8;
	[tilespmem:$0x10800] =	vst v63  }
0xdd: {  	_ = 	snop  }
0xde: {  	[tilespmem:s13], [sflag:$0x1] =	stream.indirect.gather [hbm4b:s3+s8], $0x40, s8, s8, $0xb8;
	[tilespmem:$0x10800] =	vst v63  }
0xdf: {  	_ = 	snop  }
0xe0: {  	[tilespmem:s14], [sflag:$0x1] =	stream.indirect.gather [hbm4b:s3+s8], $0x40, s30, s8, $0xb8;
	[tilespmem:$0x10800] =	vst v63  }
0xe1: {  	_ = 	snop  }
0xe2: {  	[tilespmem:s15], [sflag:$0x1] =	stream.indirect.gather [hbm4b:s3+s8], $0x40, s31, s8, $0xb8;
	[tilespmem:$0x10800] =	vst v63  }
0xe3: {  	_ =	swait.ge [sflag:s5], $0x2000  }
0xe4: {  	[sflag:s5] =	ssyncset.done $0x0  }
0xe5: {  	[sflag:s5] =	ssyncadd.s32 $0xFFFFE000  }
0xe6: {  	_ =	swait.ge [sflag:s5], $0x2000  }
0xe7: {  	[sflag:s5] =	ssyncset.done $0x0  }
0xe8: {  	[sflag:s5] =	ssyncadd.s32 $0xFFFFE000  }
0xe9: {  	_ =	swait.ge [sflag:s5], $0x2000  }
0xea: {  	[sflag:s5] =	ssyncset.done $0x0  }
0xeb: {  	[sflag:s5] =	ssyncadd.s32 $0xFFFFE000  }
0xec: {  	_ =	swait.ge [sflag:s5], $0x2000  }
0xed: {  	[sflag:s5] =	ssyncset.done $0x0  }
0xee: {  	s0 =	rddreg [dreg:$0x4];
	[sflag:s5] =	ssyncadd.s32 $0xFFFFE000  }
0xef: {  	[hbm4b:s0+s2] =	stream.linear.scatter [tilespmem:s9], [sflag:$0x2], $0x8000, $0x38;
	[tilespmem:$0x10800] =	vst v63  }
0xf0: {  	_ = 	snop  }
0xf1: {  	[tilespmem:s6], [sflag:$0x1] =	stream.indirect.gather [hbm4b:s3+s8], $0x40, s24, s8, $0xb8;
	[tilespmem:$0x10800] =	vst v63  }
0xf2: {  	_ = 	snop  }
0xf3: {  	[tilespmem:s10], [sflag:$0x1] =	stream.indirect.gather [hbm4b:s3+s8], $0x40, s25, s8, $0xb8;
	[tilespmem:$0x10800] =	vst v63  }
0xf4: {  	_ = 	snop  }
0xf5: {  	[tilespmem:s11], [sflag:$0x1] =	stream.indirect.gather [hbm4b:s3+s8], $0x40, s26, s8, $0xb8;
	[tilespmem:$0x10800] =	vst v63  }
0xf6: {  	_ = 	snop  }
0xf7: {  	[tilespmem:s12], [sflag:$0x1] =	stream.indirect.gather [hbm4b:s3+s8], $0x40, s28, s8, $0xb8;
	[tilespmem:$0x10800] =	vst v63  }
0xf8: {  	_ =	swait.ge [sflag:s5], $0x2000  }
0xf9: {  	[sflag:s5] =	ssyncset.done $0x0  }
0xfa: {  	[sflag:s5] =	ssyncadd.s32 $0xFFFFE000  }
0xfb: {  	_ =	swait.ge [sflag:s5], $0x2000  }
0xfc: {  	[sflag:s5] =	ssyncset.done $0x0  }
0xfd: {  	[sflag:s5] =	ssyncadd.s32 $0xFFFFE000  }
0xfe: {  	_ =	swait.ge [sflag:s5], $0x2000  }
0xff: {  	[sflag:s5] =	ssyncset.done $0x0  }
0x100: {  	[sflag:s5] =	ssyncadd.s32 $0xFFFFE000  }
0x101: {  	_ =	swait.ge [sflag:s5], $0x2000  }
0x102: {  	[sflag:s5] =	ssyncset.done $0x0  }
0x103: {  	s29 =	rddreg [dreg:$0x5];
	[sflag:s5] =	ssyncadd.s32 $0xFFFFE000  }
0x104: {  	[hbm4b:s29+s2] =	stream.linear.scatter [tilespmem:s6], [sflag:$0x2], $0x8000, $0x38;
	[tilespmem:$0x10800] =	vst v63  }
0x105: {  	_ =	swait.ge [sflag:s7], $0x8000  }
0x106: {  	[sflag:s7] =	ssyncset.done $0x0  }
0x107: {  	[sflag:s7] =	ssyncadd.s32 $0xFFFF8000  }
0x108: {  	[tilespmem:s9], [sflag:$0x1] =	stream.indirect.gather [hbm4b:s3+s8], $0x40, s20, s8, $0xb8;
	[tilespmem:$0x10800] =	vst v63  }
0x109: {  	_ = 	snop  }
0x10a: {  	[tilespmem:s13], [sflag:$0x1] =	stream.indirect.gather [hbm4b:s3+s8], $0x40, s21, s8, $0xb8;
	[tilespmem:$0x10800] =	vst v63  }
0x10b: {  	_ = 	snop  }
0x10c: {  	[tilespmem:s14], [sflag:$0x1] =	stream.indirect.gather [hbm4b:s3+s8], $0x40, s22, s8, $0xb8;
	[tilespmem:$0x10800] =	vst v63  }
0x10d: {  	_ = 	snop  }
0x10e: {  	[tilespmem:s15], [sflag:$0x1] =	stream.indirect.gather [hbm4b:s3+s8], $0x40, s23, s8, $0xb8;
	[tilespmem:$0x10800] =	vst v63  }
0x10f: {  	_ =	swait.ge [sflag:s5], $0x2000  }
0x110: {  	[sflag:s5] =	ssyncset.done $0x0  }
0x111: {  	[sflag:s5] =	ssyncadd.s32 $0xFFFFE000  }
0x112: {  	_ =	swait.ge [sflag:s5], $0x2000  }
0x113: {  	[sflag:s5] =	ssyncset.done $0x0  }
0x114: {  	[sflag:s5] =	ssyncadd.s32 $0xFFFFE000  }
0x115: {  	_ =	swait.ge [sflag:s5], $0x2000  }
0x116: {  	[sflag:s5] =	ssyncset.done $0x0  }
0x117: {  	[sflag:s5] =	ssyncadd.s32 $0xFFFFE000  }
0x118: {  	_ =	swait.ge [sflag:s5], $0x2000  }
0x119: {  	[sflag:s5] =	ssyncset.done $0x0  }
0x11a: {  	s30 =	rddreg [dreg:$0x6];
	[sflag:s5] =	ssyncadd.s32 $0xFFFFE000  }
0x11b: {  	[hbm4b:s30+s2] =	stream.linear.scatter [tilespmem:s9], [sflag:$0x2], $0x8000, $0x38;
	[tilespmem:$0x10800] =	vst v63  }
0x11c: {  	_ =	swait.ge [sflag:s7], $0x8000  }
0x11d: {  	[sflag:s7] =	ssyncset.done $0x0  }
0x11e: {  	[sflag:s7] =	ssyncadd.s32 $0xFFFF8000  }
0x11f: {  	[tilespmem:s6], [sflag:$0x1] =	stream.indirect.gather [hbm4b:s3+s8], $0x40, s16, s8, $0xb8;
	[tilespmem:$0x10800] =	vst v63  }
0x120: {  	_ = 	snop  }
0x121: {  	[tilespmem:s10], [sflag:$0x1] =	stream.indirect.gather [hbm4b:s3+s8], $0x40, s17, s8, $0xb8;
	[tilespmem:$0x10800] =	vst v63  }
0x122: {  	_ = 	snop  }
0x123: {  	[tilespmem:s11], [sflag:$0x1] =	stream.indirect.gather [hbm4b:s3+s8], $0x40, s18, s8, $0xb8;
	[tilespmem:$0x10800] =	vst v63  }
0x124: {  	_ = 	snop  }
0x125: {  	[tilespmem:s12], [sflag:$0x1] =	stream.indirect.gather [hbm4b:s3+s8], $0x40, s19, s8, $0xb8;
	[tilespmem:$0x10800] =	vst v63  }
0x126: {  	_ =	swait.ge [sflag:s5], $0x2000  }
0x127: {  	[sflag:s5] =	ssyncset.done $0x0  }
0x128: {  	[sflag:s5] =	ssyncadd.s32 $0xFFFFE000  }
0x129: {  	_ =	swait.ge [sflag:s5], $0x2000  }
0x12a: {  	[sflag:s5] =	ssyncset.done $0x0  }
0x12b: {  	[sflag:s5] =	ssyncadd.s32 $0xFFFFE000  }
0x12c: {  	_ =	swait.ge [sflag:s5], $0x2000  }
0x12d: {  	[sflag:s5] =	ssyncset.done $0x0  }
0x12e: {  	[sflag:s5] =	ssyncadd.s32 $0xFFFFE000  }
0x12f: {  	_ =	swait.ge [sflag:s5], $0x2000  }
0x130: {  	[sflag:s5] =	ssyncset.done $0x0  }
0x131: {  	[sflag:s5] =	ssyncadd.s32 $0xFFFFE000  }
0x132: {  	[hbm4b:s4+s2] =	stream.linear.scatter [tilespmem:s6], [sflag:$0x2], $0x8000, $0x38;
	[tilespmem:$0x10800] =	vst v63  }
0x133: {  	_ =	swait.ge [sflag:s7], $0x8000  }
0x134: {  	[sflag:s7] =	ssyncset.done $0x0  }
0x135: {  	[sflag:s7] =	ssyncadd.s32 $0xFFFF8000  }
0x136: {  	_ =	swait.ge [sflag:s7], $0x8000  }
0x137: {  	[sflag:s7] =	ssyncset.done $0x0  }
0x138: {  	[sflag:s7] =	ssyncadd.s32 $0xFFFF8000  }
0x139: {  	_ =	sfence.sel $0x180000  }
0x13a: {  	[bflag:$0x0] =	sbarrier.arrive $0xFFFF  }
0x13b: {  	_ =	strace $0x9000004D  }
0x13c: {  	s31 =	stileid.u32;
	[bflag:$0x2] =	sbarrier.arrive $0xFFFF  }
0x13d: {  	p0 =	sne.s32 s31, $0x0;
	s0 =	rddreg [dreg:$0x2]  }
0x13e: {  	s0 =	sadd.s32 @!p0 $0x100000, s0  }
0x13f: {  	[sflag:s0] =	ssyncadd.tile.s32 @!p0 $0x1;
	_ =	shalt  }
.Lfunc_end2:
_tile_overlayer_lowered:
.L_overlay_start_2:
0x140: {  	(tag) =	ssettag $0x2  }
0x141: {  	s0 =	rddreg [dreg:$0x0];
	s2 =	stileid.u32  }
0x142: {  	s1 =	rddreg [dreg:$0x1];
	p0 =	sne.s32 s2, $0x0  }
0x143: {  	s3 =	rddreg [dreg:$0x2];
	[bflag:$0x3] =	sbarrier.arrive $0xFFFF;
	s2 =	simm.s32 @!p0 $0x1C03  }
0x144: {  	[timem:s3], [sflag:s2] =	dma.local @!p0 [hbm:s0], s1  }
0x145: {  	s0 =	simm.s32 @!p0 $0x3  }
0x146: {  	_ =	swait.ge @!p0 [sflag:s0], s1  }
0x147: {  	s1 =	ssub.s32 @!p0 $0x0, s1;
	[sflag:s0] =	ssyncset.done @!p0 $0x0  }
0x148: {  	[sflag:s0] =	ssyncadd.s32 @!p0 s1  }
0x149: {  	[bflag:$0x3] =	sbarrier.arrive $0xFFFF  }
0x14a: {  	_ =	shalt  }

// kernel: kernel.17.cloned.1.call-start
scs
__scs_entry_jumppad:
0x0: {  	(pc) =	sbr.rel $0x88, $3  }
0x1: {  	(tag) =	ssettag $0x0;
	lr =	simm.s32 $0x1  }
0x2: {  	[smem:$0x3F7B] =	sst lr;
	_ =	strace $0xD0000000  }
0x3: {  	_ = 	snop  }
0x4: {  	_ = 	snop  }
0x5: {  	_ = 	snop  }
0x6: {  	_ = 	snop  }
0x7: {  	_ = 	snop  }
__scs_overlays_trampoline_lowered:
0x8: {  	[smem:$0x3F8A] =	sst s0  }
0x9: {  	[smem:$0x3F8B] =	sst s1  }
0xa: {  	[smem:$0x3F8C] =	sst s2  }
0xb: {  	[smem:$0x3F8D] =	sst s3  }
0xc: {  	[smem:$0x3F8E] =	sst s4  }
0xd: {  	[smem:$0x3F8F] =	sst s5  }
0xe: {  	[smem:$0x3F90] =	sst s6  }
0xf: {  	[smem:$0x3F91] =	sst s7  }
0x10: {  	[smem:$0x3F92] =	sst s8  }
0x11: {  	[smem:$0x3F93] =	sst s9;
	s0 =	simm.s32 @!p0 $0x0  }
0x12: {  	s1 =	sld [smem:$0x3F79];
	s0 =	simm.s32 @p0 $0x1  }
0x13: {  	[smem:$0x3F94] =	sst s0;
	s0 =	simm.s32 @!p1 $0x0  }
0x14: {  	s2 =	sld [smem:$0x3F78];
	s0 =	simm.s32 @p1 $0x1  }
0x15: {  	[smem:$0x3F95] =	sst s0;
	s0 =	simm.s32 @!p2 $0x0  }
0x16: {  	s3 =	sld [smem:$0x3FDB];
	s0 =	simm.s32 @p2 $0x1  }
0x17: {  	s4 =	simm.s32 $0x1BF5;
	[smem:$0x3F97] =	sst s0  }
0x18: {  	s0 =	sld [smem:$0x3F7A];
	_ =	swait.ge [sflag:s4], $0x0  }
0x19: {  	s7 =	sld [smem:$0x3F7B]  }
0x1a: {  	s8 =	sadd.s32 $0xFFFFE003, lr  }
0x1b: {  	s9 =	sadd.s32 $0xFFFFFEF7, lr;
	s5 =	simm.s32 $0xFFFFFFFF;
	p2 =	slt.u32 s8, $0xFFFFF086  }
0x1c: {  	p1 =	slt.u32 s9, $0xF7A;
	s5 =	simm.s32 @!p2 $0x0  }
0x1d: {  	s5 =	simm.s32 @p1 $0x1;
	p0 =	seq.s32 s7, s2  }
0x1e: {  	s7 =	smul.u32 @!p0 $0xF7A, s2;
	p2 =	seq.s32 @!p0 s5, $0x0  }
0x1f: {  	s9 =	smul.u32 $0xF7A, s1;
	s8 =	simm.s32 @!p0 $0x1BF5;
	p2 =	por !p2, p0  }
0x20: {  	[sflag:s8] =	ssyncset.s32 @!p0 $0xFFFFF086;
	s6 =	sadd.s32 @!p0 s3, s7;
	s7 =	simm.s32 @!p0 $0x108  }
0x21: {  	s3 =	sadd.s32 s3, s9;
	s6 =	sadd.s32 @!p0 $0x88, s6;
	s7 =	simm.s32 @p2 $0x1082  }
0x22: {  	[simem:s7], [sflag:s8] =	dma.local @!p0 [hbm:s6], $0xF7A  }
0x23: {  	s9 =	sor.u32 $0xD0000000, s2;
	s6 =	simm.s32 $0x108;
	_ =	swait.ge @!p0 [sflag:s8], $0x0  }
0x24: {  	s3 =	sadd.s32 $0x88, s3;
	s6 =	simm.s32 @!p1 $0x1082;
	[sflag:s4] =	ssyncset.s32 $0xFFFFF086  }
0x25: {  	[simem:s6], [sflag:s4] =	dma.local [hbm:s3], $0xF7A  }
0x26: {  	[smem:$0x3F7B] =	sst s1;
	(tag) =	ssettag s2;
	_ =	strace s9  }
0x27: {  	s1 =	sld [smem:$0x3F8B]  }
0x28: {  	s2 =	sld [smem:$0x3F8C]  }
0x29: {  	s4 =	sld [smem:$0x3F8E]  }
0x2a: {  	p0 =	seq.s32 s5, $0x0;
	s5 =	sld [smem:$0x3F8F]  }
0x2b: {  	s6 =	sld [smem:$0x3F90]  }
0x2c: {  	s7 =	sld [smem:$0x3F91]  }
0x2d: {  	s3 =	simm.s32 $0x108;
	s8 =	sld [smem:$0x3F92]  }
0x2e: {  	s3 =	simm.s32 @!p0 $0x1082;
	s9 =	sld [smem:$0x3F93]  }
0x2f: {  	lr =	sadd.s32 s0, s3;
	s0 =	sld [smem:$0x3F8A]  }
0x30: {  	s3 =	sld [smem:$0x3F8D]  }
0x31: {  	[smem:$0x3F96] =	sst s10  }
0x32: {  	s10 =	sld [smem:$0x3F94];
	_ =	sdelay $0x3  }
0x33: {  	p0 =	seq.s32 s10, $0x1;
	s10 =	sld [smem:$0x3F96];
	_ =	sdelay $0x3  }
0x34: {  	[smem:$0x3F96] =	sst s10  }
0x35: {  	s10 =	sld [smem:$0x3F95];
	_ =	sdelay $0x3  }
0x36: {  	p1 =	seq.s32 s10, $0x1;
	s10 =	sld [smem:$0x3F96];
	_ =	sdelay $0x3  }
0x37: {  	[smem:$0x3F96] =	sst s10  }
0x38: {  	s10 =	sld [smem:$0x3F97]  }
0x39: {  	_ = 	snop;
	(pc) =	sbr.ind lr, $3  }
0x3a: {  	_ = 	snop  }
0x3b: {  	_ = 	snop  }
0x3c: {  	p2 =	seq.s32 s10, $0x1;
	s10 =	sld [smem:$0x3F96]  }
0x3d: {  	_ =	shalt  }
0x3e: {  	_ =	shalt  }
0x3f: {  	_ =	shalt  }
0x40: {  	_ =	shalt  }
0x41: {  	_ =	shalt  }
0x42: {  	_ =	shalt  }
0x43: {  	_ =	shalt  }
0x44: {  	_ =	shalt  }
0x45: {  	_ =	shalt  }
0x46: {  	_ =	shalt  }
0x47: {  	_ =	shalt  }
0x48: {  	_ =	shalt  }
0x49: {  	_ =	shalt  }
0x4a: {  	_ =	shalt  }
0x4b: {  	_ =	shalt  }
0x4c: {  	_ =	shalt  }
0x4d: {  	_ =	shalt  }
0x4e: {  	_ =	shalt  }
0x4f: {  	_ =	shalt  }
0x50: {  	_ =	shalt  }
0x51: {  	_ =	shalt  }
0x52: {  	_ =	shalt  }
0x53: {  	_ =	shalt  }
0x54: {  	_ =	shalt  }
0x55: {  	_ =	shalt  }
0x56: {  	_ =	shalt  }
0x57: {  	_ =	shalt  }
0x58: {  	_ =	shalt  }
0x59: {  	_ =	shalt  }
0x5a: {  	_ =	shalt  }
0x5b: {  	_ =	shalt  }
0x5c: {  	_ =	shalt  }
0x5d: {  	_ =	shalt  }
0x5e: {  	_ =	shalt  }
0x5f: {  	_ =	shalt  }
0x60: {  	_ =	shalt  }
0x61: {  	_ =	shalt  }
0x62: {  	_ =	shalt  }
0x63: {  	_ =	shalt  }
0x64: {  	_ =	shalt  }
0x65: {  	_ =	shalt  }
0x66: {  	_ =	shalt  }
0x67: {  	_ =	shalt  }
0x68: {  	_ =	shalt  }
0x69: {  	_ =	shalt  }
0x6a: {  	_ =	shalt  }
0x6b: {  	_ =	shalt  }
0x6c: {  	_ =	shalt  }
0x6d: {  	_ =	shalt  }
0x6e: {  	_ =	shalt  }
0x6f: {  	_ =	shalt  }
0x70: {  	_ =	shalt  }
0x71: {  	_ =	shalt  }
0x72: {  	_ =	shalt  }
0x73: {  	_ =	shalt  }
0x74: {  	_ =	shalt  }
0x75: {  	_ =	shalt  }
0x76: {  	_ =	shalt  }
0x77: {  	_ =	shalt  }
0x78: {  	_ =	shalt  }
0x79: {  	_ =	shalt  }
0x7a: {  	_ =	shalt  }
0x7b: {  	_ =	shalt  }
0x7c: {  	_ =	shalt  }
0x7d: {  	_ =	shalt  }
0x7e: {  	_ =	shalt  }
0x7f: {  	_ =	shalt  }
0x80: {  	_ =	shalt  }
0x81: {  	_ =	shalt  }
0x82: {  	_ =	shalt  }
0x83: {  	_ =	shalt  }
0x84: {  	_ =	shalt  }
0x85: {  	_ =	shalt  }
0x86: {  	_ =	shalt  }
0x87: {  	_ =	shalt  }
.Lfunc_end0:
.L_simem_size_0:
called_computation.3_lowered:
.L_overlay_start_0:
0x88: {  	s2 =	sld [smem:$0x3FD9]  }
0x89: {  	s3 =	sld [smem:$0x3FFE];
	_ =	sdelay $0x1  }
0x8a: {  	s1 =	srdreg.scid  }
0x8b: {  	s0 =	sand.u32 $0x1, s1  }
0x8c: {  	s17 =	sshll.u32 s0, $0xA;
	s2 =	sadd.s32 s3, s2  }
0x8d: {  	s2 =	sadd.s32 s2, s17  }
0x8e: {  	[smem:$0x3FA2] =	sst s2  }
0x8f: {  	_ = 	snop  }
0x90: {  	s2 =	sld [smem:$0x3FD0];
	(tm) =	ssettm $0x1  }
0x91: {  	s18 =	sld [smem:$0x3FFB];
	_ =	sdelay $0x3  }
0x92: {  	_ =	strace s18  }
0x93: {  	s3 =	sld [smem:$0x3FFC];
	_ =	sdelay $0x3  }
0x94: {  	_ =	strace s3  }
0x95: {  	s3 =	sld [smem:$0x3FFD];
	_ =	sdelay $0x3  }
0x96: {  	_ =	strace s3  }
0x97: {  	_ =	strace $0x8FFFFFFF  }
0x98: {  	s19 =	sld [smem:$0x3FDB];
	_ =	sdelay $0x1  }
0x99: {  	s4 =	simm.s32 $_scs_section_size  }
0x9a: {  	s5 =	simm.s32 $_size__tile_overlayer_lowered;
	s6 =	simm.s32 $_tile_overlayer_lowered  }
0x9b: {  	s22 =	simm.s32 $0x1BFF;
	s21 =	sshll.u32 s6, $0x1;
	s3 =	sadd.s32 s4, s19  }
0x9c: {  	s7 =	simm.s32 $0x0;
	s20 =	sshll.u32 s5, $0x1;
	s5 =	sadd.s32 s21, s3  }
0x9d: {  	[timem:s7], [sflag:s22] =	dma.local [hbm:s5], s20  }
0x9e: {  	_ =	swait.ge [sflag:s22], s20  }
0x9f: {  	s4 =	ssub.s32 $0x0, s20;
	[sflag:s22] =	ssyncset.done $0x0  }
0xa0: {  	[sflag:s22] =	ssyncadd.s32 s4;
	_ =	sdelay $0x1  }
0xa1: {  	s23 =	simm.s32 $0x1B8B  }
0xa2: {  	_ =	swait.ge [sflag:s23], $0x1  }
0xa3: {  	[sflag:s23] =	ssyncset.done $0x0  }
0xa4: {  	s25 =	simm.s32 $0x1B8E;
	s24 =	sld [smem:$0x3FFE];
	[sflag:s23] =	ssyncadd.s32 $0xFFFFFFFF  }
0xa5: {  	s26 =	simm.s32 $execute0_lowered;
	[smem:$0x3FD2] =	sst s25  }
0xa6: {  	s5 =	sshll.u32 s26, $0x1;
	_ =	strace $0x8000004F;
	[dreg:$0x1] =	wrdreg $0xFFFFFFFF  }
0xa7: {  	s28 =	simm.s32 $_size_execute0_lowered;
	s3 =	sadd.s32 s3, s5;
	[dreg:$0x0] =	wrdreg $0x0  }
0xa8: {  	s5 =	sshll.u32 s28, $0x1;
	[dreg:$0x2] =	wrdreg s3  }
0xa9: {  	[dreg:$0x3] =	wrdreg s5  }
0xaa: {  	[dreg:$0x4] =	wrdreg $0xC0  }
0xab: {  	_ =	task [dreg:s7], $0x5FFFF  }
0xac: {  	[dreg:$0x1] =	wrdreg $0xFFFFFFFF  }
0xad: {  	[dreg:$0x0] =	wrdreg $0x60  }
0xae: {  	[dreg:$0x2] =	wrdreg s24  }
0xaf: {  	[dreg:$0x3] =	wrdreg s2  }
0xb0: {  	[dreg:$0x4] =	wrdreg $0x9  }
0xb1: {  	_ =	task.clear_ibuf [dreg:s7], $0x5FFFF;
	_ =	strace $0x9000004F  }
0xb2: {  	s29 =	simm.s32 $0x9;
	_ =	strace $0x80000051  }
0xb3: {  	_ =	swait.ge [sflag:s29], $0x1  }
0xb4: {  	[sflag:s29] =	ssyncadd.s32 $0xFFFFFFFF  }
0xb5: {  	_ =	strace $0x90000051  }
0xb6: {  	_ =	sfence  }
0xb7: {  	s30 =	sld [smem:$0x0];
	_ =	sdelay $0x2  }
0xb8: {  	s31 =	sshll.u32 s1, $0xD;
	s1 =	sshrl.u32 s1, $0x2  }
0xb9: {  	s3 =	sand.u32 $0x4000, s31;
	s1 =	sadd.s32 s1, s30  }
0xba: {  	s0 =	sor.u32 s3, s0;
	s1 =	sshll.u32 s1, $0x11  }
0xbb: {  	s0 =	sor.u32 s1, s0  }
0xbc: {  	s0 =	sadd.s32 $0x8F2B, s0  }
0xbd: {  	[sflag:s0] =	ssyncadd.remote.s32 $0x1  }
0xbe: {  	_ =	sfence.sel $0xFFFF  }
0xbf: {  	[dreg:$0x0] =	wrdreg $0xFFFFFFFF;
	(pc) =	sbr.abs _section_cstart, $3  }
0xc0: {  	[dreg:$0x1] =	wrdreg $0xFFFFFFFF  }
0xc1: {  	_ =	task.clear_ibuf [dreg:s7], $0x2FFFF;
	_ =	strace $0x9FFFFFFF  }
0xc2: {  	(tm) =	ssettm $0x7FFFFFFF  }
0xc3: {  	_ =	shalt  }
tec
execute0_lowered:
.L_overlay_start_1:
0x0: {  	(tag) =	ssettag $0x1  }
0x1: {  	s0 =	rddreg [dreg:$0x0]  }
0x2: {  	s1 =	rddreg [dreg:$0x1]  }
0x3: {  	s3 =	srdreg.scid;
	s5 =	stileid.u32  }
0x4: {  	s2 =	simm.s32 $0x0;
	s29 =	simm.s32 $0x3;
	s8 =	simm.s32 $0x80  }
0x5: {  	s9 =	simm.s32 $0x800;
	s13 =	simm.s32 $0x2800;
	s30 =	simm.s32 $0x100  }
0x6: {  	s14 =	simm.s32 $0x4800;
	s31 =	simm.s32 $0x180;
	s15 =	simm.s32 $0x6800  }
0x7: {  	s24 =	simm.s32 $0x200;
	s25 =	simm.s32 $0x280;
	s10 =	simm.s32 $0xA800  }
0x8: {  	s26 =	simm.s32 $0x300;
	s11 =	simm.s32 $0xC800;
	s28 =	simm.s32 $0x380  }
0x9: {  	s12 =	simm.s32 $0xE800;
	s7 =	simm.s32 $0x2;
	p0 =	por $0x0, $0x0  }
0xa: {  	s4 =	sand.u32 $0x1, s3;
	s17 =	sshll.u32 s5, $0x1;
	[smem:$0x7FF] =	sst s2  }
0xb: {  	s16 =	simm.s32 $0x600;
	s3 =	sor.u32 s4, s17;
	_ =	strace $0x80000050  }
0xc: {  	s4 =	ssub.s32 $0x2, s4;
	s17 =	simm.s32 $0x680;
	s18 =	sshll.u32 s3, $0xE  }
0xd: {  	s6 =	sshll.u32 s3, $0x8;
	s3 =	sadd.s32 $0x406000, s0;
	s20 =	sshrl.u32 s4, $0x1  }
0xe: {  	s0 =	sadd.s32 s18, s0;
	s1 =	sadd.s32 s1, s6;
	s5 =	ssub.s32 s4, s20  }
0xf: {  	s6 =	simm.s32 $0x8800;
	s20 =	simm.s32 $0x400;
	s23 =	smax.u32 s5, $0x1  }
0x10: {  	[dreg:$0x3] =	wrdreg s1;
	s19 =	sadd.s32 $0x6000, s0;
	p1 =	sne.s32 s23, $0x1  }
.Ltmp0:
0x11: {  	s21 =	sadd.s32 $0x7000, s0;
	[dreg:$0x4] =	wrdreg s19;
	(pc) =	sbr.rel @!p1 .LBB2_3-.Ltmp0, $4  }
0x12: {  	s18 =	simm.s32 $0x700;
	s22 =	sadd.s32 $0x8000, s0;
	[dreg:$0x5] =	wrdreg s21  }
0x13: {  	s4 =	sadd.s32 $0x9000, s0;
	s5 =	simm.s32 $0x1;
	[dreg:$0x6] =	wrdreg s22  }
0x14: {  	s21 =	simm.s32 $0x480;
	s0 =	sadd.s32 $0xFFFFFFFF, s23;
	s22 =	simm.s32 $0x500  }
0x15: {  	s23 =	simm.s32 $0x580;
	s19 =	simm.s32 $0x780;
	s1 =	rddreg [dreg:$0x3]  }
0x16: {  	[tilespmem:s2], [sflag:$0x3] =	stream.linear.gather [hbm4b:s1+s2], $0x800, $0x38;
	[tilespmem:$0x10800] =	vst v63  }
0x17: {  	_ =	swait.ge [sflag:s29], $0x800  }
0x18: {  	[sflag:s29] =	ssyncset.done $0x0  }
0x19: {  	[sflag:s29] =	ssyncadd.s32 $0xFFFFF800  }
0x1a: {  	[tilespmem:s9], [sflag:$0x1] =	stream.indirect.gather [hbm4b:s3+s8], $0x40, s2, s8, $0xb8;
	[tilespmem:$0x10800] =	vst v63  }
0x1b: {  	_ = 	snop  }
0x1c: {  	[tilespmem:s13], [sflag:$0x1] =	stream.indirect.gather [hbm4b:s3+s8], $0x40, s8, s8, $0xb8;
	[tilespmem:$0x10800] =	vst v63  }
0x1d: {  	_ = 	snop  }
0x1e: {  	[tilespmem:s14], [sflag:$0x1] =	stream.indirect.gather [hbm4b:s3+s8], $0x40, s30, s8, $0xb8;
	[tilespmem:$0x10800] =	vst v63  }
0x1f: {  	_ = 	snop  }
0x20: {  	[tilespmem:s15], [sflag:$0x1] =	stream.indirect.gather [hbm4b:s3+s8], $0x40, s31, s8, $0xb8;
	[tilespmem:$0x10800] =	vst v63  }
0x21: {  	_ =	swait.ge [sflag:s5], $0x2000  }
0x22: {  	[sflag:s5] =	ssyncset.done $0x0  }
0x23: {  	[sflag:s5] =	ssyncadd.s32 $0xFFFFE000  }
0x24: {  	_ =	swait.ge [sflag:s5], $0x2000  }
0x25: {  	[sflag:s5] =	ssyncset.done $0x0  }
0x26: {  	[sflag:s5] =	ssyncadd.s32 $0xFFFFE000  }
0x27: {  	_ =	swait.ge [sflag:s5], $0x2000  }
0x28: {  	[sflag:s5] =	ssyncset.done $0x0  }
0x29: {  	[sflag:s5] =	ssyncadd.s32 $0xFFFFE000  }
0x2a: {  	_ =	swait.ge [sflag:s5], $0x2000  }
0x2b: {  	[sflag:s5] =	ssyncset.done $0x0  }
0x2c: {  	s1 =	rddreg [dreg:$0x4];
	[sflag:s5] =	ssyncadd.s32 $0xFFFFE000  }
0x2d: {  	[hbm4b:s1+s2] =	stream.linear.scatter [tilespmem:s9], [sflag:$0x2], $0x8000, $0x38;
	[tilespmem:$0x10800] =	vst v63  }
0x2e: {  	_ = 	snop  }
0x2f: {  	[tilespmem:s6], [sflag:$0x1] =	stream.indirect.gather [hbm4b:s3+s8], $0x40, s24, s8, $0xb8;
	[tilespmem:$0x10800] =	vst v63  }
0x30: {  	_ = 	snop  }
0x31: {  	[tilespmem:s10], [sflag:$0x1] =	stream.indirect.gather [hbm4b:s3+s8], $0x40, s25, s8, $0xb8;
	[tilespmem:$0x10800] =	vst v63  }
0x32: {  	_ = 	snop  }
0x33: {  	[tilespmem:s11], [sflag:$0x1] =	stream.indirect.gather [hbm4b:s3+s8], $0x40, s26, s8, $0xb8;
	[tilespmem:$0x10800] =	vst v63  }
0x34: {  	_ = 	snop  }
0x35: {  	[tilespmem:s12], [sflag:$0x1] =	stream.indirect.gather [hbm4b:s3+s8], $0x40, s28, s8, $0xb8;
	[tilespmem:$0x10800] =	vst v63  }
0x36: {  	_ =	swait.ge [sflag:s5], $0x2000  }
0x37: {  	[sflag:s5] =	ssyncset.done $0x0  }
0x38: {  	[sflag:s5] =	ssyncadd.s32 $0xFFFFE000  }
0x39: {  	_ =	swait.ge [sflag:s5], $0x2000  }
0x3a: {  	[sflag:s5] =	ssyncset.done $0x0  }
0x3b: {  	[sflag:s5] =	ssyncadd.s32 $0xFFFFE000  }
0x3c: {  	_ =	swait.ge [sflag:s5], $0x2000  }
0x3d: {  	[sflag:s5] =	ssyncset.done $0x0  }
0x3e: {  	[sflag:s5] =	ssyncadd.s32 $0xFFFFE000  }
0x3f: {  	_ =	swait.ge [sflag:s5], $0x2000  }
0x40: {  	[sflag:s5] =	ssyncset.done $0x0  }
0x41: {  	s1 =	rddreg [dreg:$0x5];
	[sflag:s5] =	ssyncadd.s32 $0xFFFFE000  }
0x42: {  	[hbm4b:s1+s2] =	stream.linear.scatter [tilespmem:s6], [sflag:$0x2], $0x8000, $0x38;
	[tilespmem:$0x10800] =	vst v63  }
0x43: {  	_ =	swait.ge [sflag:s7], $0x8000  }
0x44: {  	[sflag:s7] =	ssyncset.done $0x0  }
0x45: {  	[sflag:s7] =	ssyncadd.s32 $0xFFFF8000  }
0x46: {  	[tilespmem:s9], [sflag:$0x1] =	stream.indirect.gather [hbm4b:s3+s8], $0x40, s20, s8, $0xb8;
	[tilespmem:$0x10800] =	vst v63  }
0x47: {  	_ = 	snop  }
0x48: {  	[tilespmem:s13], [sflag:$0x1] =	stream.indirect.gather [hbm4b:s3+s8], $0x40, s21, s8, $0xb8;
	[tilespmem:$0x10800] =	vst v63  }
0x49: {  	_ = 	snop  }
0x4a: {  	[tilespmem:s14], [sflag:$0x1] =	stream.indirect.gather [hbm4b:s3+s8], $0x40, s22, s8, $0xb8;
	[tilespmem:$0x10800] =	vst v63  }
0x4b: {  	_ = 	snop  }
0x4c: {  	[tilespmem:s15], [sflag:$0x1] =	stream.indirect.gather [hbm4b:s3+s8], $0x40, s23, s8, $0xb8;
	[tilespmem:$0x10800] =	vst v63  }
0x4d: {  	_ =	swait.ge [sflag:s5], $0x2000  }
0x4e: {  	[sflag:s5] =	ssyncset.done $0x0  }
0x4f: {  	[sflag:s5] =	ssyncadd.s32 $0xFFFFE000  }
0x50: {  	_ =	swait.ge [sflag:s5], $0x2000  }
0x51: {  	[sflag:s5] =	ssyncset.done $0x0  }
0x52: {  	[sflag:s5] =	ssyncadd.s32 $0xFFFFE000  }
0x53: {  	_ =	swait.ge [sflag:s5], $0x2000  }
0x54: {  	[sflag:s5] =	ssyncset.done $0x0  }
0x55: {  	[sflag:s5] =	ssyncadd.s32 $0xFFFFE000  }
0x56: {  	_ =	swait.ge [sflag:s5], $0x2000  }
0x57: {  	[sflag:s5] =	ssyncset.done $0x0  }
0x58: {  	s1 =	rddreg [dreg:$0x6];
	[sflag:s5] =	ssyncadd.s32 $0xFFFFE000  }
0x59: {  	[hbm4b:s1+s2] =	stream.linear.scatter [tilespmem:s9], [sflag:$0x2], $0x8000, $0x38;
	[tilespmem:$0x10800] =	vst v63  }
0x5a: {  	_ =	swait.ge [sflag:s7], $0x8000  }
0x5b: {  	[sflag:s7] =	ssyncset.done $0x0  }
0x5c: {  	[sflag:s7] =	ssyncadd.s32 $0xFFFF8000  }
0x5d: {  	[tilespmem:s6], [sflag:$0x1] =	stream.indirect.gather [hbm4b:s3+s8], $0x40, s16, s8, $0xb8;
	[tilespmem:$0x10800] =	vst v63  }
0x5e: {  	_ = 	snop  }
0x5f: {  	[tilespmem:s10], [sflag:$0x1] =	stream.indirect.gather [hbm4b:s3+s8], $0x40, s17, s8, $0xb8;
	[tilespmem:$0x10800] =	vst v63  }
0x60: {  	_ = 	snop  }
0x61: {  	[tilespmem:s11], [sflag:$0x1] =	stream.indirect.gather [hbm4b:s3+s8], $0x40, s18, s8, $0xb8;
	[tilespmem:$0x10800] =	vst v63  }
0x62: {  	_ = 	snop  }
0x63: {  	[tilespmem:s12], [sflag:$0x1] =	stream.indirect.gather [hbm4b:s3+s8], $0x40, s19, s8, $0xb8;
	[tilespmem:$0x10800] =	vst v63  }
0x64: {  	_ =	swait.ge [sflag:s5], $0x2000  }
0x65: {  	[sflag:s5] =	ssyncset.done $0x0  }
0x66: {  	[sflag:s5] =	ssyncadd.s32 $0xFFFFE000  }
0x67: {  	_ =	swait.ge [sflag:s5], $0x2000  }
0x68: {  	[sflag:s5] =	ssyncset.done $0x0  }
0x69: {  	[sflag:s5] =	ssyncadd.s32 $0xFFFFE000  }
0x6a: {  	_ =	swait.ge [sflag:s5], $0x2000  }
0x6b: {  	[sflag:s5] =	ssyncset.done $0x0  }
0x6c: {  	[sflag:s5] =	ssyncadd.s32 $0xFFFFE000  }
0x6d: {  	_ =	swait.ge [sflag:s5], $0x2000  }
0x6e: {  	[sflag:s5] =	ssyncset.done $0x0  }
0x6f: {  	p1 =	sne.s32 s0, $0x1;
	[sflag:s5] =	ssyncadd.s32 $0xFFFFE000  }
0x70: {  	[hbm4b:s4+s2] =	stream.linear.scatter [tilespmem:s6], [sflag:$0x2], $0x8000, $0x38;
	[tilespmem:$0x10800] =	vst v63  }
.Ltmp1:
0x71: {  	_ =	swait.ge [sflag:s7], $0x8000;
	(pc) =	sbr.rel @!p1 .LBB2_3-.Ltmp1, $4  }
0x72: {  	[sflag:s7] =	ssyncset.done $0x0  }
0x73: {  	[sflag:s7] =	ssyncadd.s32 $0xFFFF8000  }
0x74: {  	s0 =	sadd.s32 $0xFFFFFFFF, s0;
	_ =	swait.ge [sflag:s7], $0x8000  }
0x75: {  	p0 =	por $0x1, $0x1;
	s1 =	rddreg [dreg:$0x3];
	[sflag:s7] =	ssyncset.done $0x0  }
.LBB2_2:
0x76: {  	[sflag:s7] =	ssyncadd.s32 $0xFFFF8000  }
0x77: {  	[tilespmem:s2], [sflag:$0x3] =	stream.linear.gather [hbm4b:s1+s2], $0x800, $0x38;
	[tilespmem:$0x10800] =	vst v63  }
0x78: {  	_ =	swait.ge [sflag:s29], $0x800  }
0x79: {  	[sflag:s29] =	ssyncset.done $0x0  }
0x7a: {  	[sflag:s29] =	ssyncadd.s32 $0xFFFFF800  }
0x7b: {  	[tilespmem:s9], [sflag:$0x1] =	stream.indirect.gather [hbm4b:s3+s8], $0x40, s2, s8, $0xb8;
	[tilespmem:$0x10800] =	vst v63  }
0x7c: {  	_ = 	snop  }
0x7d: {  	[tilespmem:s13], [sflag:$0x1] =	stream.indirect.gather [hbm4b:s3+s8], $0x40, s8, s8, $0xb8;
	[tilespmem:$0x10800] =	vst v63  }
0x7e: {  	_ = 	snop  }
0x7f: {  	[tilespmem:s14], [sflag:$0x1] =	stream.indirect.gather [hbm4b:s3+s8], $0x40, s30, s8, $0xb8;
	[tilespmem:$0x10800] =	vst v63  }
0x80: {  	_ = 	snop  }
0x81: {  	[tilespmem:s15], [sflag:$0x1] =	stream.indirect.gather [hbm4b:s3+s8], $0x40, s31, s8, $0xb8;
	[tilespmem:$0x10800] =	vst v63  }
0x82: {  	_ =	swait.ge [sflag:s5], $0x2000  }
0x83: {  	[sflag:s5] =	ssyncset.done $0x0  }
0x84: {  	[sflag:s5] =	ssyncadd.s32 $0xFFFFE000  }
0x85: {  	_ =	swait.ge [sflag:s5], $0x2000  }
0x86: {  	[sflag:s5] =	ssyncset.done $0x0  }
0x87: {  	[sflag:s5] =	ssyncadd.s32 $0xFFFFE000  }
0x88: {  	_ =	swait.ge [sflag:s5], $0x2000  }
0x89: {  	[sflag:s5] =	ssyncset.done $0x0  }
0x8a: {  	[sflag:s5] =	ssyncadd.s32 $0xFFFFE000  }
0x8b: {  	_ =	swait.ge [sflag:s5], $0x2000  }
0x8c: {  	[sflag:s5] =	ssyncset.done $0x0  }
0x8d: {  	s1 =	rddreg [dreg:$0x4];
	[sflag:s5] =	ssyncadd.s32 $0xFFFFE000  }
0x8e: {  	[hbm4b:s1+s2] =	stream.linear.scatter [tilespmem:s9], [sflag:$0x2], $0x8000, $0x38;
	[tilespmem:$0x10800] =	vst v63  }
0x8f: {  	_ = 	snop  }
0x90: {  	[tilespmem:s6], [sflag:$0x1] =	stream.indirect.gather [hbm4b:s3+s8], $0x40, s24, s8, $0xb8;
	[tilespmem:$0x10800] =	vst v63  }
0x91: {  	_ = 	snop  }
0x92: {  	[tilespmem:s10], [sflag:$0x1] =	stream.indirect.gather [hbm4b:s3+s8], $0x40, s25, s8, $0xb8;
	[tilespmem:$0x10800] =	vst v63  }
0x93: {  	_ = 	snop  }
0x94: {  	[tilespmem:s11], [sflag:$0x1] =	stream.indirect.gather [hbm4b:s3+s8], $0x40, s26, s8, $0xb8;
	[tilespmem:$0x10800] =	vst v63  }
0x95: {  	_ = 	snop  }
0x96: {  	[tilespmem:s12], [sflag:$0x1] =	stream.indirect.gather [hbm4b:s3+s8], $0x40, s28, s8, $0xb8;
	[tilespmem:$0x10800] =	vst v63  }
0x97: {  	_ =	swait.ge [sflag:s5], $0x2000  }
0x98: {  	[sflag:s5] =	ssyncset.done $0x0  }
0x99: {  	[sflag:s5] =	ssyncadd.s32 $0xFFFFE000  }
0x9a: {  	_ =	swait.ge [sflag:s5], $0x2000  }
0x9b: {  	[sflag:s5] =	ssyncset.done $0x0  }
0x9c: {  	[sflag:s5] =	ssyncadd.s32 $0xFFFFE000  }
0x9d: {  	_ =	swait.ge [sflag:s5], $0x2000  }
0x9e: {  	[sflag:s5] =	ssyncset.done $0x0  }
0x9f: {  	[sflag:s5] =	ssyncadd.s32 $0xFFFFE000  }
0xa0: {  	_ =	swait.ge [sflag:s5], $0x2000  }
0xa1: {  	[sflag:s5] =	ssyncset.done $0x0  }
0xa2: {  	s1 =	rddreg [dreg:$0x5];
	[sflag:s5] =	ssyncadd.s32 $0xFFFFE000  }
0xa3: {  	[hbm4b:s1+s2] =	stream.linear.scatter [tilespmem:s6], [sflag:$0x2], $0x8000, $0x38;
	[tilespmem:$0x10800] =	vst v63  }
0xa4: {  	_ =	swait.ge [sflag:s7], $0x8000  }
0xa5: {  	[sflag:s7] =	ssyncset.done $0x0  }
0xa6: {  	[sflag:s7] =	ssyncadd.s32 $0xFFFF8000  }
0xa7: {  	[tilespmem:s9], [sflag:$0x1] =	stream.indirect.gather [hbm4b:s3+s8], $0x40, s20, s8, $0xb8;
	[tilespmem:$0x10800] =	vst v63  }
0xa8: {  	_ = 	snop  }
0xa9: {  	[tilespmem:s13], [sflag:$0x1] =	stream.indirect.gather [hbm4b:s3+s8], $0x40, s21, s8, $0xb8;
	[tilespmem:$0x10800] =	vst v63  }
0xaa: {  	_ = 	snop  }
0xab: {  	[tilespmem:s14], [sflag:$0x1] =	stream.indirect.gather [hbm4b:s3+s8], $0x40, s22, s8, $0xb8;
	[tilespmem:$0x10800] =	vst v63  }
0xac: {  	_ = 	snop  }
0xad: {  	[tilespmem:s15], [sflag:$0x1] =	stream.indirect.gather [hbm4b:s3+s8], $0x40, s23, s8, $0xb8;
	[tilespmem:$0x10800] =	vst v63  }
0xae: {  	_ =	swait.ge [sflag:s5], $0x2000  }
0xaf: {  	[sflag:s5] =	ssyncset.done $0x0  }
0xb0: {  	[sflag:s5] =	ssyncadd.s32 $0xFFFFE000  }
0xb1: {  	_ =	swait.ge [sflag:s5], $0x2000  }
0xb2: {  	[sflag:s5] =	ssyncset.done $0x0  }
0xb3: {  	[sflag:s5] =	ssyncadd.s32 $0xFFFFE000  }
0xb4: {  	_ =	swait.ge [sflag:s5], $0x2000  }
0xb5: {  	[sflag:s5] =	ssyncset.done $0x0  }
0xb6: {  	[sflag:s5] =	ssyncadd.s32 $0xFFFFE000  }
0xb7: {  	_ =	swait.ge [sflag:s5], $0x2000  }
0xb8: {  	[sflag:s5] =	ssyncset.done $0x0  }
0xb9: {  	s1 =	rddreg [dreg:$0x6];
	[sflag:s5] =	ssyncadd.s32 $0xFFFFE000  }
0xba: {  	[hbm4b:s1+s2] =	stream.linear.scatter [tilespmem:s9], [sflag:$0x2], $0x8000, $0x38;
	[tilespmem:$0x10800] =	vst v63  }
0xbb: {  	_ =	swait.ge [sflag:s7], $0x8000  }
0xbc: {  	[sflag:s7] =	ssyncset.done $0x0  }
0xbd: {  	[sflag:s7] =	ssyncadd.s32 $0xFFFF8000  }
0xbe: {  	[tilespmem:s6], [sflag:$0x1] =	stream.indirect.gather [hbm4b:s3+s8], $0x40, s16, s8, $0xb8;
	[tilespmem:$0x10800] =	vst v63  }
0xbf: {  	_ = 	snop  }
0xc0: {  	[tilespmem:s10], [sflag:$0x1] =	stream.indirect.gather [hbm4b:s3+s8], $0x40, s17, s8, $0xb8;
	[tilespmem:$0x10800] =	vst v63  }
0xc1: {  	_ = 	snop  }
0xc2: {  	[tilespmem:s11], [sflag:$0x1] =	stream.indirect.gather [hbm4b:s3+s8], $0x40, s18, s8, $0xb8;
	[tilespmem:$0x10800] =	vst v63  }
0xc3: {  	_ = 	snop  }
0xc4: {  	[tilespmem:s12], [sflag:$0x1] =	stream.indirect.gather [hbm4b:s3+s8], $0x40, s19, s8, $0xb8;
	[tilespmem:$0x10800] =	vst v63  }
0xc5: {  	_ =	swait.ge [sflag:s5], $0x2000  }
0xc6: {  	[sflag:s5] =	ssyncset.done $0x0  }
0xc7: {  	[sflag:s5] =	ssyncadd.s32 $0xFFFFE000  }
0xc8: {  	_ =	swait.ge [sflag:s5], $0x2000  }
0xc9: {  	[sflag:s5] =	ssyncset.done $0x0  }
0xca: {  	[sflag:s5] =	ssyncadd.s32 $0xFFFFE000  }
0xcb: {  	_ =	swait.ge [sflag:s5], $0x2000  }
0xcc: {  	[sflag:s5] =	ssyncset.done $0x0  }
0xcd: {  	[sflag:s5] =	ssyncadd.s32 $0xFFFFE000  }
0xce: {  	_ =	swait.ge [sflag:s5], $0x2000  }
0xcf: {  	[sflag:s5] =	ssyncset.done $0x0  }
0xd0: {  	p1 =	sne.s32 s0, $0x1;
	[sflag:s5] =	ssyncadd.s32 $0xFFFFE000  }
0xd1: {  	[hbm4b:s4+s2] =	stream.linear.scatter [tilespmem:s6], [sflag:$0x2], $0x8000, $0x38;
	[tilespmem:$0x10800] =	vst v63  }
.Ltmp2:
0xd2: {  	_ =	swait.ge [sflag:s7], $0x8000;
	(pc) =	sbr.rel @p1 .LBB2_2-.Ltmp2, $4  }
0xd3: {  	[sflag:s7] =	ssyncset.done $0x0  }
0xd4: {  	[sflag:s7] =	ssyncadd.s32 $0xFFFF8000  }
0xd5: {  	_ =	swait.ge [sflag:s7], $0x8000  }
0xd6: {  	s0 =	sadd.s32 $0xFFFFFFFF, s0;
	s1 =	rddreg [dreg:$0x3];
	[sflag:s7] =	ssyncset.done $0x0  }
.LBB2_3:
0xd7: {  	[sflag:s7] =	ssyncadd.s32 @p0 $0xFFFF8000  }
0xd8: {  	[tilespmem:s2], [sflag:$0x3] =	stream.linear.gather [hbm4b:s1+s2], $0x800, $0x38;
	[tilespmem:$0x10800] =	vst v63  }
0xd9: {  	_ =	swait.ge [sflag:s29], $0x800  }
0xda: {  	[sflag:s29] =	ssyncset.done $0x0  }
0xdb: {  	[sflag:s29] =	ssyncadd.s32 $0xFFFFF800  }
0xdc: {  	[tilespmem:s9], [sflag:$0x1] =	stream.indirect.gather [hbm4b:s3+s8], $0x40, s2, s8, $0xb8;
	[tilespmem:$0x10800] =	vst v63  }
0xdd: {  	_ = 	snop  }
0xde: {  	[tilespmem:s13], [sflag:$0x1] =	stream.indirect.gather [hbm4b:s3+s8], $0x40, s8, s8, $0xb8;
	[tilespmem:$0x10800] =	vst v63  }
0xdf: {  	_ = 	snop  }
0xe0: {  	[tilespmem:s14], [sflag:$0x1] =	stream.indirect.gather [hbm4b:s3+s8], $0x40, s30, s8, $0xb8;
	[tilespmem:$0x10800] =	vst v63  }
0xe1: {  	_ = 	snop  }
0xe2: {  	[tilespmem:s15], [sflag:$0x1] =	stream.indirect.gather [hbm4b:s3+s8], $0x40, s31, s8, $0xb8;
	[tilespmem:$0x10800] =	vst v63  }
0xe3: {  	_ =	swait.ge [sflag:s5], $0x2000  }
0xe4: {  	[sflag:s5] =	ssyncset.done $0x0  }
0xe5: {  	[sflag:s5] =	ssyncadd.s32 $0xFFFFE000  }
0xe6: {  	_ =	swait.ge [sflag:s5], $0x2000  }
0xe7: {  	[sflag:s5] =	ssyncset.done $0x0  }
0xe8: {  	[sflag:s5] =	ssyncadd.s32 $0xFFFFE000  }
0xe9: {  	_ =	swait.ge [sflag:s5], $0x2000  }
0xea: {  	[sflag:s5] =	ssyncset.done $0x0  }
0xeb: {  	[sflag:s5] =	ssyncadd.s32 $0xFFFFE000  }
0xec: {  	_ =	swait.ge [sflag:s5], $0x2000  }
0xed: {  	[sflag:s5] =	ssyncset.done $0x0  }
0xee: {  	s0 =	rddreg [dreg:$0x4];
	[sflag:s5] =	ssyncadd.s32 $0xFFFFE000  }
0xef: {  	[hbm4b:s0+s2] =	stream.linear.scatter [tilespmem:s9], [sflag:$0x2], $0x8000, $0x38;
	[tilespmem:$0x10800] =	vst v63  }
0xf0: {  	_ = 	snop  }
0xf1: {  	[tilespmem:s6], [sflag:$0x1] =	stream.indirect.gather [hbm4b:s3+s8], $0x40, s24, s8, $0xb8;
	[tilespmem:$0x10800] =	vst v63  }
0xf2: {  	_ = 	snop  }
0xf3: {  	[tilespmem:s10], [sflag:$0x1] =	stream.indirect.gather [hbm4b:s3+s8], $0x40, s25, s8, $0xb8;
	[tilespmem:$0x10800] =	vst v63  }
0xf4: {  	_ = 	snop  }
0xf5: {  	[tilespmem:s11], [sflag:$0x1] =	stream.indirect.gather [hbm4b:s3+s8], $0x40, s26, s8, $0xb8;
	[tilespmem:$0x10800] =	vst v63  }
0xf6: {  	_ = 	snop  }
0xf7: {  	[tilespmem:s12], [sflag:$0x1] =	stream.indirect.gather [hbm4b:s3+s8], $0x40, s28, s8, $0xb8;
	[tilespmem:$0x10800] =	vst v63  }
0xf8: {  	_ =	swait.ge [sflag:s5], $0x2000  }
0xf9: {  	[sflag:s5] =	ssyncset.done $0x0  }
0xfa: {  	[sflag:s5] =	ssyncadd.s32 $0xFFFFE000  }
0xfb: {  	_ =	swait.ge [sflag:s5], $0x2000  }
0xfc: {  	[sflag:s5] =	ssyncset.done $0x0  }
0xfd: {  	[sflag:s5] =	ssyncadd.s32 $0xFFFFE000  }
0xfe: {  	_ =	swait.ge [sflag:s5], $0x2000  }
0xff: {  	[sflag:s5] =	ssyncset.done $0x0  }
0x100: {  	[sflag:s5] =	ssyncadd.s32 $0xFFFFE000  }
0x101: {  	_ =	swait.ge [sflag:s5], $0x2000  }
0x102: {  	[sflag:s5] =	ssyncset.done $0x0  }
0x103: {  	s29 =	rddreg [dreg:$0x5];
	[sflag:s5] =	ssyncadd.s32 $0xFFFFE000  }
0x104: {  	[hbm4b:s29+s2] =	stream.linear.scatter [tilespmem:s6], [sflag:$0x2], $0x8000, $0x38;
	[tilespmem:$0x10800] =	vst v63  }
0x105: {  	_ =	swait.ge [sflag:s7], $0x8000  }
0x106: {  	[sflag:s7] =	ssyncset.done $0x0  }
0x107: {  	[sflag:s7] =	ssyncadd.s32 $0xFFFF8000  }
0x108: {  	[tilespmem:s9], [sflag:$0x1] =	stream.indirect.gather [hbm4b:s3+s8], $0x40, s20, s8, $0xb8;
	[tilespmem:$0x10800] =	vst v63  }
0x109: {  	_ = 	snop  }
0x10a: {  	[tilespmem:s13], [sflag:$0x1] =	stream.indirect.gather [hbm4b:s3+s8], $0x40, s21, s8, $0xb8;
	[tilespmem:$0x10800] =	vst v63  }
0x10b: {  	_ = 	snop  }
0x10c: {  	[tilespmem:s14], [sflag:$0x1] =	stream.indirect.gather [hbm4b:s3+s8], $0x40, s22, s8, $0xb8;
	[tilespmem:$0x10800] =	vst v63  }
0x10d: {  	_ = 	snop  }
0x10e: {  	[tilespmem:s15], [sflag:$0x1] =	stream.indirect.gather [hbm4b:s3+s8], $0x40, s23, s8, $0xb8;
	[tilespmem:$0x10800] =	vst v63  }
0x10f: {  	_ =	swait.ge [sflag:s5], $0x2000  }
0x110: {  	[sflag:s5] =	ssyncset.done $0x0  }
0x111: {  	[sflag:s5] =	ssyncadd.s32 $0xFFFFE000  }
0x112: {  	_ =	swait.ge [sflag:s5], $0x2000  }
0x113: {  	[sflag:s5] =	ssyncset.done $0x0  }
0x114: {  	[sflag:s5] =	ssyncadd.s32 $0xFFFFE000  }
0x115: {  	_ =	swait.ge [sflag:s5], $0x2000  }
0x116: {  	[sflag:s5] =	ssyncset.done $0x0  }
0x117: {  	[sflag:s5] =	ssyncadd.s32 $0xFFFFE000  }
0x118: {  	_ =	swait.ge [sflag:s5], $0x2000  }
0x119: {  	[sflag:s5] =	ssyncset.done $0x0  }
0x11a: {  	s30 =	rddreg [dreg:$0x6];
	[sflag:s5] =	ssyncadd.s32 $0xFFFFE000  }
0x11b: {  	[hbm4b:s30+s2] =	stream.linear.scatter [tilespmem:s9], [sflag:$0x2], $0x8000, $0x38;
	[tilespmem:$0x10800] =	vst v63  }
0x11c: {  	_ =	swait.ge [sflag:s7], $0x8000  }
0x11d: {  	[sflag:s7] =	ssyncset.done $0x0  }
0x11e: {  	[sflag:s7] =	ssyncadd.s32 $0xFFFF8000  }
0x11f: {  	[tilespmem:s6], [sflag:$0x1] =	stream.indirect.gather [hbm4b:s3+s8], $0x40, s16, s8, $0xb8;
	[tilespmem:$0x10800] =	vst v63  }
0x120: {  	_ = 	snop  }
0x121: {  	[tilespmem:s10], [sflag:$0x1] =	stream.indirect.gather [hbm4b:s3+s8], $0x40, s17, s8, $0xb8;
	[tilespmem:$0x10800] =	vst v63  }
0x122: {  	_ = 	snop  }
0x123: {  	[tilespmem:s11], [sflag:$0x1] =	stream.indirect.gather [hbm4b:s3+s8], $0x40, s18, s8, $0xb8;
	[tilespmem:$0x10800] =	vst v63  }
0x124: {  	_ = 	snop  }
0x125: {  	[tilespmem:s12], [sflag:$0x1] =	stream.indirect.gather [hbm4b:s3+s8], $0x40, s19, s8, $0xb8;
	[tilespmem:$0x10800] =	vst v63  }
0x126: {  	_ =	swait.ge [sflag:s5], $0x2000  }
0x127: {  	[sflag:s5] =	ssyncset.done $0x0  }
0x128: {  	[sflag:s5] =	ssyncadd.s32 $0xFFFFE000  }
0x129: {  	_ =	swait.ge [sflag:s5], $0x2000  }
0x12a: {  	[sflag:s5] =	ssyncset.done $0x0  }
0x12b: {  	[sflag:s5] =	ssyncadd.s32 $0xFFFFE000  }
0x12c: {  	_ =	swait.ge [sflag:s5], $0x2000  }
0x12d: {  	[sflag:s5] =	ssyncset.done $0x0  }
0x12e: {  	[sflag:s5] =	ssyncadd.s32 $0xFFFFE000  }
0x12f: {  	_ =	swait.ge [sflag:s5], $0x2000  }
0x130: {  	[sflag:s5] =	ssyncset.done $0x0  }
0x131: {  	[sflag:s5] =	ssyncadd.s32 $0xFFFFE000  }
0x132: {  	[hbm4b:s4+s2] =	stream.linear.scatter [tilespmem:s6], [sflag:$0x2], $0x8000, $0x38;
	[tilespmem:$0x10800] =	vst v63  }
0x133: {  	_ =	swait.ge [sflag:s7], $0x8000  }
0x134: {  	[sflag:s7] =	ssyncset.done $0x0  }
0x135: {  	[sflag:s7] =	ssyncadd.s32 $0xFFFF8000  }
0x136: {  	_ =	swait.ge [sflag:s7], $0x8000  }
0x137: {  	[sflag:s7] =	ssyncset.done $0x0  }
0x138: {  	[sflag:s7] =	ssyncadd.s32 $0xFFFF8000  }
0x139: {  	_ =	sfence.sel $0x180000  }
0x13a: {  	[bflag:$0x0] =	sbarrier.arrive $0xFFFF  }
0x13b: {  	_ =	strace $0x90000050  }
0x13c: {  	s31 =	stileid.u32;
	[bflag:$0x2] =	sbarrier.arrive $0xFFFF  }
0x13d: {  	p0 =	sne.s32 s31, $0x0;
	s0 =	rddreg [dreg:$0x2]  }
0x13e: {  	s0 =	sadd.s32 @!p0 $0x100000, s0  }
0x13f: {  	[sflag:s0] =	ssyncadd.tile.s32 @!p0 $0x1;
	_ =	shalt  }
.Lfunc_end2:
_tile_overlayer_lowered:
.L_overlay_start_2:
0x140: {  	(tag) =	ssettag $0x2  }
0x141: {  	s0 =	rddreg [dreg:$0x0];
	s2 =	stileid.u32  }
0x142: {  	s1 =	rddreg [dreg:$0x1];
	p0 =	sne.s32 s2, $0x0  }
0x143: {  	s3 =	rddreg [dreg:$0x2];
	[bflag:$0x3] =	sbarrier.arrive $0xFFFF;
	s2 =	simm.s32 @!p0 $0x1C03  }
0x144: {  	[timem:s3], [sflag:s2] =	dma.local @!p0 [hbm:s0], s1  }
0x145: {  	s0 =	simm.s32 @!p0 $0x3  }
0x146: {  	_ =	swait.ge @!p0 [sflag:s0], s1  }
0x147: {  	s1 =	ssub.s32 @!p0 $0x0, s1;
	[sflag:s0] =	ssyncset.done @!p0 $0x0  }
0x148: {  	[sflag:s0] =	ssyncadd.s32 @!p0 s1  }
0x149: {  	[bflag:$0x3] =	sbarrier.arrive $0xFFFF  }
0x14a: {  	_ =	shalt  }

// kernel: sparse-core-data-format-call.cloned.1.call-start
scs
called_computation_lowered:
.L_overlay_start_0:
0x0: {  	s2 =	sld [smem:$0x3FD9]  }
0x1: {  	s3 =	sld [smem:$0x3FFE];
	_ =	sdelay $0x1  }
0x2: {  	s1 =	srdreg.scid  }
0x3: {  	s0 =	sand.u32 $0x1, s1  }
0x4: {  	s18 =	sshll.u32 s0, $0xA;
	s2 =	sadd.s32 s3, s2  }
0x5: {  	s2 =	sadd.s32 s2, s18  }
0x6: {  	[smem:$0x3FA2] =	sst s2  }
0x7: {  	_ = 	snop  }
0x8: {  	s2 =	sld [smem:$0x3FC9];
	(tm) =	ssettm $0x1  }
0x9: {  	s19 =	sld [smem:$0x3FFB];
	_ =	sdelay $0x3  }
0xa: {  	_ =	strace s19  }
0xb: {  	s3 =	sld [smem:$0x3FFC];
	_ =	sdelay $0x3  }
0xc: {  	_ =	strace s3  }
0xd: {  	s3 =	sld [smem:$0x3FFD];
	_ =	sdelay $0x3  }
0xe: {  	_ =	strace s3  }
0xf: {  	_ =	strace $0x8FFFFFFF  }
0x10: {  	s20 =	sld [smem:$0x3FDB];
	_ =	sdelay $0x1  }
0x11: {  	s4 =	simm.s32 $_scs_section_size  }
0x12: {  	s5 =	simm.s32 $_size__tile_overlayer_lowered;
	s6 =	simm.s32 $_tile_overlayer_lowered  }
0x13: {  	s23 =	simm.s32 $0x1BFF;
	s22 =	sshll.u32 s6, $0x1;
	s3 =	sadd.s32 s4, s20  }
0x14: {  	s7 =	simm.s32 $0x0;
	s21 =	sshll.u32 s5, $0x1;
	s5 =	sadd.s32 s22, s3  }
0x15: {  	[timem:s7], [sflag:s23] =	dma.local [hbm:s5], s21  }
0x16: {  	_ =	swait.ge [sflag:s23], s21  }
0x17: {  	s4 =	ssub.s32 $0x0, s21;
	[sflag:s23] =	ssyncset.done $0x0  }
0x18: {  	[sflag:s23] =	ssyncadd.s32 s4;
	_ =	sdelay $0x1  }
0x19: {  	s24 =	simm.s32 $0x1B8B  }
0x1a: {  	_ =	swait.ge [sflag:s24], $0x1  }
0x1b: {  	[sflag:s24] =	ssyncset.done $0x0  }
0x1c: {  	s26 =	simm.s32 $0x1B8E;
	s25 =	sld [smem:$0x3FFE];
	[sflag:s24] =	ssyncadd.s32 $0xFFFFFFFF  }
0x1d: {  	s27 =	simm.s32 $execute0_lowered;
	[smem:$0x3FD2] =	sst s26  }
0x1e: {  	s5 =	sshll.u32 s27, $0x1;
	_ =	strace $0x80000046;
	[dreg:$0x1] =	wrdreg $0xFFFFFFFF  }
0x1f: {  	s28 =	simm.s32 $_size_execute0_lowered;
	s3 =	sadd.s32 s3, s5;
	[dreg:$0x0] =	wrdreg $0x0  }
0x20: {  	s5 =	sshll.u32 s28, $0x1;
	[dreg:$0x2] =	wrdreg s3  }
0x21: {  	[dreg:$0x3] =	wrdreg s5  }
0x22: {  	[dreg:$0x4] =	wrdreg $0xC0  }
0x23: {  	_ =	task [dreg:s7], $0x5FFFF  }
0x24: {  	[dreg:$0x1] =	wrdreg $0xFFFFFFFF  }
0x25: {  	[dreg:$0x0] =	wrdreg $0x60  }
0x26: {  	[dreg:$0x2] =	wrdreg s2  }
0x27: {  	[dreg:$0x3] =	wrdreg s25  }
0x28: {  	[dreg:$0x4] =	wrdreg $0x9  }
0x29: {  	_ =	task.clear_ibuf [dreg:s7], $0x5FFFF;
	_ =	strace $0x90000046  }
0x2a: {  	s29 =	simm.s32 $0x9;
	_ =	strace $0x80000048  }
0x2b: {  	_ =	swait.ge [sflag:s29], $0x1  }
0x2c: {  	[sflag:s29] =	ssyncadd.s32 $0xFFFFFFFF  }
0x2d: {  	_ =	strace $0x90000048  }
0x2e: {  	_ =	sfence  }
0x2f: {  	s30 =	sld [smem:$0x0];
	_ =	sdelay $0x2  }
0x30: {  	s31 =	sshll.u32 s1, $0xD;
	s1 =	sshrl.u32 s1, $0x2  }
0x31: {  	s3 =	sand.u32 $0x4000, s31;
	s1 =	sadd.s32 s1, s30  }
0x32: {  	s0 =	sor.u32 s3, s0;
	s1 =	sshll.u32 s1, $0x11  }
0x33: {  	s0 =	sor.u32 s1, s0  }
0x34: {  	s0 =	sadd.s32 $0x8F2B, s0  }
0x35: {  	[sflag:s0] =	ssyncadd.remote.s32 $0x1  }
0x36: {  	_ =	sfence.sel $0xFFFF  }
0x37: {  	[dreg:$0x0] =	wrdreg $0xFFFFFFFF;
	(pc) =	sbr.abs _section_cstart, $3  }
0x38: {  	[dreg:$0x1] =	wrdreg $0xFFFFFFFF  }
0x39: {  	_ =	task.clear_ibuf [dreg:s7], $0x2FFFF;
	_ =	strace $0x9FFFFFFF  }
0x3a: {  	(tm) =	ssettm $0x7FFFFFFF  }
0x3b: {  	_ =	shalt  }
tec
execute0_lowered:
.L_overlay_start_1:
0x0: {  	(tag) =	ssettag $0x1  }
0x1: {  	s2 =	rddreg [dreg:$0x0]  }
0x2: {  	s6 =	rddreg [dreg:$0x1]  }
0x3: {  	s0 =	rddreg [dreg:$0x2]  }
0x4: {  	s1 =	srdreg.scid;
	_ =	strace $0x80000047;
	s7 =	simm.s32 $0x2  }
0x5: {  	s13 =	simm.s32 $0x0;
	p0 =	por $0x0, $0x0;
	s15 =	simm.s32 $0x0  }
0x6: {  	s14 =	simm.s32 $0x0;
	s16 =	simm.s32 $0x0;
	s9 =	simm.s32 $0x0  }
.Ltmp0:
0x7: {  	s11 =	simm.s32 $0x0;
	s12 =	simm.s32 $0x0;
	(pc) =	sbr.rel .LBB1_1-.Ltmp0, $4  }
0x8: {  	s8 =	simm.s32 $0x0;
	s3 =	sadd.s32 $0x6000, s6;
	s4 =	sshll.u32 s1, $0x4  }
0x9: {  	s1 =	stileid.u32;
	s5 =	sand.u32 $0x10, s4;
	s4 =	simm.s32 $0x1  }
0xa: {  	s6 =	sadd.s32 $0x206000, s6;
	s5 =	sor.u32 s1, s5;
	[sflag:s4] =	ssyncpa.u1 $0x0  }
0xb: {  	[sflag:s7] =	ssyncpa.u1 $0x0;
	s7 =	simm.s32 $0x80;
	s10 =	smov.u32 s5  }
.LBB1_7:
0xc: {  	s17 =	sadd.s32 $0x1, s9  }
0xd: {  	s13 =	sadd.s32 $0x20, s10;
	s18 =	smov.u32 s10;
	p2 =	sgt.s32 s17, $0x3F  }
0xe: {  	s18 =	smov.u32 @p2 s13  }
0xf: {  	s19 =	smov.u32 s11;
	s13 =	sadd.s32 $0x40, s11;
	p3 =	sgt.s32 s18, $0x1F  }
0x10: {  	s19 =	smov.u32 @p3 s13  }
0x11: {  	s20 =	smov.u32 s12;
	s13 =	sadd.s32 $0x2, s12;
	p4 =	sgt.s32 s19, $0x3F  }
0x12: {  	p1 =	slt.u32 s8, $0x2;
	s20 =	smov.u32 @p4 s13  }
0x13: {  	s8 =	sadd.s32 $0x1, s8;
	s17 =	simm.s32 @p2 $0x0;
	p2 =	sgt.s32 s20, $0x1  }
0x14: {  	s21 =	simm.s32 @!p1 $0x2;
	s20 =	simm.s32 @p2 $0x0;
	p2 =	sne.s32 s8, $0x42  }
.Ltmp1:
0x15: {  	s15 =	smov.u32 s10;
	_ =	swait.ge @!p1 [sflag:s21], $0x2000;
	(pc) =	sbr.rel @!p2 .LBB1_8-.Ltmp1, $4  }
0x16: {  	s14 =	smov.u32 s11;
	s16 =	smov.u32 s12;
	[sflag:s21] =	ssyncset.done @!p1 $0x0  }
0x17: {  	p0 =	por !p0, !p0;
	s18 =	smov.u32 @p3 s5;
	[sflag:s21] =	ssyncadd.s32 @!p1 $0xFFFFE000  }
0x18: {  	s10 =	smov.u32 s18;
	s19 =	simm.s32 @p4 $0x0;
	s13 =	smov.u32 s9  }
0x19: {  	s9 =	smov.u32 s17;
	s11 =	smov.u32 s19;
	s12 =	smov.u32 s20  }
.LBB1_1:
0x1a: {  	p1 =	sgt.u32 s8, $0x3F  }
0x1b: {  	s17 =	sxor.u32 @!p1 $0xFFFFFFFF, s8;
	s18 =	sshll.u32 @!p1 s12, $0x15  }
0x1c: {  	s19 =	sshll.u32 @!p1 s11, $0xF;
	s20 =	sshll.u32 @!p1 s10, $0xA;
	s18 =	sadd.s32 @!p1 s2, s18  }
0x1d: {  	s21 =	sshll.u32 @!p1 s9, $0x4;
	s17 =	sshll.u32 @!p1 s17, $0xD;
	s18 =	sadd.s32 @!p1 s19, s18  }
0x1e: {  	s17 =	sand.u32 @!p1 $0x2000, s17;
	s19 =	sand.u32 @!p1 $0x3F0, s21;
	s18 =	sadd.s32 @!p1 s20, s18  }
0x1f: {  	s20 =	simm.s32 @!p1 $0x40000;
	s18 =	sadd.s32 @!p1 s19, s18;
	s19 =	simm.s32 @!p1 $0x40  }
0x20: {  	[tilespmem:s17], [sflag:$0x1] =	stream.strided.gather @!p1 [hbm4b:s18+s19], $0x2000, s20, s19, $0x38;
	[tilespmem:$0x8100] =	vst v63  }
0x21: {  	p1 =	seq.s32 s8, $0x0  }
0x22: {  	p2 =	seq.s32 @!p1 s8, $0x41  }
0x23: {  	p1 =	por p1, p2  }
.Ltmp2:
0x24: {  	_ = 	snop;
	(pc) =	sbr.rel @p1 .LBB1_7-.Ltmp2, $1  }
0x25: {  	_ =	sdelay $0x3  }
0x26: {  	s17 =	simm.s32 $0x1;
	s19 =	sand.u32 $0x1, s8  }
0x27: {  	_ =	swait.ge [sflag:s4], $0x2000;
	s17 =	simm.s32 @!p0 $0x0;
	s19 =	smul.u32 $0x8200, s19  }
0x28: {  	s21 =	simm.s32 $0x0;
	[sflag:s4] =	ssyncset.done $0x0;
	s18 =	smul.u32 $0x8200, s17  }
0x29: {  	p2 =	por $0x1, $0x1;
	s20 =	sshll.u32 s17, $0xF;
	[sflag:s4] =	ssyncadd.s32 $0xFFFFE000  }
0x2a: {  	s17 =	sshrl.u32 s19, $0x2;
	s20 =	sshrl.u32 s20, $0x2;
	s31 =	sshrl.u32 s18, $0x2  }
0x2b: {  	s18 =	sor.u32 $0x4000, s17;
	s20 =	sadd.s32 $0x20, s20;
	s19 =	sor.u32 $0x4000, s31  }
.LBB1_3:
0x2c: {  	s22 =	sshll.u32 s21, $0xC  }
0x2d: {  	s22 =	sand.u32 $0x3FFFF000, s22  }
0x2e: {  	s24 =	sadd.s32 s22, s20  }
0x2f: {  	s31 =	smul.u32 $0x4100, s21;
	v3 =	vld [tilespmem:s24+$0x10]  }
0x30: {  	v1 =	vld [tilespmem:s24+$0xFFFFFFF0]  }
0x31: {  	s21 =	sshra.s32 s31, $0x2;
	v0 =	vld [tilespmem:s24+$0x0]  }
0x32: {  	s21 =	sadd.s32 s21, s19;
	v2 =	vld [tilespmem:s24+$0xFFFFFFE0]  }
0x33: {  	s22 =	sadd.s32 $0x0, s21  }
0x34: {  	p1 =	por p2, p2;
	s23 =	simm.s32 $0x4;
	s24 =	sadd.s32 $0x40, s24;
	[tilespmem:s22+$0xC30 ss:$0x41] =	vst.msk $0xffff, v3  }
.LBB1_4:
0x35: {  	v3 =	vld [tilespmem:s24+$0x10];
	p2 =	sne.s32 s23, $0xFC;
	[tilespmem:s22+$0x410 ss:$0x41] =	vst.msk $0xffff, v1;
	s25 =	smov.u32 s23;
	s23 =	sadd.s32 $0x4, s23  }
.Ltmp3:
0x36: {  	v1 =	vld [tilespmem:s24+$0xFFFFFFF0];
	[tilespmem:s22+$0x820 ss:$0x41] =	vst.msk $0xffff, v0;
	(pc) =	sbr.rel @p2 .LBB1_4-.Ltmp3, $4  }
0x37: {  	v0 =	vld [tilespmem:s24+$0x0];
	[tilespmem:s22+$0x0 ss:$0x41] =	vst.msk $0xffff, v2  }
0x38: {  	s22 =	sshra.s32 s25, $0x2;
	v2 =	vld [tilespmem:s24+$0xFFFFFFE0]  }
0x39: {  	s22 =	sadd.s32 s22, s21  }
0x3a: {  	s24 =	sadd.s32 $0x40, s24;
	[tilespmem:s22+$0xC30 ss:$0x41] =	vst.msk $0xffff, v3  }
.Ltmp4:
0x3b: {  	(pc) =	sbr.rel @p1 .LBB1_3-.Ltmp4, $4  }
0x3c: {  	_ = 	snop  }
0x3d: {  	[tilespmem:s22+$0x410 ss:$0x41] =	vst.msk $0xffff, v1  }
0x3e: {  	[tilespmem:s22+$0x820 ss:$0x41] =	vst.msk $0xffff, v0  }
0x3f: {  	s21 =	simm.s32 $0x1;
	p2 =	por $0x0, $0x0;
	[tilespmem:s22+$0x0 ss:$0x41] =	vst.msk $0xffff, v2  }
0x40: {  	s16 =	sshll.u32 s16, $0x15  }
0x41: {  	s15 =	sshll.u32 s15, $0x10;
	s20 =	sand.u32 $0x380, s14;
	s21 =	sshrl.u32 s14, $0x3  }
0x42: {  	s30 =	sand.u32 $0x7, s14;
	s13 =	sshll.u32 s13, $0xA;
	s19 =	sadd.s32 s16, s15  }
0x43: {  	s21 =	sand.u32 $0xF, s21;
	s16 =	sadd.s32 s16, s6;
	s19 =	sadd.s32 s3, s19  }
0x44: {  	s14 =	sshll.u32 s30, $0x12;
	s16 =	sadd.s32 s20, s16;
	s19 =	sadd.s32 s20, s19  }
.Ltmp5:
0x45: {  	s15 =	sadd.s32 s15, s16;
	s19 =	sadd.s32 s21, s19;
	(pc) =	sbr.rel .LBB1_7-.Ltmp5, $4  }
0x46: {  	s14 =	sor.u32 $0x40, s14;
	s15 =	sadd.s32 s21, s15;
	s19 =	sadd.s32 s13, s19  }
0x47: {  	[hbm4b:s19+s14] =	stream.strided.scatter [tilespmem:s18], [sflag:$0x2], $0x1000, s7, s14, $0x18;
	[tilespmem:$0x8100] =	vst v63  }
0x48: {  	s31 =	sadd.s32 $0x5040, s17;
	s13 =	sadd.s32 s13, s15  }
0x49: {  	[hbm4b:s13+s14] =	stream.strided.scatter [tilespmem:s31], [sflag:$0x2], $0x1000, s7, s14, $0x18;
	[tilespmem:$0x8100] =	vst v63  }
.LBB1_8:
0x4a: {  	_ =	sfence.sel $0x180000  }
0x4b: {  	s2 =	simm.s32 $0x1;
	[bflag:$0x0] =	sbarrier.arrive $0xFFFF  }
0x4c: {  	s31 =	simm.s32 $0x2;
	[sflag:s2] =	ssyncpa.u1 $0x1  }
0x4d: {  	[sflag:s31] =	ssyncpa.u1 $0x1  }
0x4e: {  	p0 =	sne.s32 s1, $0x0;
	_ =	strace $0x90000047  }
0x4f: {  	s0 =	sadd.s32 @!p0 $0x100000, s0;
	[bflag:$0x2] =	sbarrier.arrive $0xFFFF  }
0x50: {  	[sflag:s0] =	ssyncadd.tile.s32 @!p0 $0x1;
	_ =	shalt  }
.Lfunc_end1:
_tile_overlayer_lowered:
.L_overlay_start_2:
0x51: {  	(tag) =	ssettag $0x2  }
0x52: {  	s0 =	rddreg [dreg:$0x0];
	s2 =	stileid.u32  }
0x53: {  	s1 =	rddreg [dreg:$0x1];
	p0 =	sne.s32 s2, $0x0  }
0x54: {  	s3 =	rddreg [dreg:$0x2];
	[bflag:$0x3] =	sbarrier.arrive $0xFFFF;
	s2 =	simm.s32 @!p0 $0x1C01  }
0x55: {  	[timem:s3], [sflag:s2] =	dma.local @!p0 [hbm:s0], s1  }
0x56: {  	s0 =	simm.s32 @!p0 $0x1  }
0x57: {  	_ =	swait.ge @!p0 [sflag:s0], s1  }
0x58: {  	s1 =	ssub.s32 @!p0 $0x0, s1;
	[sflag:s0] =	ssyncset.done @!p0 $0x0  }
0x59: {  	[sflag:s0] =	ssyncadd.s32 @!p0 s1  }
0x5a: {  	[bflag:$0x3] =	sbarrier.arrive $0xFFFF  }
0x5b: {  	_ =	shalt  }

</sc_bundles>
